<compile_context>
chip_gen: v7x
topology: tpu7x:2x2x1
jax: 0.10.2.dev20260603
libtpu: 0.0.44.dev20260713+nightly
codegen_flags: <defaults>
</compile_context>

<pallas_src>
import functools

import jax
import jax.numpy as jnp
from jax import lax
from jax.experimental import pallas as pl
from jax.experimental.pallas import tpu as pltpu
from jax.experimental.pallas import tpu_sc as plsc

B = 8
K = 32
C = 256
S = 25
NSEL = 16
NW = 32
ITEMS = B * C
IPW = ITEMS // NW
LANES = 16


def _sc_gather_sum(x3d, test_comb):
    mesh = plsc.VectorSubcoreMesh(core_axis_name="c", subcore_axis_name="s")

    @functools.partial(
        pl.kernel,
        mesh=mesh,
        out_type=jax.ShapeDtypeStruct((B * C, S, S), jnp.float32),
        compiler_params=pltpu.CompilerParams(needs_layout_passes=False),
        scratch_types=[
            pltpu.VMEM((LANES,), jnp.int32),
            [pltpu.VMEM((S, S), jnp.float32) for _ in range(NSEL // 2)],
            [pltpu.VMEM((S, S), jnp.float32) for _ in range(NSEL // 2)],
            pltpu.VMEM((S, S), jnp.float32),
            pltpu.SemaphoreType.DMA,
            pltpu.SemaphoreType.DMA,
        ],
    )
    def k(x_hbm, tc_hbm, out_hbm, tc_v, bufs_a, bufs_b, otile_v,
          sem_a, sem_b):
        wid = lax.axis_index("s") * 2 + lax.axis_index("c")
        pltpu.sync_copy(tc_hbm, tc_v)
        b = wid // (C // IPW)
        c0 = (wid % (C // IPW)) * IPW
        tcvec = tc_v[...]
        lane = lax.iota(jnp.int32, LANES)
        rowbases = []
        for j in range(NSEL):
            m = lane == j
            val = jnp.int32(0)
            for bit in range(5):
                has_bit = jnp.any(m & (((tcvec >> bit) & 1) == 1))
                val = val + (has_bit.astype(jnp.int32) << bit)
            rowbases.append((b * K + val) * C + c0)

        HALF = NSEL // 2

        def fire(i, wave, bufs, sem):
            for j in range(HALF):
                pltpu.async_copy(
                    x_hbm.at[rowbases[wave * HALF + j] + i], bufs[j], sem)

        def wait_set(i, wave, bufs, sem):
            for j in range(HALF):
                pltpu.make_async_copy(
                    x_hbm.at[rowbases[wave * HALF + j] + i], bufs[j],
                    sem).wait()

        def reduce_wave(bufs, init):
            def row_body(r, carry2):
                los = (0, S - LANES)
                accs = []
                for lo in los:
                    acc = bufs[0][r, pl.ds(lo, LANES)]
                    for j in range(1, HALF):
                        acc = acc + bufs[j][r, pl.ds(lo, LANES)]
                    if not init:
                        acc = acc + otile_v[r, pl.ds(lo, LANES)]
                    accs.append(acc)
                for lo, acc in zip(los, accs):
                    otile_v[r, pl.ds(lo, LANES)] = acc
                return carry2

            lax.fori_loop(0, S, row_body, 0, unroll=5)

        fire(0, 0, bufs_a, sem_a)

        def body(i, carry):
            fire(i, 1, bufs_b, sem_b)
            wait_set(i, 0, bufs_a, sem_a)
            reduce_wave(bufs_a, init=True)

            @pl.when(i + 1 < IPW)
            def _():
                fire(i + 1, 0, bufs_a, sem_a)

            wait_set(i, 1, bufs_b, sem_b)
            reduce_wave(bufs_b, init=False)
            pltpu.sync_copy(otile_v, out_hbm.at[b * C + c0 + i])
            return carry

        lax.fori_loop(0, IPW, body, 0)

    return k(x3d, test_comb)


def kernel(x, test_comb):
    x3d = x.reshape(B * K * C, S, S)
    out = _sc_gather_sum(x3d, test_comb)
    return out.reshape(B, C, S, S)

# --- scband reference (transcript-rebuilt; emitter-appended) ---
"""Pipeline reference for scband-sum-module-22462678958291 (READ-ONLY COPY).

The authoritative reference and input builder live on the scoring server;
editing this copy changes nothing except your own understanding.
"""

import jax, jax.numpy as jnp
import numpy as np

INPUT_DIM = 25

def setup_inputs(seed: int = 0) -> dict:
    key = jax.random.key(seed)
    k1, k2 = jax.random.split(key)
    x = jax.random.normal(k1, (8, 32, 256, INPUT_DIM, INPUT_DIM), dtype=jnp.float32)
    test_comb = jax.random.randint(k2, (16,), 0, 32, dtype=jnp.int32)
    return {"x": x, "test_comb": test_comb}

def reference(x, test_comb):
    # x.view(list(x.size()[:3]) + [input_dim*input_dim])
    xv = x.reshape(x.shape[:3] + (INPUT_DIM * INPUT_DIM,))
    # torch.index_select(x, index=test_comb, dim=1)
    xv = jnp.take(xv, test_comb, axis=1)
    # torch.sum(x, dim=1, keepdim=False); consensus_type == 'sum' so no division
    xv = jnp.sum(xv, axis=1)
    # x.view(list(x.size()[:2]) + [input_dim, input_dim])
    out = xv.reshape(xv.shape[:2] + (INPUT_DIM, INPUT_DIM))
    return out

if __name__ == "__main__":
    import jax
    _d = setup_inputs()
    print(jax.jit(kernel)(*tuple(_d.values())))

</pallas_src>

<mosaic_0001>
#map = affine_map<(d0, d1) -> (0, 0, 0)>
#map1 = affine_map<(d0, d1) -> (0)>
module attributes {stable_mosaic.version = 14 : i64} {
  func.func @k(%arg0: i32, %arg1: i32, %arg2: memref<65536x25x25xf32, #tpu.memory_space<hbm>>, %arg3: memref<16xi32, #tpu.memory_space<hbm>>, %arg4: memref<2048x25x25xf32, #tpu.memory_space<hbm>>, %arg5: memref<16xi32, #tpu.memory_space<vmem>>, %arg6: memref<25x25xf32, #tpu.memory_space<vmem>>, %arg7: memref<25x25xf32, #tpu.memory_space<vmem>>, %arg8: memref<25x25xf32, #tpu.memory_space<vmem>>, %arg9: memref<25x25xf32, #tpu.memory_space<vmem>>, %arg10: memref<25x25xf32, #tpu.memory_space<vmem>>, %arg11: memref<25x25xf32, #tpu.memory_space<vmem>>, %arg12: memref<25x25xf32, #tpu.memory_space<vmem>>, %arg13: memref<25x25xf32, #tpu.memory_space<vmem>>, %arg14: memref<25x25xf32, #tpu.memory_space<vmem>>, %arg15: memref<25x25xf32, #tpu.memory_space<vmem>>, %arg16: memref<25x25xf32, #tpu.memory_space<vmem>>, %arg17: memref<25x25xf32, #tpu.memory_space<vmem>>, %arg18: memref<25x25xf32, #tpu.memory_space<vmem>>, %arg19: memref<25x25xf32, #tpu.memory_space<vmem>>, %arg20: memref<25x25xf32, #tpu.memory_space<vmem>>, %arg21: memref<25x25xf32, #tpu.memory_space<vmem>>, %arg22: memref<25x25xf32, #tpu.memory_space<vmem>>, %arg23: memref<!tpu.dma_semaphore, #tpu.memory_space<semaphore_mem>>, %arg24: memref<!tpu.dma_semaphore, #tpu.memory_space<semaphore_mem>>) attributes {dimension_semantics = [#tpu.dimension_semantics<core_parallel>, #tpu.dimension_semantics<subcore_parallel>], iteration_bounds = array<i64: 2, 16>, scalar_prefetch = 0 : i64, scratch_operands = 20 : i64, tpu.core_type = #tpu.core_type<sc_vector_subcore>, window_params = [{transform_indices = #map}, {transform_indices = #map1}, {transform_indices = #map}]} {
    %mul3A = arith.constant 2 : i32
    %mul3A_0 = arith.muli %arg1, %mul3A : i32
    %add3A = arith.addi %mul3A_0, %arg0 : i32
    "tpu.region"() ({
      %run_scoped3A = tpu.sem_alloc : memref<!tpu.dma_semaphore, #tpu.memory_space<semaphore_mem>>
      tpu.enqueue_dma source(%arg3 : memref<16xi32, #tpu.memory_space<hbm>>) target(%arg5 : memref<16xi32, #tpu.memory_space<vmem>>) target_semaphore(%run_scoped3A : memref<!tpu.dma_semaphore, #tpu.memory_space<semaphore_mem>>)
      tpu.wait_dma2 semaphore(%run_scoped3A : memref<!tpu.dma_semaphore, #tpu.memory_space<semaphore_mem>>) src(%arg3 : memref<16xi32, #tpu.memory_space<hbm>>) dst(%arg5 : memref<16xi32, #tpu.memory_space<vmem>>)
      tpu.yield
    }) : () -> ()
    %jit3A = arith.constant 4 : i32
    %div3A = arith.divsi %add3A, %jit3A : i32
    %sign3A = arith.constant 0 : i32
    %sign3A_1 = arith.cmpi sgt, %add3A, %sign3A : i32
    %sign3A_2 = arith.extui %sign3A_1 : i1 to i32
    %sign3A_3 = arith.constant 0 : i32
    %sign3A_4 = arith.cmpi slt, %add3A, %sign3A_3 : i32
    %sign3A_5 = arith.extui %sign3A_4 : i1 to i32
    %sign3A_6 = arith.subi %sign3A_2, %sign3A_5 : i32
    %sign3A_7 = arith.constant 0 : i32
    %sign3A_8 = arith.cmpi sgt, %jit3A, %sign3A_7 : i32
    %sign3A_9 = arith.extui %sign3A_8 : i1 to i32
    %sign3A_10 = arith.constant 0 : i32
    %sign3A_11 = arith.cmpi slt, %jit3A, %sign3A_10 : i32
    %sign3A_12 = arith.extui %sign3A_11 : i1 to i32
    %sign3A_13 = arith.subi %sign3A_9, %sign3A_12 : i32
    %ne3A = arith.cmpi ne, %sign3A_6, %sign3A_13 : i32
    %rem3A = arith.remsi %add3A, %jit3A : i32
    %ne3A_14 = arith.constant 0 : i32
    %ne3A_15 = arith.cmpi ne, %rem3A, %ne3A_14 : i32
    %and3A = arith.andi %ne3A, %ne3A_15 : i1
    %sub3A = arith.constant 1 : i32
    %sub3A_16 = arith.subi %div3A, %sub3A : i32
    %select_n3A = arith.select %and3A, %sub3A_16, %div3A : i32
    %jit3A_17 = arith.constant 4 : i32
    %eq3A = arith.constant 0 : i32
    %eq3A_18 = arith.cmpi eq, %jit3A_17, %eq3A : i32
    %jit3A_19 = arith.constant 1 : i32
    %select_n3A_20 = arith.select %eq3A_18, %jit3A_19, %jit3A_17 : i32
    %rem3A_21 = arith.remsi %add3A, %select_n3A_20 : i32
    %ne3A_22 = arith.constant 0 : i32
    %ne3A_23 = arith.cmpi ne, %rem3A_21, %ne3A_22 : i32
    %lt3A = arith.constant 0 : i32
    %lt3A_24 = arith.cmpi slt, %rem3A_21, %lt3A : i32
    %lt3A_25 = arith.constant 0 : i32
    %lt3A_26 = arith.cmpi slt, %select_n3A_20, %lt3A_25 : i32
    %ne3A_27 = arith.xori %lt3A_24, %lt3A_26 : i1
    %and3A_28 = arith.andi %ne3A_27, %ne3A_23 : i1
    %add3A_29 = arith.addi %rem3A_21, %select_n3A_20 : i32
    %select_n3A_30 = arith.select %and3A_28, %add3A_29, %rem3A_21 : i32
    %mul3A_31 = arith.constant 64 : i32
    %mul3A_32 = arith.muli %select_n3A_30, %mul3A_31 : i32
    %get3A = arith.constant 0 : index
    %get3A_33 = tpu.vector_load %arg5[%get3A] {strides = array<i32>} : memref<16xi32, #tpu.memory_space<vmem>>, vector<16xi32>,
    %iota3A = tpu.iota {dimensions = array<i32: 0>} : vector<16xi32>
    %eq3A_34 = arith.constant 0 : i32
    %eq3A_35 = vector.broadcast %eq3A_34 : i32 to vector<16xi32>
    %eq3A_36 = arith.cmpi eq, %iota3A, %eq3A_35 : vector<16xi32>
    %shift_right_arithmetic3A = arith.constant 0 : i32
    %shift_right_arithmetic3A_37 = vector.broadcast %shift_right_arithmetic3A : i32 to vector<16xi32>
    %shift_right_arithmetic3A_38 = arith.shrsi %get3A_33, %shift_right_arithmetic3A_37 : vector<16xi32>
    %and3A_39 = arith.constant 1 : i32
    %and3A_40 = vector.broadcast %and3A_39 : i32 to vector<16xi32>
    %and3A_41 = arith.andi %shift_right_arithmetic3A_38, %and3A_40 : vector<16xi32>
    %eq3A_42 = arith.constant 1 : i32
    %eq3A_43 = vector.broadcast %eq3A_42 : i32 to vector<16xi32>
    %eq3A_44 = arith.cmpi eq, %and3A_41, %eq3A_43 : vector<16xi32>
    %and3A_45 = arith.andi %eq3A_36, %eq3A_44 : vector<16xi1>
    %reduce_or3A = arith.constant 1.000000e+00 : f32
    %reduce_or3A_46 = arith.constant 0.000000e+00 : f32
    %reduce_or3A_47 = vector.broadcast %reduce_or3A : f32 to vector<16xf32>
    %reduce_or3A_48 = vector.broadcast %reduce_or3A_46 : f32 to vector<16xf32>
    %reduce_or3A_49 = arith.select %and3A_45, %reduce_or3A_47, %reduce_or3A_48 : vector<16xi1>, vector<16xf32>
    %reduce_or3A_50 = arith.constant true
    %reduce_or3A_51 = vector.broadcast %reduce_or3A_50 : i1 to vector<16xi1>
    %reduce_or3A_52 = tpu.scan <max>, %reduce_or3A_49 masked %reduce_or3A_51 : vector<16xf32>, vector<16xi1> -> vector<16xf32>
    %reduce_or3A_53 = vector.extract %reduce_or3A_52[15] : f32 from vector<16xf32>
    %reduce_or3A_54 = arith.constant 0.000000e+00 : f32
    %reduce_or3A_55 = arith.cmpf ogt, %reduce_or3A_53, %reduce_or3A_54 : f32
    %convert_element_type3A = arith.extui %reduce_or3A_55 : i1 to i32
    %shift_left3A = arith.constant 0 : i32
    %shift_left3A_56 = arith.shli %convert_element_type3A, %shift_left3A : i32
    %add3A_57 = arith.constant 0 : i32
    %add3A_58 = arith.addi %add3A_57, %shift_left3A_56 : i32
    %shift_right_arithmetic3A_59 = arith.constant 1 : i32
    %shift_right_arithmetic3A_60 = vector.broadcast %shift_right_arithmetic3A_59 : i32 to vector<16xi32>
    %shift_right_arithmetic3A_61 = arith.shrsi %get3A_33, %shift_right_arithmetic3A_60 : vector<16xi32>
    %and3A_62 = arith.constant 1 : i32
    %and3A_63 = vector.broadcast %and3A_62 : i32 to vector<16xi32>
    %and3A_64 = arith.andi %shift_right_arithmetic3A_61, %and3A_63 : vector<16xi32>
    %eq3A_65 = arith.constant 1 : i32
    %eq3A_66 = vector.broadcast %eq3A_65 : i32 to vector<16xi32>
    %eq3A_67 = arith.cmpi eq, %and3A_64, %eq3A_66 : vector<16xi32>
    %and3A_68 = arith.andi %eq3A_36, %eq3A_67 : vector<16xi1>
    %reduce_or3A_69 = arith.constant 1.000000e+00 : f32
    %reduce_or3A_70 = arith.constant 0.000000e+00 : f32
    %reduce_or3A_71 = vector.broadcast %reduce_or3A_69 : f32 to vector<16xf32>
    %reduce_or3A_72 = vector.broadcast %reduce_or3A_70 : f32 to vector<16xf32>
    %reduce_or3A_73 = arith.select %and3A_68, %reduce_or3A_71, %reduce_or3A_72 : vector<16xi1>, vector<16xf32>
    %reduce_or3A_74 = arith.constant true
    %reduce_or3A_75 = vector.broadcast %reduce_or3A_74 : i1 to vector<16xi1>
    %reduce_or3A_76 = tpu.scan <max>, %reduce_or3A_73 masked %reduce_or3A_75 : vector<16xf32>, vector<16xi1> -> vector<16xf32>
    %reduce_or3A_77 = vector.extract %reduce_or3A_76[15] : f32 from vector<16xf32>
    %reduce_or3A_78 = arith.constant 0.000000e+00 : f32
    %reduce_or3A_79 = arith.cmpf ogt, %reduce_or3A_77, %reduce_or3A_78 : f32
    %convert_element_type3A_80 = arith.extui %reduce_or3A_79 : i1 to i32
    %shift_left3A_81 = arith.constant 1 : i32
    %shift_left3A_82 = arith.shli %convert_element_type3A_80, %shift_left3A_81 : i32
    %add3A_83 = arith.addi %add3A_58, %shift_left3A_82 : i32
    %shift_right_arithmetic3A_84 = arith.constant 2 : i32
    %shift_right_arithmetic3A_85 = vector.broadcast %shift_right_arithmetic3A_84 : i32 to vector<16xi32>
    %shift_right_arithmetic3A_86 = arith.shrsi %get3A_33, %shift_right_arithmetic3A_85 : vector<16xi32>
    %and3A_87 = arith.constant 1 : i32
    %and3A_88 = vector.broadcast %and3A_87 : i32 to vector<16xi32>
    %and3A_89 = arith.andi %shift_right_arithmetic3A_86, %and3A_88 : vector<16xi32>
    %eq3A_90 = arith.constant 1 : i32
    %eq3A_91 = vector.broadcast %eq3A_90 : i32 to vector<16xi32>
    %eq3A_92 = arith.cmpi eq, %and3A_89, %eq3A_91 : vector<16xi32>
    %and3A_93 = arith.andi %eq3A_36, %eq3A_92 : vector<16xi1>
    %reduce_or3A_94 = arith.constant 1.000000e+00 : f32
    %reduce_or3A_95 = arith.constant 0.000000e+00 : f32
    %reduce_or3A_96 = vector.broadcast %reduce_or3A_94 : f32 to vector<16xf32>
    %reduce_or3A_97 = vector.broadcast %reduce_or3A_95 : f32 to vector<16xf32>
    %reduce_or3A_98 = arith.select %and3A_93, %reduce_or3A_96, %reduce_or3A_97 : vector<16xi1>, vector<16xf32>
    %reduce_or3A_99 = arith.constant true
    %reduce_or3A_100 = vector.broadcast %reduce_or3A_99 : i1 to vector<16xi1>
    %reduce_or3A_101 = tpu.scan <max>, %reduce_or3A_98 masked %reduce_or3A_100 : vector<16xf32>, vector<16xi1> -> vector<16xf32>
    %reduce_or3A_102 = vector.extract %reduce_or3A_101[15] : f32 from vector<16xf32>
    %reduce_or3A_103 = arith.constant 0.000000e+00 : f32
    %reduce_or3A_104 = arith.cmpf ogt, %reduce_or3A_102, %reduce_or3A_103 : f32
    %convert_element_type3A_105 = arith.extui %reduce_or3A_104 : i1 to i32
    %shift_left3A_106 = arith.constant 2 : i32
    %shift_left3A_107 = arith.shli %convert_element_type3A_105, %shift_left3A_106 : i32
    %add3A_108 = arith.addi %add3A_83, %shift_left3A_107 : i32
    %shift_right_arithmetic3A_109 = arith.constant 3 : i32
    %shift_right_arithmetic3A_110 = vector.broadcast %shift_right_arithmetic3A_109 : i32 to vector<16xi32>
    %shift_right_arithmetic3A_111 = arith.shrsi %get3A_33, %shift_right_arithmetic3A_110 : vector<16xi32>
    %and3A_112 = arith.constant 1 : i32
    %and3A_113 = vector.broadcast %and3A_112 : i32 to vector<16xi32>
    %and3A_114 = arith.andi %shift_right_arithmetic3A_111, %and3A_113 : vector<16xi32>
    %eq3A_115 = arith.constant 1 : i32
    %eq3A_116 = vector.broadcast %eq3A_115 : i32 to vector<16xi32>
    %eq3A_117 = arith.cmpi eq, %and3A_114, %eq3A_116 : vector<16xi32>
    %and3A_118 = arith.andi %eq3A_36, %eq3A_117 : vector<16xi1>
    %reduce_or3A_119 = arith.constant 1.000000e+00 : f32
    %reduce_or3A_120 = arith.constant 0.000000e+00 : f32
    %reduce_or3A_121 = vector.broadcast %reduce_or3A_119 : f32 to vector<16xf32>
    %reduce_or3A_122 = vector.broadcast %reduce_or3A_120 : f32 to vector<16xf32>
    %reduce_or3A_123 = arith.select %and3A_118, %reduce_or3A_121, %reduce_or3A_122 : vector<16xi1>, vector<16xf32>
    %reduce_or3A_124 = arith.constant true
    %reduce_or3A_125 = vector.broadcast %reduce_or3A_124 : i1 to vector<16xi1>
    %reduce_or3A_126 = tpu.scan <max>, %reduce_or3A_123 masked %reduce_or3A_125 : vector<16xf32>, vector<16xi1> -> vector<16xf32>
    %reduce_or3A_127 = vector.extract %reduce_or3A_126[15] : f32 from vector<16xf32>
    %reduce_or3A_128 = arith.constant 0.000000e+00 : f32
    %reduce_or3A_129 = arith.cmpf ogt, %reduce_or3A_127, %reduce_or3A_128 : f32
    %convert_element_type3A_130 = arith.extui %reduce_or3A_129 : i1 to i32
    %shift_left3A_131 = arith.constant 3 : i32
    %shift_left3A_132 = arith.shli %convert_element_type3A_130, %shift_left3A_131 : i32
    %add3A_133 = arith.addi %add3A_108, %shift_left3A_132 : i32
    %shift_right_arithmetic3A_134 = arith.constant 4 : i32
    %shift_right_arithmetic3A_135 = vector.broadcast %shift_right_arithmetic3A_134 : i32 to vector<16xi32>
    %shift_right_arithmetic3A_136 = arith.shrsi %get3A_33, %shift_right_arithmetic3A_135 : vector<16xi32>
    %and3A_137 = arith.constant 1 : i32
    %and3A_138 = vector.broadcast %and3A_137 : i32 to vector<16xi32>
    %and3A_139 = arith.andi %shift_right_arithmetic3A_136, %and3A_138 : vector<16xi32>
    %eq3A_140 = arith.constant 1 : i32
    %eq3A_141 = vector.broadcast %eq3A_140 : i32 to vector<16xi32>
    %eq3A_142 = arith.cmpi eq, %and3A_139, %eq3A_141 : vector<16xi32>
    %and3A_143 = arith.andi %eq3A_36, %eq3A_142 : vector<16xi1>
    %reduce_or3A_144 = arith.constant 1.000000e+00 : f32
    %reduce_or3A_145 = arith.constant 0.000000e+00 : f32
    %reduce_or3A_146 = vector.broadcast %reduce_or3A_144 : f32 to vector<16xf32>
    %reduce_or3A_147 = vector.broadcast %reduce_or3A_145 : f32 to vector<16xf32>
    %reduce_or3A_148 = arith.select %and3A_143, %reduce_or3A_146, %reduce_or3A_147 : vector<16xi1>, vector<16xf32>
    %reduce_or3A_149 = arith.constant true
    %reduce_or3A_150 = vector.broadcast %reduce_or3A_149 : i1 to vector<16xi1>
    %reduce_or3A_151 = tpu.scan <max>, %reduce_or3A_148 masked %reduce_or3A_150 : vector<16xf32>, vector<16xi1> -> vector<16xf32>
    %reduce_or3A_152 = vector.extract %reduce_or3A_151[15] : f32 from vector<16xf32>
    %reduce_or3A_153 = arith.constant 0.000000e+00 : f32
    %reduce_or3A_154 = arith.cmpf ogt, %reduce_or3A_152, %reduce_or3A_153 : f32
    %convert_element_type3A_155 = arith.extui %reduce_or3A_154 : i1 to i32
    %shift_left3A_156 = arith.constant 4 : i32
    %shift_left3A_157 = arith.shli %convert_element_type3A_155, %shift_left3A_156 : i32
    %add3A_158 = arith.addi %add3A_133, %shift_left3A_157 : i32
    %mul3A_159 = arith.constant 32 : i32
    %mul3A_160 = arith.muli %select_n3A, %mul3A_159 : i32
    %add3A_161 = arith.addi %mul3A_160, %add3A_158 : i32
    %mul3A_162 = arith.constant 256 : i32
    %mul3A_163 = arith.muli %add3A_161, %mul3A_162 : i32
    %add3A_164 = arith.addi %mul3A_163, %mul3A_32 : i32
    %eq3A_165 = arith.constant 1 : i32
    %eq3A_166 = vector.broadcast %eq3A_165 : i32 to vector<16xi32>
    %eq3A_167 = arith.cmpi eq, %iota3A, %eq3A_166 : vector<16xi32>
    %shift_right_arithmetic3A_168 = arith.constant 0 : i32
    %shift_right_arithmetic3A_169 = vector.broadcast %shift_right_arithmetic3A_168 : i32 to vector<16xi32>
    %shift_right_arithmetic3A_170 = arith.shrsi %get3A_33, %shift_right_arithmetic3A_169 : vector<16xi32>
    %and3A_171 = arith.constant 1 : i32
    %and3A_172 = vector.broadcast %and3A_171 : i32 to vector<16xi32>
    %and3A_173 = arith.andi %shift_right_arithmetic3A_170, %and3A_172 : vector<16xi32>
    %eq3A_174 = arith.constant 1 : i32
    %eq3A_175 = vector.broadcast %eq3A_174 : i32 to vector<16xi32>
    %eq3A_176 = arith.cmpi eq, %and3A_173, %eq3A_175 : vector<16xi32>
    %and3A_177 = arith.andi %eq3A_167, %eq3A_176 : vector<16xi1>
    %reduce_or3A_178 = arith.constant 1.000000e+00 : f32
    %reduce_or3A_179 = arith.constant 0.000000e+00 : f32
    %reduce_or3A_180 = vector.broadcast %reduce_or3A_178 : f32 to vector<16xf32>
    %reduce_or3A_181 = vector.broadcast %reduce_or3A_179 : f32 to vector<16xf32>
    %reduce_or3A_182 = arith.select %and3A_177, %reduce_or3A_180, %reduce_or3A_181 : vector<16xi1>, vector<16xf32>
    %reduce_or3A_183 = arith.constant true
    %reduce_or3A_184 = vector.broadcast %reduce_or3A_183 : i1 to vector<16xi1>
    %reduce_or3A_185 = tpu.scan <max>, %reduce_or3A_182 masked %reduce_or3A_184 : vector<16xf32>, vector<16xi1> -> vector<16xf32>
    %reduce_or3A_186 = vector.extract %reduce_or3A_185[15] : f32 from vector<16xf32>
    %reduce_or3A_187 = arith.constant 0.000000e+00 : f32
    %reduce_or3A_188 = arith.cmpf ogt, %reduce_or3A_186, %reduce_or3A_187 : f32
    %convert_element_type3A_189 = arith.extui %reduce_or3A_188 : i1 to i32
    %shift_left3A_190 = arith.constant 0 : i32
    %shift_left3A_191 = arith.shli %convert_element_type3A_189, %shift_left3A_190 : i32
    %add3A_192 = arith.constant 0 : i32
    %add3A_193 = arith.addi %add3A_192, %shift_left3A_191 : i32
    %shift_right_arithmetic3A_194 = arith.constant 1 : i32
    %shift_right_arithmetic3A_195 = vector.broadcast %shift_right_arithmetic3A_194 : i32 to vector<16xi32>
    %shift_right_arithmetic3A_196 = arith.shrsi %get3A_33, %shift_right_arithmetic3A_195 : vector<16xi32>
    %and3A_197 = arith.constant 1 : i32
    %and3A_198 = vector.broadcast %and3A_197 : i32 to vector<16xi32>
    %and3A_199 = arith.andi %shift_right_arithmetic3A_196, %and3A_198 : vector<16xi32>
    %eq3A_200 = arith.constant 1 : i32
    %eq3A_201 = vector.broadcast %eq3A_200 : i32 to vector<16xi32>
    %eq3A_202 = arith.cmpi eq, %and3A_199, %eq3A_201 : vector<16xi32>
    %and3A_203 = arith.andi %eq3A_167, %eq3A_202 : vector<16xi1>
    %reduce_or3A_204 = arith.constant 1.000000e+00 : f32
    %reduce_or3A_205 = arith.constant 0.000000e+00 : f32
    %reduce_or3A_206 = vector.broadcast %reduce_or3A_204 : f32 to vector<16xf32>
    %reduce_or3A_207 = vector.broadcast %reduce_or3A_205 : f32 to vector<16xf32>
    %reduce_or3A_208 = arith.select %and3A_203, %reduce_or3A_206, %reduce_or3A_207 : vector<16xi1>, vector<16xf32>
    %reduce_or3A_209 = arith.constant true
    %reduce_or3A_210 = vector.broadcast %reduce_or3A_209 : i1 to vector<16xi1>
    %reduce_or3A_211 = tpu.scan <max>, %reduce_or3A_208 masked %reduce_or3A_210 : vector<16xf32>, vector<16xi1> -> vector<16xf32>
    %reduce_or3A_212 = vector.extract %reduce_or3A_211[15] : f32 from vector<16xf32>
    %reduce_or3A_213 = arith.constant 0.000000e+00 : f32
    %reduce_or3A_214 = arith.cmpf ogt, %reduce_or3A_212, %reduce_or3A_213 : f32
    %convert_element_type3A_215 = arith.extui %reduce_or3A_214 : i1 to i32
    %shift_left3A_216 = arith.constant 1 : i32
    %shift_left3A_217 = arith.shli %convert_element_type3A_215, %shift_left3A_216 : i32
    %add3A_218 = arith.addi %add3A_193, %shift_left3A_217 : i32
    %shift_right_arithmetic3A_219 = arith.constant 2 : i32
    %shift_right_arithmetic3A_220 = vector.broadcast %shift_right_arithmetic3A_219 : i32 to vector<16xi32>
    %shift_right_arithmetic3A_221 = arith.shrsi %get3A_33, %shift_right_arithmetic3A_220 : vector<16xi32>
    %and3A_222 = arith.constant 1 : i32
    %and3A_223 = vector.broadcast %and3A_222 : i32 to vector<16xi32>
    %and3A_224 = arith.andi %shift_right_arithmetic3A_221, %and3A_223 : vector<16xi32>
    %eq3A_225 = arith.constant 1 : i32
    %eq3A_226 = vector.broadcast %eq3A_225 : i32 to vector<16xi32>
    %eq3A_227 = arith.cmpi eq, %and3A_224, %eq3A_226 : vector<16xi32>
    %and3A_228 = arith.andi %eq3A_167, %eq3A_227 : vector<16xi1>
    %reduce_or3A_229 = arith.constant 1.000000e+00 : f32
    %reduce_or3A_230 = arith.constant 0.000000e+00 : f32
    %reduce_or3A_231 = vector.broadcast %reduce_or3A_229 : f32 to vector<16xf32>
    %reduce_or3A_232 = vector.broadcast %reduce_or3A_230 : f32 to vector<16xf32>
    %reduce_or3A_233 = arith.select %and3A_228, %reduce_or3A_231, %reduce_or3A_232 : vector<16xi1>, vector<16xf32>
    %reduce_or3A_234 = arith.constant true
    %reduce_or3A_235 = vector.broadcast %reduce_or3A_234 : i1 to vector<16xi1>
    %reduce_or3A_236 = tpu.scan <max>, %reduce_or3A_233 masked %reduce_or3A_235 : vector<16xf32>, vector<16xi1> -> vector<16xf32>
    %reduce_or3A_237 = vector.extract %reduce_or3A_236[15] : f32 from vector<16xf32>
    %reduce_or3A_238 = arith.constant 0.000000e+00 : f32
    %reduce_or3A_239 = arith.cmpf ogt, %reduce_or3A_237, %reduce_or3A_238 : f32
    %convert_element_type3A_240 = arith.extui %reduce_or3A_239 : i1 to i32
    %shift_left3A_241 = arith.constant 2 : i32
    %shift_left3A_242 = arith.shli %convert_element_type3A_240, %shift_left3A_241 : i32
    %add3A_243 = arith.addi %add3A_218, %shift_left3A_242 : i32
    %shift_right_arithmetic3A_244 = arith.constant 3 : i32
    %shift_right_arithmetic3A_245 = vector.broadcast %shift_right_arithmetic3A_244 : i32 to vector<16xi32>
    %shift_right_arithmetic3A_246 = arith.shrsi %get3A_33, %shift_right_arithmetic3A_245 : vector<16xi32>
    %and3A_247 = arith.constant 1 : i32
    %and3A_248 = vector.broadcast %and3A_247 : i32 to vector<16xi32>
    %and3A_249 = arith.andi %shift_right_arithmetic3A_246, %and3A_248 : vector<16xi32>
    %eq3A_250 = arith.constant 1 : i32
    %eq3A_251 = vector.broadcast %eq3A_250 : i32 to vector<16xi32>
    %eq3A_252 = arith.cmpi eq, %and3A_249, %eq3A_251 : vector<16xi32>
    %and3A_253 = arith.andi %eq3A_167, %eq3A_252 : vector<16xi1>
    %reduce_or3A_254 = arith.constant 1.000000e+00 : f32
    %reduce_or3A_255 = arith.constant 0.000000e+00 : f32
    %reduce_or3A_256 = vector.broadcast %reduce_or3A_254 : f32 to vector<16xf32>
    %reduce_or3A_257 = vector.broadcast %reduce_or3A_255 : f32 to vector<16xf32>
    %reduce_or3A_258 = arith.select %and3A_253, %reduce_or3A_256, %reduce_or3A_257 : vector<16xi1>, vector<16xf32>
    %reduce_or3A_259 = arith.constant true
    %reduce_or3A_260 = vector.broadcast %reduce_or3A_259 : i1 to vector<16xi1>
    %reduce_or3A_261 = tpu.scan <max>, %reduce_or3A_258 masked %reduce_or3A_260 : vector<16xf32>, vector<16xi1> -> vector<16xf32>
    %reduce_or3A_262 = vector.extract %reduce_or3A_261[15] : f32 from vector<16xf32>
    %reduce_or3A_263 = arith.constant 0.000000e+00 : f32
    %reduce_or3A_264 = arith.cmpf ogt, %reduce_or3A_262, %reduce_or3A_263 : f32
    %convert_element_type3A_265 = arith.extui %reduce_or3A_264 : i1 to i32
    %shift_left3A_266 = arith.constant 3 : i32
    %shift_left3A_267 = arith.shli %convert_element_type3A_265, %shift_left3A_266 : i32
    %add3A_268 = arith.addi %add3A_243, %shift_left3A_267 : i32
    %shift_right_arithmetic3A_269 = arith.constant 4 : i32
    %shift_right_arithmetic3A_270 = vector.broadcast %shift_right_arithmetic3A_269 : i32 to vector<16xi32>
    %shift_right_arithmetic3A_271 = arith.shrsi %get3A_33, %shift_right_arithmetic3A_270 : vector<16xi32>
    %and3A_272 = arith.constant 1 : i32
    %and3A_273 = vector.broadcast %and3A_272 : i32 to vector<16xi32>
    %and3A_274 = arith.andi %shift_right_arithmetic3A_271, %and3A_273 : vector<16xi32>
    %eq3A_275 = arith.constant 1 : i32
    %eq3A_276 = vector.broadcast %eq3A_275 : i32 to vector<16xi32>
    %eq3A_277 = arith.cmpi eq, %and3A_274, %eq3A_276 : vector<16xi32>
    %and3A_278 = arith.andi %eq3A_167, %eq3A_277 : vector<16xi1>
    %reduce_or3A_279 = arith.constant 1.000000e+00 : f32
    %reduce_or3A_280 = arith.constant 0.000000e+00 : f32
    %reduce_or3A_281 = vector.broadcast %reduce_or3A_279 : f32 to vector<16xf32>
    %reduce_or3A_282 = vector.broadcast %reduce_or3A_280 : f32 to vector<16xf32>
    %reduce_or3A_283 = arith.select %and3A_278, %reduce_or3A_281, %reduce_or3A_282 : vector<16xi1>, vector<16xf32>
    %reduce_or3A_284 = arith.constant true
    %reduce_or3A_285 = vector.broadcast %reduce_or3A_284 : i1 to vector<16xi1>
    %reduce_or3A_286 = tpu.scan <max>, %reduce_or3A_283 masked %reduce_or3A_285 : vector<16xf32>, vector<16xi1> -> vector<16xf32>
    %reduce_or3A_287 = vector.extract %reduce_or3A_286[15] : f32 from vector<16xf32>
    %reduce_or3A_288 = arith.constant 0.000000e+00 : f32
    %reduce_or3A_289 = arith.cmpf ogt, %reduce_or3A_287, %reduce_or3A_288 : f32
    %convert_element_type3A_290 = arith.extui %reduce_or3A_289 : i1 to i32
    %shift_left3A_291 = arith.constant 4 : i32
    %shift_left3A_292 = arith.shli %convert_element_type3A_290, %shift_left3A_291 : i32
    %add3A_293 = arith.addi %add3A_268, %shift_left3A_292 : i32
    %mul3A_294 = arith.constant 32 : i32
    %mul3A_295 = arith.muli %select_n3A, %mul3A_294 : i32
    %add3A_296 = arith.addi %mul3A_295, %add3A_293 : i32
    %mul3A_297 = arith.constant 256 : i32
    %mul3A_298 = arith.muli %add3A_296, %mul3A_297 : i32
    %add3A_299 = arith.addi %mul3A_298, %mul3A_32 : i32
    %eq3A_300 = arith.constant 2 : i32
    %eq3A_301 = vector.broadcast %eq3A_300 : i32 to vector<16xi32>
    %eq3A_302 = arith.cmpi eq, %iota3A, %eq3A_301 : vector<16xi32>
    %shift_right_arithmetic3A_303 = arith.constant 0 : i32
    %shift_right_arithmetic3A_304 = vector.broadcast %shift_right_arithmetic3A_303 : i32 to vector<16xi32>
    %shift_right_arithmetic3A_305 = arith.shrsi %get3A_33, %shift_right_arithmetic3A_304 : vector<16xi32>
    %and3A_306 = arith.constant 1 : i32
    %and3A_307 = vector.broadcast %and3A_306 : i32 to vector<16xi32>
    %and3A_308 = arith.andi %shift_right_arithmetic3A_305, %and3A_307 : vector<16xi32>
    %eq3A_309 = arith.constant 1 : i32
    %eq3A_310 = vector.broadcast %eq3A_309 : i32 to vector<16xi32>
    %eq3A_311 = arith.cmpi eq, %and3A_308, %eq3A_310 : vector<16xi32>
    %and3A_312 = arith.andi %eq3A_302, %eq3A_311 : vector<16xi1>
    %reduce_or3A_313 = arith.constant 1.000000e+00 : f32
    %reduce_or3A_314 = arith.constant 0.000000e+00 : f32
    %reduce_or3A_315 = vector.broadcast %reduce_or3A_313 : f32 to vector<16xf32>
    %reduce_or3A_316 = vector.broadcast %reduce_or3A_314 : f32 to vector<16xf32>
    %reduce_or3A_317 = arith.select %and3A_312, %reduce_or3A_315, %reduce_or3A_316 : vector<16xi1>, vector<16xf32>
    %reduce_or3A_318 = arith.constant true
    %reduce_or3A_319 = vector.broadcast %reduce_or3A_318 : i1 to vector<16xi1>
    %reduce_or3A_320 = tpu.scan <max>, %reduce_or3A_317 masked %reduce_or3A_319 : vector<16xf32>, vector<16xi1> -> vector<16xf32>
    %reduce_or3A_321 = vector.extract %reduce_or3A_320[15] : f32 from vector<16xf32>
    %reduce_or3A_322 = arith.constant 0.000000e+00 : f32
    %reduce_or3A_323 = arith.cmpf ogt, %reduce_or3A_321, %reduce_or3A_322 : f32
    %convert_element_type3A_324 = arith.extui %reduce_or3A_323 : i1 to i32
    %shift_left3A_325 = arith.constant 0 : i32
    %shift_left3A_326 = arith.shli %convert_element_type3A_324, %shift_left3A_325 : i32
    %add3A_327 = arith.constant 0 : i32
    %add3A_328 = arith.addi %add3A_327, %shift_left3A_326 : i32
    %shift_right_arithmetic3A_329 = arith.constant 1 : i32
    %shift_right_arithmetic3A_330 = vector.broadcast %shift_right_arithmetic3A_329 : i32 to vector<16xi32>
    %shift_right_arithmetic3A_331 = arith.shrsi %get3A_33, %shift_right_arithmetic3A_330 : vector<16xi32>
    %and3A_332 = arith.constant 1 : i32
    %and3A_333 = vector.broadcast %and3A_332 : i32 to vector<16xi32>
    %and3A_334 = arith.andi %shift_right_arithmetic3A_331, %and3A_333 : vector<16xi32>
    %eq3A_335 = arith.constant 1 : i32
    %eq3A_336 = vector.broadcast %eq3A_335 : i32 to vector<16xi32>
    %eq3A_337 = arith.cmpi eq, %and3A_334, %eq3A_336 : vector<16xi32>
    %and3A_338 = arith.andi %eq3A_302, %eq3A_337 : vector<16xi1>
    %reduce_or3A_339 = arith.constant 1.000000e+00 : f32
    %reduce_or3A_340 = arith.constant 0.000000e+00 : f32
    %reduce_or3A_341 = vector.broadcast %reduce_or3A_339 : f32 to vector<16xf32>
    %reduce_or3A_342 = vector.broadcast %reduce_or3A_340 : f32 to vector<16xf32>
    %reduce_or3A_343 = arith.select %and3A_338, %reduce_or3A_341, %reduce_or3A_342 : vector<16xi1>, vector<16xf32>
    %reduce_or3A_344 = arith.constant true
    %reduce_or3A_345 = vector.broadcast %reduce_or3A_344 : i1 to vector<16xi1>
    %reduce_or3A_346 = tpu.scan <max>, %reduce_or3A_343 masked %reduce_or3A_345 : vector<16xf32>, vector<16xi1> -> vector<16xf32>
    %reduce_or3A_347 = vector.extract %reduce_or3A_346[15] : f32 from vector<16xf32>
    %reduce_or3A_348 = arith.constant 0.000000e+00 : f32
    %reduce_or3A_349 = arith.cmpf ogt, %reduce_or3A_347, %reduce_or3A_348 : f32
    %convert_element_type3A_350 = arith.extui %reduce_or3A_349 : i1 to i32
    %shift_left3A_351 = arith.constant 1 : i32
    %shift_left3A_352 = arith.shli %convert_element_type3A_350, %shift_left3A_351 : i32
    %add3A_353 = arith.addi %add3A_328, %shift_left3A_352 : i32
    %shift_right_arithmetic3A_354 = arith.constant 2 : i32
    %shift_right_arithmetic3A_355 = vector.broadcast %shift_right_arithmetic3A_354 : i32 to vector<16xi32>
    %shift_right_arithmetic3A_356 = arith.shrsi %get3A_33, %shift_right_arithmetic3A_355 : vector<16xi32>
    %and3A_357 = arith.constant 1 : i32
    %and3A_358 = vector.broadcast %and3A_357 : i32 to vector<16xi32>
    %and3A_359 = arith.andi %shift_right_arithmetic3A_356, %and3A_358 : vector<16xi32>
    %eq3A_360 = arith.constant 1 : i32
    %eq3A_361 = vector.broadcast %eq3A_360 : i32 to vector<16xi32>
    %eq3A_362 = arith.cmpi eq, %and3A_359, %eq3A_361 : vector<16xi32>
    %and3A_363 = arith.andi %eq3A_302, %eq3A_362 : vector<16xi1>
    %reduce_or3A_364 = arith.constant 1.000000e+00 : f32
    %reduce_or3A_365 = arith.constant 0.000000e+00 : f32
    %reduce_or3A_366 = vector.broadcast %reduce_or3A_364 : f32 to vector<16xf32>
    %reduce_or3A_367 = vector.broadcast %reduce_or3A_365 : f32 to vector<16xf32>
    %reduce_or3A_368 = arith.select %and3A_363, %reduce_or3A_366, %reduce_or3A_367 : vector<16xi1>, vector<16xf32>
    %reduce_or3A_369 = arith.constant true
    %reduce_or3A_370 = vector.broadcast %reduce_or3A_369 : i1 to vector<16xi1>
    %reduce_or3A_371 = tpu.scan <max>, %reduce_or3A_368 masked %reduce_or3A_370 : vector<16xf32>, vector<16xi1> -> vector<16xf32>
    %reduce_or3A_372 = vector.extract %reduce_or3A_371[15] : f32 from vector<16xf32>
    %reduce_or3A_373 = arith.constant 0.000000e+00 : f32
    %reduce_or3A_374 = arith.cmpf ogt, %reduce_or3A_372, %reduce_or3A_373 : f32
    %convert_element_type3A_375 = arith.extui %reduce_or3A_374 : i1 to i32
    %shift_left3A_376 = arith.constant 2 : i32
    %shift_left3A_377 = arith.shli %convert_element_type3A_375, %shift_left3A_376 : i32
    %add3A_378 = arith.addi %add3A_353, %shift_left3A_377 : i32
    %shift_right_arithmetic3A_379 = arith.constant 3 : i32
    %shift_right_arithmetic3A_380 = vector.broadcast %shift_right_arithmetic3A_379 : i32 to vector<16xi32>
    %shift_right_arithmetic3A_381 = arith.shrsi %get3A_33, %shift_right_arithmetic3A_380 : vector<16xi32>
    %and3A_382 = arith.constant 1 : i32
    %and3A_383 = vector.broadcast %and3A_382 : i32 to vector<16xi32>
    %and3A_384 = arith.andi %shift_right_arithmetic3A_381, %and3A_383 : vector<16xi32>
    %eq3A_385 = arith.constant 1 : i32
    %eq3A_386 = vector.broadcast %eq3A_385 : i32 to vector<16xi32>
    %eq3A_387 = arith.cmpi eq, %and3A_384, %eq3A_386 : vector<16xi32>
    %and3A_388 = arith.andi %eq3A_302, %eq3A_387 : vector<16xi1>
    %reduce_or3A_389 = arith.constant 1.000000e+00 : f32
    %reduce_or3A_390 = arith.constant 0.000000e+00 : f32
    %reduce_or3A_391 = vector.broadcast %reduce_or3A_389 : f32 to vector<16xf32>
    %reduce_or3A_392 = vector.broadcast %reduce_or3A_390 : f32 to vector<16xf32>
    %reduce_or3A_393 = arith.select %and3A_388, %reduce_or3A_391, %reduce_or3A_392 : vector<16xi1>, vector<16xf32>
    %reduce_or3A_394 = arith.constant true
    %reduce_or3A_395 = vector.broadcast %reduce_or3A_394 : i1 to vector<16xi1>
    %reduce_or3A_396 = tpu.scan <max>, %reduce_or3A_393 masked %reduce_or3A_395 : vector<16xf32>, vector<16xi1> -> vector<16xf32>
    %reduce_or3A_397 = vector.extract %reduce_or3A_396[15] : f32 from vector<16xf32>
    %reduce_or3A_398 = arith.constant 0.000000e+00 : f32
    %reduce_or3A_399 = arith.cmpf ogt, %reduce_or3A_397, %reduce_or3A_398 : f32
    %convert_element_type3A_400 = arith.extui %reduce_or3A_399 : i1 to i32
    %shift_left3A_401 = arith.constant 3 : i32
    %shift_left3A_402 = arith.shli %convert_element_type3A_400, %shift_left3A_401 : i32
    %add3A_403 = arith.addi %add3A_378, %shift_left3A_402 : i32
    %shift_right_arithmetic3A_404 = arith.constant 4 : i32
    %shift_right_arithmetic3A_405 = vector.broadcast %shift_right_arithmetic3A_404 : i32 to vector<16xi32>
    %shift_right_arithmetic3A_406 = arith.shrsi %get3A_33, %shift_right_arithmetic3A_405 : vector<16xi32>
    %and3A_407 = arith.constant 1 : i32
    %and3A_408 = vector.broadcast %and3A_407 : i32 to vector<16xi32>
    %and3A_409 = arith.andi %shift_right_arithmetic3A_406, %and3A_408 : vector<16xi32>
    %eq3A_410 = arith.constant 1 : i32
    %eq3A_411 = vector.broadcast %eq3A_410 : i32 to vector<16xi32>
    %eq3A_412 = arith.cmpi eq, %and3A_409, %eq3A_411 : vector<16xi32>
    %and3A_413 = arith.andi %eq3A_302, %eq3A_412 : vector<16xi1>
    %reduce_or3A_414 = arith.constant 1.000000e+00 : f32
    %reduce_or3A_415 = arith.constant 0.000000e+00 : f32
    %reduce_or3A_416 = vector.broadcast %reduce_or3A_414 : f32 to vector<16xf32>
    %reduce_or3A_417 = vector.broadcast %reduce_or3A_415 : f32 to vector<16xf32>
    %reduce_or3A_418 = arith.select %and3A_413, %reduce_or3A_416, %reduce_or3A_417 : vector<16xi1>, vector<16xf32>
    %reduce_or3A_419 = arith.constant true
    %reduce_or3A_420 = vector.broadcast %reduce_or3A_419 : i1 to vector<16xi1>
    %reduce_or3A_421 = tpu.scan <max>, %reduce_or3A_418 masked %reduce_or3A_420 : vector<16xf32>, vector<16xi1> -> vector<16xf32>
    %reduce_or3A_422 = vector.extract %reduce_or3A_421[15] : f32 from vector<16xf32>
    %reduce_or3A_423 = arith.constant 0.000000e+00 : f32
    %reduce_or3A_424 = arith.cmpf ogt, %reduce_or3A_422, %reduce_or3A_423 : f32
    %convert_element_type3A_425 = arith.extui %reduce_or3A_424 : i1 to i32
    %shift_left3A_426 = arith.constant 4 : i32
    %shift_left3A_427 = arith.shli %convert_element_type3A_425, %shift_left3A_426 : i32
    %add3A_428 = arith.addi %add3A_403, %shift_left3A_427 : i32
    %mul3A_429 = arith.constant 32 : i32
    %mul3A_430 = arith.muli %select_n3A, %mul3A_429 : i32
    %add3A_431 = arith.addi %mul3A_430, %add3A_428 : i32
    %mul3A_432 = arith.constant 256 : i32
    %mul3A_433 = arith.muli %add3A_431, %mul3A_432 : i32
    %add3A_434 = arith.addi %mul3A_433, %mul3A_32 : i32
    %eq3A_435 = arith.constant 3 : i32
    %eq3A_436 = vector.broadcast %eq3A_435 : i32 to vector<16xi32>
    %eq3A_437 = arith.cmpi eq, %iota3A, %eq3A_436 : vector<16xi32>
    %shift_right_arithmetic3A_438 = arith.constant 0 : i32
    %shift_right_arithmetic3A_439 = vector.broadcast %shift_right_arithmetic3A_438 : i32 to vector<16xi32>
    %shift_right_arithmetic3A_440 = arith.shrsi %get3A_33, %shift_right_arithmetic3A_439 : vector<16xi32>
    %and3A_441 = arith.constant 1 : i32
    %and3A_442 = vector.broadcast %and3A_441 : i32 to vector<16xi32>
    %and3A_443 = arith.andi %shift_right_arithmetic3A_440, %and3A_442 : vector<16xi32>
    %eq3A_444 = arith.constant 1 : i32
    %eq3A_445 = vector.broadcast %eq3A_444 : i32 to vector<16xi32>
    %eq3A_446 = arith.cmpi eq, %and3A_443, %eq3A_445 : vector<16xi32>
    %and3A_447 = arith.andi %eq3A_437, %eq3A_446 : vector<16xi1>
    %reduce_or3A_448 = arith.constant 1.000000e+00 : f32
    %reduce_or3A_449 = arith.constant 0.000000e+00 : f32
    %reduce_or3A_450 = vector.broadcast %reduce_or3A_448 : f32 to vector<16xf32>
    %reduce_or3A_451 = vector.broadcast %reduce_or3A_449 : f32 to vector<16xf32>
    %reduce_or3A_452 = arith.select %and3A_447, %reduce_or3A_450, %reduce_or3A_451 : vector<16xi1>, vector<16xf32>
    %reduce_or3A_453 = arith.constant true
    %reduce_or3A_454 = vector.broadcast %reduce_or3A_453 : i1 to vector<16xi1>
    %reduce_or3A_455 = tpu.scan <max>, %reduce_or3A_452 masked %reduce_or3A_454 : vector<16xf32>, vector<16xi1> -> vector<16xf32>
    %reduce_or3A_456 = vector.extract %reduce_or3A_455[15] : f32 from vector<16xf32>
    %reduce_or3A_457 = arith.constant 0.000000e+00 : f32
    %reduce_or3A_458 = arith.cmpf ogt, %reduce_or3A_456, %reduce_or3A_457 : f32
    %convert_element_type3A_459 = arith.extui %reduce_or3A_458 : i1 to i32
    %shift_left3A_460 = arith.constant 0 : i32
    %shift_left3A_461 = arith.shli %convert_element_type3A_459, %shift_left3A_460 : i32
    %add3A_462 = arith.constant 0 : i32
    %add3A_463 = arith.addi %add3A_462, %shift_left3A_461 : i32
    %shift_right_arithmetic3A_464 = arith.constant 1 : i32
    %shift_right_arithmetic3A_465 = vector.broadcast %shift_right_arithmetic3A_464 : i32 to vector<16xi32>
    %shift_right_arithmetic3A_466 = arith.shrsi %get3A_33, %shift_right_arithmetic3A_465 : vector<16xi32>
    %and3A_467 = arith.constant 1 : i32
    %and3A_468 = vector.broadcast %and3A_467 : i32 to vector<16xi32>
    %and3A_469 = arith.andi %shift_right_arithmetic3A_466, %and3A_468 : vector<16xi32>
    %eq3A_470 = arith.constant 1 : i32
    %eq3A_471 = vector.broadcast %eq3A_470 : i32 to vector<16xi32>
    %eq3A_472 = arith.cmpi eq, %and3A_469, %eq3A_471 : vector<16xi32>
    %and3A_473 = arith.andi %eq3A_437, %eq3A_472 : vector<16xi1>
    %reduce_or3A_474 = arith.constant 1.000000e+00 : f32
    %reduce_or3A_475 = arith.constant 0.000000e+00 : f32
    %reduce_or3A_476 = vector.broadcast %reduce_or3A_474 : f32 to vector<16xf32>
    %reduce_or3A_477 = vector.broadcast %reduce_or3A_475 : f32 to vector<16xf32>
    %reduce_or3A_478 = arith.select %and3A_473, %reduce_or3A_476, %reduce_or3A_477 : vector<16xi1>, vector<16xf32>
    %reduce_or3A_479 = arith.constant true
    %reduce_or3A_480 = vector.broadcast %reduce_or3A_479 : i1 to vector<16xi1>
    %reduce_or3A_481 = tpu.scan <max>, %reduce_or3A_478 masked %reduce_or3A_480 : vector<16xf32>, vector<16xi1> -> vector<16xf32>
    %reduce_or3A_482 = vector.extract %reduce_or3A_481[15] : f32 from vector<16xf32>
    %reduce_or3A_483 = arith.constant 0.000000e+00 : f32
    %reduce_or3A_484 = arith.cmpf ogt, %reduce_or3A_482, %reduce_or3A_483 : f32
    %convert_element_type3A_485 = arith.extui %reduce_or3A_484 : i1 to i32
    %shift_left3A_486 = arith.constant 1 : i32
    %shift_left3A_487 = arith.shli %convert_element_type3A_485, %shift_left3A_486 : i32
    %add3A_488 = arith.addi %add3A_463, %shift_left3A_487 : i32
    %shift_right_arithmetic3A_489 = arith.constant 2 : i32
    %shift_right_arithmetic3A_490 = vector.broadcast %shift_right_arithmetic3A_489 : i32 to vector<16xi32>
    %shift_right_arithmetic3A_491 = arith.shrsi %get3A_33, %shift_right_arithmetic3A_490 : vector<16xi32>
    %and3A_492 = arith.constant 1 : i32
    %and3A_493 = vector.broadcast %and3A_492 : i32 to vector<16xi32>
    %and3A_494 = arith.andi %shift_right_arithmetic3A_491, %and3A_493 : vector<16xi32>
    %eq3A_495 = arith.constant 1 : i32
    %eq3A_496 = vector.broadcast %eq3A_495 : i32 to vector<16xi32>
    %eq3A_497 = arith.cmpi eq, %and3A_494, %eq3A_496 : vector<16xi32>
    %and3A_498 = arith.andi %eq3A_437, %eq3A_497 : vector<16xi1>
    %reduce_or3A_499 = arith.constant 1.000000e+00 : f32
    %reduce_or3A_500 = arith.constant 0.000000e+00 : f32
    %reduce_or3A_501 = vector.broadcast %reduce_or3A_499 : f32 to vector<16xf32>
    %reduce_or3A_502 = vector.broadcast %reduce_or3A_500 : f32 to vector<16xf32>
    %reduce_or3A_503 = arith.select %and3A_498, %reduce_or3A_501, %reduce_or3A_502 : vector<16xi1>, vector<16xf32>
    %reduce_or3A_504 = arith.constant true
    %reduce_or3A_505 = vector.broadcast %reduce_or3A_504 : i1 to vector<16xi1>
    %reduce_or3A_506 = tpu.scan <max>, %reduce_or3A_503 masked %reduce_or3A_505 : vector<16xf32>, vector<16xi1> -> vector<16xf32>
    %reduce_or3A_507 = vector.extract %reduce_or3A_506[15] : f32 from vector<16xf32>
    %reduce_or3A_508 = arith.constant 0.000000e+00 : f32
    %reduce_or3A_509 = arith.cmpf ogt, %reduce_or3A_507, %reduce_or3A_508 : f32
    %convert_element_type3A_510 = arith.extui %reduce_or3A_509 : i1 to i32
    %shift_left3A_511 = arith.constant 2 : i32
    %shift_left3A_512 = arith.shli %convert_element_type3A_510, %shift_left3A_511 : i32
    %add3A_513 = arith.addi %add3A_488, %shift_left3A_512 : i32
    %shift_right_arithmetic3A_514 = arith.constant 3 : i32
    %shift_right_arithmetic3A_515 = vector.broadcast %shift_right_arithmetic3A_514 : i32 to vector<16xi32>
    %shift_right_arithmetic3A_516 = arith.shrsi %get3A_33, %shift_right_arithmetic3A_515 : vector<16xi32>
    %and3A_517 = arith.constant 1 : i32
    %and3A_518 = vector.broadcast %and3A_517 : i32 to vector<16xi32>
    %and3A_519 = arith.andi %shift_right_arithmetic3A_516, %and3A_518 : vector<16xi32>
    %eq3A_520 = arith.constant 1 : i32
    %eq3A_521 = vector.broadcast %eq3A_520 : i32 to vector<16xi32>
    %eq3A_522 = arith.cmpi eq, %and3A_519, %eq3A_521 : vector<16xi32>
    %and3A_523 = arith.andi %eq3A_437, %eq3A_522 : vector<16xi1>
    %reduce_or3A_524 = arith.constant 1.000000e+00 : f32
    %reduce_or3A_525 = arith.constant 0.000000e+00 : f32
    %reduce_or3A_526 = vector.broadcast %reduce_or3A_524 : f32 to vector<16xf32>
    %reduce_or3A_527 = vector.broadcast %reduce_or3A_525 : f32 to vector<16xf32>
    %reduce_or3A_528 = arith.select %and3A_523, %reduce_or3A_526, %reduce_or3A_527 : vector<16xi1>, vector<16xf32>
    %reduce_or3A_529 = arith.constant true
    %reduce_or3A_530 = vector.broadcast %reduce_or3A_529 : i1 to vector<16xi1>
    %reduce_or3A_531 = tpu.scan <max>, %reduce_or3A_528 masked %reduce_or3A_530 : vector<16xf32>, vector<16xi1> -> vector<16xf32>
    %reduce_or3A_532 = vector.extract %reduce_or3A_531[15] : f32 from vector<16xf32>
    %reduce_or3A_533 = arith.constant 0.000000e+00 : f32
    %reduce_or3A_534 = arith.cmpf ogt, %reduce_or3A_532, %reduce_or3A_533 : f32
    %convert_element_type3A_535 = arith.extui %reduce_or3A_534 : i1 to i32
    %shift_left3A_536 = arith.constant 3 : i32
    %shift_left3A_537 = arith.shli %convert_element_type3A_535, %shift_left3A_536 : i32
    %add3A_538 = arith.addi %add3A_513, %shift_left3A_537 : i32
    %shift_right_arithmetic3A_539 = arith.constant 4 : i32
    %shift_right_arithmetic3A_540 = vector.broadcast %shift_right_arithmetic3A_539 : i32 to vector<16xi32>
    %shift_right_arithmetic3A_541 = arith.shrsi %get3A_33, %shift_right_arithmetic3A_540 : vector<16xi32>
    %and3A_542 = arith.constant 1 : i32
    %and3A_543 = vector.broadcast %and3A_542 : i32 to vector<16xi32>
    %and3A_544 = arith.andi %shift_right_arithmetic3A_541, %and3A_543 : vector<16xi32>
    %eq3A_545 = arith.constant 1 : i32
    %eq3A_546 = vector.broadcast %eq3A_545 : i32 to vector<16xi32>
    %eq3A_547 = arith.cmpi eq, %and3A_544, %eq3A_546 : vector<16xi32>
    %and3A_548 = arith.andi %eq3A_437, %eq3A_547 : vector<16xi1>
    %reduce_or3A_549 = arith.constant 1.000000e+00 : f32
    %reduce_or3A_550 = arith.constant 0.000000e+00 : f32
    %reduce_or3A_551 = vector.broadcast %reduce_or3A_549 : f32 to vector<16xf32>
    %reduce_or3A_552 = vector.broadcast %reduce_or3A_550 : f32 to vector<16xf32>
    %reduce_or3A_553 = arith.select %and3A_548, %reduce_or3A_551, %reduce_or3A_552 : vector<16xi1>, vector<16xf32>
    %reduce_or3A_554 = arith.constant true
    %reduce_or3A_555 = vector.broadcast %reduce_or3A_554 : i1 to vector<16xi1>
    %reduce_or3A_556 = tpu.scan <max>, %reduce_or3A_553 masked %reduce_or3A_555 : vector<16xf32>, vector<16xi1> -> vector<16xf32>
    %reduce_or3A_557 = vector.extract %reduce_or3A_556[15] : f32 from vector<16xf32>
    %reduce_or3A_558 = arith.constant 0.000000e+00 : f32
    %reduce_or3A_559 = arith.cmpf ogt, %reduce_or3A_557, %reduce_or3A_558 : f32
    %convert_element_type3A_560 = arith.extui %reduce_or3A_559 : i1 to i32
    %shift_left3A_561 = arith.constant 4 : i32
    %shift_left3A_562 = arith.shli %convert_element_type3A_560, %shift_left3A_561 : i32
    %add3A_563 = arith.addi %add3A_538, %shift_left3A_562 : i32
    %mul3A_564 = arith.constant 32 : i32
    %mul3A_565 = arith.muli %select_n3A, %mul3A_564 : i32
    %add3A_566 = arith.addi %mul3A_565, %add3A_563 : i32
    %mul3A_567 = arith.constant 256 : i32
    %mul3A_568 = arith.muli %add3A_566, %mul3A_567 : i32
    %add3A_569 = arith.addi %mul3A_568, %mul3A_32 : i32
    %eq3A_570 = arith.constant 4 : i32
    %eq3A_571 = vector.broadcast %eq3A_570 : i32 to vector<16xi32>
    %eq3A_572 = arith.cmpi eq, %iota3A, %eq3A_571 : vector<16xi32>
    %shift_right_arithmetic3A_573 = arith.constant 0 : i32
    %shift_right_arithmetic3A_574 = vector.broadcast %shift_right_arithmetic3A_573 : i32 to vector<16xi32>
    %shift_right_arithmetic3A_575 = arith.shrsi %get3A_33, %shift_right_arithmetic3A_574 : vector<16xi32>
    %and3A_576 = arith.constant 1 : i32
    %and3A_577 = vector.broadcast %and3A_576 : i32 to vector<16xi32>
    %and3A_578 = arith.andi %shift_right_arithmetic3A_575, %and3A_577 : vector<16xi32>
    %eq3A_579 = arith.constant 1 : i32
    %eq3A_580 = vector.broadcast %eq3A_579 : i32 to vector<16xi32>
    %eq3A_581 = arith.cmpi eq, %and3A_578, %eq3A_580 : vector<16xi32>
    %and3A_582 = arith.andi %eq3A_572, %eq3A_581 : vector<16xi1>
    %reduce_or3A_583 = arith.constant 1.000000e+00 : f32
    %reduce_or3A_584 = arith.constant 0.000000e+00 : f32
    %reduce_or3A_585 = vector.broadcast %reduce_or3A_583 : f32 to vector<16xf32>
    %reduce_or3A_586 = vector.broadcast %reduce_or3A_584 : f32 to vector<16xf32>
    %reduce_or3A_587 = arith.select %and3A_582, %reduce_or3A_585, %reduce_or3A_586 : vector<16xi1>, vector<16xf32>
    %reduce_or3A_588 = arith.constant true
    %reduce_or3A_589 = vector.broadcast %reduce_or3A_588 : i1 to vector<16xi1>
    %reduce_or3A_590 = tpu.scan <max>, %reduce_or3A_587 masked %reduce_or3A_589 : vector<16xf32>, vector<16xi1> -> vector<16xf32>
    %reduce_or3A_591 = vector.extract %reduce_or3A_590[15] : f32 from vector<16xf32>
    %reduce_or3A_592 = arith.constant 0.000000e+00 : f32
    %reduce_or3A_593 = arith.cmpf ogt, %reduce_or3A_591, %reduce_or3A_592 : f32
    %convert_element_type3A_594 = arith.extui %reduce_or3A_593 : i1 to i32
    %shift_left3A_595 = arith.constant 0 : i32
    %shift_left3A_596 = arith.shli %convert_element_type3A_594, %shift_left3A_595 : i32
    %add3A_597 = arith.constant 0 : i32
    %add3A_598 = arith.addi %add3A_597, %shift_left3A_596 : i32
    %shift_right_arithmetic3A_599 = arith.constant 1 : i32
    %shift_right_arithmetic3A_600 = vector.broadcast %shift_right_arithmetic3A_599 : i32 to vector<16xi32>
    %shift_right_arithmetic3A_601 = arith.shrsi %get3A_33, %shift_right_arithmetic3A_600 : vector<16xi32>
    %and3A_602 = arith.constant 1 : i32
    %and3A_603 = vector.broadcast %and3A_602 : i32 to vector<16xi32>
    %and3A_604 = arith.andi %shift_right_arithmetic3A_601, %and3A_603 : vector<16xi32>
    %eq3A_605 = arith.constant 1 : i32
    %eq3A_606 = vector.broadcast %eq3A_605 : i32 to vector<16xi32>
    %eq3A_607 = arith.cmpi eq, %and3A_604, %eq3A_606 : vector<16xi32>
    %and3A_608 = arith.andi %eq3A_572, %eq3A_607 : vector<16xi1>
    %reduce_or3A_609 = arith.constant 1.000000e+00 : f32
    %reduce_or3A_610 = arith.constant 0.000000e+00 : f32
    %reduce_or3A_611 = vector.broadcast %reduce_or3A_609 : f32 to vector<16xf32>
    %reduce_or3A_612 = vector.broadcast %reduce_or3A_610 : f32 to vector<16xf32>
    %reduce_or3A_613 = arith.select %and3A_608, %reduce_or3A_611, %reduce_or3A_612 : vector<16xi1>, vector<16xf32>
    %reduce_or3A_614 = arith.constant true
    %reduce_or3A_615 = vector.broadcast %reduce_or3A_614 : i1 to vector<16xi1>
    %reduce_or3A_616 = tpu.scan <max>, %reduce_or3A_613 masked %reduce_or3A_615 : vector<16xf32>, vector<16xi1> -> vector<16xf32>
    %reduce_or3A_617 = vector.extract %reduce_or3A_616[15] : f32 from vector<16xf32>
    %reduce_or3A_618 = arith.constant 0.000000e+00 : f32
    %reduce_or3A_619 = arith.cmpf ogt, %reduce_or3A_617, %reduce_or3A_618 : f32
    %convert_element_type3A_620 = arith.extui %reduce_or3A_619 : i1 to i32
    %shift_left3A_621 = arith.constant 1 : i32
    %shift_left3A_622 = arith.shli %convert_element_type3A_620, %shift_left3A_621 : i32
    %add3A_623 = arith.addi %add3A_598, %shift_left3A_622 : i32
    %shift_right_arithmetic3A_624 = arith.constant 2 : i32
    %shift_right_arithmetic3A_625 = vector.broadcast %shift_right_arithmetic3A_624 : i32 to vector<16xi32>
    %shift_right_arithmetic3A_626 = arith.shrsi %get3A_33, %shift_right_arithmetic3A_625 : vector<16xi32>
    %and3A_627 = arith.constant 1 : i32
    %and3A_628 = vector.broadcast %and3A_627 : i32 to vector<16xi32>
    %and3A_629 = arith.andi %shift_right_arithmetic3A_626, %and3A_628 : vector<16xi32>
    %eq3A_630 = arith.constant 1 : i32
    %eq3A_631 = vector.broadcast %eq3A_630 : i32 to vector<16xi32>
    %eq3A_632 = arith.cmpi eq, %and3A_629, %eq3A_631 : vector<16xi32>
    %and3A_633 = arith.andi %eq3A_572, %eq3A_632 : vector<16xi1>
    %reduce_or3A_634 = arith.constant 1.000000e+00 : f32
    %reduce_or3A_635 = arith.constant 0.000000e+00 : f32
    %reduce_or3A_636 = vector.broadcast %reduce_or3A_634 : f32 to vector<16xf32>
    %reduce_or3A_637 = vector.broadcast %reduce_or3A_635 : f32 to vector<16xf32>
    %reduce_or3A_638 = arith.select %and3A_633, %reduce_or3A_636, %reduce_or3A_637 : vector<16xi1>, vector<16xf32>
    %reduce_or3A_639 = arith.constant true
    %reduce_or3A_640 = vector.broadcast %reduce_or3A_639 : i1 to vector<16xi1>
    %reduce_or3A_641 = tpu.scan <max>, %reduce_or3A_638 masked %reduce_or3A_640 : vector<16xf32>, vector<16xi1> -> vector<16xf32>
    %reduce_or3A_642 = vector.extract %reduce_or3A_641[15] : f32 from vector<16xf32>
    %reduce_or3A_643 = arith.constant 0.000000e+00 : f32
    %reduce_or3A_644 = arith.cmpf ogt, %reduce_or3A_642, %reduce_or3A_643 : f32
    %convert_element_type3A_645 = arith.extui %reduce_or3A_644 : i1 to i32
    %shift_left3A_646 = arith.constant 2 : i32
    %shift_left3A_647 = arith.shli %convert_element_type3A_645, %shift_left3A_646 : i32
    %add3A_648 = arith.addi %add3A_623, %shift_left3A_647 : i32
    %shift_right_arithmetic3A_649 = arith.constant 3 : i32
    %shift_right_arithmetic3A_650 = vector.broadcast %shift_right_arithmetic3A_649 : i32 to vector<16xi32>
    %shift_right_arithmetic3A_651 = arith.shrsi %get3A_33, %shift_right_arithmetic3A_650 : vector<16xi32>
    %and3A_652 = arith.constant 1 : i32
    %and3A_653 = vector.broadcast %and3A_652 : i32 to vector<16xi32>
    %and3A_654 = arith.andi %shift_right_arithmetic3A_651, %and3A_653 : vector<16xi32>
    %eq3A_655 = arith.constant 1 : i32
    %eq3A_656 = vector.broadcast %eq3A_655 : i32 to vector<16xi32>
    %eq3A_657 = arith.cmpi eq, %and3A_654, %eq3A_656 : vector<16xi32>
    %and3A_658 = arith.andi %eq3A_572, %eq3A_657 : vector<16xi1>
    %reduce_or3A_659 = arith.constant 1.000000e+00 : f32
    %reduce_or3A_660 = arith.constant 0.000000e+00 : f32
    %reduce_or3A_661 = vector.broadcast %reduce_or3A_659 : f32 to vector<16xf32>
    %reduce_or3A_662 = vector.broadcast %reduce_or3A_660 : f32 to vector<16xf32>
    %reduce_or3A_663 = arith.select %and3A_658, %reduce_or3A_661, %reduce_or3A_662 : vector<16xi1>, vector<16xf32>
    %reduce_or3A_664 = arith.constant true
    %reduce_or3A_665 = vector.broadcast %reduce_or3A_664 : i1 to vector<16xi1>
    %reduce_or3A_666 = tpu.scan <max>, %reduce_or3A_663 masked %reduce_or3A_665 : vector<16xf32>, vector<16xi1> -> vector<16xf32>
    %reduce_or3A_667 = vector.extract %reduce_or3A_666[15] : f32 from vector<16xf32>
    %reduce_or3A_668 = arith.constant 0.000000e+00 : f32
    %reduce_or3A_669 = arith.cmpf ogt, %reduce_or3A_667, %reduce_or3A_668 : f32
    %convert_element_type3A_670 = arith.extui %reduce_or3A_669 : i1 to i32
    %shift_left3A_671 = arith.constant 3 : i32
    %shift_left3A_672 = arith.shli %convert_element_type3A_670, %shift_left3A_671 : i32
    %add3A_673 = arith.addi %add3A_648, %shift_left3A_672 : i32
    %shift_right_arithmetic3A_674 = arith.constant 4 : i32
    %shift_right_arithmetic3A_675 = vector.broadcast %shift_right_arithmetic3A_674 : i32 to vector<16xi32>
    %shift_right_arithmetic3A_676 = arith.shrsi %get3A_33, %shift_right_arithmetic3A_675 : vector<16xi32>
    %and3A_677 = arith.constant 1 : i32
    %and3A_678 = vector.broadcast %and3A_677 : i32 to vector<16xi32>
    %and3A_679 = arith.andi %shift_right_arithmetic3A_676, %and3A_678 : vector<16xi32>
    %eq3A_680 = arith.constant 1 : i32
    %eq3A_681 = vector.broadcast %eq3A_680 : i32 to vector<16xi32>
    %eq3A_682 = arith.cmpi eq, %and3A_679, %eq3A_681 : vector<16xi32>
    %and3A_683 = arith.andi %eq3A_572, %eq3A_682 : vector<16xi1>
    %reduce_or3A_684 = arith.constant 1.000000e+00 : f32
    %reduce_or3A_685 = arith.constant 0.000000e+00 : f32
    %reduce_or3A_686 = vector.broadcast %reduce_or3A_684 : f32 to vector<16xf32>
    %reduce_or3A_687 = vector.broadcast %reduce_or3A_685 : f32 to vector<16xf32>
    %reduce_or3A_688 = arith.select %and3A_683, %reduce_or3A_686, %reduce_or3A_687 : vector<16xi1>, vector<16xf32>
    %reduce_or3A_689 = arith.constant true
    %reduce_or3A_690 = vector.broadcast %reduce_or3A_689 : i1 to vector<16xi1>
    %reduce_or3A_691 = tpu.scan <max>, %reduce_or3A_688 masked %reduce_or3A_690 : vector<16xf32>, vector<16xi1> -> vector<16xf32>
    %reduce_or3A_692 = vector.extract %reduce_or3A_691[15] : f32 from vector<16xf32>
    %reduce_or3A_693 = arith.constant 0.000000e+00 : f32
    %reduce_or3A_694 = arith.cmpf ogt, %reduce_or3A_692, %reduce_or3A_693 : f32
    %convert_element_type3A_695 = arith.extui %reduce_or3A_694 : i1 to i32
    %shift_left3A_696 = arith.constant 4 : i32
    %shift_left3A_697 = arith.shli %convert_element_type3A_695, %shift_left3A_696 : i32
    %add3A_698 = arith.addi %add3A_673, %shift_left3A_697 : i32
    %mul3A_699 = arith.constant 32 : i32
    %mul3A_700 = arith.muli %select_n3A, %mul3A_699 : i32
    %add3A_701 = arith.addi %mul3A_700, %add3A_698 : i32
    %mul3A_702 = arith.constant 256 : i32
    %mul3A_703 = arith.muli %add3A_701, %mul3A_702 : i32
    %add3A_704 = arith.addi %mul3A_703, %mul3A_32 : i32
    %eq3A_705 = arith.constant 5 : i32
    %eq3A_706 = vector.broadcast %eq3A_705 : i32 to vector<16xi32>
    %eq3A_707 = arith.cmpi eq, %iota3A, %eq3A_706 : vector<16xi32>
    %shift_right_arithmetic3A_708 = arith.constant 0 : i32
    %shift_right_arithmetic3A_709 = vector.broadcast %shift_right_arithmetic3A_708 : i32 to vector<16xi32>
    %shift_right_arithmetic3A_710 = arith.shrsi %get3A_33, %shift_right_arithmetic3A_709 : vector<16xi32>
    %and3A_711 = arith.constant 1 : i32
    %and3A_712 = vector.broadcast %and3A_711 : i32 to vector<16xi32>
    %and3A_713 = arith.andi %shift_right_arithmetic3A_710, %and3A_712 : vector<16xi32>
    %eq3A_714 = arith.constant 1 : i32
    %eq3A_715 = vector.broadcast %eq3A_714 : i32 to vector<16xi32>
    %eq3A_716 = arith.cmpi eq, %and3A_713, %eq3A_715 : vector<16xi32>
    %and3A_717 = arith.andi %eq3A_707, %eq3A_716 : vector<16xi1>
    %reduce_or3A_718 = arith.constant 1.000000e+00 : f32
    %reduce_or3A_719 = arith.constant 0.000000e+00 : f32
    %reduce_or3A_720 = vector.broadcast %reduce_or3A_718 : f32 to vector<16xf32>
    %reduce_or3A_721 = vector.broadcast %reduce_or3A_719 : f32 to vector<16xf32>
    %reduce_or3A_722 = arith.select %and3A_717, %reduce_or3A_720, %reduce_or3A_721 : vector<16xi1>, vector<16xf32>
    %reduce_or3A_723 = arith.constant true
    %reduce_or3A_724 = vector.broadcast %reduce_or3A_723 : i1 to vector<16xi1>
    %reduce_or3A_725 = tpu.scan <max>, %reduce_or3A_722 masked %reduce_or3A_724 : vector<16xf32>, vector<16xi1> -> vector<16xf32>
    %reduce_or3A_726 = vector.extract %reduce_or3A_725[15] : f32 from vector<16xf32>
    %reduce_or3A_727 = arith.constant 0.000000e+00 : f32
    %reduce_or3A_728 = arith.cmpf ogt, %reduce_or3A_726, %reduce_or3A_727 : f32
    %convert_element_type3A_729 = arith.extui %reduce_or3A_728 : i1 to i32
    %shift_left3A_730 = arith.constant 0 : i32
    %shift_left3A_731 = arith.shli %convert_element_type3A_729, %shift_left3A_730 : i32
    %add3A_732 = arith.constant 0 : i32
    %add3A_733 = arith.addi %add3A_732, %shift_left3A_731 : i32
    %shift_right_arithmetic3A_734 = arith.constant 1 : i32
    %shift_right_arithmetic3A_735 = vector.broadcast %shift_right_arithmetic3A_734 : i32 to vector<16xi32>
    %shift_right_arithmetic3A_736 = arith.shrsi %get3A_33, %shift_right_arithmetic3A_735 : vector<16xi32>
    %and3A_737 = arith.constant 1 : i32
    %and3A_738 = vector.broadcast %and3A_737 : i32 to vector<16xi32>
    %and3A_739 = arith.andi %shift_right_arithmetic3A_736, %and3A_738 : vector<16xi32>
    %eq3A_740 = arith.constant 1 : i32
    %eq3A_741 = vector.broadcast %eq3A_740 : i32 to vector<16xi32>
    %eq3A_742 = arith.cmpi eq, %and3A_739, %eq3A_741 : vector<16xi32>
    %and3A_743 = arith.andi %eq3A_707, %eq3A_742 : vector<16xi1>
    %reduce_or3A_744 = arith.constant 1.000000e+00 : f32
    %reduce_or3A_745 = arith.constant 0.000000e+00 : f32
    %reduce_or3A_746 = vector.broadcast %reduce_or3A_744 : f32 to vector<16xf32>
    %reduce_or3A_747 = vector.broadcast %reduce_or3A_745 : f32 to vector<16xf32>
    %reduce_or3A_748 = arith.select %and3A_743, %reduce_or3A_746, %reduce_or3A_747 : vector<16xi1>, vector<16xf32>
    %reduce_or3A_749 = arith.constant true
    %reduce_or3A_750 = vector.broadcast %reduce_or3A_749 : i1 to vector<16xi1>
    %reduce_or3A_751 = tpu.scan <max>, %reduce_or3A_748 masked %reduce_or3A_750 : vector<16xf32>, vector<16xi1> -> vector<16xf32>
    %reduce_or3A_752 = vector.extract %reduce_or3A_751[15] : f32 from vector<16xf32>
    %reduce_or3A_753 = arith.constant 0.000000e+00 : f32
    %reduce_or3A_754 = arith.cmpf ogt, %reduce_or3A_752, %reduce_or3A_753 : f32
    %convert_element_type3A_755 = arith.extui %reduce_or3A_754 : i1 to i32
    %shift_left3A_756 = arith.constant 1 : i32
    %shift_left3A_757 = arith.shli %convert_element_type3A_755, %shift_left3A_756 : i32
    %add3A_758 = arith.addi %add3A_733, %shift_left3A_757 : i32
    %shift_right_arithmetic3A_759 = arith.constant 2 : i32
    %shift_right_arithmetic3A_760 = vector.broadcast %shift_right_arithmetic3A_759 : i32 to vector<16xi32>
    %shift_right_arithmetic3A_761 = arith.shrsi %get3A_33, %shift_right_arithmetic3A_760 : vector<16xi32>
    %and3A_762 = arith.constant 1 : i32
    %and3A_763 = vector.broadcast %and3A_762 : i32 to vector<16xi32>
    %and3A_764 = arith.andi %shift_right_arithmetic3A_761, %and3A_763 : vector<16xi32>
    %eq3A_765 = arith.constant 1 : i32
    %eq3A_766 = vector.broadcast %eq3A_765 : i32 to vector<16xi32>
    %eq3A_767 = arith.cmpi eq, %and3A_764, %eq3A_766 : vector<16xi32>
    %and3A_768 = arith.andi %eq3A_707, %eq3A_767 : vector<16xi1>
    %reduce_or3A_769 = arith.constant 1.000000e+00 : f32
    %reduce_or3A_770 = arith.constant 0.000000e+00 : f32
    %reduce_or3A_771 = vector.broadcast %reduce_or3A_769 : f32 to vector<16xf32>
    %reduce_or3A_772 = vector.broadcast %reduce_or3A_770 : f32 to vector<16xf32>
    %reduce_or3A_773 = arith.select %and3A_768, %reduce_or3A_771, %reduce_or3A_772 : vector<16xi1>, vector<16xf32>
    %reduce_or3A_774 = arith.constant true
    %reduce_or3A_775 = vector.broadcast %reduce_or3A_774 : i1 to vector<16xi1>
    %reduce_or3A_776 = tpu.scan <max>, %reduce_or3A_773 masked %reduce_or3A_775 : vector<16xf32>, vector<16xi1> -> vector<16xf32>
    %reduce_or3A_777 = vector.extract %reduce_or3A_776[15] : f32 from vector<16xf32>
    %reduce_or3A_778 = arith.constant 0.000000e+00 : f32
    %reduce_or3A_779 = arith.cmpf ogt, %reduce_or3A_777, %reduce_or3A_778 : f32
    %convert_element_type3A_780 = arith.extui %reduce_or3A_779 : i1 to i32
    %shift_left3A_781 = arith.constant 2 : i32
    %shift_left3A_782 = arith.shli %convert_element_type3A_780, %shift_left3A_781 : i32
    %add3A_783 = arith.addi %add3A_758, %shift_left3A_782 : i32
    %shift_right_arithmetic3A_784 = arith.constant 3 : i32
    %shift_right_arithmetic3A_785 = vector.broadcast %shift_right_arithmetic3A_784 : i32 to vector<16xi32>
    %shift_right_arithmetic3A_786 = arith.shrsi %get3A_33, %shift_right_arithmetic3A_785 : vector<16xi32>
    %and3A_787 = arith.constant 1 : i32
    %and3A_788 = vector.broadcast %and3A_787 : i32 to vector<16xi32>
    %and3A_789 = arith.andi %shift_right_arithmetic3A_786, %and3A_788 : vector<16xi32>
    %eq3A_790 = arith.constant 1 : i32
    %eq3A_791 = vector.broadcast %eq3A_790 : i32 to vector<16xi32>
    %eq3A_792 = arith.cmpi eq, %and3A_789, %eq3A_791 : vector<16xi32>
    %and3A_793 = arith.andi %eq3A_707, %eq3A_792 : vector<16xi1>
    %reduce_or3A_794 = arith.constant 1.000000e+00 : f32
    %reduce_or3A_795 = arith.constant 0.000000e+00 : f32
    %reduce_or3A_796 = vector.broadcast %reduce_or3A_794 : f32 to vector<16xf32>
    %reduce_or3A_797 = vector.broadcast %reduce_or3A_795 : f32 to vector<16xf32>
    %reduce_or3A_798 = arith.select %and3A_793, %reduce_or3A_796, %reduce_or3A_797 : vector<16xi1>, vector<16xf32>
    %reduce_or3A_799 = arith.constant true
    %reduce_or3A_800 = vector.broadcast %reduce_or3A_799 : i1 to vector<16xi1>
    %reduce_or3A_801 = tpu.scan <max>, %reduce_or3A_798 masked %reduce_or3A_800 : vector<16xf32>, vector<16xi1> -> vector<16xf32>
    %reduce_or3A_802 = vector.extract %reduce_or3A_801[15] : f32 from vector<16xf32>
    %reduce_or3A_803 = arith.constant 0.000000e+00 : f32
    %reduce_or3A_804 = arith.cmpf ogt, %reduce_or3A_802, %reduce_or3A_803 : f32
    %convert_element_type3A_805 = arith.extui %reduce_or3A_804 : i1 to i32
    %shift_left3A_806 = arith.constant 3 : i32
    %shift_left3A_807 = arith.shli %convert_element_type3A_805, %shift_left3A_806 : i32
    %add3A_808 = arith.addi %add3A_783, %shift_left3A_807 : i32
    %shift_right_arithmetic3A_809 = arith.constant 4 : i32
    %shift_right_arithmetic3A_810 = vector.broadcast %shift_right_arithmetic3A_809 : i32 to vector<16xi32>
    %shift_right_arithmetic3A_811 = arith.shrsi %get3A_33, %shift_right_arithmetic3A_810 : vector<16xi32>
    %and3A_812 = arith.constant 1 : i32
    %and3A_813 = vector.broadcast %and3A_812 : i32 to vector<16xi32>
    %and3A_814 = arith.andi %shift_right_arithmetic3A_811, %and3A_813 : vector<16xi32>
    %eq3A_815 = arith.constant 1 : i32
    %eq3A_816 = vector.broadcast %eq3A_815 : i32 to vector<16xi32>
    %eq3A_817 = arith.cmpi eq, %and3A_814, %eq3A_816 : vector<16xi32>
    %and3A_818 = arith.andi %eq3A_707, %eq3A_817 : vector<16xi1>
    %reduce_or3A_819 = arith.constant 1.000000e+00 : f32
    %reduce_or3A_820 = arith.constant 0.000000e+00 : f32
    %reduce_or3A_821 = vector.broadcast %reduce_or3A_819 : f32 to vector<16xf32>
    %reduce_or3A_822 = vector.broadcast %reduce_or3A_820 : f32 to vector<16xf32>
    %reduce_or3A_823 = arith.select %and3A_818, %reduce_or3A_821, %reduce_or3A_822 : vector<16xi1>, vector<16xf32>
    %reduce_or3A_824 = arith.constant true
    %reduce_or3A_825 = vector.broadcast %reduce_or3A_824 : i1 to vector<16xi1>
    %reduce_or3A_826 = tpu.scan <max>, %reduce_or3A_823 masked %reduce_or3A_825 : vector<16xf32>, vector<16xi1> -> vector<16xf32>
    %reduce_or3A_827 = vector.extract %reduce_or3A_826[15] : f32 from vector<16xf32>
    %reduce_or3A_828 = arith.constant 0.000000e+00 : f32
    %reduce_or3A_829 = arith.cmpf ogt, %reduce_or3A_827, %reduce_or3A_828 : f32
    %convert_element_type3A_830 = arith.extui %reduce_or3A_829 : i1 to i32
    %shift_left3A_831 = arith.constant 4 : i32
    %shift_left3A_832 = arith.shli %convert_element_type3A_830, %shift_left3A_831 : i32
    %add3A_833 = arith.addi %add3A_808, %shift_left3A_832 : i32
    %mul3A_834 = arith.constant 32 : i32
    %mul3A_835 = arith.muli %select_n3A, %mul3A_834 : i32
    %add3A_836 = arith.addi %mul3A_835, %add3A_833 : i32
    %mul3A_837 = arith.constant 256 : i32
    %mul3A_838 = arith.muli %add3A_836, %mul3A_837 : i32
    %add3A_839 = arith.addi %mul3A_838, %mul3A_32 : i32
    %eq3A_840 = arith.constant 6 : i32
    %eq3A_841 = vector.broadcast %eq3A_840 : i32 to vector<16xi32>
    %eq3A_842 = arith.cmpi eq, %iota3A, %eq3A_841 : vector<16xi32>
    %shift_right_arithmetic3A_843 = arith.constant 0 : i32
    %shift_right_arithmetic3A_844 = vector.broadcast %shift_right_arithmetic3A_843 : i32 to vector<16xi32>
    %shift_right_arithmetic3A_845 = arith.shrsi %get3A_33, %shift_right_arithmetic3A_844 : vector<16xi32>
    %and3A_846 = arith.constant 1 : i32
    %and3A_847 = vector.broadcast %and3A_846 : i32 to vector<16xi32>
    %and3A_848 = arith.andi %shift_right_arithmetic3A_845, %and3A_847 : vector<16xi32>
    %eq3A_849 = arith.constant 1 : i32
    %eq3A_850 = vector.broadcast %eq3A_849 : i32 to vector<16xi32>
    %eq3A_851 = arith.cmpi eq, %and3A_848, %eq3A_850 : vector<16xi32>
    %and3A_852 = arith.andi %eq3A_842, %eq3A_851 : vector<16xi1>
    %reduce_or3A_853 = arith.constant 1.000000e+00 : f32
    %reduce_or3A_854 = arith.constant 0.000000e+00 : f32
    %reduce_or3A_855 = vector.broadcast %reduce_or3A_853 : f32 to vector<16xf32>
    %reduce_or3A_856 = vector.broadcast %reduce_or3A_854 : f32 to vector<16xf32>
    %reduce_or3A_857 = arith.select %and3A_852, %reduce_or3A_855, %reduce_or3A_856 : vector<16xi1>, vector<16xf32>
    %reduce_or3A_858 = arith.constant true
    %reduce_or3A_859 = vector.broadcast %reduce_or3A_858 : i1 to vector<16xi1>
    %reduce_or3A_860 = tpu.scan <max>, %reduce_or3A_857 masked %reduce_or3A_859 : vector<16xf32>, vector<16xi1> -> vector<16xf32>
    %reduce_or3A_861 = vector.extract %reduce_or3A_860[15] : f32 from vector<16xf32>
    %reduce_or3A_862 = arith.constant 0.000000e+00 : f32
    %reduce_or3A_863 = arith.cmpf ogt, %reduce_or3A_861, %reduce_or3A_862 : f32
    %convert_element_type3A_864 = arith.extui %reduce_or3A_863 : i1 to i32
    %shift_left3A_865 = arith.constant 0 : i32
    %shift_left3A_866 = arith.shli %convert_element_type3A_864, %shift_left3A_865 : i32
    %add3A_867 = arith.constant 0 : i32
    %add3A_868 = arith.addi %add3A_867, %shift_left3A_866 : i32
    %shift_right_arithmetic3A_869 = arith.constant 1 : i32
    %shift_right_arithmetic3A_870 = vector.broadcast %shift_right_arithmetic3A_869 : i32 to vector<16xi32>
    %shift_right_arithmetic3A_871 = arith.shrsi %get3A_33, %shift_right_arithmetic3A_870 : vector<16xi32>
    %and3A_872 = arith.constant 1 : i32
    %and3A_873 = vector.broadcast %and3A_872 : i32 to vector<16xi32>
    %and3A_874 = arith.andi %shift_right_arithmetic3A_871, %and3A_873 : vector<16xi32>
    %eq3A_875 = arith.constant 1 : i32
    %eq3A_876 = vector.broadcast %eq3A_875 : i32 to vector<16xi32>
    %eq3A_877 = arith.cmpi eq, %and3A_874, %eq3A_876 : vector<16xi32>
    %and3A_878 = arith.andi %eq3A_842, %eq3A_877 : vector<16xi1>
    %reduce_or3A_879 = arith.constant 1.000000e+00 : f32
    %reduce_or3A_880 = arith.constant 0.000000e+00 : f32
    %reduce_or3A_881 = vector.broadcast %reduce_or3A_879 : f32 to vector<16xf32>
    %reduce_or3A_882 = vector.broadcast %reduce_or3A_880 : f32 to vector<16xf32>
    %reduce_or3A_883 = arith.select %and3A_878, %reduce_or3A_881, %reduce_or3A_882 : vector<16xi1>, vector<16xf32>
    %reduce_or3A_884 = arith.constant true
    %reduce_or3A_885 = vector.broadcast %reduce_or3A_884 : i1 to vector<16xi1>
    %reduce_or3A_886 = tpu.scan <max>, %reduce_or3A_883 masked %reduce_or3A_885 : vector<16xf32>, vector<16xi1> -> vector<16xf32>
    %reduce_or3A_887 = vector.extract %reduce_or3A_886[15] : f32 from vector<16xf32>
    %reduce_or3A_888 = arith.constant 0.000000e+00 : f32
    %reduce_or3A_889 = arith.cmpf ogt, %reduce_or3A_887, %reduce_or3A_888 : f32
    %convert_element_type3A_890 = arith.extui %reduce_or3A_889 : i1 to i32
    %shift_left3A_891 = arith.constant 1 : i32
    %shift_left3A_892 = arith.shli %convert_element_type3A_890, %shift_left3A_891 : i32
    %add3A_893 = arith.addi %add3A_868, %shift_left3A_892 : i32
    %shift_right_arithmetic3A_894 = arith.constant 2 : i32
    %shift_right_arithmetic3A_895 = vector.broadcast %shift_right_arithmetic3A_894 : i32 to vector<16xi32>
    %shift_right_arithmetic3A_896 = arith.shrsi %get3A_33, %shift_right_arithmetic3A_895 : vector<16xi32>
    %and3A_897 = arith.constant 1 : i32
    %and3A_898 = vector.broadcast %and3A_897 : i32 to vector<16xi32>
    %and3A_899 = arith.andi %shift_right_arithmetic3A_896, %and3A_898 : vector<16xi32>
    %eq3A_900 = arith.constant 1 : i32
    %eq3A_901 = vector.broadcast %eq3A_900 : i32 to vector<16xi32>
    %eq3A_902 = arith.cmpi eq, %and3A_899, %eq3A_901 : vector<16xi32>
    %and3A_903 = arith.andi %eq3A_842, %eq3A_902 : vector<16xi1>
    %reduce_or3A_904 = arith.constant 1.000000e+00 : f32
    %reduce_or3A_905 = arith.constant 0.000000e+00 : f32
    %reduce_or3A_906 = vector.broadcast %reduce_or3A_904 : f32 to vector<16xf32>
    %reduce_or3A_907 = vector.broadcast %reduce_or3A_905 : f32 to vector<16xf32>
    %reduce_or3A_908 = arith.select %and3A_903, %reduce_or3A_906, %reduce_or3A_907 : vector<16xi1>, vector<16xf32>
    %reduce_or3A_909 = arith.constant true
    %reduce_or3A_910 = vector.broadcast %reduce_or3A_909 : i1 to vector<16xi1>
    %reduce_or3A_911 = tpu.scan <max>, %reduce_or3A_908 masked %reduce_or3A_910 : vector<16xf32>, vector<16xi1> -> vector<16xf32>
    %reduce_or3A_912 = vector.extract %reduce_or3A_911[15] : f32 from vector<16xf32>
    %reduce_or3A_913 = arith.constant 0.000000e+00 : f32
    %reduce_or3A_914 = arith.cmpf ogt, %reduce_or3A_912, %reduce_or3A_913 : f32
    %convert_element_type3A_915 = arith.extui %reduce_or3A_914 : i1 to i32
    %shift_left3A_916 = arith.constant 2 : i32
    %shift_left3A_917 = arith.shli %convert_element_type3A_915, %shift_left3A_916 : i32
    %add3A_918 = arith.addi %add3A_893, %shift_left3A_917 : i32
    %shift_right_arithmetic3A_919 = arith.constant 3 : i32
    %shift_right_arithmetic3A_920 = vector.broadcast %shift_right_arithmetic3A_919 : i32 to vector<16xi32>
    %shift_right_arithmetic3A_921 = arith.shrsi %get3A_33, %shift_right_arithmetic3A_920 : vector<16xi32>
    %and3A_922 = arith.constant 1 : i32
    %and3A_923 = vector.broadcast %and3A_922 : i32 to vector<16xi32>
    %and3A_924 = arith.andi %shift_right_arithmetic3A_921, %and3A_923 : vector<16xi32>
    %eq3A_925 = arith.constant 1 : i32
    %eq3A_926 = vector.broadcast %eq3A_925 : i32 to vector<16xi32>
    %eq3A_927 = arith.cmpi eq, %and3A_924, %eq3A_926 : vector<16xi32>
    %and3A_928 = arith.andi %eq3A_842, %eq3A_927 : vector<16xi1>
    %reduce_or3A_929 = arith.constant 1.000000e+00 : f32
    %reduce_or3A_930 = arith.constant 0.000000e+00 : f32
    %reduce_or3A_931 = vector.broadcast %reduce_or3A_929 : f32 to vector<16xf32>
    %reduce_or3A_932 = vector.broadcast %reduce_or3A_930 : f32 to vector<16xf32>
    %reduce_or3A_933 = arith.select %and3A_928, %reduce_or3A_931, %reduce_or3A_932 : vector<16xi1>, vector<16xf32>
    %reduce_or3A_934 = arith.constant true
    %reduce_or3A_935 = vector.broadcast %reduce_or3A_934 : i1 to vector<16xi1>
    %reduce_or3A_936 = tpu.scan <max>, %reduce_or3A_933 masked %reduce_or3A_935 : vector<16xf32>, vector<16xi1> -> vector<16xf32>
    %reduce_or3A_937 = vector.extract %reduce_or3A_936[15] : f32 from vector<16xf32>
    %reduce_or3A_938 = arith.constant 0.000000e+00 : f32
    %reduce_or3A_939 = arith.cmpf ogt, %reduce_or3A_937, %reduce_or3A_938 : f32
    %convert_element_type3A_940 = arith.extui %reduce_or3A_939 : i1 to i32
    %shift_left3A_941 = arith.constant 3 : i32
    %shift_left3A_942 = arith.shli %convert_element_type3A_940, %shift_left3A_941 : i32
    %add3A_943 = arith.addi %add3A_918, %shift_left3A_942 : i32
    %shift_right_arithmetic3A_944 = arith.constant 4 : i32
    %shift_right_arithmetic3A_945 = vector.broadcast %shift_right_arithmetic3A_944 : i32 to vector<16xi32>
    %shift_right_arithmetic3A_946 = arith.shrsi %get3A_33, %shift_right_arithmetic3A_945 : vector<16xi32>
    %and3A_947 = arith.constant 1 : i32
    %and3A_948 = vector.broadcast %and3A_947 : i32 to vector<16xi32>
    %and3A_949 = arith.andi %shift_right_arithmetic3A_946, %and3A_948 : vector<16xi32>
    %eq3A_950 = arith.constant 1 : i32
    %eq3A_951 = vector.broadcast %eq3A_950 : i32 to vector<16xi32>
    %eq3A_952 = arith.cmpi eq, %and3A_949, %eq3A_951 : vector<16xi32>
    %and3A_953 = arith.andi %eq3A_842, %eq3A_952 : vector<16xi1>
    %reduce_or3A_954 = arith.constant 1.000000e+00 : f32
    %reduce_or3A_955 = arith.constant 0.000000e+00 : f32
    %reduce_or3A_956 = vector.broadcast %reduce_or3A_954 : f32 to vector<16xf32>
    %reduce_or3A_957 = vector.broadcast %reduce_or3A_955 : f32 to vector<16xf32>
    %reduce_or3A_958 = arith.select %and3A_953, %reduce_or3A_956, %reduce_or3A_957 : vector<16xi1>, vector<16xf32>
    %reduce_or3A_959 = arith.constant true
    %reduce_or3A_960 = vector.broadcast %reduce_or3A_959 : i1 to vector<16xi1>
    %reduce_or3A_961 = tpu.scan <max>, %reduce_or3A_958 masked %reduce_or3A_960 : vector<16xf32>, vector<16xi1> -> vector<16xf32>
    %reduce_or3A_962 = vector.extract %reduce_or3A_961[15] : f32 from vector<16xf32>
    %reduce_or3A_963 = arith.constant 0.000000e+00 : f32
    %reduce_or3A_964 = arith.cmpf ogt, %reduce_or3A_962, %reduce_or3A_963 : f32
    %convert_element_type3A_965 = arith.extui %reduce_or3A_964 : i1 to i32
    %shift_left3A_966 = arith.constant 4 : i32
    %shift_left3A_967 = arith.shli %convert_element_type3A_965, %shift_left3A_966 : i32
    %add3A_968 = arith.addi %add3A_943, %shift_left3A_967 : i32
    %mul3A_969 = arith.constant 32 : i32
    %mul3A_970 = arith.muli %select_n3A, %mul3A_969 : i32
    %add3A_971 = arith.addi %mul3A_970, %add3A_968 : i32
    %mul3A_972 = arith.constant 256 : i32
    %mul3A_973 = arith.muli %add3A_971, %mul3A_972 : i32
    %add3A_974 = arith.addi %mul3A_973, %mul3A_32 : i32
    %eq3A_975 = arith.constant 7 : i32
    %eq3A_976 = vector.broadcast %eq3A_975 : i32 to vector<16xi32>
    %eq3A_977 = arith.cmpi eq, %iota3A, %eq3A_976 : vector<16xi32>
    %shift_right_arithmetic3A_978 = arith.constant 0 : i32
    %shift_right_arithmetic3A_979 = vector.broadcast %shift_right_arithmetic3A_978 : i32 to vector<16xi32>
    %shift_right_arithmetic3A_980 = arith.shrsi %get3A_33, %shift_right_arithmetic3A_979 : vector<16xi32>
    %and3A_981 = arith.constant 1 : i32
    %and3A_982 = vector.broadcast %and3A_981 : i32 to vector<16xi32>
    %and3A_983 = arith.andi %shift_right_arithmetic3A_980, %and3A_982 : vector<16xi32>
    %eq3A_984 = arith.constant 1 : i32
    %eq3A_985 = vector.broadcast %eq3A_984 : i32 to vector<16xi32>
    %eq3A_986 = arith.cmpi eq, %and3A_983, %eq3A_985 : vector<16xi32>
    %and3A_987 = arith.andi %eq3A_977, %eq3A_986 : vector<16xi1>
    %reduce_or3A_988 = arith.constant 1.000000e+00 : f32
    %reduce_or3A_989 = arith.constant 0.000000e+00 : f32
    %reduce_or3A_990 = vector.broadcast %reduce_or3A_988 : f32 to vector<16xf32>
    %reduce_or3A_991 = vector.broadcast %reduce_or3A_989 : f32 to vector<16xf32>
    %reduce_or3A_992 = arith.select %and3A_987, %reduce_or3A_990, %reduce_or3A_991 : vector<16xi1>, vector<16xf32>
    %reduce_or3A_993 = arith.constant true
    %reduce_or3A_994 = vector.broadcast %reduce_or3A_993 : i1 to vector<16xi1>
    %reduce_or3A_995 = tpu.scan <max>, %reduce_or3A_992 masked %reduce_or3A_994 : vector<16xf32>, vector<16xi1> -> vector<16xf32>
    %reduce_or3A_996 = vector.extract %reduce_or3A_995[15] : f32 from vector<16xf32>
    %reduce_or3A_997 = arith.constant 0.000000e+00 : f32
    %reduce_or3A_998 = arith.cmpf ogt, %reduce_or3A_996, %reduce_or3A_997 : f32
    %convert_element_type3A_999 = arith.extui %reduce_or3A_998 : i1 to i32
    %shift_left3A_1000 = arith.constant 0 : i32
    %shift_left3A_1001 = arith.shli %convert_element_type3A_999, %shift_left3A_1000 : i32
    %add3A_1002 = arith.constant 0 : i32
    %add3A_1003 = arith.addi %add3A_1002, %shift_left3A_1001 : i32
    %shift_right_arithmetic3A_1004 = arith.constant 1 : i32
    %shift_right_arithmetic3A_1005 = vector.broadcast %shift_right_arithmetic3A_1004 : i32 to vector<16xi32>
    %shift_right_arithmetic3A_1006 = arith.shrsi %get3A_33, %shift_right_arithmetic3A_1005 : vector<16xi32>
    %and3A_1007 = arith.constant 1 : i32
    %and3A_1008 = vector.broadcast %and3A_1007 : i32 to vector<16xi32>
    %and3A_1009 = arith.andi %shift_right_arithmetic3A_1006, %and3A_1008 : vector<16xi32>
    %eq3A_1010 = arith.constant 1 : i32
    %eq3A_1011 = vector.broadcast %eq3A_1010 : i32 to vector<16xi32>
    %eq3A_1012 = arith.cmpi eq, %and3A_1009, %eq3A_1011 : vector<16xi32>
    %and3A_1013 = arith.andi %eq3A_977, %eq3A_1012 : vector<16xi1>
    %reduce_or3A_1014 = arith.constant 1.000000e+00 : f32
    %reduce_or3A_1015 = arith.constant 0.000000e+00 : f32
    %reduce_or3A_1016 = vector.broadcast %reduce_or3A_1014 : f32 to vector<16xf32>
    %reduce_or3A_1017 = vector.broadcast %reduce_or3A_1015 : f32 to vector<16xf32>
    %reduce_or3A_1018 = arith.select %and3A_1013, %reduce_or3A_1016, %reduce_or3A_1017 : vector<16xi1>, vector<16xf32>
    %reduce_or3A_1019 = arith.constant true
    %reduce_or3A_1020 = vector.broadcast %reduce_or3A_1019 : i1 to vector<16xi1>
    %reduce_or3A_1021 = tpu.scan <max>, %reduce_or3A_1018 masked %reduce_or3A_1020 : vector<16xf32>, vector<16xi1> -> vector<16xf32>
    %reduce_or3A_1022 = vector.extract %reduce_or3A_1021[15] : f32 from vector<16xf32>
    %reduce_or3A_1023 = arith.constant 0.000000e+00 : f32
    %reduce_or3A_1024 = arith.cmpf ogt, %reduce_or3A_1022, %reduce_or3A_1023 : f32
    %convert_element_type3A_1025 = arith.extui %reduce_or3A_1024 : i1 to i32
    %shift_left3A_1026 = arith.constant 1 : i32
    %shift_left3A_1027 = arith.shli %convert_element_type3A_1025, %shift_left3A_1026 : i32
    %add3A_1028 = arith.addi %add3A_1003, %shift_left3A_1027 : i32
    %shift_right_arithmetic3A_1029 = arith.constant 2 : i32
    %shift_right_arithmetic3A_1030 = vector.broadcast %shift_right_arithmetic3A_1029 : i32 to vector<16xi32>
    %shift_right_arithmetic3A_1031 = arith.shrsi %get3A_33, %shift_right_arithmetic3A_1030 : vector<16xi32>
    %and3A_1032 = arith.constant 1 : i32
    %and3A_1033 = vector.broadcast %and3A_1032 : i32 to vector<16xi32>
    %and3A_1034 = arith.andi %shift_right_arithmetic3A_1031, %and3A_1033 : vector<16xi32>
    %eq3A_1035 = arith.constant 1 : i32
    %eq3A_1036 = vector.broadcast %eq3A_1035 : i32 to vector<16xi32>
    %eq3A_1037 = arith.cmpi eq, %and3A_1034, %eq3A_1036 : vector<16xi32>
    %and3A_1038 = arith.andi %eq3A_977, %eq3A_1037 : vector<16xi1>
    %reduce_or3A_1039 = arith.constant 1.000000e+00 : f32
    %reduce_or3A_1040 = arith.constant 0.000000e+00 : f32
    %reduce_or3A_1041 = vector.broadcast %reduce_or3A_1039 : f32 to vector<16xf32>
    %reduce_or3A_1042 = vector.broadcast %reduce_or3A_1040 : f32 to vector<16xf32>
    %reduce_or3A_1043 = arith.select %and3A_1038, %reduce_or3A_1041, %reduce_or3A_1042 : vector<16xi1>, vector<16xf32>
    %reduce_or3A_1044 = arith.constant true
    %reduce_or3A_1045 = vector.broadcast %reduce_or3A_1044 : i1 to vector<16xi1>
    %reduce_or3A_1046 = tpu.scan <max>, %reduce_or3A_1043 masked %reduce_or3A_1045 : vector<16xf32>, vector<16xi1> -> vector<16xf32>
    %reduce_or3A_1047 = vector.extract %reduce_or3A_1046[15] : f32 from vector<16xf32>
    %reduce_or3A_1048 = arith.constant 0.000000e+00 : f32
    %reduce_or3A_1049 = arith.cmpf ogt, %reduce_or3A_1047, %reduce_or3A_1048 : f32
    %convert_element_type3A_1050 = arith.extui %reduce_or3A_1049 : i1 to i32
    %shift_left3A_1051 = arith.constant 2 : i32
    %shift_left3A_1052 = arith.shli %convert_element_type3A_1050, %shift_left3A_1051 : i32
    %add3A_1053 = arith.addi %add3A_1028, %shift_left3A_1052 : i32
    %shift_right_arithmetic3A_1054 = arith.constant 3 : i32
    %shift_right_arithmetic3A_1055 = vector.broadcast %shift_right_arithmetic3A_1054 : i32 to vector<16xi32>
    %shift_right_arithmetic3A_1056 = arith.shrsi %get3A_33, %shift_right_arithmetic3A_1055 : vector<16xi32>
    %and3A_1057 = arith.constant 1 : i32
    %and3A_1058 = vector.broadcast %and3A_1057 : i32 to vector<16xi32>
    %and3A_1059 = arith.andi %shift_right_arithmetic3A_1056, %and3A_1058 : vector<16xi32>
    %eq3A_1060 = arith.constant 1 : i32
    %eq3A_1061 = vector.broadcast %eq3A_1060 : i32 to vector<16xi32>
    %eq3A_1062 = arith.cmpi eq, %and3A_1059, %eq3A_1061 : vector<16xi32>
    %and3A_1063 = arith.andi %eq3A_977, %eq3A_1062 : vector<16xi1>
    %reduce_or3A_1064 = arith.constant 1.000000e+00 : f32
    %reduce_or3A_1065 = arith.constant 0.000000e+00 : f32
    %reduce_or3A_1066 = vector.broadcast %reduce_or3A_1064 : f32 to vector<16xf32>
    %reduce_or3A_1067 = vector.broadcast %reduce_or3A_1065 : f32 to vector<16xf32>
    %reduce_or3A_1068 = arith.select %and3A_1063, %reduce_or3A_1066, %reduce_or3A_1067 : vector<16xi1>, vector<16xf32>
    %reduce_or3A_1069 = arith.constant true
    %reduce_or3A_1070 = vector.broadcast %reduce_or3A_1069 : i1 to vector<16xi1>
    %reduce_or3A_1071 = tpu.scan <max>, %reduce_or3A_1068 masked %reduce_or3A_1070 : vector<16xf32>, vector<16xi1> -> vector<16xf32>
    %reduce_or3A_1072 = vector.extract %reduce_or3A_1071[15] : f32 from vector<16xf32>
    %reduce_or3A_1073 = arith.constant 0.000000e+00 : f32
    %reduce_or3A_1074 = arith.cmpf ogt, %reduce_or3A_1072, %reduce_or3A_1073 : f32
    %convert_element_type3A_1075 = arith.extui %reduce_or3A_1074 : i1 to i32
    %shift_left3A_1076 = arith.constant 3 : i32
    %shift_left3A_1077 = arith.shli %convert_element_type3A_1075, %shift_left3A_1076 : i32
    %add3A_1078 = arith.addi %add3A_1053, %shift_left3A_1077 : i32
    %shift_right_arithmetic3A_1079 = arith.constant 4 : i32
    %shift_right_arithmetic3A_1080 = vector.broadcast %shift_right_arithmetic3A_1079 : i32 to vector<16xi32>
    %shift_right_arithmetic3A_1081 = arith.shrsi %get3A_33, %shift_right_arithmetic3A_1080 : vector<16xi32>
    %and3A_1082 = arith.constant 1 : i32
    %and3A_1083 = vector.broadcast %and3A_1082 : i32 to vector<16xi32>
    %and3A_1084 = arith.andi %shift_right_arithmetic3A_1081, %and3A_1083 : vector<16xi32>
    %eq3A_1085 = arith.constant 1 : i32
    %eq3A_1086 = vector.broadcast %eq3A_1085 : i32 to vector<16xi32>
    %eq3A_1087 = arith.cmpi eq, %and3A_1084, %eq3A_1086 : vector<16xi32>
    %and3A_1088 = arith.andi %eq3A_977, %eq3A_1087 : vector<16xi1>
    %reduce_or3A_1089 = arith.constant 1.000000e+00 : f32
    %reduce_or3A_1090 = arith.constant 0.000000e+00 : f32
    %reduce_or3A_1091 = vector.broadcast %reduce_or3A_1089 : f32 to vector<16xf32>
    %reduce_or3A_1092 = vector.broadcast %reduce_or3A_1090 : f32 to vector<16xf32>
    %reduce_or3A_1093 = arith.select %and3A_1088, %reduce_or3A_1091, %reduce_or3A_1092 : vector<16xi1>, vector<16xf32>
    %reduce_or3A_1094 = arith.constant true
    %reduce_or3A_1095 = vector.broadcast %reduce_or3A_1094 : i1 to vector<16xi1>
    %reduce_or3A_1096 = tpu.scan <max>, %reduce_or3A_1093 masked %reduce_or3A_1095 : vector<16xf32>, vector<16xi1> -> vector<16xf32>
    %reduce_or3A_1097 = vector.extract %reduce_or3A_1096[15] : f32 from vector<16xf32>
    %reduce_or3A_1098 = arith.constant 0.000000e+00 : f32
    %reduce_or3A_1099 = arith.cmpf ogt, %reduce_or3A_1097, %reduce_or3A_1098 : f32
    %convert_element_type3A_1100 = arith.extui %reduce_or3A_1099 : i1 to i32
    %shift_left3A_1101 = arith.constant 4 : i32
    %shift_left3A_1102 = arith.shli %convert_element_type3A_1100, %shift_left3A_1101 : i32
    %add3A_1103 = arith.addi %add3A_1078, %shift_left3A_1102 : i32
    %mul3A_1104 = arith.constant 32 : i32
    %mul3A_1105 = arith.muli %select_n3A, %mul3A_1104 : i32
    %add3A_1106 = arith.addi %mul3A_1105, %add3A_1103 : i32
    %mul3A_1107 = arith.constant 256 : i32
    %mul3A_1108 = arith.muli %add3A_1106, %mul3A_1107 : i32
    %add3A_1109 = arith.addi %mul3A_1108, %mul3A_32 : i32
    %eq3A_1110 = arith.constant 8 : i32
    %eq3A_1111 = vector.broadcast %eq3A_1110 : i32 to vector<16xi32>
    %eq3A_1112 = arith.cmpi eq, %iota3A, %eq3A_1111 : vector<16xi32>
    %shift_right_arithmetic3A_1113 = arith.constant 0 : i32
    %shift_right_arithmetic3A_1114 = vector.broadcast %shift_right_arithmetic3A_1113 : i32 to vector<16xi32>
    %shift_right_arithmetic3A_1115 = arith.shrsi %get3A_33, %shift_right_arithmetic3A_1114 : vector<16xi32>
    %and3A_1116 = arith.constant 1 : i32
    %and3A_1117 = vector.broadcast %and3A_1116 : i32 to vector<16xi32>
    %and3A_1118 = arith.andi %shift_right_arithmetic3A_1115, %and3A_1117 : vector<16xi32>
    %eq3A_1119 = arith.constant 1 : i32
    %eq3A_1120 = vector.broadcast %eq3A_1119 : i32 to vector<16xi32>
    %eq3A_1121 = arith.cmpi eq, %and3A_1118, %eq3A_1120 : vector<16xi32>
    %and3A_1122 = arith.andi %eq3A_1112, %eq3A_1121 : vector<16xi1>
    %reduce_or3A_1123 = arith.constant 1.000000e+00 : f32
    %reduce_or3A_1124 = arith.constant 0.000000e+00 : f32
    %reduce_or3A_1125 = vector.broadcast %reduce_or3A_1123 : f32 to vector<16xf32>
    %reduce_or3A_1126 = vector.broadcast %reduce_or3A_1124 : f32 to vector<16xf32>
    %reduce_or3A_1127 = arith.select %and3A_1122, %reduce_or3A_1125, %reduce_or3A_1126 : vector<16xi1>, vector<16xf32>
    %reduce_or3A_1128 = arith.constant true
    %reduce_or3A_1129 = vector.broadcast %reduce_or3A_1128 : i1 to vector<16xi1>
    %reduce_or3A_1130 = tpu.scan <max>, %reduce_or3A_1127 masked %reduce_or3A_1129 : vector<16xf32>, vector<16xi1> -> vector<16xf32>
    %reduce_or3A_1131 = vector.extract %reduce_or3A_1130[15] : f32 from vector<16xf32>
    %reduce_or3A_1132 = arith.constant 0.000000e+00 : f32
    %reduce_or3A_1133 = arith.cmpf ogt, %reduce_or3A_1131, %reduce_or3A_1132 : f32
    %convert_element_type3A_1134 = arith.extui %reduce_or3A_1133 : i1 to i32
    %shift_left3A_1135 = arith.constant 0 : i32
    %shift_left3A_1136 = arith.shli %convert_element_type3A_1134, %shift_left3A_1135 : i32
    %add3A_1137 = arith.constant 0 : i32
    %add3A_1138 = arith.addi %add3A_1137, %shift_left3A_1136 : i32
    %shift_right_arithmetic3A_1139 = arith.constant 1 : i32
    %shift_right_arithmetic3A_1140 = vector.broadcast %shift_right_arithmetic3A_1139 : i32 to vector<16xi32>
    %shift_right_arithmetic3A_1141 = arith.shrsi %get3A_33, %shift_right_arithmetic3A_1140 : vector<16xi32>
    %and3A_1142 = arith.constant 1 : i32
    %and3A_1143 = vector.broadcast %and3A_1142 : i32 to vector<16xi32>
    %and3A_1144 = arith.andi %shift_right_arithmetic3A_1141, %and3A_1143 : vector<16xi32>
    %eq3A_1145 = arith.constant 1 : i32
    %eq3A_1146 = vector.broadcast %eq3A_1145 : i32 to vector<16xi32>
    %eq3A_1147 = arith.cmpi eq, %and3A_1144, %eq3A_1146 : vector<16xi32>
    %and3A_1148 = arith.andi %eq3A_1112, %eq3A_1147 : vector<16xi1>
    %reduce_or3A_1149 = arith.constant 1.000000e+00 : f32
    %reduce_or3A_1150 = arith.constant 0.000000e+00 : f32
    %reduce_or3A_1151 = vector.broadcast %reduce_or3A_1149 : f32 to vector<16xf32>
    %reduce_or3A_1152 = vector.broadcast %reduce_or3A_1150 : f32 to vector<16xf32>
    %reduce_or3A_1153 = arith.select %and3A_1148, %reduce_or3A_1151, %reduce_or3A_1152 : vector<16xi1>, vector<16xf32>
    %reduce_or3A_1154 = arith.constant true
    %reduce_or3A_1155 = vector.broadcast %reduce_or3A_1154 : i1 to vector<16xi1>
    %reduce_or3A_1156 = tpu.scan <max>, %reduce_or3A_1153 masked %reduce_or3A_1155 : vector<16xf32>, vector<16xi1> -> vector<16xf32>
    %reduce_or3A_1157 = vector.extract %reduce_or3A_1156[15] : f32 from vector<16xf32>
    %reduce_or3A_1158 = arith.constant 0.000000e+00 : f32
    %reduce_or3A_1159 = arith.cmpf ogt, %reduce_or3A_1157, %reduce_or3A_1158 : f32
    %convert_element_type3A_1160 = arith.extui %reduce_or3A_1159 : i1 to i32
    %shift_left3A_1161 = arith.constant 1 : i32
    %shift_left3A_1162 = arith.shli %convert_element_type3A_1160, %shift_left3A_1161 : i32
    %add3A_1163 = arith.addi %add3A_1138, %shift_left3A_1162 : i32
    %shift_right_arithmetic3A_1164 = arith.constant 2 : i32
    %shift_right_arithmetic3A_1165 = vector.broadcast %shift_right_arithmetic3A_1164 : i32 to vector<16xi32>
    %shift_right_arithmetic3A_1166 = arith.shrsi %get3A_33, %shift_right_arithmetic3A_1165 : vector<16xi32>
    %and3A_1167 = arith.constant 1 : i32
    %and3A_1168 = vector.broadcast %and3A_1167 : i32 to vector<16xi32>
    %and3A_1169 = arith.andi %shift_right_arithmetic3A_1166, %and3A_1168 : vector<16xi32>
    %eq3A_1170 = arith.constant 1 : i32
    %eq3A_1171 = vector.broadcast %eq3A_1170 : i32 to vector<16xi32>
    %eq3A_1172 = arith.cmpi eq, %and3A_1169, %eq3A_1171 : vector<16xi32>
    %and3A_1173 = arith.andi %eq3A_1112, %eq3A_1172 : vector<16xi1>
    %reduce_or3A_1174 = arith.constant 1.000000e+00 : f32
    %reduce_or3A_1175 = arith.constant 0.000000e+00 : f32
    %reduce_or3A_1176 = vector.broadcast %reduce_or3A_1174 : f32 to vector<16xf32>
    %reduce_or3A_1177 = vector.broadcast %reduce_or3A_1175 : f32 to vector<16xf32>
    %reduce_or3A_1178 = arith.select %and3A_1173, %reduce_or3A_1176, %reduce_or3A_1177 : vector<16xi1>, vector<16xf32>
    %reduce_or3A_1179 = arith.constant true
    %reduce_or3A_1180 = vector.broadcast %reduce_or3A_1179 : i1 to vector<16xi1>
    %reduce_or3A_1181 = tpu.scan <max>, %reduce_or3A_1178 masked %reduce_or3A_1180 : vector<16xf32>, vector<16xi1> -> vector<16xf32>
    %reduce_or3A_1182 = vector.extract %reduce_or3A_1181[15] : f32 from vector<16xf32>
    %reduce_or3A_1183 = arith.constant 0.000000e+00 : f32
    %reduce_or3A_1184 = arith.cmpf ogt, %reduce_or3A_1182, %reduce_or3A_1183 : f32
    %convert_element_type3A_1185 = arith.extui %reduce_or3A_1184 : i1 to i32
    %shift_left3A_1186 = arith.constant 2 : i32
    %shift_left3A_1187 = arith.shli %convert_element_type3A_1185, %shift_left3A_1186 : i32
    %add3A_1188 = arith.addi %add3A_1163, %shift_left3A_1187 : i32
    %shift_right_arithmetic3A_1189 = arith.constant 3 : i32
    %shift_right_arithmetic3A_1190 = vector.broadcast %shift_right_arithmetic3A_1189 : i32 to vector<16xi32>
    %shift_right_arithmetic3A_1191 = arith.shrsi %get3A_33, %shift_right_arithmetic3A_1190 : vector<16xi32>
    %and3A_1192 = arith.constant 1 : i32
    %and3A_1193 = vector.broadcast %and3A_1192 : i32 to vector<16xi32>
    %and3A_1194 = arith.andi %shift_right_arithmetic3A_1191, %and3A_1193 : vector<16xi32>
    %eq3A_1195 = arith.constant 1 : i32
    %eq3A_1196 = vector.broadcast %eq3A_1195 : i32 to vector<16xi32>
    %eq3A_1197 = arith.cmpi eq, %and3A_1194, %eq3A_1196 : vector<16xi32>
    %and3A_1198 = arith.andi %eq3A_1112, %eq3A_1197 : vector<16xi1>
    %reduce_or3A_1199 = arith.constant 1.000000e+00 : f32
    %reduce_or3A_1200 = arith.constant 0.000000e+00 : f32
    %reduce_or3A_1201 = vector.broadcast %reduce_or3A_1199 : f32 to vector<16xf32>
    %reduce_or3A_1202 = vector.broadcast %reduce_or3A_1200 : f32 to vector<16xf32>
    %reduce_or3A_1203 = arith.select %and3A_1198, %reduce_or3A_1201, %reduce_or3A_1202 : vector<16xi1>, vector<16xf32>
    %reduce_or3A_1204 = arith.constant true
    %reduce_or3A_1205 = vector.broadcast %reduce_or3A_1204 : i1 to vector<16xi1>
    %reduce_or3A_1206 = tpu.scan <max>, %reduce_or3A_1203 masked %reduce_or3A_1205 : vector<16xf32>, vector<16xi1> -> vector<16xf32>
    %reduce_or3A_1207 = vector.extract %reduce_or3A_1206[15] : f32 from vector<16xf32>
    %reduce_or3A_1208 = arith.constant 0.000000e+00 : f32
    %reduce_or3A_1209 = arith.cmpf ogt, %reduce_or3A_1207, %reduce_or3A_1208 : f32
    %convert_element_type3A_1210 = arith.extui %reduce_or3A_1209 : i1 to i32
    %shift_left3A_1211 = arith.constant 3 : i32
    %shift_left3A_1212 = arith.shli %convert_element_type3A_1210, %shift_left3A_1211 : i32
    %add3A_1213 = arith.addi %add3A_1188, %shift_left3A_1212 : i32
    %shift_right_arithmetic3A_1214 = arith.constant 4 : i32
    %shift_right_arithmetic3A_1215 = vector.broadcast %shift_right_arithmetic3A_1214 : i32 to vector<16xi32>
    %shift_right_arithmetic3A_1216 = arith.shrsi %get3A_33, %shift_right_arithmetic3A_1215 : vector<16xi32>
    %and3A_1217 = arith.constant 1 : i32
    %and3A_1218 = vector.broadcast %and3A_1217 : i32 to vector<16xi32>
    %and3A_1219 = arith.andi %shift_right_arithmetic3A_1216, %and3A_1218 : vector<16xi32>
    %eq3A_1220 = arith.constant 1 : i32
    %eq3A_1221 = vector.broadcast %eq3A_1220 : i32 to vector<16xi32>
    %eq3A_1222 = arith.cmpi eq, %and3A_1219, %eq3A_1221 : vector<16xi32>
    %and3A_1223 = arith.andi %eq3A_1112, %eq3A_1222 : vector<16xi1>
    %reduce_or3A_1224 = arith.constant 1.000000e+00 : f32
    %reduce_or3A_1225 = arith.constant 0.000000e+00 : f32
    %reduce_or3A_1226 = vector.broadcast %reduce_or3A_1224 : f32 to vector<16xf32>
    %reduce_or3A_1227 = vector.broadcast %reduce_or3A_1225 : f32 to vector<16xf32>
    %reduce_or3A_1228 = arith.select %and3A_1223, %reduce_or3A_1226, %reduce_or3A_1227 : vector<16xi1>, vector<16xf32>
    %reduce_or3A_1229 = arith.constant true
    %reduce_or3A_1230 = vector.broadcast %reduce_or3A_1229 : i1 to vector<16xi1>
    %reduce_or3A_1231 = tpu.scan <max>, %reduce_or3A_1228 masked %reduce_or3A_1230 : vector<16xf32>, vector<16xi1> -> vector<16xf32>
    %reduce_or3A_1232 = vector.extract %reduce_or3A_1231[15] : f32 from vector<16xf32>
    %reduce_or3A_1233 = arith.constant 0.000000e+00 : f32
    %reduce_or3A_1234 = arith.cmpf ogt, %reduce_or3A_1232, %reduce_or3A_1233 : f32
    %convert_element_type3A_1235 = arith.extui %reduce_or3A_1234 : i1 to i32
    %shift_left3A_1236 = arith.constant 4 : i32
    %shift_left3A_1237 = arith.shli %convert_element_type3A_1235, %shift_left3A_1236 : i32
    %add3A_1238 = arith.addi %add3A_1213, %shift_left3A_1237 : i32
    %mul3A_1239 = arith.constant 32 : i32
    %mul3A_1240 = arith.muli %select_n3A, %mul3A_1239 : i32
    %add3A_1241 = arith.addi %mul3A_1240, %add3A_1238 : i32
    %mul3A_1242 = arith.constant 256 : i32
    %mul3A_1243 = arith.muli %add3A_1241, %mul3A_1242 : i32
    %add3A_1244 = arith.addi %mul3A_1243, %mul3A_32 : i32
    %eq3A_1245 = arith.constant 9 : i32
    %eq3A_1246 = vector.broadcast %eq3A_1245 : i32 to vector<16xi32>
    %eq3A_1247 = arith.cmpi eq, %iota3A, %eq3A_1246 : vector<16xi32>
    %shift_right_arithmetic3A_1248 = arith.constant 0 : i32
    %shift_right_arithmetic3A_1249 = vector.broadcast %shift_right_arithmetic3A_1248 : i32 to vector<16xi32>
    %shift_right_arithmetic3A_1250 = arith.shrsi %get3A_33, %shift_right_arithmetic3A_1249 : vector<16xi32>
    %and3A_1251 = arith.constant 1 : i32
    %and3A_1252 = vector.broadcast %and3A_1251 : i32 to vector<16xi32>
    %and3A_1253 = arith.andi %shift_right_arithmetic3A_1250, %and3A_1252 : vector<16xi32>
    %eq3A_1254 = arith.constant 1 : i32
    %eq3A_1255 = vector.broadcast %eq3A_1254 : i32 to vector<16xi32>
    %eq3A_1256 = arith.cmpi eq, %and3A_1253, %eq3A_1255 : vector<16xi32>
    %and3A_1257 = arith.andi %eq3A_1247, %eq3A_1256 : vector<16xi1>
    %reduce_or3A_1258 = arith.constant 1.000000e+00 : f32
    %reduce_or3A_1259 = arith.constant 0.000000e+00 : f32
    %reduce_or3A_1260 = vector.broadcast %reduce_or3A_1258 : f32 to vector<16xf32>
    %reduce_or3A_1261 = vector.broadcast %reduce_or3A_1259 : f32 to vector<16xf32>
    %reduce_or3A_1262 = arith.select %and3A_1257, %reduce_or3A_1260, %reduce_or3A_1261 : vector<16xi1>, vector<16xf32>
    %reduce_or3A_1263 = arith.constant true
    %reduce_or3A_1264 = vector.broadcast %reduce_or3A_1263 : i1 to vector<16xi1>
    %reduce_or3A_1265 = tpu.scan <max>, %reduce_or3A_1262 masked %reduce_or3A_1264 : vector<16xf32>, vector<16xi1> -> vector<16xf32>
    %reduce_or3A_1266 = vector.extract %reduce_or3A_1265[15] : f32 from vector<16xf32>
    %reduce_or3A_1267 = arith.constant 0.000000e+00 : f32
    %reduce_or3A_1268 = arith.cmpf ogt, %reduce_or3A_1266, %reduce_or3A_1267 : f32
    %convert_element_type3A_1269 = arith.extui %reduce_or3A_1268 : i1 to i32
    %shift_left3A_1270 = arith.constant 0 : i32
    %shift_left3A_1271 = arith.shli %convert_element_type3A_1269, %shift_left3A_1270 : i32
    %add3A_1272 = arith.constant 0 : i32
    %add3A_1273 = arith.addi %add3A_1272, %shift_left3A_1271 : i32
    %shift_right_arithmetic3A_1274 = arith.constant 1 : i32
    %shift_right_arithmetic3A_1275 = vector.broadcast %shift_right_arithmetic3A_1274 : i32 to vector<16xi32>
    %shift_right_arithmetic3A_1276 = arith.shrsi %get3A_33, %shift_right_arithmetic3A_1275 : vector<16xi32>
    %and3A_1277 = arith.constant 1 : i32
    %and3A_1278 = vector.broadcast %and3A_1277 : i32 to vector<16xi32>
    %and3A_1279 = arith.andi %shift_right_arithmetic3A_1276, %and3A_1278 : vector<16xi32>
    %eq3A_1280 = arith.constant 1 : i32
    %eq3A_1281 = vector.broadcast %eq3A_1280 : i32 to vector<16xi32>
    %eq3A_1282 = arith.cmpi eq, %and3A_1279, %eq3A_1281 : vector<16xi32>
    %and3A_1283 = arith.andi %eq3A_1247, %eq3A_1282 : vector<16xi1>
    %reduce_or3A_1284 = arith.constant 1.000000e+00 : f32
    %reduce_or3A_1285 = arith.constant 0.000000e+00 : f32
    %reduce_or3A_1286 = vector.broadcast %reduce_or3A_1284 : f32 to vector<16xf32>
    %reduce_or3A_1287 = vector.broadcast %reduce_or3A_1285 : f32 to vector<16xf32>
    %reduce_or3A_1288 = arith.select %and3A_1283, %reduce_or3A_1286, %reduce_or3A_1287 : vector<16xi1>, vector<16xf32>
    %reduce_or3A_1289 = arith.constant true
    %reduce_or3A_1290 = vector.broadcast %reduce_or3A_1289 : i1 to vector<16xi1>
    %reduce_or3A_1291 = tpu.scan <max>, %reduce_or3A_1288 masked %reduce_or3A_1290 : vector<16xf32>, vector<16xi1> -> vector<16xf32>
    %reduce_or3A_1292 = vector.extract %reduce_or3A_1291[15] : f32 from vector<16xf32>
    %reduce_or3A_1293 = arith.constant 0.000000e+00 : f32
    %reduce_or3A_1294 = arith.cmpf ogt, %reduce_or3A_1292, %reduce_or3A_1293 : f32
    %convert_element_type3A_1295 = arith.extui %reduce_or3A_1294 : i1 to i32
    %shift_left3A_1296 = arith.constant 1 : i32
    %shift_left3A_1297 = arith.shli %convert_element_type3A_1295, %shift_left3A_1296 : i32
    %add3A_1298 = arith.addi %add3A_1273, %shift_left3A_1297 : i32
    %shift_right_arithmetic3A_1299 = arith.constant 2 : i32
    %shift_right_arithmetic3A_1300 = vector.broadcast %shift_right_arithmetic3A_1299 : i32 to vector<16xi32>
    %shift_right_arithmetic3A_1301 = arith.shrsi %get3A_33, %shift_right_arithmetic3A_1300 : vector<16xi32>
    %and3A_1302 = arith.constant 1 : i32
    %and3A_1303 = vector.broadcast %and3A_1302 : i32 to vector<16xi32>
    %and3A_1304 = arith.andi %shift_right_arithmetic3A_1301, %and3A_1303 : vector<16xi32>
    %eq3A_1305 = arith.constant 1 : i32
    %eq3A_1306 = vector.broadcast %eq3A_1305 : i32 to vector<16xi32>
    %eq3A_1307 = arith.cmpi eq, %and3A_1304, %eq3A_1306 : vector<16xi32>
    %and3A_1308 = arith.andi %eq3A_1247, %eq3A_1307 : vector<16xi1>
    %reduce_or3A_1309 = arith.constant 1.000000e+00 : f32
    %reduce_or3A_1310 = arith.constant 0.000000e+00 : f32
    %reduce_or3A_1311 = vector.broadcast %reduce_or3A_1309 : f32 to vector<16xf32>
    %reduce_or3A_1312 = vector.broadcast %reduce_or3A_1310 : f32 to vector<16xf32>
    %reduce_or3A_1313 = arith.select %and3A_1308, %reduce_or3A_1311, %reduce_or3A_1312 : vector<16xi1>, vector<16xf32>
    %reduce_or3A_1314 = arith.constant true
    %reduce_or3A_1315 = vector.broadcast %reduce_or3A_1314 : i1 to vector<16xi1>
    %reduce_or3A_1316 = tpu.scan <max>, %reduce_or3A_1313 masked %reduce_or3A_1315 : vector<16xf32>, vector<16xi1> -> vector<16xf32>
    %reduce_or3A_1317 = vector.extract %reduce_or3A_1316[15] : f32 from vector<16xf32>
    %reduce_or3A_1318 = arith.constant 0.000000e+00 : f32
    %reduce_or3A_1319 = arith.cmpf ogt, %reduce_or3A_1317, %reduce_or3A_1318 : f32
    %convert_element_type3A_1320 = arith.extui %reduce_or3A_1319 : i1 to i32
    %shift_left3A_1321 = arith.constant 2 : i32
    %shift_left3A_1322 = arith.shli %convert_element_type3A_1320, %shift_left3A_1321 : i32
    %add3A_1323 = arith.addi %add3A_1298, %shift_left3A_1322 : i32
    %shift_right_arithmetic3A_1324 = arith.constant 3 : i32
    %shift_right_arithmetic3A_1325 = vector.broadcast %shift_right_arithmetic3A_1324 : i32 to vector<16xi32>
    %shift_right_arithmetic3A_1326 = arith.shrsi %get3A_33, %shift_right_arithmetic3A_1325 : vector<16xi32>
    %and3A_1327 = arith.constant 1 : i32
    %and3A_1328 = vector.broadcast %and3A_1327 : i32 to vector<16xi32>
    %and3A_1329 = arith.andi %shift_right_arithmetic3A_1326, %and3A_1328 : vector<16xi32>
    %eq3A_1330 = arith.constant 1 : i32
    %eq3A_1331 = vector.broadcast %eq3A_1330 : i32 to vector<16xi32>
    %eq3A_1332 = arith.cmpi eq, %and3A_1329, %eq3A_1331 : vector<16xi32>
    %and3A_1333 = arith.andi %eq3A_1247, %eq3A_1332 : vector<16xi1>
    %reduce_or3A_1334 = arith.constant 1.000000e+00 : f32
    %reduce_or3A_1335 = arith.constant 0.000000e+00 : f32
    %reduce_or3A_1336 = vector.broadcast %reduce_or3A_1334 : f32 to vector<16xf32>
    %reduce_or3A_1337 = vector.broadcast %reduce_or3A_1335 : f32 to vector<16xf32>
    %reduce_or3A_1338 = arith.select %and3A_1333, %reduce_or3A_1336, %reduce_or3A_1337 : vector<16xi1>, vector<16xf32>
    %reduce_or3A_1339 = arith.constant true
    %reduce_or3A_1340 = vector.broadcast %reduce_or3A_1339 : i1 to vector<16xi1>
    %reduce_or3A_1341 = tpu.scan <max>, %reduce_or3A_1338 masked %reduce_or3A_1340 : vector<16xf32>, vector<16xi1> -> vector<16xf32>
    %reduce_or3A_1342 = vector.extract %reduce_or3A_1341[15] : f32 from vector<16xf32>
    %reduce_or3A_1343 = arith.constant 0.000000e+00 : f32
    %reduce_or3A_1344 = arith.cmpf ogt, %reduce_or3A_1342, %reduce_or3A_1343 : f32
    %convert_element_type3A_1345 = arith.extui %reduce_or3A_1344 : i1 to i32
    %shift_left3A_1346 = arith.constant 3 : i32
    %shift_left3A_1347 = arith.shli %convert_element_type3A_1345, %shift_left3A_1346 : i32
    %add3A_1348 = arith.addi %add3A_1323, %shift_left3A_1347 : i32
    %shift_right_arithmetic3A_1349 = arith.constant 4 : i32
    %shift_right_arithmetic3A_1350 = vector.broadcast %shift_right_arithmetic3A_1349 : i32 to vector<16xi32>
    %shift_right_arithmetic3A_1351 = arith.shrsi %get3A_33, %shift_right_arithmetic3A_1350 : vector<16xi32>
    %and3A_1352 = arith.constant 1 : i32
    %and3A_1353 = vector.broadcast %and3A_1352 : i32 to vector<16xi32>
    %and3A_1354 = arith.andi %shift_right_arithmetic3A_1351, %and3A_1353 : vector<16xi32>
    %eq3A_1355 = arith.constant 1 : i32
    %eq3A_1356 = vector.broadcast %eq3A_1355 : i32 to vector<16xi32>
    %eq3A_1357 = arith.cmpi eq, %and3A_1354, %eq3A_1356 : vector<16xi32>
    %and3A_1358 = arith.andi %eq3A_1247, %eq3A_1357 : vector<16xi1>
    %reduce_or3A_1359 = arith.constant 1.000000e+00 : f32
    %reduce_or3A_1360 = arith.constant 0.000000e+00 : f32
    %reduce_or3A_1361 = vector.broadcast %reduce_or3A_1359 : f32 to vector<16xf32>
    %reduce_or3A_1362 = vector.broadcast %reduce_or3A_1360 : f32 to vector<16xf32>
    %reduce_or3A_1363 = arith.select %and3A_1358, %reduce_or3A_1361, %reduce_or3A_1362 : vector<16xi1>, vector<16xf32>
    %reduce_or3A_1364 = arith.constant true
    %reduce_or3A_1365 = vector.broadcast %reduce_or3A_1364 : i1 to vector<16xi1>
    %reduce_or3A_1366 = tpu.scan <max>, %reduce_or3A_1363 masked %reduce_or3A_1365 : vector<16xf32>, vector<16xi1> -> vector<16xf32>
    %reduce_or3A_1367 = vector.extract %reduce_or3A_1366[15] : f32 from vector<16xf32>
    %reduce_or3A_1368 = arith.constant 0.000000e+00 : f32
    %reduce_or3A_1369 = arith.cmpf ogt, %reduce_or3A_1367, %reduce_or3A_1368 : f32
    %convert_element_type3A_1370 = arith.extui %reduce_or3A_1369 : i1 to i32
    %shift_left3A_1371 = arith.constant 4 : i32
    %shift_left3A_1372 = arith.shli %convert_element_type3A_1370, %shift_left3A_1371 : i32
    %add3A_1373 = arith.addi %add3A_1348, %shift_left3A_1372 : i32
    %mul3A_1374 = arith.constant 32 : i32
    %mul3A_1375 = arith.muli %select_n3A, %mul3A_1374 : i32
    %add3A_1376 = arith.addi %mul3A_1375, %add3A_1373 : i32
    %mul3A_1377 = arith.constant 256 : i32
    %mul3A_1378 = arith.muli %add3A_1376, %mul3A_1377 : i32
    %add3A_1379 = arith.addi %mul3A_1378, %mul3A_32 : i32
    %eq3A_1380 = arith.constant 10 : i32
    %eq3A_1381 = vector.broadcast %eq3A_1380 : i32 to vector<16xi32>
    %eq3A_1382 = arith.cmpi eq, %iota3A, %eq3A_1381 : vector<16xi32>
    %shift_right_arithmetic3A_1383 = arith.constant 0 : i32
    %shift_right_arithmetic3A_1384 = vector.broadcast %shift_right_arithmetic3A_1383 : i32 to vector<16xi32>
    %shift_right_arithmetic3A_1385 = arith.shrsi %get3A_33, %shift_right_arithmetic3A_1384 : vector<16xi32>
    %and3A_1386 = arith.constant 1 : i32
    %and3A_1387 = vector.broadcast %and3A_1386 : i32 to vector<16xi32>
    %and3A_1388 = arith.andi %shift_right_arithmetic3A_1385, %and3A_1387 : vector<16xi32>
    %eq3A_1389 = arith.constant 1 : i32
    %eq3A_1390 = vector.broadcast %eq3A_1389 : i32 to vector<16xi32>
    %eq3A_1391 = arith.cmpi eq, %and3A_1388, %eq3A_1390 : vector<16xi32>
    %and3A_1392 = arith.andi %eq3A_1382, %eq3A_1391 : vector<16xi1>
    %reduce_or3A_1393 = arith.constant 1.000000e+00 : f32
    %reduce_or3A_1394 = arith.constant 0.000000e+00 : f32
    %reduce_or3A_1395 = vector.broadcast %reduce_or3A_1393 : f32 to vector<16xf32>
    %reduce_or3A_1396 = vector.broadcast %reduce_or3A_1394 : f32 to vector<16xf32>
    %reduce_or3A_1397 = arith.select %and3A_1392, %reduce_or3A_1395, %reduce_or3A_1396 : vector<16xi1>, vector<16xf32>
    %reduce_or3A_1398 = arith.constant true
    %reduce_or3A_1399 = vector.broadcast %reduce_or3A_1398 : i1 to vector<16xi1>
    %reduce_or3A_1400 = tpu.scan <max>, %reduce_or3A_1397 masked %reduce_or3A_1399 : vector<16xf32>, vector<16xi1> -> vector<16xf32>
    %reduce_or3A_1401 = vector.extract %reduce_or3A_1400[15] : f32 from vector<16xf32>
    %reduce_or3A_1402 = arith.constant 0.000000e+00 : f32
    %reduce_or3A_1403 = arith.cmpf ogt, %reduce_or3A_1401, %reduce_or3A_1402 : f32
    %convert_element_type3A_1404 = arith.extui %reduce_or3A_1403 : i1 to i32
    %shift_left3A_1405 = arith.constant 0 : i32
    %shift_left3A_1406 = arith.shli %convert_element_type3A_1404, %shift_left3A_1405 : i32
    %add3A_1407 = arith.constant 0 : i32
    %add3A_1408 = arith.addi %add3A_1407, %shift_left3A_1406 : i32
    %shift_right_arithmetic3A_1409 = arith.constant 1 : i32
    %shift_right_arithmetic3A_1410 = vector.broadcast %shift_right_arithmetic3A_1409 : i32 to vector<16xi32>
    %shift_right_arithmetic3A_1411 = arith.shrsi %get3A_33, %shift_right_arithmetic3A_1410 : vector<16xi32>
    %and3A_1412 = arith.constant 1 : i32
    %and3A_1413 = vector.broadcast %and3A_1412 : i32 to vector<16xi32>
    %and3A_1414 = arith.andi %shift_right_arithmetic3A_1411, %and3A_1413 : vector<16xi32>
    %eq3A_1415 = arith.constant 1 : i32
    %eq3A_1416 = vector.broadcast %eq3A_1415 : i32 to vector<16xi32>
    %eq3A_1417 = arith.cmpi eq, %and3A_1414, %eq3A_1416 : vector<16xi32>
    %and3A_1418 = arith.andi %eq3A_1382, %eq3A_1417 : vector<16xi1>
    %reduce_or3A_1419 = arith.constant 1.000000e+00 : f32
    %reduce_or3A_1420 = arith.constant 0.000000e+00 : f32
    %reduce_or3A_1421 = vector.broadcast %reduce_or3A_1419 : f32 to vector<16xf32>
    %reduce_or3A_1422 = vector.broadcast %reduce_or3A_1420 : f32 to vector<16xf32>
    %reduce_or3A_1423 = arith.select %and3A_1418, %reduce_or3A_1421, %reduce_or3A_1422 : vector<16xi1>, vector<16xf32>
    %reduce_or3A_1424 = arith.constant true
    %reduce_or3A_1425 = vector.broadcast %reduce_or3A_1424 : i1 to vector<16xi1>
    %reduce_or3A_1426 = tpu.scan <max>, %reduce_or3A_1423 masked %reduce_or3A_1425 : vector<16xf32>, vector<16xi1> -> vector<16xf32>
    %reduce_or3A_1427 = vector.extract %reduce_or3A_1426[15] : f32 from vector<16xf32>
    %reduce_or3A_1428 = arith.constant 0.000000e+00 : f32
    %reduce_or3A_1429 = arith.cmpf ogt, %reduce_or3A_1427, %reduce_or3A_1428 : f32
    %convert_element_type3A_1430 = arith.extui %reduce_or3A_1429 : i1 to i32
    %shift_left3A_1431 = arith.constant 1 : i32
    %shift_left3A_1432 = arith.shli %convert_element_type3A_1430, %shift_left3A_1431 : i32
    %add3A_1433 = arith.addi %add3A_1408, %shift_left3A_1432 : i32
    %shift_right_arithmetic3A_1434 = arith.constant 2 : i32
    %shift_right_arithmetic3A_1435 = vector.broadcast %shift_right_arithmetic3A_1434 : i32 to vector<16xi32>
    %shift_right_arithmetic3A_1436 = arith.shrsi %get3A_33, %shift_right_arithmetic3A_1435 : vector<16xi32>
    %and3A_1437 = arith.constant 1 : i32
    %and3A_1438 = vector.broadcast %and3A_1437 : i32 to vector<16xi32>
    %and3A_1439 = arith.andi %shift_right_arithmetic3A_1436, %and3A_1438 : vector<16xi32>
    %eq3A_1440 = arith.constant 1 : i32
    %eq3A_1441 = vector.broadcast %eq3A_1440 : i32 to vector<16xi32>
    %eq3A_1442 = arith.cmpi eq, %and3A_1439, %eq3A_1441 : vector<16xi32>
    %and3A_1443 = arith.andi %eq3A_1382, %eq3A_1442 : vector<16xi1>
    %reduce_or3A_1444 = arith.constant 1.000000e+00 : f32
    %reduce_or3A_1445 = arith.constant 0.000000e+00 : f32
    %reduce_or3A_1446 = vector.broadcast %reduce_or3A_1444 : f32 to vector<16xf32>
    %reduce_or3A_1447 = vector.broadcast %reduce_or3A_1445 : f32 to vector<16xf32>
    %reduce_or3A_1448 = arith.select %and3A_1443, %reduce_or3A_1446, %reduce_or3A_1447 : vector<16xi1>, vector<16xf32>
    %reduce_or3A_1449 = arith.constant true
    %reduce_or3A_1450 = vector.broadcast %reduce_or3A_1449 : i1 to vector<16xi1>
    %reduce_or3A_1451 = tpu.scan <max>, %reduce_or3A_1448 masked %reduce_or3A_1450 : vector<16xf32>, vector<16xi1> -> vector<16xf32>
    %reduce_or3A_1452 = vector.extract %reduce_or3A_1451[15] : f32 from vector<16xf32>
    %reduce_or3A_1453 = arith.constant 0.000000e+00 : f32
    %reduce_or3A_1454 = arith.cmpf ogt, %reduce_or3A_1452, %reduce_or3A_1453 : f32
    %convert_element_type3A_1455 = arith.extui %reduce_or3A_1454 : i1 to i32
    %shift_left3A_1456 = arith.constant 2 : i32
    %shift_left3A_1457 = arith.shli %convert_element_type3A_1455, %shift_left3A_1456 : i32
    %add3A_1458 = arith.addi %add3A_1433, %shift_left3A_1457 : i32
    %shift_right_arithmetic3A_1459 = arith.constant 3 : i32
    %shift_right_arithmetic3A_1460 = vector.broadcast %shift_right_arithmetic3A_1459 : i32 to vector<16xi32>
    %shift_right_arithmetic3A_1461 = arith.shrsi %get3A_33, %shift_right_arithmetic3A_1460 : vector<16xi32>
    %and3A_1462 = arith.constant 1 : i32
    %and3A_1463 = vector.broadcast %and3A_1462 : i32 to vector<16xi32>
    %and3A_1464 = arith.andi %shift_right_arithmetic3A_1461, %and3A_1463 : vector<16xi32>
    %eq3A_1465 = arith.constant 1 : i32
    %eq3A_1466 = vector.broadcast %eq3A_1465 : i32 to vector<16xi32>
    %eq3A_1467 = arith.cmpi eq, %and3A_1464, %eq3A_1466 : vector<16xi32>
    %and3A_1468 = arith.andi %eq3A_1382, %eq3A_1467 : vector<16xi1>
    %reduce_or3A_1469 = arith.constant 1.000000e+00 : f32
    %reduce_or3A_1470 = arith.constant 0.000000e+00 : f32
    %reduce_or3A_1471 = vector.broadcast %reduce_or3A_1469 : f32 to vector<16xf32>
    %reduce_or3A_1472 = vector.broadcast %reduce_or3A_1470 : f32 to vector<16xf32>
    %reduce_or3A_1473 = arith.select %and3A_1468, %reduce_or3A_1471, %reduce_or3A_1472 : vector<16xi1>, vector<16xf32>
    %reduce_or3A_1474 = arith.constant true
    %reduce_or3A_1475 = vector.broadcast %reduce_or3A_1474 : i1 to vector<16xi1>
    %reduce_or3A_1476 = tpu.scan <max>, %reduce_or3A_1473 masked %reduce_or3A_1475 : vector<16xf32>, vector<16xi1> -> vector<16xf32>
    %reduce_or3A_1477 = vector.extract %reduce_or3A_1476[15] : f32 from vector<16xf32>
    %reduce_or3A_1478 = arith.constant 0.000000e+00 : f32
    %reduce_or3A_1479 = arith.cmpf ogt, %reduce_or3A_1477, %reduce_or3A_1478 : f32
    %convert_element_type3A_1480 = arith.extui %reduce_or3A_1479 : i1 to i32
    %shift_left3A_1481 = arith.constant 3 : i32
    %shift_left3A_1482 = arith.shli %convert_element_type3A_1480, %shift_left3A_1481 : i32
    %add3A_1483 = arith.addi %add3A_1458, %shift_left3A_1482 : i32
    %shift_right_arithmetic3A_1484 = arith.constant 4 : i32
    %shift_right_arithmetic3A_1485 = vector.broadcast %shift_right_arithmetic3A_1484 : i32 to vector<16xi32>
    %shift_right_arithmetic3A_1486 = arith.shrsi %get3A_33, %shift_right_arithmetic3A_1485 : vector<16xi32>
    %and3A_1487 = arith.constant 1 : i32
    %and3A_1488 = vector.broadcast %and3A_1487 : i32 to vector<16xi32>
    %and3A_1489 = arith.andi %shift_right_arithmetic3A_1486, %and3A_1488 : vector<16xi32>
    %eq3A_1490 = arith.constant 1 : i32
    %eq3A_1491 = vector.broadcast %eq3A_1490 : i32 to vector<16xi32>
    %eq3A_1492 = arith.cmpi eq, %and3A_1489, %eq3A_1491 : vector<16xi32>
    %and3A_1493 = arith.andi %eq3A_1382, %eq3A_1492 : vector<16xi1>
    %reduce_or3A_1494 = arith.constant 1.000000e+00 : f32
    %reduce_or3A_1495 = arith.constant 0.000000e+00 : f32
    %reduce_or3A_1496 = vector.broadcast %reduce_or3A_1494 : f32 to vector<16xf32>
    %reduce_or3A_1497 = vector.broadcast %reduce_or3A_1495 : f32 to vector<16xf32>
    %reduce_or3A_1498 = arith.select %and3A_1493, %reduce_or3A_1496, %reduce_or3A_1497 : vector<16xi1>, vector<16xf32>
    %reduce_or3A_1499 = arith.constant true
    %reduce_or3A_1500 = vector.broadcast %reduce_or3A_1499 : i1 to vector<16xi1>
    %reduce_or3A_1501 = tpu.scan <max>, %reduce_or3A_1498 masked %reduce_or3A_1500 : vector<16xf32>, vector<16xi1> -> vector<16xf32>
    %reduce_or3A_1502 = vector.extract %reduce_or3A_1501[15] : f32 from vector<16xf32>
    %reduce_or3A_1503 = arith.constant 0.000000e+00 : f32
    %reduce_or3A_1504 = arith.cmpf ogt, %reduce_or3A_1502, %reduce_or3A_1503 : f32
    %convert_element_type3A_1505 = arith.extui %reduce_or3A_1504 : i1 to i32
    %shift_left3A_1506 = arith.constant 4 : i32
    %shift_left3A_1507 = arith.shli %convert_element_type3A_1505, %shift_left3A_1506 : i32
    %add3A_1508 = arith.addi %add3A_1483, %shift_left3A_1507 : i32
    %mul3A_1509 = arith.constant 32 : i32
    %mul3A_1510 = arith.muli %select_n3A, %mul3A_1509 : i32
    %add3A_1511 = arith.addi %mul3A_1510, %add3A_1508 : i32
    %mul3A_1512 = arith.constant 256 : i32
    %mul3A_1513 = arith.muli %add3A_1511, %mul3A_1512 : i32
    %add3A_1514 = arith.addi %mul3A_1513, %mul3A_32 : i32
    %eq3A_1515 = arith.constant 11 : i32
    %eq3A_1516 = vector.broadcast %eq3A_1515 : i32 to vector<16xi32>
    %eq3A_1517 = arith.cmpi eq, %iota3A, %eq3A_1516 : vector<16xi32>
    %shift_right_arithmetic3A_1518 = arith.constant 0 : i32
    %shift_right_arithmetic3A_1519 = vector.broadcast %shift_right_arithmetic3A_1518 : i32 to vector<16xi32>
    %shift_right_arithmetic3A_1520 = arith.shrsi %get3A_33, %shift_right_arithmetic3A_1519 : vector<16xi32>
    %and3A_1521 = arith.constant 1 : i32
    %and3A_1522 = vector.broadcast %and3A_1521 : i32 to vector<16xi32>
    %and3A_1523 = arith.andi %shift_right_arithmetic3A_1520, %and3A_1522 : vector<16xi32>
    %eq3A_1524 = arith.constant 1 : i32
    %eq3A_1525 = vector.broadcast %eq3A_1524 : i32 to vector<16xi32>
    %eq3A_1526 = arith.cmpi eq, %and3A_1523, %eq3A_1525 : vector<16xi32>
    %and3A_1527 = arith.andi %eq3A_1517, %eq3A_1526 : vector<16xi1>
    %reduce_or3A_1528 = arith.constant 1.000000e+00 : f32
    %reduce_or3A_1529 = arith.constant 0.000000e+00 : f32
    %reduce_or3A_1530 = vector.broadcast %reduce_or3A_1528 : f32 to vector<16xf32>
    %reduce_or3A_1531 = vector.broadcast %reduce_or3A_1529 : f32 to vector<16xf32>
    %reduce_or3A_1532 = arith.select %and3A_1527, %reduce_or3A_1530, %reduce_or3A_1531 : vector<16xi1>, vector<16xf32>
    %reduce_or3A_1533 = arith.constant true
    %reduce_or3A_1534 = vector.broadcast %reduce_or3A_1533 : i1 to vector<16xi1>
    %reduce_or3A_1535 = tpu.scan <max>, %reduce_or3A_1532 masked %reduce_or3A_1534 : vector<16xf32>, vector<16xi1> -> vector<16xf32>
    %reduce_or3A_1536 = vector.extract %reduce_or3A_1535[15] : f32 from vector<16xf32>
    %reduce_or3A_1537 = arith.constant 0.000000e+00 : f32
    %reduce_or3A_1538 = arith.cmpf ogt, %reduce_or3A_1536, %reduce_or3A_1537 : f32
    %convert_element_type3A_1539 = arith.extui %reduce_or3A_1538 : i1 to i32
    %shift_left3A_1540 = arith.constant 0 : i32
    %shift_left3A_1541 = arith.shli %convert_element_type3A_1539, %shift_left3A_1540 : i32
    %add3A_1542 = arith.constant 0 : i32
    %add3A_1543 = arith.addi %add3A_1542, %shift_left3A_1541 : i32
    %shift_right_arithmetic3A_1544 = arith.constant 1 : i32
    %shift_right_arithmetic3A_1545 = vector.broadcast %shift_right_arithmetic3A_1544 : i32 to vector<16xi32>
    %shift_right_arithmetic3A_1546 = arith.shrsi %get3A_33, %shift_right_arithmetic3A_1545 : vector<16xi32>
    %and3A_1547 = arith.constant 1 : i32
    %and3A_1548 = vector.broadcast %and3A_1547 : i32 to vector<16xi32>
    %and3A_1549 = arith.andi %shift_right_arithmetic3A_1546, %and3A_1548 : vector<16xi32>
    %eq3A_1550 = arith.constant 1 : i32
    %eq3A_1551 = vector.broadcast %eq3A_1550 : i32 to vector<16xi32>
    %eq3A_1552 = arith.cmpi eq, %and3A_1549, %eq3A_1551 : vector<16xi32>
    %and3A_1553 = arith.andi %eq3A_1517, %eq3A_1552 : vector<16xi1>
    %reduce_or3A_1554 = arith.constant 1.000000e+00 : f32
    %reduce_or3A_1555 = arith.constant 0.000000e+00 : f32
    %reduce_or3A_1556 = vector.broadcast %reduce_or3A_1554 : f32 to vector<16xf32>
    %reduce_or3A_1557 = vector.broadcast %reduce_or3A_1555 : f32 to vector<16xf32>
    %reduce_or3A_1558 = arith.select %and3A_1553, %reduce_or3A_1556, %reduce_or3A_1557 : vector<16xi1>, vector<16xf32>
    %reduce_or3A_1559 = arith.constant true
    %reduce_or3A_1560 = vector.broadcast %reduce_or3A_1559 : i1 to vector<16xi1>
    %reduce_or3A_1561 = tpu.scan <max>, %reduce_or3A_1558 masked %reduce_or3A_1560 : vector<16xf32>, vector<16xi1> -> vector<16xf32>
    %reduce_or3A_1562 = vector.extract %reduce_or3A_1561[15] : f32 from vector<16xf32>
    %reduce_or3A_1563 = arith.constant 0.000000e+00 : f32
    %reduce_or3A_1564 = arith.cmpf ogt, %reduce_or3A_1562, %reduce_or3A_1563 : f32
    %convert_element_type3A_1565 = arith.extui %reduce_or3A_1564 : i1 to i32
    %shift_left3A_1566 = arith.constant 1 : i32
    %shift_left3A_1567 = arith.shli %convert_element_type3A_1565, %shift_left3A_1566 : i32
    %add3A_1568 = arith.addi %add3A_1543, %shift_left3A_1567 : i32
    %shift_right_arithmetic3A_1569 = arith.constant 2 : i32
    %shift_right_arithmetic3A_1570 = vector.broadcast %shift_right_arithmetic3A_1569 : i32 to vector<16xi32>
    %shift_right_arithmetic3A_1571 = arith.shrsi %get3A_33, %shift_right_arithmetic3A_1570 : vector<16xi32>
    %and3A_1572 = arith.constant 1 : i32
    %and3A_1573 = vector.broadcast %and3A_1572 : i32 to vector<16xi32>
    %and3A_1574 = arith.andi %shift_right_arithmetic3A_1571, %and3A_1573 : vector<16xi32>
    %eq3A_1575 = arith.constant 1 : i32
    %eq3A_1576 = vector.broadcast %eq3A_1575 : i32 to vector<16xi32>
    %eq3A_1577 = arith.cmpi eq, %and3A_1574, %eq3A_1576 : vector<16xi32>
    %and3A_1578 = arith.andi %eq3A_1517, %eq3A_1577 : vector<16xi1>
    %reduce_or3A_1579 = arith.constant 1.000000e+00 : f32
    %reduce_or3A_1580 = arith.constant 0.000000e+00 : f32
    %reduce_or3A_1581 = vector.broadcast %reduce_or3A_1579 : f32 to vector<16xf32>
    %reduce_or3A_1582 = vector.broadcast %reduce_or3A_1580 : f32 to vector<16xf32>
    %reduce_or3A_1583 = arith.select %and3A_1578, %reduce_or3A_1581, %reduce_or3A_1582 : vector<16xi1>, vector<16xf32>
    %reduce_or3A_1584 = arith.constant true
    %reduce_or3A_1585 = vector.broadcast %reduce_or3A_1584 : i1 to vector<16xi1>
    %reduce_or3A_1586 = tpu.scan <max>, %reduce_or3A_1583 masked %reduce_or3A_1585 : vector<16xf32>, vector<16xi1> -> vector<16xf32>
    %reduce_or3A_1587 = vector.extract %reduce_or3A_1586[15] : f32 from vector<16xf32>
    %reduce_or3A_1588 = arith.constant 0.000000e+00 : f32
    %reduce_or3A_1589 = arith.cmpf ogt, %reduce_or3A_1587, %reduce_or3A_1588 : f32
    %convert_element_type3A_1590 = arith.extui %reduce_or3A_1589 : i1 to i32
    %shift_left3A_1591 = arith.constant 2 : i32
    %shift_left3A_1592 = arith.shli %convert_element_type3A_1590, %shift_left3A_1591 : i32
    %add3A_1593 = arith.addi %add3A_1568, %shift_left3A_1592 : i32
    %shift_right_arithmetic3A_1594 = arith.constant 3 : i32
    %shift_right_arithmetic3A_1595 = vector.broadcast %shift_right_arithmetic3A_1594 : i32 to vector<16xi32>
    %shift_right_arithmetic3A_1596 = arith.shrsi %get3A_33, %shift_right_arithmetic3A_1595 : vector<16xi32>
    %and3A_1597 = arith.constant 1 : i32
    %and3A_1598 = vector.broadcast %and3A_1597 : i32 to vector<16xi32>
    %and3A_1599 = arith.andi %shift_right_arithmetic3A_1596, %and3A_1598 : vector<16xi32>
    %eq3A_1600 = arith.constant 1 : i32
    %eq3A_1601 = vector.broadcast %eq3A_1600 : i32 to vector<16xi32>
    %eq3A_1602 = arith.cmpi eq, %and3A_1599, %eq3A_1601 : vector<16xi32>
    %and3A_1603 = arith.andi %eq3A_1517, %eq3A_1602 : vector<16xi1>
    %reduce_or3A_1604 = arith.constant 1.000000e+00 : f32
    %reduce_or3A_1605 = arith.constant 0.000000e+00 : f32
    %reduce_or3A_1606 = vector.broadcast %reduce_or3A_1604 : f32 to vector<16xf32>
    %reduce_or3A_1607 = vector.broadcast %reduce_or3A_1605 : f32 to vector<16xf32>
    %reduce_or3A_1608 = arith.select %and3A_1603, %reduce_or3A_1606, %reduce_or3A_1607 : vector<16xi1>, vector<16xf32>
    %reduce_or3A_1609 = arith.constant true
    %reduce_or3A_1610 = vector.broadcast %reduce_or3A_1609 : i1 to vector<16xi1>
    %reduce_or3A_1611 = tpu.scan <max>, %reduce_or3A_1608 masked %reduce_or3A_1610 : vector<16xf32>, vector<16xi1> -> vector<16xf32>
    %reduce_or3A_1612 = vector.extract %reduce_or3A_1611[15] : f32 from vector<16xf32>
    %reduce_or3A_1613 = arith.constant 0.000000e+00 : f32
    %reduce_or3A_1614 = arith.cmpf ogt, %reduce_or3A_1612, %reduce_or3A_1613 : f32
    %convert_element_type3A_1615 = arith.extui %reduce_or3A_1614 : i1 to i32
    %shift_left3A_1616 = arith.constant 3 : i32
    %shift_left3A_1617 = arith.shli %convert_element_type3A_1615, %shift_left3A_1616 : i32
    %add3A_1618 = arith.addi %add3A_1593, %shift_left3A_1617 : i32
    %shift_right_arithmetic3A_1619 = arith.constant 4 : i32
    %shift_right_arithmetic3A_1620 = vector.broadcast %shift_right_arithmetic3A_1619 : i32 to vector<16xi32>
    %shift_right_arithmetic3A_1621 = arith.shrsi %get3A_33, %shift_right_arithmetic3A_1620 : vector<16xi32>
    %and3A_1622 = arith.constant 1 : i32
    %and3A_1623 = vector.broadcast %and3A_1622 : i32 to vector<16xi32>
    %and3A_1624 = arith.andi %shift_right_arithmetic3A_1621, %and3A_1623 : vector<16xi32>
    %eq3A_1625 = arith.constant 1 : i32
    %eq3A_1626 = vector.broadcast %eq3A_1625 : i32 to vector<16xi32>
    %eq3A_1627 = arith.cmpi eq, %and3A_1624, %eq3A_1626 : vector<16xi32>
    %and3A_1628 = arith.andi %eq3A_1517, %eq3A_1627 : vector<16xi1>
    %reduce_or3A_1629 = arith.constant 1.000000e+00 : f32
    %reduce_or3A_1630 = arith.constant 0.000000e+00 : f32
    %reduce_or3A_1631 = vector.broadcast %reduce_or3A_1629 : f32 to vector<16xf32>
    %reduce_or3A_1632 = vector.broadcast %reduce_or3A_1630 : f32 to vector<16xf32>
    %reduce_or3A_1633 = arith.select %and3A_1628, %reduce_or3A_1631, %reduce_or3A_1632 : vector<16xi1>, vector<16xf32>
    %reduce_or3A_1634 = arith.constant true
    %reduce_or3A_1635 = vector.broadcast %reduce_or3A_1634 : i1 to vector<16xi1>
    %reduce_or3A_1636 = tpu.scan <max>, %reduce_or3A_1633 masked %reduce_or3A_1635 : vector<16xf32>, vector<16xi1> -> vector<16xf32>
    %reduce_or3A_1637 = vector.extract %reduce_or3A_1636[15] : f32 from vector<16xf32>
    %reduce_or3A_1638 = arith.constant 0.000000e+00 : f32
    %reduce_or3A_1639 = arith.cmpf ogt, %reduce_or3A_1637, %reduce_or3A_1638 : f32
    %convert_element_type3A_1640 = arith.extui %reduce_or3A_1639 : i1 to i32
    %shift_left3A_1641 = arith.constant 4 : i32
    %shift_left3A_1642 = arith.shli %convert_element_type3A_1640, %shift_left3A_1641 : i32
    %add3A_1643 = arith.addi %add3A_1618, %shift_left3A_1642 : i32
    %mul3A_1644 = arith.constant 32 : i32
    %mul3A_1645 = arith.muli %select_n3A, %mul3A_1644 : i32
    %add3A_1646 = arith.addi %mul3A_1645, %add3A_1643 : i32
    %mul3A_1647 = arith.constant 256 : i32
    %mul3A_1648 = arith.muli %add3A_1646, %mul3A_1647 : i32
    %add3A_1649 = arith.addi %mul3A_1648, %mul3A_32 : i32
    %eq3A_1650 = arith.constant 12 : i32
    %eq3A_1651 = vector.broadcast %eq3A_1650 : i32 to vector<16xi32>
    %eq3A_1652 = arith.cmpi eq, %iota3A, %eq3A_1651 : vector<16xi32>
    %shift_right_arithmetic3A_1653 = arith.constant 0 : i32
    %shift_right_arithmetic3A_1654 = vector.broadcast %shift_right_arithmetic3A_1653 : i32 to vector<16xi32>
    %shift_right_arithmetic3A_1655 = arith.shrsi %get3A_33, %shift_right_arithmetic3A_1654 : vector<16xi32>
    %and3A_1656 = arith.constant 1 : i32
    %and3A_1657 = vector.broadcast %and3A_1656 : i32 to vector<16xi32>
    %and3A_1658 = arith.andi %shift_right_arithmetic3A_1655, %and3A_1657 : vector<16xi32>
    %eq3A_1659 = arith.constant 1 : i32
    %eq3A_1660 = vector.broadcast %eq3A_1659 : i32 to vector<16xi32>
    %eq3A_1661 = arith.cmpi eq, %and3A_1658, %eq3A_1660 : vector<16xi32>
    %and3A_1662 = arith.andi %eq3A_1652, %eq3A_1661 : vector<16xi1>
    %reduce_or3A_1663 = arith.constant 1.000000e+00 : f32
    %reduce_or3A_1664 = arith.constant 0.000000e+00 : f32
    %reduce_or3A_1665 = vector.broadcast %reduce_or3A_1663 : f32 to vector<16xf32>
    %reduce_or3A_1666 = vector.broadcast %reduce_or3A_1664 : f32 to vector<16xf32>
    %reduce_or3A_1667 = arith.select %and3A_1662, %reduce_or3A_1665, %reduce_or3A_1666 : vector<16xi1>, vector<16xf32>
    %reduce_or3A_1668 = arith.constant true
    %reduce_or3A_1669 = vector.broadcast %reduce_or3A_1668 : i1 to vector<16xi1>
    %reduce_or3A_1670 = tpu.scan <max>, %reduce_or3A_1667 masked %reduce_or3A_1669 : vector<16xf32>, vector<16xi1> -> vector<16xf32>
    %reduce_or3A_1671 = vector.extract %reduce_or3A_1670[15] : f32 from vector<16xf32>
    %reduce_or3A_1672 = arith.constant 0.000000e+00 : f32
    %reduce_or3A_1673 = arith.cmpf ogt, %reduce_or3A_1671, %reduce_or3A_1672 : f32
    %convert_element_type3A_1674 = arith.extui %reduce_or3A_1673 : i1 to i32
    %shift_left3A_1675 = arith.constant 0 : i32
    %shift_left3A_1676 = arith.shli %convert_element_type3A_1674, %shift_left3A_1675 : i32
    %add3A_1677 = arith.constant 0 : i32
    %add3A_1678 = arith.addi %add3A_1677, %shift_left3A_1676 : i32
    %shift_right_arithmetic3A_1679 = arith.constant 1 : i32
    %shift_right_arithmetic3A_1680 = vector.broadcast %shift_right_arithmetic3A_1679 : i32 to vector<16xi32>
    %shift_right_arithmetic3A_1681 = arith.shrsi %get3A_33, %shift_right_arithmetic3A_1680 : vector<16xi32>
    %and3A_1682 = arith.constant 1 : i32
    %and3A_1683 = vector.broadcast %and3A_1682 : i32 to vector<16xi32>
    %and3A_1684 = arith.andi %shift_right_arithmetic3A_1681, %and3A_1683 : vector<16xi32>
    %eq3A_1685 = arith.constant 1 : i32
    %eq3A_1686 = vector.broadcast %eq3A_1685 : i32 to vector<16xi32>
    %eq3A_1687 = arith.cmpi eq, %and3A_1684, %eq3A_1686 : vector<16xi32>
    %and3A_1688 = arith.andi %eq3A_1652, %eq3A_1687 : vector<16xi1>
    %reduce_or3A_1689 = arith.constant 1.000000e+00 : f32
    %reduce_or3A_1690 = arith.constant 0.000000e+00 : f32
    %reduce_or3A_1691 = vector.broadcast %reduce_or3A_1689 : f32 to vector<16xf32>
    %reduce_or3A_1692 = vector.broadcast %reduce_or3A_1690 : f32 to vector<16xf32>
    %reduce_or3A_1693 = arith.select %and3A_1688, %reduce_or3A_1691, %reduce_or3A_1692 : vector<16xi1>, vector<16xf32>
    %reduce_or3A_1694 = arith.constant true
    %reduce_or3A_1695 = vector.broadcast %reduce_or3A_1694 : i1 to vector<16xi1>
    %reduce_or3A_1696 = tpu.scan <max>, %reduce_or3A_1693 masked %reduce_or3A_1695 : vector<16xf32>, vector<16xi1> -> vector<16xf32>
    %reduce_or3A_1697 = vector.extract %reduce_or3A_1696[15] : f32 from vector<16xf32>
    %reduce_or3A_1698 = arith.constant 0.000000e+00 : f32
    %reduce_or3A_1699 = arith.cmpf ogt, %reduce_or3A_1697, %reduce_or3A_1698 : f32
    %convert_element_type3A_1700 = arith.extui %reduce_or3A_1699 : i1 to i32
    %shift_left3A_1701 = arith.constant 1 : i32
    %shift_left3A_1702 = arith.shli %convert_element_type3A_1700, %shift_left3A_1701 : i32
    %add3A_1703 = arith.addi %add3A_1678, %shift_left3A_1702 : i32
    %shift_right_arithmetic3A_1704 = arith.constant 2 : i32
    %shift_right_arithmetic3A_1705 = vector.broadcast %shift_right_arithmetic3A_1704 : i32 to vector<16xi32>
    %shift_right_arithmetic3A_1706 = arith.shrsi %get3A_33, %shift_right_arithmetic3A_1705 : vector<16xi32>
    %and3A_1707 = arith.constant 1 : i32
    %and3A_1708 = vector.broadcast %and3A_1707 : i32 to vector<16xi32>
    %and3A_1709 = arith.andi %shift_right_arithmetic3A_1706, %and3A_1708 : vector<16xi32>
    %eq3A_1710 = arith.constant 1 : i32
    %eq3A_1711 = vector.broadcast %eq3A_1710 : i32 to vector<16xi32>
    %eq3A_1712 = arith.cmpi eq, %and3A_1709, %eq3A_1711 : vector<16xi32>
    %and3A_1713 = arith.andi %eq3A_1652, %eq3A_1712 : vector<16xi1>
    %reduce_or3A_1714 = arith.constant 1.000000e+00 : f32
    %reduce_or3A_1715 = arith.constant 0.000000e+00 : f32
    %reduce_or3A_1716 = vector.broadcast %reduce_or3A_1714 : f32 to vector<16xf32>
    %reduce_or3A_1717 = vector.broadcast %reduce_or3A_1715 : f32 to vector<16xf32>
    %reduce_or3A_1718 = arith.select %and3A_1713, %reduce_or3A_1716, %reduce_or3A_1717 : vector<16xi1>, vector<16xf32>
    %reduce_or3A_1719 = arith.constant true
    %reduce_or3A_1720 = vector.broadcast %reduce_or3A_1719 : i1 to vector<16xi1>
    %reduce_or3A_1721 = tpu.scan <max>, %reduce_or3A_1718 masked %reduce_or3A_1720 : vector<16xf32>, vector<16xi1> -> vector<16xf32>
    %reduce_or3A_1722 = vector.extract %reduce_or3A_1721[15] : f32 from vector<16xf32>
    %reduce_or3A_1723 = arith.constant 0.000000e+00 : f32
    %reduce_or3A_1724 = arith.cmpf ogt, %reduce_or3A_1722, %reduce_or3A_1723 : f32
    %convert_element_type3A_1725 = arith.extui %reduce_or3A_1724 : i1 to i32
    %shift_left3A_1726 = arith.constant 2 : i32
    %shift_left3A_1727 = arith.shli %convert_element_type3A_1725, %shift_left3A_1726 : i32
    %add3A_1728 = arith.addi %add3A_1703, %shift_left3A_1727 : i32
    %shift_right_arithmetic3A_1729 = arith.constant 3 : i32
    %shift_right_arithmetic3A_1730 = vector.broadcast %shift_right_arithmetic3A_1729 : i32 to vector<16xi32>
    %shift_right_arithmetic3A_1731 = arith.shrsi %get3A_33, %shift_right_arithmetic3A_1730 : vector<16xi32>
    %and3A_1732 = arith.constant 1 : i32
    %and3A_1733 = vector.broadcast %and3A_1732 : i32 to vector<16xi32>
    %and3A_1734 = arith.andi %shift_right_arithmetic3A_1731, %and3A_1733 : vector<16xi32>
    %eq3A_1735 = arith.constant 1 : i32
    %eq3A_1736 = vector.broadcast %eq3A_1735 : i32 to vector<16xi32>
    %eq3A_1737 = arith.cmpi eq, %and3A_1734, %eq3A_1736 : vector<16xi32>
    %and3A_1738 = arith.andi %eq3A_1652, %eq3A_1737 : vector<16xi1>
    %reduce_or3A_1739 = arith.constant 1.000000e+00 : f32
    %reduce_or3A_1740 = arith.constant 0.000000e+00 : f32
    %reduce_or3A_1741 = vector.broadcast %reduce_or3A_1739 : f32 to vector<16xf32>
    %reduce_or3A_1742 = vector.broadcast %reduce_or3A_1740 : f32 to vector<16xf32>
    %reduce_or3A_1743 = arith.select %and3A_1738, %reduce_or3A_1741, %reduce_or3A_1742 : vector<16xi1>, vector<16xf32>
    %reduce_or3A_1744 = arith.constant true
    %reduce_or3A_1745 = vector.broadcast %reduce_or3A_1744 : i1 to vector<16xi1>
    %reduce_or3A_1746 = tpu.scan <max>, %reduce_or3A_1743 masked %reduce_or3A_1745 : vector<16xf32>, vector<16xi1> -> vector<16xf32>
    %reduce_or3A_1747 = vector.extract %reduce_or3A_1746[15] : f32 from vector<16xf32>
    %reduce_or3A_1748 = arith.constant 0.000000e+00 : f32
    %reduce_or3A_1749 = arith.cmpf ogt, %reduce_or3A_1747, %reduce_or3A_1748 : f32
    %convert_element_type3A_1750 = arith.extui %reduce_or3A_1749 : i1 to i32
    %shift_left3A_1751 = arith.constant 3 : i32
    %shift_left3A_1752 = arith.shli %convert_element_type3A_1750, %shift_left3A_1751 : i32
    %add3A_1753 = arith.addi %add3A_1728, %shift_left3A_1752 : i32
    %shift_right_arithmetic3A_1754 = arith.constant 4 : i32
    %shift_right_arithmetic3A_1755 = vector.broadcast %shift_right_arithmetic3A_1754 : i32 to vector<16xi32>
    %shift_right_arithmetic3A_1756 = arith.shrsi %get3A_33, %shift_right_arithmetic3A_1755 : vector<16xi32>
    %and3A_1757 = arith.constant 1 : i32
    %and3A_1758 = vector.broadcast %and3A_1757 : i32 to vector<16xi32>
    %and3A_1759 = arith.andi %shift_right_arithmetic3A_1756, %and3A_1758 : vector<16xi32>
    %eq3A_1760 = arith.constant 1 : i32
    %eq3A_1761 = vector.broadcast %eq3A_1760 : i32 to vector<16xi32>
    %eq3A_1762 = arith.cmpi eq, %and3A_1759, %eq3A_1761 : vector<16xi32>
    %and3A_1763 = arith.andi %eq3A_1652, %eq3A_1762 : vector<16xi1>
    %reduce_or3A_1764 = arith.constant 1.000000e+00 : f32
    %reduce_or3A_1765 = arith.constant 0.000000e+00 : f32
    %reduce_or3A_1766 = vector.broadcast %reduce_or3A_1764 : f32 to vector<16xf32>
    %reduce_or3A_1767 = vector.broadcast %reduce_or3A_1765 : f32 to vector<16xf32>
    %reduce_or3A_1768 = arith.select %and3A_1763, %reduce_or3A_1766, %reduce_or3A_1767 : vector<16xi1>, vector<16xf32>
    %reduce_or3A_1769 = arith.constant true
    %reduce_or3A_1770 = vector.broadcast %reduce_or3A_1769 : i1 to vector<16xi1>
    %reduce_or3A_1771 = tpu.scan <max>, %reduce_or3A_1768 masked %reduce_or3A_1770 : vector<16xf32>, vector<16xi1> -> vector<16xf32>
    %reduce_or3A_1772 = vector.extract %reduce_or3A_1771[15] : f32 from vector<16xf32>
    %reduce_or3A_1773 = arith.constant 0.000000e+00 : f32
    %reduce_or3A_1774 = arith.cmpf ogt, %reduce_or3A_1772, %reduce_or3A_1773 : f32
    %convert_element_type3A_1775 = arith.extui %reduce_or3A_1774 : i1 to i32
    %shift_left3A_1776 = arith.constant 4 : i32
    %shift_left3A_1777 = arith.shli %convert_element_type3A_1775, %shift_left3A_1776 : i32
    %add3A_1778 = arith.addi %add3A_1753, %shift_left3A_1777 : i32
    %mul3A_1779 = arith.constant 32 : i32
    %mul3A_1780 = arith.muli %select_n3A, %mul3A_1779 : i32
    %add3A_1781 = arith.addi %mul3A_1780, %add3A_1778 : i32
    %mul3A_1782 = arith.constant 256 : i32
    %mul3A_1783 = arith.muli %add3A_1781, %mul3A_1782 : i32
    %add3A_1784 = arith.addi %mul3A_1783, %mul3A_32 : i32
    %eq3A_1785 = arith.constant 13 : i32
    %eq3A_1786 = vector.broadcast %eq3A_1785 : i32 to vector<16xi32>
    %eq3A_1787 = arith.cmpi eq, %iota3A, %eq3A_1786 : vector<16xi32>
    %shift_right_arithmetic3A_1788 = arith.constant 0 : i32
    %shift_right_arithmetic3A_1789 = vector.broadcast %shift_right_arithmetic3A_1788 : i32 to vector<16xi32>
    %shift_right_arithmetic3A_1790 = arith.shrsi %get3A_33, %shift_right_arithmetic3A_1789 : vector<16xi32>
    %and3A_1791 = arith.constant 1 : i32
    %and3A_1792 = vector.broadcast %and3A_1791 : i32 to vector<16xi32>
    %and3A_1793 = arith.andi %shift_right_arithmetic3A_1790, %and3A_1792 : vector<16xi32>
    %eq3A_1794 = arith.constant 1 : i32
    %eq3A_1795 = vector.broadcast %eq3A_1794 : i32 to vector<16xi32>
    %eq3A_1796 = arith.cmpi eq, %and3A_1793, %eq3A_1795 : vector<16xi32>
    %and3A_1797 = arith.andi %eq3A_1787, %eq3A_1796 : vector<16xi1>
    %reduce_or3A_1798 = arith.constant 1.000000e+00 : f32
    %reduce_or3A_1799 = arith.constant 0.000000e+00 : f32
    %reduce_or3A_1800 = vector.broadcast %reduce_or3A_1798 : f32 to vector<16xf32>
    %reduce_or3A_1801 = vector.broadcast %reduce_or3A_1799 : f32 to vector<16xf32>
    %reduce_or3A_1802 = arith.select %and3A_1797, %reduce_or3A_1800, %reduce_or3A_1801 : vector<16xi1>, vector<16xf32>
    %reduce_or3A_1803 = arith.constant true
    %reduce_or3A_1804 = vector.broadcast %reduce_or3A_1803 : i1 to vector<16xi1>
    %reduce_or3A_1805 = tpu.scan <max>, %reduce_or3A_1802 masked %reduce_or3A_1804 : vector<16xf32>, vector<16xi1> -> vector<16xf32>
    %reduce_or3A_1806 = vector.extract %reduce_or3A_1805[15] : f32 from vector<16xf32>
    %reduce_or3A_1807 = arith.constant 0.000000e+00 : f32
    %reduce_or3A_1808 = arith.cmpf ogt, %reduce_or3A_1806, %reduce_or3A_1807 : f32
    %convert_element_type3A_1809 = arith.extui %reduce_or3A_1808 : i1 to i32
    %shift_left3A_1810 = arith.constant 0 : i32
    %shift_left3A_1811 = arith.shli %convert_element_type3A_1809, %shift_left3A_1810 : i32
    %add3A_1812 = arith.constant 0 : i32
    %add3A_1813 = arith.addi %add3A_1812, %shift_left3A_1811 : i32
    %shift_right_arithmetic3A_1814 = arith.constant 1 : i32
    %shift_right_arithmetic3A_1815 = vector.broadcast %shift_right_arithmetic3A_1814 : i32 to vector<16xi32>
    %shift_right_arithmetic3A_1816 = arith.shrsi %get3A_33, %shift_right_arithmetic3A_1815 : vector<16xi32>
    %and3A_1817 = arith.constant 1 : i32
    %and3A_1818 = vector.broadcast %and3A_1817 : i32 to vector<16xi32>
    %and3A_1819 = arith.andi %shift_right_arithmetic3A_1816, %and3A_1818 : vector<16xi32>
    %eq3A_1820 = arith.constant 1 : i32
    %eq3A_1821 = vector.broadcast %eq3A_1820 : i32 to vector<16xi32>
    %eq3A_1822 = arith.cmpi eq, %and3A_1819, %eq3A_1821 : vector<16xi32>
    %and3A_1823 = arith.andi %eq3A_1787, %eq3A_1822 : vector<16xi1>
    %reduce_or3A_1824 = arith.constant 1.000000e+00 : f32
    %reduce_or3A_1825 = arith.constant 0.000000e+00 : f32
    %reduce_or3A_1826 = vector.broadcast %reduce_or3A_1824 : f32 to vector<16xf32>
    %reduce_or3A_1827 = vector.broadcast %reduce_or3A_1825 : f32 to vector<16xf32>
    %reduce_or3A_1828 = arith.select %and3A_1823, %reduce_or3A_1826, %reduce_or3A_1827 : vector<16xi1>, vector<16xf32>
    %reduce_or3A_1829 = arith.constant true
    %reduce_or3A_1830 = vector.broadcast %reduce_or3A_1829 : i1 to vector<16xi1>
    %reduce_or3A_1831 = tpu.scan <max>, %reduce_or3A_1828 masked %reduce_or3A_1830 : vector<16xf32>, vector<16xi1> -> vector<16xf32>
    %reduce_or3A_1832 = vector.extract %reduce_or3A_1831[15] : f32 from vector<16xf32>
    %reduce_or3A_1833 = arith.constant 0.000000e+00 : f32
    %reduce_or3A_1834 = arith.cmpf ogt, %reduce_or3A_1832, %reduce_or3A_1833 : f32
    %convert_element_type3A_1835 = arith.extui %reduce_or3A_1834 : i1 to i32
    %shift_left3A_1836 = arith.constant 1 : i32
    %shift_left3A_1837 = arith.shli %convert_element_type3A_1835, %shift_left3A_1836 : i32
    %add3A_1838 = arith.addi %add3A_1813, %shift_left3A_1837 : i32
    %shift_right_arithmetic3A_1839 = arith.constant 2 : i32
    %shift_right_arithmetic3A_1840 = vector.broadcast %shift_right_arithmetic3A_1839 : i32 to vector<16xi32>
    %shift_right_arithmetic3A_1841 = arith.shrsi %get3A_33, %shift_right_arithmetic3A_1840 : vector<16xi32>
    %and3A_1842 = arith.constant 1 : i32
    %and3A_1843 = vector.broadcast %and3A_1842 : i32 to vector<16xi32>
    %and3A_1844 = arith.andi %shift_right_arithmetic3A_1841, %and3A_1843 : vector<16xi32>
    %eq3A_1845 = arith.constant 1 : i32
    %eq3A_1846 = vector.broadcast %eq3A_1845 : i32 to vector<16xi32>
    %eq3A_1847 = arith.cmpi eq, %and3A_1844, %eq3A_1846 : vector<16xi32>
    %and3A_1848 = arith.andi %eq3A_1787, %eq3A_1847 : vector<16xi1>
    %reduce_or3A_1849 = arith.constant 1.000000e+00 : f32
    %reduce_or3A_1850 = arith.constant 0.000000e+00 : f32
    %reduce_or3A_1851 = vector.broadcast %reduce_or3A_1849 : f32 to vector<16xf32>
    %reduce_or3A_1852 = vector.broadcast %reduce_or3A_1850 : f32 to vector<16xf32>
    %reduce_or3A_1853 = arith.select %and3A_1848, %reduce_or3A_1851, %reduce_or3A_1852 : vector<16xi1>, vector<16xf32>
    %reduce_or3A_1854 = arith.constant true
    %reduce_or3A_1855 = vector.broadcast %reduce_or3A_1854 : i1 to vector<16xi1>
    %reduce_or3A_1856 = tpu.scan <max>, %reduce_or3A_1853 masked %reduce_or3A_1855 : vector<16xf32>, vector<16xi1> -> vector<16xf32>
    %reduce_or3A_1857 = vector.extract %reduce_or3A_1856[15] : f32 from vector<16xf32>
    %reduce_or3A_1858 = arith.constant 0.000000e+00 : f32
    %reduce_or3A_1859 = arith.cmpf ogt, %reduce_or3A_1857, %reduce_or3A_1858 : f32
    %convert_element_type3A_1860 = arith.extui %reduce_or3A_1859 : i1 to i32
    %shift_left3A_1861 = arith.constant 2 : i32
    %shift_left3A_1862 = arith.shli %convert_element_type3A_1860, %shift_left3A_1861 : i32
    %add3A_1863 = arith.addi %add3A_1838, %shift_left3A_1862 : i32
    %shift_right_arithmetic3A_1864 = arith.constant 3 : i32
    %shift_right_arithmetic3A_1865 = vector.broadcast %shift_right_arithmetic3A_1864 : i32 to vector<16xi32>
    %shift_right_arithmetic3A_1866 = arith.shrsi %get3A_33, %shift_right_arithmetic3A_1865 : vector<16xi32>
    %and3A_1867 = arith.constant 1 : i32
    %and3A_1868 = vector.broadcast %and3A_1867 : i32 to vector<16xi32>
    %and3A_1869 = arith.andi %shift_right_arithmetic3A_1866, %and3A_1868 : vector<16xi32>
    %eq3A_1870 = arith.constant 1 : i32
    %eq3A_1871 = vector.broadcast %eq3A_1870 : i32 to vector<16xi32>
    %eq3A_1872 = arith.cmpi eq, %and3A_1869, %eq3A_1871 : vector<16xi32>
    %and3A_1873 = arith.andi %eq3A_1787, %eq3A_1872 : vector<16xi1>
    %reduce_or3A_1874 = arith.constant 1.000000e+00 : f32
    %reduce_or3A_1875 = arith.constant 0.000000e+00 : f32
    %reduce_or3A_1876 = vector.broadcast %reduce_or3A_1874 : f32 to vector<16xf32>
    %reduce_or3A_1877 = vector.broadcast %reduce_or3A_1875 : f32 to vector<16xf32>
    %reduce_or3A_1878 = arith.select %and3A_1873, %reduce_or3A_1876, %reduce_or3A_1877 : vector<16xi1>, vector<16xf32>
    %reduce_or3A_1879 = arith.constant true
    %reduce_or3A_1880 = vector.broadcast %reduce_or3A_1879 : i1 to vector<16xi1>
    %reduce_or3A_1881 = tpu.scan <max>, %reduce_or3A_1878 masked %reduce_or3A_1880 : vector<16xf32>, vector<16xi1> -> vector<16xf32>
    %reduce_or3A_1882 = vector.extract %reduce_or3A_1881[15] : f32 from vector<16xf32>
    %reduce_or3A_1883 = arith.constant 0.000000e+00 : f32
    %reduce_or3A_1884 = arith.cmpf ogt, %reduce_or3A_1882, %reduce_or3A_1883 : f32
    %convert_element_type3A_1885 = arith.extui %reduce_or3A_1884 : i1 to i32
    %shift_left3A_1886 = arith.constant 3 : i32
    %shift_left3A_1887 = arith.shli %convert_element_type3A_1885, %shift_left3A_1886 : i32
    %add3A_1888 = arith.addi %add3A_1863, %shift_left3A_1887 : i32
    %shift_right_arithmetic3A_1889 = arith.constant 4 : i32
    %shift_right_arithmetic3A_1890 = vector.broadcast %shift_right_arithmetic3A_1889 : i32 to vector<16xi32>
    %shift_right_arithmetic3A_1891 = arith.shrsi %get3A_33, %shift_right_arithmetic3A_1890 : vector<16xi32>
    %and3A_1892 = arith.constant 1 : i32
    %and3A_1893 = vector.broadcast %and3A_1892 : i32 to vector<16xi32>
    %and3A_1894 = arith.andi %shift_right_arithmetic3A_1891, %and3A_1893 : vector<16xi32>
    %eq3A_1895 = arith.constant 1 : i32
    %eq3A_1896 = vector.broadcast %eq3A_1895 : i32 to vector<16xi32>
    %eq3A_1897 = arith.cmpi eq, %and3A_1894, %eq3A_1896 : vector<16xi32>
    %and3A_1898 = arith.andi %eq3A_1787, %eq3A_1897 : vector<16xi1>
    %reduce_or3A_1899 = arith.constant 1.000000e+00 : f32
    %reduce_or3A_1900 = arith.constant 0.000000e+00 : f32
    %reduce_or3A_1901 = vector.broadcast %reduce_or3A_1899 : f32 to vector<16xf32>
    %reduce_or3A_1902 = vector.broadcast %reduce_or3A_1900 : f32 to vector<16xf32>
    %reduce_or3A_1903 = arith.select %and3A_1898, %reduce_or3A_1901, %reduce_or3A_1902 : vector<16xi1>, vector<16xf32>
    %reduce_or3A_1904 = arith.constant true
    %reduce_or3A_1905 = vector.broadcast %reduce_or3A_1904 : i1 to vector<16xi1>
    %reduce_or3A_1906 = tpu.scan <max>, %reduce_or3A_1903 masked %reduce_or3A_1905 : vector<16xf32>, vector<16xi1> -> vector<16xf32>
    %reduce_or3A_1907 = vector.extract %reduce_or3A_1906[15] : f32 from vector<16xf32>
    %reduce_or3A_1908 = arith.constant 0.000000e+00 : f32
    %reduce_or3A_1909 = arith.cmpf ogt, %reduce_or3A_1907, %reduce_or3A_1908 : f32
    %convert_element_type3A_1910 = arith.extui %reduce_or3A_1909 : i1 to i32
    %shift_left3A_1911 = arith.constant 4 : i32
    %shift_left3A_1912 = arith.shli %convert_element_type3A_1910, %shift_left3A_1911 : i32
    %add3A_1913 = arith.addi %add3A_1888, %shift_left3A_1912 : i32
    %mul3A_1914 = arith.constant 32 : i32
    %mul3A_1915 = arith.muli %select_n3A, %mul3A_1914 : i32
    %add3A_1916 = arith.addi %mul3A_1915, %add3A_1913 : i32
    %mul3A_1917 = arith.constant 256 : i32
    %mul3A_1918 = arith.muli %add3A_1916, %mul3A_1917 : i32
    %add3A_1919 = arith.addi %mul3A_1918, %mul3A_32 : i32
    %eq3A_1920 = arith.constant 14 : i32
    %eq3A_1921 = vector.broadcast %eq3A_1920 : i32 to vector<16xi32>
    %eq3A_1922 = arith.cmpi eq, %iota3A, %eq3A_1921 : vector<16xi32>
    %shift_right_arithmetic3A_1923 = arith.constant 0 : i32
    %shift_right_arithmetic3A_1924 = vector.broadcast %shift_right_arithmetic3A_1923 : i32 to vector<16xi32>
    %shift_right_arithmetic3A_1925 = arith.shrsi %get3A_33, %shift_right_arithmetic3A_1924 : vector<16xi32>
    %and3A_1926 = arith.constant 1 : i32
    %and3A_1927 = vector.broadcast %and3A_1926 : i32 to vector<16xi32>
    %and3A_1928 = arith.andi %shift_right_arithmetic3A_1925, %and3A_1927 : vector<16xi32>
    %eq3A_1929 = arith.constant 1 : i32
    %eq3A_1930 = vector.broadcast %eq3A_1929 : i32 to vector<16xi32>
    %eq3A_1931 = arith.cmpi eq, %and3A_1928, %eq3A_1930 : vector<16xi32>
    %and3A_1932 = arith.andi %eq3A_1922, %eq3A_1931 : vector<16xi1>
    %reduce_or3A_1933 = arith.constant 1.000000e+00 : f32
    %reduce_or3A_1934 = arith.constant 0.000000e+00 : f32
    %reduce_or3A_1935 = vector.broadcast %reduce_or3A_1933 : f32 to vector<16xf32>
    %reduce_or3A_1936 = vector.broadcast %reduce_or3A_1934 : f32 to vector<16xf32>
    %reduce_or3A_1937 = arith.select %and3A_1932, %reduce_or3A_1935, %reduce_or3A_1936 : vector<16xi1>, vector<16xf32>
    %reduce_or3A_1938 = arith.constant true
    %reduce_or3A_1939 = vector.broadcast %reduce_or3A_1938 : i1 to vector<16xi1>
    %reduce_or3A_1940 = tpu.scan <max>, %reduce_or3A_1937 masked %reduce_or3A_1939 : vector<16xf32>, vector<16xi1> -> vector<16xf32>
    %reduce_or3A_1941 = vector.extract %reduce_or3A_1940[15] : f32 from vector<16xf32>
    %reduce_or3A_1942 = arith.constant 0.000000e+00 : f32
    %reduce_or3A_1943 = arith.cmpf ogt, %reduce_or3A_1941, %reduce_or3A_1942 : f32
    %convert_element_type3A_1944 = arith.extui %reduce_or3A_1943 : i1 to i32
    %shift_left3A_1945 = arith.constant 0 : i32
    %shift_left3A_1946 = arith.shli %convert_element_type3A_1944, %shift_left3A_1945 : i32
    %add3A_1947 = arith.constant 0 : i32
    %add3A_1948 = arith.addi %add3A_1947, %shift_left3A_1946 : i32
    %shift_right_arithmetic3A_1949 = arith.constant 1 : i32
    %shift_right_arithmetic3A_1950 = vector.broadcast %shift_right_arithmetic3A_1949 : i32 to vector<16xi32>
    %shift_right_arithmetic3A_1951 = arith.shrsi %get3A_33, %shift_right_arithmetic3A_1950 : vector<16xi32>
    %and3A_1952 = arith.constant 1 : i32
    %and3A_1953 = vector.broadcast %and3A_1952 : i32 to vector<16xi32>
    %and3A_1954 = arith.andi %shift_right_arithmetic3A_1951, %and3A_1953 : vector<16xi32>
    %eq3A_1955 = arith.constant 1 : i32
    %eq3A_1956 = vector.broadcast %eq3A_1955 : i32 to vector<16xi32>
    %eq3A_1957 = arith.cmpi eq, %and3A_1954, %eq3A_1956 : vector<16xi32>
    %and3A_1958 = arith.andi %eq3A_1922, %eq3A_1957 : vector<16xi1>
    %reduce_or3A_1959 = arith.constant 1.000000e+00 : f32
    %reduce_or3A_1960 = arith.constant 0.000000e+00 : f32
    %reduce_or3A_1961 = vector.broadcast %reduce_or3A_1959 : f32 to vector<16xf32>
    %reduce_or3A_1962 = vector.broadcast %reduce_or3A_1960 : f32 to vector<16xf32>
    %reduce_or3A_1963 = arith.select %and3A_1958, %reduce_or3A_1961, %reduce_or3A_1962 : vector<16xi1>, vector<16xf32>
    %reduce_or3A_1964 = arith.constant true
    %reduce_or3A_1965 = vector.broadcast %reduce_or3A_1964 : i1 to vector<16xi1>
    %reduce_or3A_1966 = tpu.scan <max>, %reduce_or3A_1963 masked %reduce_or3A_1965 : vector<16xf32>, vector<16xi1> -> vector<16xf32>
    %reduce_or3A_1967 = vector.extract %reduce_or3A_1966[15] : f32 from vector<16xf32>
    %reduce_or3A_1968 = arith.constant 0.000000e+00 : f32
    %reduce_or3A_1969 = arith.cmpf ogt, %reduce_or3A_1967, %reduce_or3A_1968 : f32
    %convert_element_type3A_1970 = arith.extui %reduce_or3A_1969 : i1 to i32
    %shift_left3A_1971 = arith.constant 1 : i32
    %shift_left3A_1972 = arith.shli %convert_element_type3A_1970, %shift_left3A_1971 : i32
    %add3A_1973 = arith.addi %add3A_1948, %shift_left3A_1972 : i32
    %shift_right_arithmetic3A_1974 = arith.constant 2 : i32
    %shift_right_arithmetic3A_1975 = vector.broadcast %shift_right_arithmetic3A_1974 : i32 to vector<16xi32>
    %shift_right_arithmetic3A_1976 = arith.shrsi %get3A_33, %shift_right_arithmetic3A_1975 : vector<16xi32>
    %and3A_1977 = arith.constant 1 : i32
    %and3A_1978 = vector.broadcast %and3A_1977 : i32 to vector<16xi32>
    %and3A_1979 = arith.andi %shift_right_arithmetic3A_1976, %and3A_1978 : vector<16xi32>
    %eq3A_1980 = arith.constant 1 : i32
    %eq3A_1981 = vector.broadcast %eq3A_1980 : i32 to vector<16xi32>
    %eq3A_1982 = arith.cmpi eq, %and3A_1979, %eq3A_1981 : vector<16xi32>
    %and3A_1983 = arith.andi %eq3A_1922, %eq3A_1982 : vector<16xi1>
    %reduce_or3A_1984 = arith.constant 1.000000e+00 : f32
    %reduce_or3A_1985 = arith.constant 0.000000e+00 : f32
    %reduce_or3A_1986 = vector.broadcast %reduce_or3A_1984 : f32 to vector<16xf32>
    %reduce_or3A_1987 = vector.broadcast %reduce_or3A_1985 : f32 to vector<16xf32>
    %reduce_or3A_1988 = arith.select %and3A_1983, %reduce_or3A_1986, %reduce_or3A_1987 : vector<16xi1>, vector<16xf32>
    %reduce_or3A_1989 = arith.constant true
    %reduce_or3A_1990 = vector.broadcast %reduce_or3A_1989 : i1 to vector<16xi1>
    %reduce_or3A_1991 = tpu.scan <max>, %reduce_or3A_1988 masked %reduce_or3A_1990 : vector<16xf32>, vector<16xi1> -> vector<16xf32>
    %reduce_or3A_1992 = vector.extract %reduce_or3A_1991[15] : f32 from vector<16xf32>
    %reduce_or3A_1993 = arith.constant 0.000000e+00 : f32
    %reduce_or3A_1994 = arith.cmpf ogt, %reduce_or3A_1992, %reduce_or3A_1993 : f32
    %convert_element_type3A_1995 = arith.extui %reduce_or3A_1994 : i1 to i32
    %shift_left3A_1996 = arith.constant 2 : i32
    %shift_left3A_1997 = arith.shli %convert_element_type3A_1995, %shift_left3A_1996 : i32
    %add3A_1998 = arith.addi %add3A_1973, %shift_left3A_1997 : i32
    %shift_right_arithmetic3A_1999 = arith.constant 3 : i32
    %shift_right_arithmetic3A_2000 = vector.broadcast %shift_right_arithmetic3A_1999 : i32 to vector<16xi32>
    %shift_right_arithmetic3A_2001 = arith.shrsi %get3A_33, %shift_right_arithmetic3A_2000 : vector<16xi32>
    %and3A_2002 = arith.constant 1 : i32
    %and3A_2003 = vector.broadcast %and3A_2002 : i32 to vector<16xi32>
    %and3A_2004 = arith.andi %shift_right_arithmetic3A_2001, %and3A_2003 : vector<16xi32>
    %eq3A_2005 = arith.constant 1 : i32
    %eq3A_2006 = vector.broadcast %eq3A_2005 : i32 to vector<16xi32>
    %eq3A_2007 = arith.cmpi eq, %and3A_2004, %eq3A_2006 : vector<16xi32>
    %and3A_2008 = arith.andi %eq3A_1922, %eq3A_2007 : vector<16xi1>
    %reduce_or3A_2009 = arith.constant 1.000000e+00 : f32
    %reduce_or3A_2010 = arith.constant 0.000000e+00 : f32
    %reduce_or3A_2011 = vector.broadcast %reduce_or3A_2009 : f32 to vector<16xf32>
    %reduce_or3A_2012 = vector.broadcast %reduce_or3A_2010 : f32 to vector<16xf32>
    %reduce_or3A_2013 = arith.select %and3A_2008, %reduce_or3A_2011, %reduce_or3A_2012 : vector<16xi1>, vector<16xf32>
    %reduce_or3A_2014 = arith.constant true
    %reduce_or3A_2015 = vector.broadcast %reduce_or3A_2014 : i1 to vector<16xi1>
    %reduce_or3A_2016 = tpu.scan <max>, %reduce_or3A_2013 masked %reduce_or3A_2015 : vector<16xf32>, vector<16xi1> -> vector<16xf32>
    %reduce_or3A_2017 = vector.extract %reduce_or3A_2016[15] : f32 from vector<16xf32>
    %reduce_or3A_2018 = arith.constant 0.000000e+00 : f32
    %reduce_or3A_2019 = arith.cmpf ogt, %reduce_or3A_2017, %reduce_or3A_2018 : f32
    %convert_element_type3A_2020 = arith.extui %reduce_or3A_2019 : i1 to i32
    %shift_left3A_2021 = arith.constant 3 : i32
    %shift_left3A_2022 = arith.shli %convert_element_type3A_2020, %shift_left3A_2021 : i32
    %add3A_2023 = arith.addi %add3A_1998, %shift_left3A_2022 : i32
    %shift_right_arithmetic3A_2024 = arith.constant 4 : i32
    %shift_right_arithmetic3A_2025 = vector.broadcast %shift_right_arithmetic3A_2024 : i32 to vector<16xi32>
    %shift_right_arithmetic3A_2026 = arith.shrsi %get3A_33, %shift_right_arithmetic3A_2025 : vector<16xi32>
    %and3A_2027 = arith.constant 1 : i32
    %and3A_2028 = vector.broadcast %and3A_2027 : i32 to vector<16xi32>
    %and3A_2029 = arith.andi %shift_right_arithmetic3A_2026, %and3A_2028 : vector<16xi32>
    %eq3A_2030 = arith.constant 1 : i32
    %eq3A_2031 = vector.broadcast %eq3A_2030 : i32 to vector<16xi32>
    %eq3A_2032 = arith.cmpi eq, %and3A_2029, %eq3A_2031 : vector<16xi32>
    %and3A_2033 = arith.andi %eq3A_1922, %eq3A_2032 : vector<16xi1>
    %reduce_or3A_2034 = arith.constant 1.000000e+00 : f32
    %reduce_or3A_2035 = arith.constant 0.000000e+00 : f32
    %reduce_or3A_2036 = vector.broadcast %reduce_or3A_2034 : f32 to vector<16xf32>
    %reduce_or3A_2037 = vector.broadcast %reduce_or3A_2035 : f32 to vector<16xf32>
    %reduce_or3A_2038 = arith.select %and3A_2033, %reduce_or3A_2036, %reduce_or3A_2037 : vector<16xi1>, vector<16xf32>
    %reduce_or3A_2039 = arith.constant true
    %reduce_or3A_2040 = vector.broadcast %reduce_or3A_2039 : i1 to vector<16xi1>
    %reduce_or3A_2041 = tpu.scan <max>, %reduce_or3A_2038 masked %reduce_or3A_2040 : vector<16xf32>, vector<16xi1> -> vector<16xf32>
    %reduce_or3A_2042 = vector.extract %reduce_or3A_2041[15] : f32 from vector<16xf32>
    %reduce_or3A_2043 = arith.constant 0.000000e+00 : f32
    %reduce_or3A_2044 = arith.cmpf ogt, %reduce_or3A_2042, %reduce_or3A_2043 : f32
    %convert_element_type3A_2045 = arith.extui %reduce_or3A_2044 : i1 to i32
    %shift_left3A_2046 = arith.constant 4 : i32
    %shift_left3A_2047 = arith.shli %convert_element_type3A_2045, %shift_left3A_2046 : i32
    %add3A_2048 = arith.addi %add3A_2023, %shift_left3A_2047 : i32
    %mul3A_2049 = arith.constant 32 : i32
    %mul3A_2050 = arith.muli %select_n3A, %mul3A_2049 : i32
    %add3A_2051 = arith.addi %mul3A_2050, %add3A_2048 : i32
    %mul3A_2052 = arith.constant 256 : i32
    %mul3A_2053 = arith.muli %add3A_2051, %mul3A_2052 : i32
    %add3A_2054 = arith.addi %mul3A_2053, %mul3A_32 : i32
    %eq3A_2055 = arith.constant 15 : i32
    %eq3A_2056 = vector.broadcast %eq3A_2055 : i32 to vector<16xi32>
    %eq3A_2057 = arith.cmpi eq, %iota3A, %eq3A_2056 : vector<16xi32>
    %shift_right_arithmetic3A_2058 = arith.constant 0 : i32
    %shift_right_arithmetic3A_2059 = vector.broadcast %shift_right_arithmetic3A_2058 : i32 to vector<16xi32>
    %shift_right_arithmetic3A_2060 = arith.shrsi %get3A_33, %shift_right_arithmetic3A_2059 : vector<16xi32>
    %and3A_2061 = arith.constant 1 : i32
    %and3A_2062 = vector.broadcast %and3A_2061 : i32 to vector<16xi32>
    %and3A_2063 = arith.andi %shift_right_arithmetic3A_2060, %and3A_2062 : vector<16xi32>
    %eq3A_2064 = arith.constant 1 : i32
    %eq3A_2065 = vector.broadcast %eq3A_2064 : i32 to vector<16xi32>
    %eq3A_2066 = arith.cmpi eq, %and3A_2063, %eq3A_2065 : vector<16xi32>
    %and3A_2067 = arith.andi %eq3A_2057, %eq3A_2066 : vector<16xi1>
    %reduce_or3A_2068 = arith.constant 1.000000e+00 : f32
    %reduce_or3A_2069 = arith.constant 0.000000e+00 : f32
    %reduce_or3A_2070 = vector.broadcast %reduce_or3A_2068 : f32 to vector<16xf32>
    %reduce_or3A_2071 = vector.broadcast %reduce_or3A_2069 : f32 to vector<16xf32>
    %reduce_or3A_2072 = arith.select %and3A_2067, %reduce_or3A_2070, %reduce_or3A_2071 : vector<16xi1>, vector<16xf32>
    %reduce_or3A_2073 = arith.constant true
    %reduce_or3A_2074 = vector.broadcast %reduce_or3A_2073 : i1 to vector<16xi1>
    %reduce_or3A_2075 = tpu.scan <max>, %reduce_or3A_2072 masked %reduce_or3A_2074 : vector<16xf32>, vector<16xi1> -> vector<16xf32>
    %reduce_or3A_2076 = vector.extract %reduce_or3A_2075[15] : f32 from vector<16xf32>
    %reduce_or3A_2077 = arith.constant 0.000000e+00 : f32
    %reduce_or3A_2078 = arith.cmpf ogt, %reduce_or3A_2076, %reduce_or3A_2077 : f32
    %convert_element_type3A_2079 = arith.extui %reduce_or3A_2078 : i1 to i32
    %shift_left3A_2080 = arith.constant 0 : i32
    %shift_left3A_2081 = arith.shli %convert_element_type3A_2079, %shift_left3A_2080 : i32
    %add3A_2082 = arith.constant 0 : i32
    %add3A_2083 = arith.addi %add3A_2082, %shift_left3A_2081 : i32
    %shift_right_arithmetic3A_2084 = arith.constant 1 : i32
    %shift_right_arithmetic3A_2085 = vector.broadcast %shift_right_arithmetic3A_2084 : i32 to vector<16xi32>
    %shift_right_arithmetic3A_2086 = arith.shrsi %get3A_33, %shift_right_arithmetic3A_2085 : vector<16xi32>
    %and3A_2087 = arith.constant 1 : i32
    %and3A_2088 = vector.broadcast %and3A_2087 : i32 to vector<16xi32>
    %and3A_2089 = arith.andi %shift_right_arithmetic3A_2086, %and3A_2088 : vector<16xi32>
    %eq3A_2090 = arith.constant 1 : i32
    %eq3A_2091 = vector.broadcast %eq3A_2090 : i32 to vector<16xi32>
    %eq3A_2092 = arith.cmpi eq, %and3A_2089, %eq3A_2091 : vector<16xi32>
    %and3A_2093 = arith.andi %eq3A_2057, %eq3A_2092 : vector<16xi1>
    %reduce_or3A_2094 = arith.constant 1.000000e+00 : f32
    %reduce_or3A_2095 = arith.constant 0.000000e+00 : f32
    %reduce_or3A_2096 = vector.broadcast %reduce_or3A_2094 : f32 to vector<16xf32>
    %reduce_or3A_2097 = vector.broadcast %reduce_or3A_2095 : f32 to vector<16xf32>
    %reduce_or3A_2098 = arith.select %and3A_2093, %reduce_or3A_2096, %reduce_or3A_2097 : vector<16xi1>, vector<16xf32>
    %reduce_or3A_2099 = arith.constant true
    %reduce_or3A_2100 = vector.broadcast %reduce_or3A_2099 : i1 to vector<16xi1>
    %reduce_or3A_2101 = tpu.scan <max>, %reduce_or3A_2098 masked %reduce_or3A_2100 : vector<16xf32>, vector<16xi1> -> vector<16xf32>
    %reduce_or3A_2102 = vector.extract %reduce_or3A_2101[15] : f32 from vector<16xf32>
    %reduce_or3A_2103 = arith.constant 0.000000e+00 : f32
    %reduce_or3A_2104 = arith.cmpf ogt, %reduce_or3A_2102, %reduce_or3A_2103 : f32
    %convert_element_type3A_2105 = arith.extui %reduce_or3A_2104 : i1 to i32
    %shift_left3A_2106 = arith.constant 1 : i32
    %shift_left3A_2107 = arith.shli %convert_element_type3A_2105, %shift_left3A_2106 : i32
    %add3A_2108 = arith.addi %add3A_2083, %shift_left3A_2107 : i32
    %shift_right_arithmetic3A_2109 = arith.constant 2 : i32
    %shift_right_arithmetic3A_2110 = vector.broadcast %shift_right_arithmetic3A_2109 : i32 to vector<16xi32>
    %shift_right_arithmetic3A_2111 = arith.shrsi %get3A_33, %shift_right_arithmetic3A_2110 : vector<16xi32>
    %and3A_2112 = arith.constant 1 : i32
    %and3A_2113 = vector.broadcast %and3A_2112 : i32 to vector<16xi32>
    %and3A_2114 = arith.andi %shift_right_arithmetic3A_2111, %and3A_2113 : vector<16xi32>
    %eq3A_2115 = arith.constant 1 : i32
    %eq3A_2116 = vector.broadcast %eq3A_2115 : i32 to vector<16xi32>
    %eq3A_2117 = arith.cmpi eq, %and3A_2114, %eq3A_2116 : vector<16xi32>
    %and3A_2118 = arith.andi %eq3A_2057, %eq3A_2117 : vector<16xi1>
    %reduce_or3A_2119 = arith.constant 1.000000e+00 : f32
    %reduce_or3A_2120 = arith.constant 0.000000e+00 : f32
    %reduce_or3A_2121 = vector.broadcast %reduce_or3A_2119 : f32 to vector<16xf32>
    %reduce_or3A_2122 = vector.broadcast %reduce_or3A_2120 : f32 to vector<16xf32>
    %reduce_or3A_2123 = arith.select %and3A_2118, %reduce_or3A_2121, %reduce_or3A_2122 : vector<16xi1>, vector<16xf32>
    %reduce_or3A_2124 = arith.constant true
    %reduce_or3A_2125 = vector.broadcast %reduce_or3A_2124 : i1 to vector<16xi1>
    %reduce_or3A_2126 = tpu.scan <max>, %reduce_or3A_2123 masked %reduce_or3A_2125 : vector<16xf32>, vector<16xi1> -> vector<16xf32>
    %reduce_or3A_2127 = vector.extract %reduce_or3A_2126[15] : f32 from vector<16xf32>
    %reduce_or3A_2128 = arith.constant 0.000000e+00 : f32
    %reduce_or3A_2129 = arith.cmpf ogt, %reduce_or3A_2127, %reduce_or3A_2128 : f32
    %convert_element_type3A_2130 = arith.extui %reduce_or3A_2129 : i1 to i32
    %shift_left3A_2131 = arith.constant 2 : i32
    %shift_left3A_2132 = arith.shli %convert_element_type3A_2130, %shift_left3A_2131 : i32
    %add3A_2133 = arith.addi %add3A_2108, %shift_left3A_2132 : i32
    %shift_right_arithmetic3A_2134 = arith.constant 3 : i32
    %shift_right_arithmetic3A_2135 = vector.broadcast %shift_right_arithmetic3A_2134 : i32 to vector<16xi32>
    %shift_right_arithmetic3A_2136 = arith.shrsi %get3A_33, %shift_right_arithmetic3A_2135 : vector<16xi32>
    %and3A_2137 = arith.constant 1 : i32
    %and3A_2138 = vector.broadcast %and3A_2137 : i32 to vector<16xi32>
    %and3A_2139 = arith.andi %shift_right_arithmetic3A_2136, %and3A_2138 : vector<16xi32>
    %eq3A_2140 = arith.constant 1 : i32
    %eq3A_2141 = vector.broadcast %eq3A_2140 : i32 to vector<16xi32>
    %eq3A_2142 = arith.cmpi eq, %and3A_2139, %eq3A_2141 : vector<16xi32>
    %and3A_2143 = arith.andi %eq3A_2057, %eq3A_2142 : vector<16xi1>
    %reduce_or3A_2144 = arith.constant 1.000000e+00 : f32
    %reduce_or3A_2145 = arith.constant 0.000000e+00 : f32
    %reduce_or3A_2146 = vector.broadcast %reduce_or3A_2144 : f32 to vector<16xf32>
    %reduce_or3A_2147 = vector.broadcast %reduce_or3A_2145 : f32 to vector<16xf32>
    %reduce_or3A_2148 = arith.select %and3A_2143, %reduce_or3A_2146, %reduce_or3A_2147 : vector<16xi1>, vector<16xf32>
    %reduce_or3A_2149 = arith.constant true
    %reduce_or3A_2150 = vector.broadcast %reduce_or3A_2149 : i1 to vector<16xi1>
    %reduce_or3A_2151 = tpu.scan <max>, %reduce_or3A_2148 masked %reduce_or3A_2150 : vector<16xf32>, vector<16xi1> -> vector<16xf32>
    %reduce_or3A_2152 = vector.extract %reduce_or3A_2151[15] : f32 from vector<16xf32>
    %reduce_or3A_2153 = arith.constant 0.000000e+00 : f32
    %reduce_or3A_2154 = arith.cmpf ogt, %reduce_or3A_2152, %reduce_or3A_2153 : f32
    %convert_element_type3A_2155 = arith.extui %reduce_or3A_2154 : i1 to i32
    %shift_left3A_2156 = arith.constant 3 : i32
    %shift_left3A_2157 = arith.shli %convert_element_type3A_2155, %shift_left3A_2156 : i32
    %add3A_2158 = arith.addi %add3A_2133, %shift_left3A_2157 : i32
    %shift_right_arithmetic3A_2159 = arith.constant 4 : i32
    %shift_right_arithmetic3A_2160 = vector.broadcast %shift_right_arithmetic3A_2159 : i32 to vector<16xi32>
    %shift_right_arithmetic3A_2161 = arith.shrsi %get3A_33, %shift_right_arithmetic3A_2160 : vector<16xi32>
    %and3A_2162 = arith.constant 1 : i32
    %and3A_2163 = vector.broadcast %and3A_2162 : i32 to vector<16xi32>
    %and3A_2164 = arith.andi %shift_right_arithmetic3A_2161, %and3A_2163 : vector<16xi32>
    %eq3A_2165 = arith.constant 1 : i32
    %eq3A_2166 = vector.broadcast %eq3A_2165 : i32 to vector<16xi32>
    %eq3A_2167 = arith.cmpi eq, %and3A_2164, %eq3A_2166 : vector<16xi32>
    %and3A_2168 = arith.andi %eq3A_2057, %eq3A_2167 : vector<16xi1>
    %reduce_or3A_2169 = arith.constant 1.000000e+00 : f32
    %reduce_or3A_2170 = arith.constant 0.000000e+00 : f32
    %reduce_or3A_2171 = vector.broadcast %reduce_or3A_2169 : f32 to vector<16xf32>
    %reduce_or3A_2172 = vector.broadcast %reduce_or3A_2170 : f32 to vector<16xf32>
    %reduce_or3A_2173 = arith.select %and3A_2168, %reduce_or3A_2171, %reduce_or3A_2172 : vector<16xi1>, vector<16xf32>
    %reduce_or3A_2174 = arith.constant true
    %reduce_or3A_2175 = vector.broadcast %reduce_or3A_2174 : i1 to vector<16xi1>
    %reduce_or3A_2176 = tpu.scan <max>, %reduce_or3A_2173 masked %reduce_or3A_2175 : vector<16xf32>, vector<16xi1> -> vector<16xf32>
    %reduce_or3A_2177 = vector.extract %reduce_or3A_2176[15] : f32 from vector<16xf32>
    %reduce_or3A_2178 = arith.constant 0.000000e+00 : f32
    %reduce_or3A_2179 = arith.cmpf ogt, %reduce_or3A_2177, %reduce_or3A_2178 : f32
    %convert_element_type3A_2180 = arith.extui %reduce_or3A_2179 : i1 to i32
    %shift_left3A_2181 = arith.constant 4 : i32
    %shift_left3A_2182 = arith.shli %convert_element_type3A_2180, %shift_left3A_2181 : i32
    %add3A_2183 = arith.addi %add3A_2158, %shift_left3A_2182 : i32
    %mul3A_2184 = arith.constant 32 : i32
    %mul3A_2185 = arith.muli %select_n3A, %mul3A_2184 : i32
    %add3A_2186 = arith.addi %mul3A_2185, %add3A_2183 : i32
    %mul3A_2187 = arith.constant 256 : i32
    %mul3A_2188 = arith.muli %add3A_2186, %mul3A_2187 : i32
    %add3A_2189 = arith.addi %mul3A_2188, %mul3A_32 : i32
    %add3A_2190 = arith.constant 0 : i32
    %add3A_2191 = arith.addi %add3A_164, %add3A_2190 : i32
    %dma_start3A = arith.constant 0 : i32
    %dma_start3A_2192 = arith.constant 0 : i32
    %dma_start3A_2193 = tpu.memref_slice %arg2[%add3A_2191, %dma_start3A, %dma_start3A_2192] : memref<65536x25x25xf32, #tpu.memory_space<hbm>> -> memref<1x25x25xf32, #tpu.memory_space<hbm>>
    %dma_start3A_2194 = tpu.memref_squeeze %dma_start3A_2193 : memref<1x25x25xf32, #tpu.memory_space<hbm>> -> memref<25x25xf32, #tpu.memory_space<hbm>>
    %dma_start3A_2195 = arith.constant 0 : i32
    %dma_start3A_2196 = arith.constant 0 : i32
    %dma_start3A_2197 = tpu.memref_slice %arg2[%add3A_2191, %dma_start3A_2195, %dma_start3A_2196] : memref<65536x25x25xf32, #tpu.memory_space<hbm>> -> memref<1x25x25xf32, #tpu.memory_space<hbm>>
    %dma_start3A_2198 = tpu.memref_squeeze %dma_start3A_2197 : memref<1x25x25xf32, #tpu.memory_space<hbm>> -> memref<25x25xf32, #tpu.memory_space<hbm>>
    tpu.enqueue_dma source(%dma_start3A_2198 : memref<25x25xf32, #tpu.memory_space<hbm>>) target(%arg6 : memref<25x25xf32, #tpu.memory_space<vmem>>) target_semaphore(%arg23 : memref<!tpu.dma_semaphore, #tpu.memory_space<semaphore_mem>>)
    %add3A_2199 = arith.constant 0 : i32
    %add3A_2200 = arith.addi %add3A_299, %add3A_2199 : i32
    %dma_start3A_2201 = arith.constant 0 : i32
    %dma_start3A_2202 = arith.constant 0 : i32
    %dma_start3A_2203 = tpu.memref_slice %arg2[%add3A_2200, %dma_start3A_2201, %dma_start3A_2202] : memref<65536x25x25xf32, #tpu.memory_space<hbm>> -> memref<1x25x25xf32, #tpu.memory_space<hbm>>
    %dma_start3A_2204 = tpu.memref_squeeze %dma_start3A_2203 : memref<1x25x25xf32, #tpu.memory_space<hbm>> -> memref<25x25xf32, #tpu.memory_space<hbm>>
    %dma_start3A_2205 = arith.constant 0 : i32
    %dma_start3A_2206 = arith.constant 0 : i32
    %dma_start3A_2207 = tpu.memref_slice %arg2[%add3A_2200, %dma_start3A_2205, %dma_start3A_2206] : memref<65536x25x25xf32, #tpu.memory_space<hbm>> -> memref<1x25x25xf32, #tpu.memory_space<hbm>>
    %dma_start3A_2208 = tpu.memref_squeeze %dma_start3A_2207 : memref<1x25x25xf32, #tpu.memory_space<hbm>> -> memref<25x25xf32, #tpu.memory_space<hbm>>
    tpu.enqueue_dma source(%dma_start3A_2208 : memref<25x25xf32, #tpu.memory_space<hbm>>) target(%arg7 : memref<25x25xf32, #tpu.memory_space<vmem>>) target_semaphore(%arg23 : memref<!tpu.dma_semaphore, #tpu.memory_space<semaphore_mem>>)
    %add3A_2209 = arith.constant 0 : i32
    %add3A_2210 = arith.addi %add3A_434, %add3A_2209 : i32
    %dma_start3A_2211 = arith.constant 0 : i32
    %dma_start3A_2212 = arith.constant 0 : i32
    %dma_start3A_2213 = tpu.memref_slice %arg2[%add3A_2210, %dma_start3A_2211, %dma_start3A_2212] : memref<65536x25x25xf32, #tpu.memory_space<hbm>> -> memref<1x25x25xf32, #tpu.memory_space<hbm>>
    %dma_start3A_2214 = tpu.memref_squeeze %dma_start3A_2213 : memref<1x25x25xf32, #tpu.memory_space<hbm>> -> memref<25x25xf32, #tpu.memory_space<hbm>>
    %dma_start3A_2215 = arith.constant 0 : i32
    %dma_start3A_2216 = arith.constant 0 : i32
    %dma_start3A_2217 = tpu.memref_slice %arg2[%add3A_2210, %dma_start3A_2215, %dma_start3A_2216] : memref<65536x25x25xf32, #tpu.memory_space<hbm>> -> memref<1x25x25xf32, #tpu.memory_space<hbm>>
    %dma_start3A_2218 = tpu.memref_squeeze %dma_start3A_2217 : memref<1x25x25xf32, #tpu.memory_space<hbm>> -> memref<25x25xf32, #tpu.memory_space<hbm>>
    tpu.enqueue_dma source(%dma_start3A_2218 : memref<25x25xf32, #tpu.memory_space<hbm>>) target(%arg8 : memref<25x25xf32, #tpu.memory_space<vmem>>) target_semaphore(%arg23 : memref<!tpu.dma_semaphore, #tpu.memory_space<semaphore_mem>>)
    %add3A_2219 = arith.constant 0 : i32
    %add3A_2220 = arith.addi %add3A_569, %add3A_2219 : i32
    %dma_start3A_2221 = arith.constant 0 : i32
    %dma_start3A_2222 = arith.constant 0 : i32
    %dma_start3A_2223 = tpu.memref_slice %arg2[%add3A_2220, %dma_start3A_2221, %dma_start3A_2222] : memref<65536x25x25xf32, #tpu.memory_space<hbm>> -> memref<1x25x25xf32, #tpu.memory_space<hbm>>
    %dma_start3A_2224 = tpu.memref_squeeze %dma_start3A_2223 : memref<1x25x25xf32, #tpu.memory_space<hbm>> -> memref<25x25xf32, #tpu.memory_space<hbm>>
    %dma_start3A_2225 = arith.constant 0 : i32
    %dma_start3A_2226 = arith.constant 0 : i32
    %dma_start3A_2227 = tpu.memref_slice %arg2[%add3A_2220, %dma_start3A_2225, %dma_start3A_2226] : memref<65536x25x25xf32, #tpu.memory_space<hbm>> -> memref<1x25x25xf32, #tpu.memory_space<hbm>>
    %dma_start3A_2228 = tpu.memref_squeeze %dma_start3A_2227 : memref<1x25x25xf32, #tpu.memory_space<hbm>> -> memref<25x25xf32, #tpu.memory_space<hbm>>
    tpu.enqueue_dma source(%dma_start3A_2228 : memref<25x25xf32, #tpu.memory_space<hbm>>) target(%arg9 : memref<25x25xf32, #tpu.memory_space<vmem>>) target_semaphore(%arg23 : memref<!tpu.dma_semaphore, #tpu.memory_space<semaphore_mem>>)
    %add3A_2229 = arith.constant 0 : i32
    %add3A_2230 = arith.addi %add3A_704, %add3A_2229 : i32
    %dma_start3A_2231 = arith.constant 0 : i32
    %dma_start3A_2232 = arith.constant 0 : i32
    %dma_start3A_2233 = tpu.memref_slice %arg2[%add3A_2230, %dma_start3A_2231, %dma_start3A_2232] : memref<65536x25x25xf32, #tpu.memory_space<hbm>> -> memref<1x25x25xf32, #tpu.memory_space<hbm>>
    %dma_start3A_2234 = tpu.memref_squeeze %dma_start3A_2233 : memref<1x25x25xf32, #tpu.memory_space<hbm>> -> memref<25x25xf32, #tpu.memory_space<hbm>>
    %dma_start3A_2235 = arith.constant 0 : i32
    %dma_start3A_2236 = arith.constant 0 : i32
    %dma_start3A_2237 = tpu.memref_slice %arg2[%add3A_2230, %dma_start3A_2235, %dma_start3A_2236] : memref<65536x25x25xf32, #tpu.memory_space<hbm>> -> memref<1x25x25xf32, #tpu.memory_space<hbm>>
    %dma_start3A_2238 = tpu.memref_squeeze %dma_start3A_2237 : memref<1x25x25xf32, #tpu.memory_space<hbm>> -> memref<25x25xf32, #tpu.memory_space<hbm>>
    tpu.enqueue_dma source(%dma_start3A_2238 : memref<25x25xf32, #tpu.memory_space<hbm>>) target(%arg10 : memref<25x25xf32, #tpu.memory_space<vmem>>) target_semaphore(%arg23 : memref<!tpu.dma_semaphore, #tpu.memory_space<semaphore_mem>>)
    %add3A_2239 = arith.constant 0 : i32
    %add3A_2240 = arith.addi %add3A_839, %add3A_2239 : i32
    %dma_start3A_2241 = arith.constant 0 : i32
    %dma_start3A_2242 = arith.constant 0 : i32
    %dma_start3A_2243 = tpu.memref_slice %arg2[%add3A_2240, %dma_start3A_2241, %dma_start3A_2242] : memref<65536x25x25xf32, #tpu.memory_space<hbm>> -> memref<1x25x25xf32, #tpu.memory_space<hbm>>
    %dma_start3A_2244 = tpu.memref_squeeze %dma_start3A_2243 : memref<1x25x25xf32, #tpu.memory_space<hbm>> -> memref<25x25xf32, #tpu.memory_space<hbm>>
    %dma_start3A_2245 = arith.constant 0 : i32
    %dma_start3A_2246 = arith.constant 0 : i32
    %dma_start3A_2247 = tpu.memref_slice %arg2[%add3A_2240, %dma_start3A_2245, %dma_start3A_2246] : memref<65536x25x25xf32, #tpu.memory_space<hbm>> -> memref<1x25x25xf32, #tpu.memory_space<hbm>>
    %dma_start3A_2248 = tpu.memref_squeeze %dma_start3A_2247 : memref<1x25x25xf32, #tpu.memory_space<hbm>> -> memref<25x25xf32, #tpu.memory_space<hbm>>
    tpu.enqueue_dma source(%dma_start3A_2248 : memref<25x25xf32, #tpu.memory_space<hbm>>) target(%arg11 : memref<25x25xf32, #tpu.memory_space<vmem>>) target_semaphore(%arg23 : memref<!tpu.dma_semaphore, #tpu.memory_space<semaphore_mem>>)
    %add3A_2249 = arith.constant 0 : i32
    %add3A_2250 = arith.addi %add3A_974, %add3A_2249 : i32
    %dma_start3A_2251 = arith.constant 0 : i32
    %dma_start3A_2252 = arith.constant 0 : i32
    %dma_start3A_2253 = tpu.memref_slice %arg2[%add3A_2250, %dma_start3A_2251, %dma_start3A_2252] : memref<65536x25x25xf32, #tpu.memory_space<hbm>> -> memref<1x25x25xf32, #tpu.memory_space<hbm>>
    %dma_start3A_2254 = tpu.memref_squeeze %dma_start3A_2253 : memref<1x25x25xf32, #tpu.memory_space<hbm>> -> memref<25x25xf32, #tpu.memory_space<hbm>>
    %dma_start3A_2255 = arith.constant 0 : i32
    %dma_start3A_2256 = arith.constant 0 : i32
    %dma_start3A_2257 = tpu.memref_slice %arg2[%add3A_2250, %dma_start3A_2255, %dma_start3A_2256] : memref<65536x25x25xf32, #tpu.memory_space<hbm>> -> memref<1x25x25xf32, #tpu.memory_space<hbm>>
    %dma_start3A_2258 = tpu.memref_squeeze %dma_start3A_2257 : memref<1x25x25xf32, #tpu.memory_space<hbm>> -> memref<25x25xf32, #tpu.memory_space<hbm>>
    tpu.enqueue_dma source(%dma_start3A_2258 : memref<25x25xf32, #tpu.memory_space<hbm>>) target(%arg12 : memref<25x25xf32, #tpu.memory_space<vmem>>) target_semaphore(%arg23 : memref<!tpu.dma_semaphore, #tpu.memory_space<semaphore_mem>>)
    %add3A_2259 = arith.constant 0 : i32
    %add3A_2260 = arith.addi %add3A_1109, %add3A_2259 : i32
    %dma_start3A_2261 = arith.constant 0 : i32
    %dma_start3A_2262 = arith.constant 0 : i32
    %dma_start3A_2263 = tpu.memref_slice %arg2[%add3A_2260, %dma_start3A_2261, %dma_start3A_2262] : memref<65536x25x25xf32, #tpu.memory_space<hbm>> -> memref<1x25x25xf32, #tpu.memory_space<hbm>>
    %dma_start3A_2264 = tpu.memref_squeeze %dma_start3A_2263 : memref<1x25x25xf32, #tpu.memory_space<hbm>> -> memref<25x25xf32, #tpu.memory_space<hbm>>
    %dma_start3A_2265 = arith.constant 0 : i32
    %dma_start3A_2266 = arith.constant 0 : i32
    %dma_start3A_2267 = tpu.memref_slice %arg2[%add3A_2260, %dma_start3A_2265, %dma_start3A_2266] : memref<65536x25x25xf32, #tpu.memory_space<hbm>> -> memref<1x25x25xf32, #tpu.memory_space<hbm>>
    %dma_start3A_2268 = tpu.memref_squeeze %dma_start3A_2267 : memref<1x25x25xf32, #tpu.memory_space<hbm>> -> memref<25x25xf32, #tpu.memory_space<hbm>>
    tpu.enqueue_dma source(%dma_start3A_2268 : memref<25x25xf32, #tpu.memory_space<hbm>>) target(%arg13 : memref<25x25xf32, #tpu.memory_space<vmem>>) target_semaphore(%arg23 : memref<!tpu.dma_semaphore, #tpu.memory_space<semaphore_mem>>)
    %scan3A = arith.constant 0 : i32
    %scan3A_2269 = arith.constant 0 : i32
    %scan3A_2270 = arith.constant 64 : i32
    %scan3A_2271 = arith.addi %scan3A_2269, %scan3A_2270 : i32
    %scan3A_2272 = arith.constant 1 : i32
    scf.for %scan3A_2274 = %scan3A_2269 to %scan3A_2271 step %scan3A_2272  : i32 {
      %add3A_2275 = arith.addi %add3A_1244, %scan3A_2274 : i32
      %dma_start3A_2276 = arith.constant 0 : i32
      %dma_start3A_2277 = arith.constant 0 : i32
      %dma_start3A_2278 = tpu.memref_slice %arg2[%add3A_2275, %dma_start3A_2276, %dma_start3A_2277] : memref<65536x25x25xf32, #tpu.memory_space<hbm>> -> memref<1x25x25xf32, #tpu.memory_space<hbm>>
      %dma_start3A_2279 = tpu.memref_squeeze %dma_start3A_2278 : memref<1x25x25xf32, #tpu.memory_space<hbm>> -> memref<25x25xf32, #tpu.memory_space<hbm>>
      %dma_start3A_2280 = arith.constant 0 : i32
      %dma_start3A_2281 = arith.constant 0 : i32
      %dma_start3A_2282 = tpu.memref_slice %arg2[%add3A_2275, %dma_start3A_2280, %dma_start3A_2281] : memref<65536x25x25xf32, #tpu.memory_space<hbm>> -> memref<1x25x25xf32, #tpu.memory_space<hbm>>
      %dma_start3A_2283 = tpu.memref_squeeze %dma_start3A_2282 : memref<1x25x25xf32, #tpu.memory_space<hbm>> -> memref<25x25xf32, #tpu.memory_space<hbm>>
      tpu.enqueue_dma source(%dma_start3A_2283 : memref<25x25xf32, #tpu.memory_space<hbm>>) target(%arg14 : memref<25x25xf32, #tpu.memory_space<vmem>>) target_semaphore(%arg24 : memref<!tpu.dma_semaphore, #tpu.memory_space<semaphore_mem>>)
      %add3A_2284 = arith.addi %add3A_1379, %scan3A_2274 : i32
      %dma_start3A_2285 = arith.constant 0 : i32
      %dma_start3A_2286 = arith.constant 0 : i32
      %dma_start3A_2287 = tpu.memref_slice %arg2[%add3A_2284, %dma_start3A_2285, %dma_start3A_2286] : memref<65536x25x25xf32, #tpu.memory_space<hbm>> -> memref<1x25x25xf32, #tpu.memory_space<hbm>>
      %dma_start3A_2288 = tpu.memref_squeeze %dma_start3A_2287 : memref<1x25x25xf32, #tpu.memory_space<hbm>> -> memref<25x25xf32, #tpu.memory_space<hbm>>
      %dma_start3A_2289 = arith.constant 0 : i32
      %dma_start3A_2290 = arith.constant 0 : i32
      %dma_start3A_2291 = tpu.memref_slice %arg2[%add3A_2284, %dma_start3A_2289, %dma_start3A_2290] : memref<65536x25x25xf32, #tpu.memory_space<hbm>> -> memref<1x25x25xf32, #tpu.memory_space<hbm>>
      %dma_start3A_2292 = tpu.memref_squeeze %dma_start3A_2291 : memref<1x25x25xf32, #tpu.memory_space<hbm>> -> memref<25x25xf32, #tpu.memory_space<hbm>>
      tpu.enqueue_dma source(%dma_start3A_2292 : memref<25x25xf32, #tpu.memory_space<hbm>>) target(%arg15 : memref<25x25xf32, #tpu.memory_space<vmem>>) target_semaphore(%arg24 : memref<!tpu.dma_semaphore, #tpu.memory_space<semaphore_mem>>)
      %add3A_2293 = arith.addi %add3A_1514, %scan3A_2274 : i32
      %dma_start3A_2294 = arith.constant 0 : i32
      %dma_start3A_2295 = arith.constant 0 : i32
      %dma_start3A_2296 = tpu.memref_slice %arg2[%add3A_2293, %dma_start3A_2294, %dma_start3A_2295] : memref<65536x25x25xf32, #tpu.memory_space<hbm>> -> memref<1x25x25xf32, #tpu.memory_space<hbm>>
      %dma_start3A_2297 = tpu.memref_squeeze %dma_start3A_2296 : memref<1x25x25xf32, #tpu.memory_space<hbm>> -> memref<25x25xf32, #tpu.memory_space<hbm>>
      %dma_start3A_2298 = arith.constant 0 : i32
      %dma_start3A_2299 = arith.constant 0 : i32
      %dma_start3A_2300 = tpu.memref_slice %arg2[%add3A_2293, %dma_start3A_2298, %dma_start3A_2299] : memref<65536x25x25xf32, #tpu.memory_space<hbm>> -> memref<1x25x25xf32, #tpu.memory_space<hbm>>
      %dma_start3A_2301 = tpu.memref_squeeze %dma_start3A_2300 : memref<1x25x25xf32, #tpu.memory_space<hbm>> -> memref<25x25xf32, #tpu.memory_space<hbm>>
      tpu.enqueue_dma source(%dma_start3A_2301 : memref<25x25xf32, #tpu.memory_space<hbm>>) target(%arg16 : memref<25x25xf32, #tpu.memory_space<vmem>>) target_semaphore(%arg24 : memref<!tpu.dma_semaphore, #tpu.memory_space<semaphore_mem>>)
      %add3A_2302 = arith.addi %add3A_1649, %scan3A_2274 : i32
      %dma_start3A_2303 = arith.constant 0 : i32
      %dma_start3A_2304 = arith.constant 0 : i32
      %dma_start3A_2305 = tpu.memref_slice %arg2[%add3A_2302, %dma_start3A_2303, %dma_start3A_2304] : memref<65536x25x25xf32, #tpu.memory_space<hbm>> -> memref<1x25x25xf32, #tpu.memory_space<hbm>>
      %dma_start3A_2306 = tpu.memref_squeeze %dma_start3A_2305 : memref<1x25x25xf32, #tpu.memory_space<hbm>> -> memref<25x25xf32, #tpu.memory_space<hbm>>
      %dma_start3A_2307 = arith.constant 0 : i32
      %dma_start3A_2308 = arith.constant 0 : i32
      %dma_start3A_2309 = tpu.memref_slice %arg2[%add3A_2302, %dma_start3A_2307, %dma_start3A_2308] : memref<65536x25x25xf32, #tpu.memory_space<hbm>> -> memref<1x25x25xf32, #tpu.memory_space<hbm>>
      %dma_start3A_2310 = tpu.memref_squeeze %dma_start3A_2309 : memref<1x25x25xf32, #tpu.memory_space<hbm>> -> memref<25x25xf32, #tpu.memory_space<hbm>>
      tpu.enqueue_dma source(%dma_start3A_2310 : memref<25x25xf32, #tpu.memory_space<hbm>>) target(%arg17 : memref<25x25xf32, #tpu.memory_space<vmem>>) target_semaphore(%arg24 : memref<!tpu.dma_semaphore, #tpu.memory_space<semaphore_mem>>)
      %add3A_2311 = arith.addi %add3A_1784, %scan3A_2274 : i32
      %dma_start3A_2312 = arith.constant 0 : i32
      %dma_start3A_2313 = arith.constant 0 : i32
      %dma_start3A_2314 = tpu.memref_slice %arg2[%add3A_2311, %dma_start3A_2312, %dma_start3A_2313] : memref<65536x25x25xf32, #tpu.memory_space<hbm>> -> memref<1x25x25xf32, #tpu.memory_space<hbm>>
      %dma_start3A_2315 = tpu.memref_squeeze %dma_start3A_2314 : memref<1x25x25xf32, #tpu.memory_space<hbm>> -> memref<25x25xf32, #tpu.memory_space<hbm>>
      %dma_start3A_2316 = arith.constant 0 : i32
      %dma_start3A_2317 = arith.constant 0 : i32
      %dma_start3A_2318 = tpu.memref_slice %arg2[%add3A_2311, %dma_start3A_2316, %dma_start3A_2317] : memref<65536x25x25xf32, #tpu.memory_space<hbm>> -> memref<1x25x25xf32, #tpu.memory_space<hbm>>
      %dma_start3A_2319 = tpu.memref_squeeze %dma_start3A_2318 : memref<1x25x25xf32, #tpu.memory_space<hbm>> -> memref<25x25xf32, #tpu.memory_space<hbm>>
      tpu.enqueue_dma source(%dma_start3A_2319 : memref<25x25xf32, #tpu.memory_space<hbm>>) target(%arg18 : memref<25x25xf32, #tpu.memory_space<vmem>>) target_semaphore(%arg24 : memref<!tpu.dma_semaphore, #tpu.memory_space<semaphore_mem>>)
      %add3A_2320 = arith.addi %add3A_1919, %scan3A_2274 : i32
      %dma_start3A_2321 = arith.constant 0 : i32
      %dma_start3A_2322 = arith.constant 0 : i32
      %dma_start3A_2323 = tpu.memref_slice %arg2[%add3A_2320, %dma_start3A_2321, %dma_start3A_2322] : memref<65536x25x25xf32, #tpu.memory_space<hbm>> -> memref<1x25x25xf32, #tpu.memory_space<hbm>>
      %dma_start3A_2324 = tpu.memref_squeeze %dma_start3A_2323 : memref<1x25x25xf32, #tpu.memory_space<hbm>> -> memref<25x25xf32, #tpu.memory_space<hbm>>
      %dma_start3A_2325 = arith.constant 0 : i32
      %dma_start3A_2326 = arith.constant 0 : i32
      %dma_start3A_2327 = tpu.memref_slice %arg2[%add3A_2320, %dma_start3A_2325, %dma_start3A_2326] : memref<65536x25x25xf32, #tpu.memory_space<hbm>> -> memref<1x25x25xf32, #tpu.memory_space<hbm>>
      %dma_start3A_2328 = tpu.memref_squeeze %dma_start3A_2327 : memref<1x25x25xf32, #tpu.memory_space<hbm>> -> memref<25x25xf32, #tpu.memory_space<hbm>>
      tpu.enqueue_dma source(%dma_start3A_2328 : memref<25x25xf32, #tpu.memory_space<hbm>>) target(%arg19 : memref<25x25xf32, #tpu.memory_space<vmem>>) target_semaphore(%arg24 : memref<!tpu.dma_semaphore, #tpu.memory_space<semaphore_mem>>)
      %add3A_2329 = arith.addi %add3A_2054, %scan3A_2274 : i32
      %dma_start3A_2330 = arith.constant 0 : i32
      %dma_start3A_2331 = arith.constant 0 : i32
      %dma_start3A_2332 = tpu.memref_slice %arg2[%add3A_2329, %dma_start3A_2330, %dma_start3A_2331] : memref<65536x25x25xf32, #tpu.memory_space<hbm>> -> memref<1x25x25xf32, #tpu.memory_space<hbm>>
      %dma_start3A_2333 = tpu.memref_squeeze %dma_start3A_2332 : memref<1x25x25xf32, #tpu.memory_space<hbm>> -> memref<25x25xf32, #tpu.memory_space<hbm>>
      %dma_start3A_2334 = arith.constant 0 : i32
      %dma_start3A_2335 = arith.constant 0 : i32
      %dma_start3A_2336 = tpu.memref_slice %arg2[%add3A_2329, %dma_start3A_2334, %dma_start3A_2335] : memref<65536x25x25xf32, #tpu.memory_space<hbm>> -> memref<1x25x25xf32, #tpu.memory_space<hbm>>
      %dma_start3A_2337 = tpu.memref_squeeze %dma_start3A_2336 : memref<1x25x25xf32, #tpu.memory_space<hbm>> -> memref<25x25xf32, #tpu.memory_space<hbm>>
      tpu.enqueue_dma source(%dma_start3A_2337 : memref<25x25xf32, #tpu.memory_space<hbm>>) target(%arg20 : memref<25x25xf32, #tpu.memory_space<vmem>>) target_semaphore(%arg24 : memref<!tpu.dma_semaphore, #tpu.memory_space<semaphore_mem>>)
      %add3A_2338 = arith.addi %add3A_2189, %scan3A_2274 : i32
      %dma_start3A_2339 = arith.constant 0 : i32
      %dma_start3A_2340 = arith.constant 0 : i32
      %dma_start3A_2341 = tpu.memref_slice %arg2[%add3A_2338, %dma_start3A_2339, %dma_start3A_2340] : memref<65536x25x25xf32, #tpu.memory_space<hbm>> -> memref<1x25x25xf32, #tpu.memory_space<hbm>>
      %dma_start3A_2342 = tpu.memref_squeeze %dma_start3A_2341 : memref<1x25x25xf32, #tpu.memory_space<hbm>> -> memref<25x25xf32, #tpu.memory_space<hbm>>
      %dma_start3A_2343 = arith.constant 0 : i32
      %dma_start3A_2344 = arith.constant 0 : i32
      %dma_start3A_2345 = tpu.memref_slice %arg2[%add3A_2338, %dma_start3A_2343, %dma_start3A_2344] : memref<65536x25x25xf32, #tpu.memory_space<hbm>> -> memref<1x25x25xf32, #tpu.memory_space<hbm>>
      %dma_start3A_2346 = tpu.memref_squeeze %dma_start3A_2345 : memref<1x25x25xf32, #tpu.memory_space<hbm>> -> memref<25x25xf32, #tpu.memory_space<hbm>>
      tpu.enqueue_dma source(%dma_start3A_2346 : memref<25x25xf32, #tpu.memory_space<hbm>>) target(%arg21 : memref<25x25xf32, #tpu.memory_space<vmem>>) target_semaphore(%arg24 : memref<!tpu.dma_semaphore, #tpu.memory_space<semaphore_mem>>)
      %add3A_2347 = arith.addi %add3A_164, %scan3A_2274 : i32
      %dma_wait3A = arith.constant 0 : i32
      %dma_wait3A_2348 = arith.constant 0 : i32
      %dma_wait3A_2349 = tpu.memref_slice %arg2[%add3A_2347, %dma_wait3A, %dma_wait3A_2348] : memref<65536x25x25xf32, #tpu.memory_space<hbm>> -> memref<1x25x25xf32, #tpu.memory_space<hbm>>
      %dma_wait3A_2350 = tpu.memref_squeeze %dma_wait3A_2349 : memref<1x25x25xf32, #tpu.memory_space<hbm>> -> memref<25x25xf32, #tpu.memory_space<hbm>>
      %dma_wait3A_2351 = arith.constant 0 : i32
      %dma_wait3A_2352 = arith.constant 0 : i32
      %dma_wait3A_2353 = tpu.memref_slice %arg2[%add3A_2347, %dma_wait3A_2351, %dma_wait3A_2352] : memref<65536x25x25xf32, #tpu.memory_space<hbm>> -> memref<1x25x25xf32, #tpu.memory_space<hbm>>
      %dma_wait3A_2354 = tpu.memref_squeeze %dma_wait3A_2353 : memref<1x25x25xf32, #tpu.memory_space<hbm>> -> memref<25x25xf32, #tpu.memory_space<hbm>>
      tpu.wait_dma2 semaphore(%arg23 : memref<!tpu.dma_semaphore, #tpu.memory_space<semaphore_mem>>) src(%dma_wait3A_2354 : memref<25x25xf32, #tpu.memory_space<hbm>>) dst(%arg6 : memref<25x25xf32, #tpu.memory_space<vmem>>)
      %add3A_2355 = arith.addi %add3A_299, %scan3A_2274 : i32
      %dma_wait3A_2356 = arith.constant 0 : i32
      %dma_wait3A_2357 = arith.constant 0 : i32
      %dma_wait3A_2358 = tpu.memref_slice %arg2[%add3A_2355, %dma_wait3A_2356, %dma_wait3A_2357] : memref<65536x25x25xf32, #tpu.memory_space<hbm>> -> memref<1x25x25xf32, #tpu.memory_space<hbm>>
      %dma_wait3A_2359 = tpu.memref_squeeze %dma_wait3A_2358 : memref<1x25x25xf32, #tpu.memory_space<hbm>> -> memref<25x25xf32, #tpu.memory_space<hbm>>
      %dma_wait3A_2360 = arith.constant 0 : i32
      %dma_wait3A_2361 = arith.constant 0 : i32
      %dma_wait3A_2362 = tpu.memref_slice %arg2[%add3A_2355, %dma_wait3A_2360, %dma_wait3A_2361] : memref<65536x25x25xf32, #tpu.memory_space<hbm>> -> memref<1x25x25xf32, #tpu.memory_space<hbm>>
      %dma_wait3A_2363 = tpu.memref_squeeze %dma_wait3A_2362 : memref<1x25x25xf32, #tpu.memory_space<hbm>> -> memref<25x25xf32, #tpu.memory_space<hbm>>
      tpu.wait_dma2 semaphore(%arg23 : memref<!tpu.dma_semaphore, #tpu.memory_space<semaphore_mem>>) src(%dma_wait3A_2363 : memref<25x25xf32, #tpu.memory_space<hbm>>) dst(%arg7 : memref<25x25xf32, #tpu.memory_space<vmem>>)
      %add3A_2364 = arith.addi %add3A_434, %scan3A_2274 : i32
      %dma_wait3A_2365 = arith.constant 0 : i32
      %dma_wait3A_2366 = arith.constant 0 : i32
      %dma_wait3A_2367 = tpu.memref_slice %arg2[%add3A_2364, %dma_wait3A_2365, %dma_wait3A_2366] : memref<65536x25x25xf32, #tpu.memory_space<hbm>> -> memref<1x25x25xf32, #tpu.memory_space<hbm>>
      %dma_wait3A_2368 = tpu.memref_squeeze %dma_wait3A_2367 : memref<1x25x25xf32, #tpu.memory_space<hbm>> -> memref<25x25xf32, #tpu.memory_space<hbm>>
      %dma_wait3A_2369 = arith.constant 0 : i32
      %dma_wait3A_2370 = arith.constant 0 : i32
      %dma_wait3A_2371 = tpu.memref_slice %arg2[%add3A_2364, %dma_wait3A_2369, %dma_wait3A_2370] : memref<65536x25x25xf32, #tpu.memory_space<hbm>> -> memref<1x25x25xf32, #tpu.memory_space<hbm>>
      %dma_wait3A_2372 = tpu.memref_squeeze %dma_wait3A_2371 : memref<1x25x25xf32, #tpu.memory_space<hbm>> -> memref<25x25xf32, #tpu.memory_space<hbm>>
      tpu.wait_dma2 semaphore(%arg23 : memref<!tpu.dma_semaphore, #tpu.memory_space<semaphore_mem>>) src(%dma_wait3A_2372 : memref<25x25xf32, #tpu.memory_space<hbm>>) dst(%arg8 : memref<25x25xf32, #tpu.memory_space<vmem>>)
      %add3A_2373 = arith.addi %add3A_569, %scan3A_2274 : i32
      %dma_wait3A_2374 = arith.constant 0 : i32
      %dma_wait3A_2375 = arith.constant 0 : i32
      %dma_wait3A_2376 = tpu.memref_slice %arg2[%add3A_2373, %dma_wait3A_2374, %dma_wait3A_2375] : memref<65536x25x25xf32, #tpu.memory_space<hbm>> -> memref<1x25x25xf32, #tpu.memory_space<hbm>>
      %dma_wait3A_2377 = tpu.memref_squeeze %dma_wait3A_2376 : memref<1x25x25xf32, #tpu.memory_space<hbm>> -> memref<25x25xf32, #tpu.memory_space<hbm>>
      %dma_wait3A_2378 = arith.constant 0 : i32
      %dma_wait3A_2379 = arith.constant 0 : i32
      %dma_wait3A_2380 = tpu.memref_slice %arg2[%add3A_2373, %dma_wait3A_2378, %dma_wait3A_2379] : memref<65536x25x25xf32, #tpu.memory_space<hbm>> -> memref<1x25x25xf32, #tpu.memory_space<hbm>>
      %dma_wait3A_2381 = tpu.memref_squeeze %dma_wait3A_2380 : memref<1x25x25xf32, #tpu.memory_space<hbm>> -> memref<25x25xf32, #tpu.memory_space<hbm>>
      tpu.wait_dma2 semaphore(%arg23 : memref<!tpu.dma_semaphore, #tpu.memory_space<semaphore_mem>>) src(%dma_wait3A_2381 : memref<25x25xf32, #tpu.memory_space<hbm>>) dst(%arg9 : memref<25x25xf32, #tpu.memory_space<vmem>>)
      %add3A_2382 = arith.addi %add3A_704, %scan3A_2274 : i32
      %dma_wait3A_2383 = arith.constant 0 : i32
      %dma_wait3A_2384 = arith.constant 0 : i32
      %dma_wait3A_2385 = tpu.memref_slice %arg2[%add3A_2382, %dma_wait3A_2383, %dma_wait3A_2384] : memref<65536x25x25xf32, #tpu.memory_space<hbm>> -> memref<1x25x25xf32, #tpu.memory_space<hbm>>
      %dma_wait3A_2386 = tpu.memref_squeeze %dma_wait3A_2385 : memref<1x25x25xf32, #tpu.memory_space<hbm>> -> memref<25x25xf32, #tpu.memory_space<hbm>>
      %dma_wait3A_2387 = arith.constant 0 : i32
      %dma_wait3A_2388 = arith.constant 0 : i32
      %dma_wait3A_2389 = tpu.memref_slice %arg2[%add3A_2382, %dma_wait3A_2387, %dma_wait3A_2388] : memref<65536x25x25xf32, #tpu.memory_space<hbm>> -> memref<1x25x25xf32, #tpu.memory_space<hbm>>
      %dma_wait3A_2390 = tpu.memref_squeeze %dma_wait3A_2389 : memref<1x25x25xf32, #tpu.memory_space<hbm>> -> memref<25x25xf32, #tpu.memory_space<hbm>>
      tpu.wait_dma2 semaphore(%arg23 : memref<!tpu.dma_semaphore, #tpu.memory_space<semaphore_mem>>) src(%dma_wait3A_2390 : memref<25x25xf32, #tpu.memory_space<hbm>>) dst(%arg10 : memref<25x25xf32, #tpu.memory_space<vmem>>)
      %add3A_2391 = arith.addi %add3A_839, %scan3A_2274 : i32
      %dma_wait3A_2392 = arith.constant 0 : i32
      %dma_wait3A_2393 = arith.constant 0 : i32
      %dma_wait3A_2394 = tpu.memref_slice %arg2[%add3A_2391, %dma_wait3A_2392, %dma_wait3A_2393] : memref<65536x25x25xf32, #tpu.memory_space<hbm>> -> memref<1x25x25xf32, #tpu.memory_space<hbm>>
      %dma_wait3A_2395 = tpu.memref_squeeze %dma_wait3A_2394 : memref<1x25x25xf32, #tpu.memory_space<hbm>> -> memref<25x25xf32, #tpu.memory_space<hbm>>
      %dma_wait3A_2396 = arith.constant 0 : i32
      %dma_wait3A_2397 = arith.constant 0 : i32
      %dma_wait3A_2398 = tpu.memref_slice %arg2[%add3A_2391, %dma_wait3A_2396, %dma_wait3A_2397] : memref<65536x25x25xf32, #tpu.memory_space<hbm>> -> memref<1x25x25xf32, #tpu.memory_space<hbm>>
      %dma_wait3A_2399 = tpu.memref_squeeze %dma_wait3A_2398 : memref<1x25x25xf32, #tpu.memory_space<hbm>> -> memref<25x25xf32, #tpu.memory_space<hbm>>
      tpu.wait_dma2 semaphore(%arg23 : memref<!tpu.dma_semaphore, #tpu.memory_space<semaphore_mem>>) src(%dma_wait3A_2399 : memref<25x25xf32, #tpu.memory_space<hbm>>) dst(%arg11 : memref<25x25xf32, #tpu.memory_space<vmem>>)
      %add3A_2400 = arith.addi %add3A_974, %scan3A_2274 : i32
      %dma_wait3A_2401 = arith.constant 0 : i32
      %dma_wait3A_2402 = arith.constant 0 : i32
      %dma_wait3A_2403 = tpu.memref_slice %arg2[%add3A_2400, %dma_wait3A_2401, %dma_wait3A_2402] : memref<65536x25x25xf32, #tpu.memory_space<hbm>> -> memref<1x25x25xf32, #tpu.memory_space<hbm>>
      %dma_wait3A_2404 = tpu.memref_squeeze %dma_wait3A_2403 : memref<1x25x25xf32, #tpu.memory_space<hbm>> -> memref<25x25xf32, #tpu.memory_space<hbm>>
      %dma_wait3A_2405 = arith.constant 0 : i32
      %dma_wait3A_2406 = arith.constant 0 : i32
      %dma_wait3A_2407 = tpu.memref_slice %arg2[%add3A_2400, %dma_wait3A_2405, %dma_wait3A_2406] : memref<65536x25x25xf32, #tpu.memory_space<hbm>> -> memref<1x25x25xf32, #tpu.memory_space<hbm>>
      %dma_wait3A_2408 = tpu.memref_squeeze %dma_wait3A_2407 : memref<1x25x25xf32, #tpu.memory_space<hbm>> -> memref<25x25xf32, #tpu.memory_space<hbm>>
      tpu.wait_dma2 semaphore(%arg23 : memref<!tpu.dma_semaphore, #tpu.memory_space<semaphore_mem>>) src(%dma_wait3A_2408 : memref<25x25xf32, #tpu.memory_space<hbm>>) dst(%arg12 : memref<25x25xf32, #tpu.memory_space<vmem>>)
      %add3A_2409 = arith.addi %add3A_1109, %scan3A_2274 : i32
      %dma_wait3A_2410 = arith.constant 0 : i32
      %dma_wait3A_2411 = arith.constant 0 : i32
      %dma_wait3A_2412 = tpu.memref_slice %arg2[%add3A_2409, %dma_wait3A_2410, %dma_wait3A_2411] : memref<65536x25x25xf32, #tpu.memory_space<hbm>> -> memref<1x25x25xf32, #tpu.memory_space<hbm>>
      %dma_wait3A_2413 = tpu.memref_squeeze %dma_wait3A_2412 : memref<1x25x25xf32, #tpu.memory_space<hbm>> -> memref<25x25xf32, #tpu.memory_space<hbm>>
      %dma_wait3A_2414 = arith.constant 0 : i32
      %dma_wait3A_2415 = arith.constant 0 : i32
      %dma_wait3A_2416 = tpu.memref_slice %arg2[%add3A_2409, %dma_wait3A_2414, %dma_wait3A_2415] : memref<65536x25x25xf32, #tpu.memory_space<hbm>> -> memref<1x25x25xf32, #tpu.memory_space<hbm>>
      %dma_wait3A_2417 = tpu.memref_squeeze %dma_wait3A_2416 : memref<1x25x25xf32, #tpu.memory_space<hbm>> -> memref<25x25xf32, #tpu.memory_space<hbm>>
      tpu.wait_dma2 semaphore(%arg23 : memref<!tpu.dma_semaphore, #tpu.memory_space<semaphore_mem>>) src(%dma_wait3A_2417 : memref<25x25xf32, #tpu.memory_space<hbm>>) dst(%arg13 : memref<25x25xf32, #tpu.memory_space<vmem>>)
      %scan3A_2418 = arith.constant 0 : i32
      %scan3A_2419 = arith.constant 0 : i32
      %scan3A_2420 = arith.constant 25 : i32
      %scan3A_2421 = arith.addi %scan3A_2419, %scan3A_2420 : i32
      %scan3A_2422 = arith.constant 5 : i32
      scf.for %scan3A_2512 = %scan3A_2419 to %scan3A_2421 step %scan3A_2422  : i32 {
        %get3A_2513 = arith.index_cast %scan3A_2512 : i32 to index
        %get3A_2514 = arith.constant 0 : index
        %get3A_2515 = tpu.vector_load %arg6[%get3A_2513, %get3A_2514] {strides = array<i32>} : memref<25x25xf32, #tpu.memory_space<vmem>>, vector<16xf32>,
        %get3A_2516 = arith.index_cast %scan3A_2512 : i32 to index
        %get3A_2517 = arith.constant 0 : index
        %get3A_2518 = tpu.vector_load %arg7[%get3A_2516, %get3A_2517] {strides = array<i32>} : memref<25x25xf32, #tpu.memory_space<vmem>>, vector<16xf32>,
        %add3A_2519 = arith.addf %get3A_2515, %get3A_2518 : vector<16xf32>
        %get3A_2520 = arith.index_cast %scan3A_2512 : i32 to index
        %get3A_2521 = arith.constant 0 : index
        %get3A_2522 = tpu.vector_load %arg8[%get3A_2520, %get3A_2521] {strides = array<i32>} : memref<25x25xf32, #tpu.memory_space<vmem>>, vector<16xf32>,
        %add3A_2523 = arith.addf %add3A_2519, %get3A_2522 : vector<16xf32>
        %get3A_2524 = arith.index_cast %scan3A_2512 : i32 to index
        %get3A_2525 = arith.constant 0 : index
        %get3A_2526 = tpu.vector_load %arg9[%get3A_2524, %get3A_2525] {strides = array<i32>} : memref<25x25xf32, #tpu.memory_space<vmem>>, vector<16xf32>,
        %add3A_2527 = arith.addf %add3A_2523, %get3A_2526 : vector<16xf32>
        %get3A_2528 = arith.index_cast %scan3A_2512 : i32 to index
        %get3A_2529 = arith.constant 0 : index
        %get3A_2530 = tpu.vector_load %arg10[%get3A_2528, %get3A_2529] {strides = array<i32>} : memref<25x25xf32, #tpu.memory_space<vmem>>, vector<16xf32>,
        %add3A_2531 = arith.addf %add3A_2527, %get3A_2530 : vector<16xf32>
        %get3A_2532 = arith.index_cast %scan3A_2512 : i32 to index
        %get3A_2533 = arith.constant 0 : index
        %get3A_2534 = tpu.vector_load %arg11[%get3A_2532, %get3A_2533] {strides = array<i32>} : memref<25x25xf32, #tpu.memory_space<vmem>>, vector<16xf32>,
        %add3A_2535 = arith.addf %add3A_2531, %get3A_2534 : vector<16xf32>
        %get3A_2536 = arith.index_cast %scan3A_2512 : i32 to index
        %get3A_2537 = arith.constant 0 : index
        %get3A_2538 = tpu.vector_load %arg12[%get3A_2536, %get3A_2537] {strides = array<i32>} : memref<25x25xf32, #tpu.memory_space<vmem>>, vector<16xf32>,
        %add3A_2539 = arith.addf %add3A_2535, %get3A_2538 : vector<16xf32>
        %get3A_2540 = arith.index_cast %scan3A_2512 : i32 to index
        %get3A_2541 = arith.constant 0 : index
        %get3A_2542 = tpu.vector_load %arg13[%get3A_2540, %get3A_2541] {strides = array<i32>} : memref<25x25xf32, #tpu.memory_space<vmem>>, vector<16xf32>,
        %add3A_2543 = arith.addf %add3A_2539, %get3A_2542 : vector<16xf32>
        %get3A_2544 = arith.index_cast %scan3A_2512 : i32 to index
        %get3A_2545 = arith.constant 9 : index
        %get3A_2546 = tpu.vector_load %arg6[%get3A_2544, %get3A_2545] {strides = array<i32>} : memref<25x25xf32, #tpu.memory_space<vmem>>, vector<16xf32>,
        %get3A_2547 = arith.index_cast %scan3A_2512 : i32 to index
        %get3A_2548 = arith.constant 9 : index
        %get3A_2549 = tpu.vector_load %arg7[%get3A_2547, %get3A_2548] {strides = array<i32>} : memref<25x25xf32, #tpu.memory_space<vmem>>, vector<16xf32>,
        %add3A_2550 = arith.addf %get3A_2546, %get3A_2549 : vector<16xf32>
        %get3A_2551 = arith.index_cast %scan3A_2512 : i32 to index
        %get3A_2552 = arith.constant 9 : index
        %get3A_2553 = tpu.vector_load %arg8[%get3A_2551, %get3A_2552] {strides = array<i32>} : memref<25x25xf32, #tpu.memory_space<vmem>>, vector<16xf32>,
        %add3A_2554 = arith.addf %add3A_2550, %get3A_2553 : vector<16xf32>
        %get3A_2555 = arith.index_cast %scan3A_2512 : i32 to index
        %get3A_2556 = arith.constant 9 : index
        %get3A_2557 = tpu.vector_load %arg9[%get3A_2555, %get3A_2556] {strides = array<i32>} : memref<25x25xf32, #tpu.memory_space<vmem>>, vector<16xf32>,
        %add3A_2558 = arith.addf %add3A_2554, %get3A_2557 : vector<16xf32>
        %get3A_2559 = arith.index_cast %scan3A_2512 : i32 to index
        %get3A_2560 = arith.constant 9 : index
        %get3A_2561 = tpu.vector_load %arg10[%get3A_2559, %get3A_2560] {strides = array<i32>} : memref<25x25xf32, #tpu.memory_space<vmem>>, vector<16xf32>,
        %add3A_2562 = arith.addf %add3A_2558, %get3A_2561 : vector<16xf32>
        %get3A_2563 = arith.index_cast %scan3A_2512 : i32 to index
        %get3A_2564 = arith.constant 9 : index
        %get3A_2565 = tpu.vector_load %arg11[%get3A_2563, %get3A_2564] {strides = array<i32>} : memref<25x25xf32, #tpu.memory_space<vmem>>, vector<16xf32>,
        %add3A_2566 = arith.addf %add3A_2562, %get3A_2565 : vector<16xf32>
        %get3A_2567 = arith.index_cast %scan3A_2512 : i32 to index
        %get3A_2568 = arith.constant 9 : index
        %get3A_2569 = tpu.vector_load %arg12[%get3A_2567, %get3A_2568] {strides = array<i32>} : memref<25x25xf32, #tpu.memory_space<vmem>>, vector<16xf32>,
        %add3A_2570 = arith.addf %add3A_2566, %get3A_2569 : vector<16xf32>
        %get3A_2571 = arith.index_cast %scan3A_2512 : i32 to index
        %get3A_2572 = arith.constant 9 : index
        %get3A_2573 = tpu.vector_load %arg13[%get3A_2571, %get3A_2572] {strides = array<i32>} : memref<25x25xf32, #tpu.memory_space<vmem>>, vector<16xf32>,
        %add3A_2574 = arith.addf %add3A_2570, %get3A_2573 : vector<16xf32>
        %swap3A = arith.index_cast %scan3A_2512 : i32 to index
        %swap3A_2575 = arith.constant 0 : index
        %swap3A_2576 = tpu.vector_load %arg22[%swap3A, %swap3A_2575] {strides = array<i32>} : memref<25x25xf32, #tpu.memory_space<vmem>>, vector<16xf32>,
        tpu.vector_store %arg22[%swap3A, %swap3A_2575], %add3A_2543 {strides = array<i32>} : memref<25x25xf32, #tpu.memory_space<vmem>>, vector<16xf32>,
        %swap3A_2577 = arith.index_cast %scan3A_2512 : i32 to index
        %swap3A_2578 = arith.constant 9 : index
        %swap3A_2579 = tpu.vector_load %arg22[%swap3A_2577, %swap3A_2578] {strides = array<i32>} : memref<25x25xf32, #tpu.memory_space<vmem>>, vector<16xf32>,
        tpu.vector_store %arg22[%swap3A_2577, %swap3A_2578], %add3A_2574 {strides = array<i32>} : memref<25x25xf32, #tpu.memory_space<vmem>>, vector<16xf32>,
        %scan3A_2580 = arith.constant 1 : i32
        %scan3A_2581 = arith.addi %scan3A_2512, %scan3A_2580 : i32
        %get3A_2582 = arith.index_cast %scan3A_2581 : i32 to index
        %get3A_2583 = arith.constant 0 : index
        %get3A_2584 = tpu.vector_load %arg6[%get3A_2582, %get3A_2583] {strides = array<i32>} : memref<25x25xf32, #tpu.memory_space<vmem>>, vector<16xf32>,
        %get3A_2585 = arith.index_cast %scan3A_2581 : i32 to index
        %get3A_2586 = arith.constant 0 : index
        %get3A_2587 = tpu.vector_load %arg7[%get3A_2585, %get3A_2586] {strides = array<i32>} : memref<25x25xf32, #tpu.memory_space<vmem>>, vector<16xf32>,
        %add3A_2588 = arith.addf %get3A_2584, %get3A_2587 : vector<16xf32>
        %get3A_2589 = arith.index_cast %scan3A_2581 : i32 to index
        %get3A_2590 = arith.constant 0 : index
        %get3A_2591 = tpu.vector_load %arg8[%get3A_2589, %get3A_2590] {strides = array<i32>} : memref<25x25xf32, #tpu.memory_space<vmem>>, vector<16xf32>,
        %add3A_2592 = arith.addf %add3A_2588, %get3A_2591 : vector<16xf32>
        %get3A_2593 = arith.index_cast %scan3A_2581 : i32 to index
        %get3A_2594 = arith.constant 0 : index
        %get3A_2595 = tpu.vector_load %arg9[%get3A_2593, %get3A_2594] {strides = array<i32>} : memref<25x25xf32, #tpu.memory_space<vmem>>, vector<16xf32>,
        %add3A_2596 = arith.addf %add3A_2592, %get3A_2595 : vector<16xf32>
        %get3A_2597 = arith.index_cast %scan3A_2581 : i32 to index
        %get3A_2598 = arith.constant 0 : index
        %get3A_2599 = tpu.vector_load %arg10[%get3A_2597, %get3A_2598] {strides = array<i32>} : memref<25x25xf32, #tpu.memory_space<vmem>>, vector<16xf32>,
        %add3A_2600 = arith.addf %add3A_2596, %get3A_2599 : vector<16xf32>
        %get3A_2601 = arith.index_cast %scan3A_2581 : i32 to index
        %get3A_2602 = arith.constant 0 : index
        %get3A_2603 = tpu.vector_load %arg11[%get3A_2601, %get3A_2602] {strides = array<i32>} : memref<25x25xf32, #tpu.memory_space<vmem>>, vector<16xf32>,
        %add3A_2604 = arith.addf %add3A_2600, %get3A_2603 : vector<16xf32>
        %get3A_2605 = arith.index_cast %scan3A_2581 : i32 to index
        %get3A_2606 = arith.constant 0 : index
        %get3A_2607 = tpu.vector_load %arg12[%get3A_2605, %get3A_2606] {strides = array<i32>} : memref<25x25xf32, #tpu.memory_space<vmem>>, vector<16xf32>,
        %add3A_2608 = arith.addf %add3A_2604, %get3A_2607 : vector<16xf32>
        %get3A_2609 = arith.index_cast %scan3A_2581 : i32 to index
        %get3A_2610 = arith.constant 0 : index
        %get3A_2611 = tpu.vector_load %arg13[%get3A_2609, %get3A_2610] {strides = array<i32>} : memref<25x25xf32, #tpu.memory_space<vmem>>, vector<16xf32>,
        %add3A_2612 = arith.addf %add3A_2608, %get3A_2611 : vector<16xf32>
        %get3A_2613 = arith.index_cast %scan3A_2581 : i32 to index
        %get3A_2614 = arith.constant 9 : index
        %get3A_2615 = tpu.vector_load %arg6[%get3A_2613, %get3A_2614] {strides = array<i32>} : memref<25x25xf32, #tpu.memory_space<vmem>>, vector<16xf32>,
        %get3A_2616 = arith.index_cast %scan3A_2581 : i32 to index
        %get3A_2617 = arith.constant 9 : index
        %get3A_2618 = tpu.vector_load %arg7[%get3A_2616, %get3A_2617] {strides = array<i32>} : memref<25x25xf32, #tpu.memory_space<vmem>>, vector<16xf32>,
        %add3A_2619 = arith.addf %get3A_2615, %get3A_2618 : vector<16xf32>
        %get3A_2620 = arith.index_cast %scan3A_2581 : i32 to index
        %get3A_2621 = arith.constant 9 : index
        %get3A_2622 = tpu.vector_load %arg8[%get3A_2620, %get3A_2621] {strides = array<i32>} : memref<25x25xf32, #tpu.memory_space<vmem>>, vector<16xf32>,
        %add3A_2623 = arith.addf %add3A_2619, %get3A_2622 : vector<16xf32>
        %get3A_2624 = arith.index_cast %scan3A_2581 : i32 to index
        %get3A_2625 = arith.constant 9 : index
        %get3A_2626 = tpu.vector_load %arg9[%get3A_2624, %get3A_2625] {strides = array<i32>} : memref<25x25xf32, #tpu.memory_space<vmem>>, vector<16xf32>,
        %add3A_2627 = arith.addf %add3A_2623, %get3A_2626 : vector<16xf32>
        %get3A_2628 = arith.index_cast %scan3A_2581 : i32 to index
        %get3A_2629 = arith.constant 9 : index
        %get3A_2630 = tpu.vector_load %arg10[%get3A_2628, %get3A_2629] {strides = array<i32>} : memref<25x25xf32, #tpu.memory_space<vmem>>, vector<16xf32>,
        %add3A_2631 = arith.addf %add3A_2627, %get3A_2630 : vector<16xf32>
        %get3A_2632 = arith.index_cast %scan3A_2581 : i32 to index
        %get3A_2633 = arith.constant 9 : index
        %get3A_2634 = tpu.vector_load %arg11[%get3A_2632, %get3A_2633] {strides = array<i32>} : memref<25x25xf32, #tpu.memory_space<vmem>>, vector<16xf32>,
        %add3A_2635 = arith.addf %add3A_2631, %get3A_2634 : vector<16xf32>
        %get3A_2636 = arith.index_cast %scan3A_2581 : i32 to index
        %get3A_2637 = arith.constant 9 : index
        %get3A_2638 = tpu.vector_load %arg12[%get3A_2636, %get3A_2637] {strides = array<i32>} : memref<25x25xf32, #tpu.memory_space<vmem>>, vector<16xf32>,
        %add3A_2639 = arith.addf %add3A_2635, %get3A_2638 : vector<16xf32>
        %get3A_2640 = arith.index_cast %scan3A_2581 : i32 to index
        %get3A_2641 = arith.constant 9 : index
        %get3A_2642 = tpu.vector_load %arg13[%get3A_2640, %get3A_2641] {strides = array<i32>} : memref<25x25xf32, #tpu.memory_space<vmem>>, vector<16xf32>,
        %add3A_2643 = arith.addf %add3A_2639, %get3A_2642 : vector<16xf32>
        %swap3A_2644 = arith.index_cast %scan3A_2581 : i32 to index
        %swap3A_2645 = arith.constant 0 : index
        %swap3A_2646 = tpu.vector_load %arg22[%swap3A_2644, %swap3A_2645] {strides = array<i32>} : memref<25x25xf32, #tpu.memory_space<vmem>>, vector<16xf32>,
        tpu.vector_store %arg22[%swap3A_2644, %swap3A_2645], %add3A_2612 {strides = array<i32>} : memref<25x25xf32, #tpu.memory_space<vmem>>, vector<16xf32>,
        %swap3A_2647 = arith.index_cast %scan3A_2581 : i32 to index
        %swap3A_2648 = arith.constant 9 : index
        %swap3A_2649 = tpu.vector_load %arg22[%swap3A_2647, %swap3A_2648] {strides = array<i32>} : memref<25x25xf32, #tpu.memory_space<vmem>>, vector<16xf32>,
        tpu.vector_store %arg22[%swap3A_2647, %swap3A_2648], %add3A_2643 {strides = array<i32>} : memref<25x25xf32, #tpu.memory_space<vmem>>, vector<16xf32>,
        %scan3A_2650 = arith.constant 2 : i32
        %scan3A_2651 = arith.addi %scan3A_2512, %scan3A_2650 : i32
        %get3A_2652 = arith.index_cast %scan3A_2651 : i32 to index
        %get3A_2653 = arith.constant 0 : index
        %get3A_2654 = tpu.vector_load %arg6[%get3A_2652, %get3A_2653] {strides = array<i32>} : memref<25x25xf32, #tpu.memory_space<vmem>>, vector<16xf32>,
        %get3A_2655 = arith.index_cast %scan3A_2651 : i32 to index
        %get3A_2656 = arith.constant 0 : index
        %get3A_2657 = tpu.vector_load %arg7[%get3A_2655, %get3A_2656] {strides = array<i32>} : memref<25x25xf32, #tpu.memory_space<vmem>>, vector<16xf32>,
        %add3A_2658 = arith.addf %get3A_2654, %get3A_2657 : vector<16xf32>
        %get3A_2659 = arith.index_cast %scan3A_2651 : i32 to index
        %get3A_2660 = arith.constant 0 : index
        %get3A_2661 = tpu.vector_load %arg8[%get3A_2659, %get3A_2660] {strides = array<i32>} : memref<25x25xf32, #tpu.memory_space<vmem>>, vector<16xf32>,
        %add3A_2662 = arith.addf %add3A_2658, %get3A_2661 : vector<16xf32>
        %get3A_2663 = arith.index_cast %scan3A_2651 : i32 to index
        %get3A_2664 = arith.constant 0 : index
        %get3A_2665 = tpu.vector_load %arg9[%get3A_2663, %get3A_2664] {strides = array<i32>} : memref<25x25xf32, #tpu.memory_space<vmem>>, vector<16xf32>,
        %add3A_2666 = arith.addf %add3A_2662, %get3A_2665 : vector<16xf32>
        %get3A_2667 = arith.index_cast %scan3A_2651 : i32 to index
        %get3A_2668 = arith.constant 0 : index
        %get3A_2669 = tpu.vector_load %arg10[%get3A_2667, %get3A_2668] {strides = array<i32>} : memref<25x25xf32, #tpu.memory_space<vmem>>, vector<16xf32>,
        %add3A_2670 = arith.addf %add3A_2666, %get3A_2669 : vector<16xf32>
        %get3A_2671 = arith.index_cast %scan3A_2651 : i32 to index
        %get3A_2672 = arith.constant 0 : index
        %get3A_2673 = tpu.vector_load %arg11[%get3A_2671, %get3A_2672] {strides = array<i32>} : memref<25x25xf32, #tpu.memory_space<vmem>>, vector<16xf32>,
        %add3A_2674 = arith.addf %add3A_2670, %get3A_2673 : vector<16xf32>
        %get3A_2675 = arith.index_cast %scan3A_2651 : i32 to index
        %get3A_2676 = arith.constant 0 : index
        %get3A_2677 = tpu.vector_load %arg12[%get3A_2675, %get3A_2676] {strides = array<i32>} : memref<25x25xf32, #tpu.memory_space<vmem>>, vector<16xf32>,
        %add3A_2678 = arith.addf %add3A_2674, %get3A_2677 : vector<16xf32>
        %get3A_2679 = arith.index_cast %scan3A_2651 : i32 to index
        %get3A_2680 = arith.constant 0 : index
        %get3A_2681 = tpu.vector_load %arg13[%get3A_2679, %get3A_2680] {strides = array<i32>} : memref<25x25xf32, #tpu.memory_space<vmem>>, vector<16xf32>,
        %add3A_2682 = arith.addf %add3A_2678, %get3A_2681 : vector<16xf32>
        %get3A_2683 = arith.index_cast %scan3A_2651 : i32 to index
        %get3A_2684 = arith.constant 9 : index
        %get3A_2685 = tpu.vector_load %arg6[%get3A_2683, %get3A_2684] {strides = array<i32>} : memref<25x25xf32, #tpu.memory_space<vmem>>, vector<16xf32>,
        %get3A_2686 = arith.index_cast %scan3A_2651 : i32 to index
        %get3A_2687 = arith.constant 9 : index
        %get3A_2688 = tpu.vector_load %arg7[%get3A_2686, %get3A_2687] {strides = array<i32>} : memref<25x25xf32, #tpu.memory_space<vmem>>, vector<16xf32>,
        %add3A_2689 = arith.addf %get3A_2685, %get3A_2688 : vector<16xf32>
        %get3A_2690 = arith.index_cast %scan3A_2651 : i32 to index
        %get3A_2691 = arith.constant 9 : index
        %get3A_2692 = tpu.vector_load %arg8[%get3A_2690, %get3A_2691] {strides = array<i32>} : memref<25x25xf32, #tpu.memory_space<vmem>>, vector<16xf32>,
        %add3A_2693 = arith.addf %add3A_2689, %get3A_2692 : vector<16xf32>
        %get3A_2694 = arith.index_cast %scan3A_2651 : i32 to index
        %get3A_2695 = arith.constant 9 : index
        %get3A_2696 = tpu.vector_load %arg9[%get3A_2694, %get3A_2695] {strides = array<i32>} : memref<25x25xf32, #tpu.memory_space<vmem>>, vector<16xf32>,
        %add3A_2697 = arith.addf %add3A_2693, %get3A_2696 : vector<16xf32>
        %get3A_2698 = arith.index_cast %scan3A_2651 : i32 to index
        %get3A_2699 = arith.constant 9 : index
        %get3A_2700 = tpu.vector_load %arg10[%get3A_2698, %get3A_2699] {strides = array<i32>} : memref<25x25xf32, #tpu.memory_space<vmem>>, vector<16xf32>,
        %add3A_2701 = arith.addf %add3A_2697, %get3A_2700 : vector<16xf32>
        %get3A_2702 = arith.index_cast %scan3A_2651 : i32 to index
        %get3A_2703 = arith.constant 9 : index
        %get3A_2704 = tpu.vector_load %arg11[%get3A_2702, %get3A_2703] {strides = array<i32>} : memref<25x25xf32, #tpu.memory_space<vmem>>, vector<16xf32>,
        %add3A_2705 = arith.addf %add3A_2701, %get3A_2704 : vector<16xf32>
        %get3A_2706 = arith.index_cast %scan3A_2651 : i32 to index
        %get3A_2707 = arith.constant 9 : index
        %get3A_2708 = tpu.vector_load %arg12[%get3A_2706, %get3A_2707] {strides = array<i32>} : memref<25x25xf32, #tpu.memory_space<vmem>>, vector<16xf32>,
        %add3A_2709 = arith.addf %add3A_2705, %get3A_2708 : vector<16xf32>
        %get3A_2710 = arith.index_cast %scan3A_2651 : i32 to index
        %get3A_2711 = arith.constant 9 : index
        %get3A_2712 = tpu.vector_load %arg13[%get3A_2710, %get3A_2711] {strides = array<i32>} : memref<25x25xf32, #tpu.memory_space<vmem>>, vector<16xf32>,
        %add3A_2713 = arith.addf %add3A_2709, %get3A_2712 : vector<16xf32>
        %swap3A_2714 = arith.index_cast %scan3A_2651 : i32 to index
        %swap3A_2715 = arith.constant 0 : index
        %swap3A_2716 = tpu.vector_load %arg22[%swap3A_2714, %swap3A_2715] {strides = array<i32>} : memref<25x25xf32, #tpu.memory_space<vmem>>, vector<16xf32>,
        tpu.vector_store %arg22[%swap3A_2714, %swap3A_2715], %add3A_2682 {strides = array<i32>} : memref<25x25xf32, #tpu.memory_space<vmem>>, vector<16xf32>,
        %swap3A_2717 = arith.index_cast %scan3A_2651 : i32 to index
        %swap3A_2718 = arith.constant 9 : index
        %swap3A_2719 = tpu.vector_load %arg22[%swap3A_2717, %swap3A_2718] {strides = array<i32>} : memref<25x25xf32, #tpu.memory_space<vmem>>, vector<16xf32>,
        tpu.vector_store %arg22[%swap3A_2717, %swap3A_2718], %add3A_2713 {strides = array<i32>} : memref<25x25xf32, #tpu.memory_space<vmem>>, vector<16xf32>,
        %scan3A_2720 = arith.constant 3 : i32
        %scan3A_2721 = arith.addi %scan3A_2512, %scan3A_2720 : i32
        %get3A_2722 = arith.index_cast %scan3A_2721 : i32 to index
        %get3A_2723 = arith.constant 0 : index
        %get3A_2724 = tpu.vector_load %arg6[%get3A_2722, %get3A_2723] {strides = array<i32>} : memref<25x25xf32, #tpu.memory_space<vmem>>, vector<16xf32>,
        %get3A_2725 = arith.index_cast %scan3A_2721 : i32 to index
        %get3A_2726 = arith.constant 0 : index
        %get3A_2727 = tpu.vector_load %arg7[%get3A_2725, %get3A_2726] {strides = array<i32>} : memref<25x25xf32, #tpu.memory_space<vmem>>, vector<16xf32>,
        %add3A_2728 = arith.addf %get3A_2724, %get3A_2727 : vector<16xf32>
        %get3A_2729 = arith.index_cast %scan3A_2721 : i32 to index
        %get3A_2730 = arith.constant 0 : index
        %get3A_2731 = tpu.vector_load %arg8[%get3A_2729, %get3A_2730] {strides = array<i32>} : memref<25x25xf32, #tpu.memory_space<vmem>>, vector<16xf32>,
        %add3A_2732 = arith.addf %add3A_2728, %get3A_2731 : vector<16xf32>
        %get3A_2733 = arith.index_cast %scan3A_2721 : i32 to index
        %get3A_2734 = arith.constant 0 : index
        %get3A_2735 = tpu.vector_load %arg9[%get3A_2733, %get3A_2734] {strides = array<i32>} : memref<25x25xf32, #tpu.memory_space<vmem>>, vector<16xf32>,
        %add3A_2736 = arith.addf %add3A_2732, %get3A_2735 : vector<16xf32>
        %get3A_2737 = arith.index_cast %scan3A_2721 : i32 to index
        %get3A_2738 = arith.constant 0 : index
        %get3A_2739 = tpu.vector_load %arg10[%get3A_2737, %get3A_2738] {strides = array<i32>} : memref<25x25xf32, #tpu.memory_space<vmem>>, vector<16xf32>,
        %add3A_2740 = arith.addf %add3A_2736, %get3A_2739 : vector<16xf32>
        %get3A_2741 = arith.index_cast %scan3A_2721 : i32 to index
        %get3A_2742 = arith.constant 0 : index
        %get3A_2743 = tpu.vector_load %arg11[%get3A_2741, %get3A_2742] {strides = array<i32>} : memref<25x25xf32, #tpu.memory_space<vmem>>, vector<16xf32>,
        %add3A_2744 = arith.addf %add3A_2740, %get3A_2743 : vector<16xf32>
        %get3A_2745 = arith.index_cast %scan3A_2721 : i32 to index
        %get3A_2746 = arith.constant 0 : index
        %get3A_2747 = tpu.vector_load %arg12[%get3A_2745, %get3A_2746] {strides = array<i32>} : memref<25x25xf32, #tpu.memory_space<vmem>>, vector<16xf32>,
        %add3A_2748 = arith.addf %add3A_2744, %get3A_2747 : vector<16xf32>
        %get3A_2749 = arith.index_cast %scan3A_2721 : i32 to index
        %get3A_2750 = arith.constant 0 : index
        %get3A_2751 = tpu.vector_load %arg13[%get3A_2749, %get3A_2750] {strides = array<i32>} : memref<25x25xf32, #tpu.memory_space<vmem>>, vector<16xf32>,
        %add3A_2752 = arith.addf %add3A_2748, %get3A_2751 : vector<16xf32>
        %get3A_2753 = arith.index_cast %scan3A_2721 : i32 to index
        %get3A_2754 = arith.constant 9 : index
        %get3A_2755 = tpu.vector_load %arg6[%get3A_2753, %get3A_2754] {strides = array<i32>} : memref<25x25xf32, #tpu.memory_space<vmem>>, vector<16xf32>,
        %get3A_2756 = arith.index_cast %scan3A_2721 : i32 to index
        %get3A_2757 = arith.constant 9 : index
        %get3A_2758 = tpu.vector_load %arg7[%get3A_2756, %get3A_2757] {strides = array<i32>} : memref<25x25xf32, #tpu.memory_space<vmem>>, vector<16xf32>,
        %add3A_2759 = arith.addf %get3A_2755, %get3A_2758 : vector<16xf32>
        %get3A_2760 = arith.index_cast %scan3A_2721 : i32 to index
        %get3A_2761 = arith.constant 9 : index
        %get3A_2762 = tpu.vector_load %arg8[%get3A_2760, %get3A_2761] {strides = array<i32>} : memref<25x25xf32, #tpu.memory_space<vmem>>, vector<16xf32>,
        %add3A_2763 = arith.addf %add3A_2759, %get3A_2762 : vector<16xf32>
        %get3A_2764 = arith.index_cast %scan3A_2721 : i32 to index
        %get3A_2765 = arith.constant 9 : index
        %get3A_2766 = tpu.vector_load %arg9[%get3A_2764, %get3A_2765] {strides = array<i32>} : memref<25x25xf32, #tpu.memory_space<vmem>>, vector<16xf32>,
        %add3A_2767 = arith.addf %add3A_2763, %get3A_2766 : vector<16xf32>
        %get3A_2768 = arith.index_cast %scan3A_2721 : i32 to index
        %get3A_2769 = arith.constant 9 : index
        %get3A_2770 = tpu.vector_load %arg10[%get3A_2768, %get3A_2769] {strides = array<i32>} : memref<25x25xf32, #tpu.memory_space<vmem>>, vector<16xf32>,
        %add3A_2771 = arith.addf %add3A_2767, %get3A_2770 : vector<16xf32>
        %get3A_2772 = arith.index_cast %scan3A_2721 : i32 to index
        %get3A_2773 = arith.constant 9 : index
        %get3A_2774 = tpu.vector_load %arg11[%get3A_2772, %get3A_2773] {strides = array<i32>} : memref<25x25xf32, #tpu.memory_space<vmem>>, vector<16xf32>,
        %add3A_2775 = arith.addf %add3A_2771, %get3A_2774 : vector<16xf32>
        %get3A_2776 = arith.index_cast %scan3A_2721 : i32 to index
        %get3A_2777 = arith.constant 9 : index
        %get3A_2778 = tpu.vector_load %arg12[%get3A_2776, %get3A_2777] {strides = array<i32>} : memref<25x25xf32, #tpu.memory_space<vmem>>, vector<16xf32>,
        %add3A_2779 = arith.addf %add3A_2775, %get3A_2778 : vector<16xf32>
        %get3A_2780 = arith.index_cast %scan3A_2721 : i32 to index
        %get3A_2781 = arith.constant 9 : index
        %get3A_2782 = tpu.vector_load %arg13[%get3A_2780, %get3A_2781] {strides = array<i32>} : memref<25x25xf32, #tpu.memory_space<vmem>>, vector<16xf32>,
        %add3A_2783 = arith.addf %add3A_2779, %get3A_2782 : vector<16xf32>
        %swap3A_2784 = arith.index_cast %scan3A_2721 : i32 to index
        %swap3A_2785 = arith.constant 0 : index
        %swap3A_2786 = tpu.vector_load %arg22[%swap3A_2784, %swap3A_2785] {strides = array<i32>} : memref<25x25xf32, #tpu.memory_space<vmem>>, vector<16xf32>,
        tpu.vector_store %arg22[%swap3A_2784, %swap3A_2785], %add3A_2752 {strides = array<i32>} : memref<25x25xf32, #tpu.memory_space<vmem>>, vector<16xf32>,
        %swap3A_2787 = arith.index_cast %scan3A_2721 : i32 to index
        %swap3A_2788 = arith.constant 9 : index
        %swap3A_2789 = tpu.vector_load %arg22[%swap3A_2787, %swap3A_2788] {strides = array<i32>} : memref<25x25xf32, #tpu.memory_space<vmem>>, vector<16xf32>,
        tpu.vector_store %arg22[%swap3A_2787, %swap3A_2788], %add3A_2783 {strides = array<i32>} : memref<25x25xf32, #tpu.memory_space<vmem>>, vector<16xf32>,
        %scan3A_2790 = arith.constant 4 : i32
        %scan3A_2791 = arith.addi %scan3A_2512, %scan3A_2790 : i32
        %get3A_2792 = arith.index_cast %scan3A_2791 : i32 to index
        %get3A_2793 = arith.constant 0 : index
        %get3A_2794 = tpu.vector_load %arg6[%get3A_2792, %get3A_2793] {strides = array<i32>} : memref<25x25xf32, #tpu.memory_space<vmem>>, vector<16xf32>,
        %get3A_2795 = arith.index_cast %scan3A_2791 : i32 to index
        %get3A_2796 = arith.constant 0 : index
        %get3A_2797 = tpu.vector_load %arg7[%get3A_2795, %get3A_2796] {strides = array<i32>} : memref<25x25xf32, #tpu.memory_space<vmem>>, vector<16xf32>,
        %add3A_2798 = arith.addf %get3A_2794, %get3A_2797 : vector<16xf32>
        %get3A_2799 = arith.index_cast %scan3A_2791 : i32 to index
        %get3A_2800 = arith.constant 0 : index
        %get3A_2801 = tpu.vector_load %arg8[%get3A_2799, %get3A_2800] {strides = array<i32>} : memref<25x25xf32, #tpu.memory_space<vmem>>, vector<16xf32>,
        %add3A_2802 = arith.addf %add3A_2798, %get3A_2801 : vector<16xf32>
        %get3A_2803 = arith.index_cast %scan3A_2791 : i32 to index
        %get3A_2804 = arith.constant 0 : index
        %get3A_2805 = tpu.vector_load %arg9[%get3A_2803, %get3A_2804] {strides = array<i32>} : memref<25x25xf32, #tpu.memory_space<vmem>>, vector<16xf32>,
        %add3A_2806 = arith.addf %add3A_2802, %get3A_2805 : vector<16xf32>
        %get3A_2807 = arith.index_cast %scan3A_2791 : i32 to index
        %get3A_2808 = arith.constant 0 : index
        %get3A_2809 = tpu.vector_load %arg10[%get3A_2807, %get3A_2808] {strides = array<i32>} : memref<25x25xf32, #tpu.memory_space<vmem>>, vector<16xf32>,
        %add3A_2810 = arith.addf %add3A_2806, %get3A_2809 : vector<16xf32>
        %get3A_2811 = arith.index_cast %scan3A_2791 : i32 to index
        %get3A_2812 = arith.constant 0 : index
        %get3A_2813 = tpu.vector_load %arg11[%get3A_2811, %get3A_2812] {strides = array<i32>} : memref<25x25xf32, #tpu.memory_space<vmem>>, vector<16xf32>,
        %add3A_2814 = arith.addf %add3A_2810, %get3A_2813 : vector<16xf32>
        %get3A_2815 = arith.index_cast %scan3A_2791 : i32 to index
        %get3A_2816 = arith.constant 0 : index
        %get3A_2817 = tpu.vector_load %arg12[%get3A_2815, %get3A_2816] {strides = array<i32>} : memref<25x25xf32, #tpu.memory_space<vmem>>, vector<16xf32>,
        %add3A_2818 = arith.addf %add3A_2814, %get3A_2817 : vector<16xf32>
        %get3A_2819 = arith.index_cast %scan3A_2791 : i32 to index
        %get3A_2820 = arith.constant 0 : index
        %get3A_2821 = tpu.vector_load %arg13[%get3A_2819, %get3A_2820] {strides = array<i32>} : memref<25x25xf32, #tpu.memory_space<vmem>>, vector<16xf32>,
        %add3A_2822 = arith.addf %add3A_2818, %get3A_2821 : vector<16xf32>
        %get3A_2823 = arith.index_cast %scan3A_2791 : i32 to index
        %get3A_2824 = arith.constant 9 : index
        %get3A_2825 = tpu.vector_load %arg6[%get3A_2823, %get3A_2824] {strides = array<i32>} : memref<25x25xf32, #tpu.memory_space<vmem>>, vector<16xf32>,
        %get3A_2826 = arith.index_cast %scan3A_2791 : i32 to index
        %get3A_2827 = arith.constant 9 : index
        %get3A_2828 = tpu.vector_load %arg7[%get3A_2826, %get3A_2827] {strides = array<i32>} : memref<25x25xf32, #tpu.memory_space<vmem>>, vector<16xf32>,
        %add3A_2829 = arith.addf %get3A_2825, %get3A_2828 : vector<16xf32>
        %get3A_2830 = arith.index_cast %scan3A_2791 : i32 to index
        %get3A_2831 = arith.constant 9 : index
        %get3A_2832 = tpu.vector_load %arg8[%get3A_2830, %get3A_2831] {strides = array<i32>} : memref<25x25xf32, #tpu.memory_space<vmem>>, vector<16xf32>,
        %add3A_2833 = arith.addf %add3A_2829, %get3A_2832 : vector<16xf32>
        %get3A_2834 = arith.index_cast %scan3A_2791 : i32 to index
        %get3A_2835 = arith.constant 9 : index
        %get3A_2836 = tpu.vector_load %arg9[%get3A_2834, %get3A_2835] {strides = array<i32>} : memref<25x25xf32, #tpu.memory_space<vmem>>, vector<16xf32>,
        %add3A_2837 = arith.addf %add3A_2833, %get3A_2836 : vector<16xf32>
        %get3A_2838 = arith.index_cast %scan3A_2791 : i32 to index
        %get3A_2839 = arith.constant 9 : index
        %get3A_2840 = tpu.vector_load %arg10[%get3A_2838, %get3A_2839] {strides = array<i32>} : memref<25x25xf32, #tpu.memory_space<vmem>>, vector<16xf32>,
        %add3A_2841 = arith.addf %add3A_2837, %get3A_2840 : vector<16xf32>
        %get3A_2842 = arith.index_cast %scan3A_2791 : i32 to index
        %get3A_2843 = arith.constant 9 : index
        %get3A_2844 = tpu.vector_load %arg11[%get3A_2842, %get3A_2843] {strides = array<i32>} : memref<25x25xf32, #tpu.memory_space<vmem>>, vector<16xf32>,
        %add3A_2845 = arith.addf %add3A_2841, %get3A_2844 : vector<16xf32>
        %get3A_2846 = arith.index_cast %scan3A_2791 : i32 to index
        %get3A_2847 = arith.constant 9 : index
        %get3A_2848 = tpu.vector_load %arg12[%get3A_2846, %get3A_2847] {strides = array<i32>} : memref<25x25xf32, #tpu.memory_space<vmem>>, vector<16xf32>,
        %add3A_2849 = arith.addf %add3A_2845, %get3A_2848 : vector<16xf32>
        %get3A_2850 = arith.index_cast %scan3A_2791 : i32 to index
        %get3A_2851 = arith.constant 9 : index
        %get3A_2852 = tpu.vector_load %arg13[%get3A_2850, %get3A_2851] {strides = array<i32>} : memref<25x25xf32, #tpu.memory_space<vmem>>, vector<16xf32>,
        %add3A_2853 = arith.addf %add3A_2849, %get3A_2852 : vector<16xf32>
        %swap3A_2854 = arith.index_cast %scan3A_2791 : i32 to index
        %swap3A_2855 = arith.constant 0 : index
        %swap3A_2856 = tpu.vector_load %arg22[%swap3A_2854, %swap3A_2855] {strides = array<i32>} : memref<25x25xf32, #tpu.memory_space<vmem>>, vector<16xf32>,
        tpu.vector_store %arg22[%swap3A_2854, %swap3A_2855], %add3A_2822 {strides = array<i32>} : memref<25x25xf32, #tpu.memory_space<vmem>>, vector<16xf32>,
        %swap3A_2857 = arith.index_cast %scan3A_2791 : i32 to index
        %swap3A_2858 = arith.constant 9 : index
        %swap3A_2859 = tpu.vector_load %arg22[%swap3A_2857, %swap3A_2858] {strides = array<i32>} : memref<25x25xf32, #tpu.memory_space<vmem>>, vector<16xf32>,
        tpu.vector_store %arg22[%swap3A_2857, %swap3A_2858], %add3A_2853 {strides = array<i32>} : memref<25x25xf32, #tpu.memory_space<vmem>>, vector<16xf32>,
      }
      %scan3A_2423 = arith.constant 25 : i32
      %add3A_2424 = arith.constant 1 : i32
      %add3A_2425 = arith.addi %scan3A_2274, %add3A_2424 : i32
      %lt3A_2426 = arith.constant 64 : i32
      %lt3A_2427 = arith.cmpi slt, %add3A_2425, %lt3A_2426 : i32
      %convert_element_type3A_2428 = arith.extui %lt3A_2427 : i1 to i32
      %cond3A = arith.constant 0 : i32
      %cond3A_2429 = arith.cmpi ne, %convert_element_type3A_2428, %cond3A : i32
      scf.if %cond3A_2429 {
        %add3A_2512 = arith.constant 1 : i32
        %add3A_2513 = arith.addi %scan3A_2274, %add3A_2512 : i32
        %add3A_2514 = arith.addi %add3A_164, %add3A_2513 : i32
        %dma_start3A_2515 = arith.constant 0 : i32
        %dma_start3A_2516 = arith.constant 0 : i32
        %dma_start3A_2517 = tpu.memref_slice %arg2[%add3A_2514, %dma_start3A_2515, %dma_start3A_2516] : memref<65536x25x25xf32, #tpu.memory_space<hbm>> -> memref<1x25x25xf32, #tpu.memory_space<hbm>>
        %dma_start3A_2518 = tpu.memref_squeeze %dma_start3A_2517 : memref<1x25x25xf32, #tpu.memory_space<hbm>> -> memref<25x25xf32, #tpu.memory_space<hbm>>
        %dma_start3A_2519 = arith.constant 0 : i32
        %dma_start3A_2520 = arith.constant 0 : i32
        %dma_start3A_2521 = tpu.memref_slice %arg2[%add3A_2514, %dma_start3A_2519, %dma_start3A_2520] : memref<65536x25x25xf32, #tpu.memory_space<hbm>> -> memref<1x25x25xf32, #tpu.memory_space<hbm>>
        %dma_start3A_2522 = tpu.memref_squeeze %dma_start3A_2521 : memref<1x25x25xf32, #tpu.memory_space<hbm>> -> memref<25x25xf32, #tpu.memory_space<hbm>>
        tpu.enqueue_dma source(%dma_start3A_2522 : memref<25x25xf32, #tpu.memory_space<hbm>>) target(%arg6 : memref<25x25xf32, #tpu.memory_space<vmem>>) target_semaphore(%arg23 : memref<!tpu.dma_semaphore, #tpu.memory_space<semaphore_mem>>)
        %add3A_2523 = arith.addi %add3A_299, %add3A_2513 : i32
        %dma_start3A_2524 = arith.constant 0 : i32
        %dma_start3A_2525 = arith.constant 0 : i32
        %dma_start3A_2526 = tpu.memref_slice %arg2[%add3A_2523, %dma_start3A_2524, %dma_start3A_2525] : memref<65536x25x25xf32, #tpu.memory_space<hbm>> -> memref<1x25x25xf32, #tpu.memory_space<hbm>>
        %dma_start3A_2527 = tpu.memref_squeeze %dma_start3A_2526 : memref<1x25x25xf32, #tpu.memory_space<hbm>> -> memref<25x25xf32, #tpu.memory_space<hbm>>
        %dma_start3A_2528 = arith.constant 0 : i32
        %dma_start3A_2529 = arith.constant 0 : i32
        %dma_start3A_2530 = tpu.memref_slice %arg2[%add3A_2523, %dma_start3A_2528, %dma_start3A_2529] : memref<65536x25x25xf32, #tpu.memory_space<hbm>> -> memref<1x25x25xf32, #tpu.memory_space<hbm>>
        %dma_start3A_2531 = tpu.memref_squeeze %dma_start3A_2530 : memref<1x25x25xf32, #tpu.memory_space<hbm>> -> memref<25x25xf32, #tpu.memory_space<hbm>>
        tpu.enqueue_dma source(%dma_start3A_2531 : memref<25x25xf32, #tpu.memory_space<hbm>>) target(%arg7 : memref<25x25xf32, #tpu.memory_space<vmem>>) target_semaphore(%arg23 : memref<!tpu.dma_semaphore, #tpu.memory_space<semaphore_mem>>)
        %add3A_2532 = arith.addi %add3A_434, %add3A_2513 : i32
        %dma_start3A_2533 = arith.constant 0 : i32
        %dma_start3A_2534 = arith.constant 0 : i32
        %dma_start3A_2535 = tpu.memref_slice %arg2[%add3A_2532, %dma_start3A_2533, %dma_start3A_2534] : memref<65536x25x25xf32, #tpu.memory_space<hbm>> -> memref<1x25x25xf32, #tpu.memory_space<hbm>>
        %dma_start3A_2536 = tpu.memref_squeeze %dma_start3A_2535 : memref<1x25x25xf32, #tpu.memory_space<hbm>> -> memref<25x25xf32, #tpu.memory_space<hbm>>
        %dma_start3A_2537 = arith.constant 0 : i32
        %dma_start3A_2538 = arith.constant 0 : i32
        %dma_start3A_2539 = tpu.memref_slice %arg2[%add3A_2532, %dma_start3A_2537, %dma_start3A_2538] : memref<65536x25x25xf32, #tpu.memory_space<hbm>> -> memref<1x25x25xf32, #tpu.memory_space<hbm>>
        %dma_start3A_2540 = tpu.memref_squeeze %dma_start3A_2539 : memref<1x25x25xf32, #tpu.memory_space<hbm>> -> memref<25x25xf32, #tpu.memory_space<hbm>>
        tpu.enqueue_dma source(%dma_start3A_2540 : memref<25x25xf32, #tpu.memory_space<hbm>>) target(%arg8 : memref<25x25xf32, #tpu.memory_space<vmem>>) target_semaphore(%arg23 : memref<!tpu.dma_semaphore, #tpu.memory_space<semaphore_mem>>)
        %add3A_2541 = arith.addi %add3A_569, %add3A_2513 : i32
        %dma_start3A_2542 = arith.constant 0 : i32
        %dma_start3A_2543 = arith.constant 0 : i32
        %dma_start3A_2544 = tpu.memref_slice %arg2[%add3A_2541, %dma_start3A_2542, %dma_start3A_2543] : memref<65536x25x25xf32, #tpu.memory_space<hbm>> -> memref<1x25x25xf32, #tpu.memory_space<hbm>>
        %dma_start3A_2545 = tpu.memref_squeeze %dma_start3A_2544 : memref<1x25x25xf32, #tpu.memory_space<hbm>> -> memref<25x25xf32, #tpu.memory_space<hbm>>
        %dma_start3A_2546 = arith.constant 0 : i32
        %dma_start3A_2547 = arith.constant 0 : i32
        %dma_start3A_2548 = tpu.memref_slice %arg2[%add3A_2541, %dma_start3A_2546, %dma_start3A_2547] : memref<65536x25x25xf32, #tpu.memory_space<hbm>> -> memref<1x25x25xf32, #tpu.memory_space<hbm>>
        %dma_start3A_2549 = tpu.memref_squeeze %dma_start3A_2548 : memref<1x25x25xf32, #tpu.memory_space<hbm>> -> memref<25x25xf32, #tpu.memory_space<hbm>>
        tpu.enqueue_dma source(%dma_start3A_2549 : memref<25x25xf32, #tpu.memory_space<hbm>>) target(%arg9 : memref<25x25xf32, #tpu.memory_space<vmem>>) target_semaphore(%arg23 : memref<!tpu.dma_semaphore, #tpu.memory_space<semaphore_mem>>)
        %add3A_2550 = arith.addi %add3A_704, %add3A_2513 : i32
        %dma_start3A_2551 = arith.constant 0 : i32
        %dma_start3A_2552 = arith.constant 0 : i32
        %dma_start3A_2553 = tpu.memref_slice %arg2[%add3A_2550, %dma_start3A_2551, %dma_start3A_2552] : memref<65536x25x25xf32, #tpu.memory_space<hbm>> -> memref<1x25x25xf32, #tpu.memory_space<hbm>>
        %dma_start3A_2554 = tpu.memref_squeeze %dma_start3A_2553 : memref<1x25x25xf32, #tpu.memory_space<hbm>> -> memref<25x25xf32, #tpu.memory_space<hbm>>
        %dma_start3A_2555 = arith.constant 0 : i32
        %dma_start3A_2556 = arith.constant 0 : i32
        %dma_start3A_2557 = tpu.memref_slice %arg2[%add3A_2550, %dma_start3A_2555, %dma_start3A_2556] : memref<65536x25x25xf32, #tpu.memory_space<hbm>> -> memref<1x25x25xf32, #tpu.memory_space<hbm>>
        %dma_start3A_2558 = tpu.memref_squeeze %dma_start3A_2557 : memref<1x25x25xf32, #tpu.memory_space<hbm>> -> memref<25x25xf32, #tpu.memory_space<hbm>>
        tpu.enqueue_dma source(%dma_start3A_2558 : memref<25x25xf32, #tpu.memory_space<hbm>>) target(%arg10 : memref<25x25xf32, #tpu.memory_space<vmem>>) target_semaphore(%arg23 : memref<!tpu.dma_semaphore, #tpu.memory_space<semaphore_mem>>)
        %add3A_2559 = arith.addi %add3A_839, %add3A_2513 : i32
        %dma_start3A_2560 = arith.constant 0 : i32
        %dma_start3A_2561 = arith.constant 0 : i32
        %dma_start3A_2562 = tpu.memref_slice %arg2[%add3A_2559, %dma_start3A_2560, %dma_start3A_2561] : memref<65536x25x25xf32, #tpu.memory_space<hbm>> -> memref<1x25x25xf32, #tpu.memory_space<hbm>>
        %dma_start3A_2563 = tpu.memref_squeeze %dma_start3A_2562 : memref<1x25x25xf32, #tpu.memory_space<hbm>> -> memref<25x25xf32, #tpu.memory_space<hbm>>
        %dma_start3A_2564 = arith.constant 0 : i32
        %dma_start3A_2565 = arith.constant 0 : i32
        %dma_start3A_2566 = tpu.memref_slice %arg2[%add3A_2559, %dma_start3A_2564, %dma_start3A_2565] : memref<65536x25x25xf32, #tpu.memory_space<hbm>> -> memref<1x25x25xf32, #tpu.memory_space<hbm>>
        %dma_start3A_2567 = tpu.memref_squeeze %dma_start3A_2566 : memref<1x25x25xf32, #tpu.memory_space<hbm>> -> memref<25x25xf32, #tpu.memory_space<hbm>>
        tpu.enqueue_dma source(%dma_start3A_2567 : memref<25x25xf32, #tpu.memory_space<hbm>>) target(%arg11 : memref<25x25xf32, #tpu.memory_space<vmem>>) target_semaphore(%arg23 : memref<!tpu.dma_semaphore, #tpu.memory_space<semaphore_mem>>)
        %add3A_2568 = arith.addi %add3A_974, %add3A_2513 : i32
        %dma_start3A_2569 = arith.constant 0 : i32
        %dma_start3A_2570 = arith.constant 0 : i32
        %dma_start3A_2571 = tpu.memref_slice %arg2[%add3A_2568, %dma_start3A_2569, %dma_start3A_2570] : memref<65536x25x25xf32, #tpu.memory_space<hbm>> -> memref<1x25x25xf32, #tpu.memory_space<hbm>>
        %dma_start3A_2572 = tpu.memref_squeeze %dma_start3A_2571 : memref<1x25x25xf32, #tpu.memory_space<hbm>> -> memref<25x25xf32, #tpu.memory_space<hbm>>
        %dma_start3A_2573 = arith.constant 0 : i32
        %dma_start3A_2574 = arith.constant 0 : i32
        %dma_start3A_2575 = tpu.memref_slice %arg2[%add3A_2568, %dma_start3A_2573, %dma_start3A_2574] : memref<65536x25x25xf32, #tpu.memory_space<hbm>> -> memref<1x25x25xf32, #tpu.memory_space<hbm>>
        %dma_start3A_2576 = tpu.memref_squeeze %dma_start3A_2575 : memref<1x25x25xf32, #tpu.memory_space<hbm>> -> memref<25x25xf32, #tpu.memory_space<hbm>>
        tpu.enqueue_dma source(%dma_start3A_2576 : memref<25x25xf32, #tpu.memory_space<hbm>>) target(%arg12 : memref<25x25xf32, #tpu.memory_space<vmem>>) target_semaphore(%arg23 : memref<!tpu.dma_semaphore, #tpu.memory_space<semaphore_mem>>)
        %add3A_2577 = arith.addi %add3A_1109, %add3A_2513 : i32
        %dma_start3A_2578 = arith.constant 0 : i32
        %dma_start3A_2579 = arith.constant 0 : i32
        %dma_start3A_2580 = tpu.memref_slice %arg2[%add3A_2577, %dma_start3A_2578, %dma_start3A_2579] : memref<65536x25x25xf32, #tpu.memory_space<hbm>> -> memref<1x25x25xf32, #tpu.memory_space<hbm>>
        %dma_start3A_2581 = tpu.memref_squeeze %dma_start3A_2580 : memref<1x25x25xf32, #tpu.memory_space<hbm>> -> memref<25x25xf32, #tpu.memory_space<hbm>>
        %dma_start3A_2582 = arith.constant 0 : i32
        %dma_start3A_2583 = arith.constant 0 : i32
        %dma_start3A_2584 = tpu.memref_slice %arg2[%add3A_2577, %dma_start3A_2582, %dma_start3A_2583] : memref<65536x25x25xf32, #tpu.memory_space<hbm>> -> memref<1x25x25xf32, #tpu.memory_space<hbm>>
        %dma_start3A_2585 = tpu.memref_squeeze %dma_start3A_2584 : memref<1x25x25xf32, #tpu.memory_space<hbm>> -> memref<25x25xf32, #tpu.memory_space<hbm>>
        tpu.enqueue_dma source(%dma_start3A_2585 : memref<25x25xf32, #tpu.memory_space<hbm>>) target(%arg13 : memref<25x25xf32, #tpu.memory_space<vmem>>) target_semaphore(%arg23 : memref<!tpu.dma_semaphore, #tpu.memory_space<semaphore_mem>>)
      } else {
      }
      %add3A_2430 = arith.addi %add3A_1244, %scan3A_2274 : i32
      %dma_wait3A_2431 = arith.constant 0 : i32
      %dma_wait3A_2432 = arith.constant 0 : i32
      %dma_wait3A_2433 = tpu.memref_slice %arg2[%add3A_2430, %dma_wait3A_2431, %dma_wait3A_2432] : memref<65536x25x25xf32, #tpu.memory_space<hbm>> -> memref<1x25x25xf32, #tpu.memory_space<hbm>>
      %dma_wait3A_2434 = tpu.memref_squeeze %dma_wait3A_2433 : memref<1x25x25xf32, #tpu.memory_space<hbm>> -> memref<25x25xf32, #tpu.memory_space<hbm>>
      %dma_wait3A_2435 = arith.constant 0 : i32
      %dma_wait3A_2436 = arith.constant 0 : i32
      %dma_wait3A_2437 = tpu.memref_slice %arg2[%add3A_2430, %dma_wait3A_2435, %dma_wait3A_2436] : memref<65536x25x25xf32, #tpu.memory_space<hbm>> -> memref<1x25x25xf32, #tpu.memory_space<hbm>>
      %dma_wait3A_2438 = tpu.memref_squeeze %dma_wait3A_2437 : memref<1x25x25xf32, #tpu.memory_space<hbm>> -> memref<25x25xf32, #tpu.memory_space<hbm>>
      tpu.wait_dma2 semaphore(%arg24 : memref<!tpu.dma_semaphore, #tpu.memory_space<semaphore_mem>>) src(%dma_wait3A_2438 : memref<25x25xf32, #tpu.memory_space<hbm>>) dst(%arg14 : memref<25x25xf32, #tpu.memory_space<vmem>>)
      %add3A_2439 = arith.addi %add3A_1379, %scan3A_2274 : i32
      %dma_wait3A_2440 = arith.constant 0 : i32
      %dma_wait3A_2441 = arith.constant 0 : i32
      %dma_wait3A_2442 = tpu.memref_slice %arg2[%add3A_2439, %dma_wait3A_2440, %dma_wait3A_2441] : memref<65536x25x25xf32, #tpu.memory_space<hbm>> -> memref<1x25x25xf32, #tpu.memory_space<hbm>>
      %dma_wait3A_2443 = tpu.memref_squeeze %dma_wait3A_2442 : memref<1x25x25xf32, #tpu.memory_space<hbm>> -> memref<25x25xf32, #tpu.memory_space<hbm>>
      %dma_wait3A_2444 = arith.constant 0 : i32
      %dma_wait3A_2445 = arith.constant 0 : i32
      %dma_wait3A_2446 = tpu.memref_slice %arg2[%add3A_2439, %dma_wait3A_2444, %dma_wait3A_2445] : memref<65536x25x25xf32, #tpu.memory_space<hbm>> -> memref<1x25x25xf32, #tpu.memory_space<hbm>>
      %dma_wait3A_2447 = tpu.memref_squeeze %dma_wait3A_2446 : memref<1x25x25xf32, #tpu.memory_space<hbm>> -> memref<25x25xf32, #tpu.memory_space<hbm>>
      tpu.wait_dma2 semaphore(%arg24 : memref<!tpu.dma_semaphore, #tpu.memory_space<semaphore_mem>>) src(%dma_wait3A_2447 : memref<25x25xf32, #tpu.memory_space<hbm>>) dst(%arg15 : memref<25x25xf32, #tpu.memory_space<vmem>>)
      %add3A_2448 = arith.addi %add3A_1514, %scan3A_2274 : i32
      %dma_wait3A_2449 = arith.constant 0 : i32
      %dma_wait3A_2450 = arith.constant 0 : i32
      %dma_wait3A_2451 = tpu.memref_slice %arg2[%add3A_2448, %dma_wait3A_2449, %dma_wait3A_2450] : memref<65536x25x25xf32, #tpu.memory_space<hbm>> -> memref<1x25x25xf32, #tpu.memory_space<hbm>>
      %dma_wait3A_2452 = tpu.memref_squeeze %dma_wait3A_2451 : memref<1x25x25xf32, #tpu.memory_space<hbm>> -> memref<25x25xf32, #tpu.memory_space<hbm>>
      %dma_wait3A_2453 = arith.constant 0 : i32
      %dma_wait3A_2454 = arith.constant 0 : i32
      %dma_wait3A_2455 = tpu.memref_slice %arg2[%add3A_2448, %dma_wait3A_2453, %dma_wait3A_2454] : memref<65536x25x25xf32, #tpu.memory_space<hbm>> -> memref<1x25x25xf32, #tpu.memory_space<hbm>>
      %dma_wait3A_2456 = tpu.memref_squeeze %dma_wait3A_2455 : memref<1x25x25xf32, #tpu.memory_space<hbm>> -> memref<25x25xf32, #tpu.memory_space<hbm>>
      tpu.wait_dma2 semaphore(%arg24 : memref<!tpu.dma_semaphore, #tpu.memory_space<semaphore_mem>>) src(%dma_wait3A_2456 : memref<25x25xf32, #tpu.memory_space<hbm>>) dst(%arg16 : memref<25x25xf32, #tpu.memory_space<vmem>>)
      %add3A_2457 = arith.addi %add3A_1649, %scan3A_2274 : i32
      %dma_wait3A_2458 = arith.constant 0 : i32
      %dma_wait3A_2459 = arith.constant 0 : i32
      %dma_wait3A_2460 = tpu.memref_slice %arg2[%add3A_2457, %dma_wait3A_2458, %dma_wait3A_2459] : memref<65536x25x25xf32, #tpu.memory_space<hbm>> -> memref<1x25x25xf32, #tpu.memory_space<hbm>>
      %dma_wait3A_2461 = tpu.memref_squeeze %dma_wait3A_2460 : memref<1x25x25xf32, #tpu.memory_space<hbm>> -> memref<25x25xf32, #tpu.memory_space<hbm>>
      %dma_wait3A_2462 = arith.constant 0 : i32
      %dma_wait3A_2463 = arith.constant 0 : i32
      %dma_wait3A_2464 = tpu.memref_slice %arg2[%add3A_2457, %dma_wait3A_2462, %dma_wait3A_2463] : memref<65536x25x25xf32, #tpu.memory_space<hbm>> -> memref<1x25x25xf32, #tpu.memory_space<hbm>>
      %dma_wait3A_2465 = tpu.memref_squeeze %dma_wait3A_2464 : memref<1x25x25xf32, #tpu.memory_space<hbm>> -> memref<25x25xf32, #tpu.memory_space<hbm>>
      tpu.wait_dma2 semaphore(%arg24 : memref<!tpu.dma_semaphore, #tpu.memory_space<semaphore_mem>>) src(%dma_wait3A_2465 : memref<25x25xf32, #tpu.memory_space<hbm>>) dst(%arg17 : memref<25x25xf32, #tpu.memory_space<vmem>>)
      %add3A_2466 = arith.addi %add3A_1784, %scan3A_2274 : i32
      %dma_wait3A_2467 = arith.constant 0 : i32
      %dma_wait3A_2468 = arith.constant 0 : i32
      %dma_wait3A_2469 = tpu.memref_slice %arg2[%add3A_2466, %dma_wait3A_2467, %dma_wait3A_2468] : memref<65536x25x25xf32, #tpu.memory_space<hbm>> -> memref<1x25x25xf32, #tpu.memory_space<hbm>>
      %dma_wait3A_2470 = tpu.memref_squeeze %dma_wait3A_2469 : memref<1x25x25xf32, #tpu.memory_space<hbm>> -> memref<25x25xf32, #tpu.memory_space<hbm>>
      %dma_wait3A_2471 = arith.constant 0 : i32
      %dma_wait3A_2472 = arith.constant 0 : i32
      %dma_wait3A_2473 = tpu.memref_slice %arg2[%add3A_2466, %dma_wait3A_2471, %dma_wait3A_2472] : memref<65536x25x25xf32, #tpu.memory_space<hbm>> -> memref<1x25x25xf32, #tpu.memory_space<hbm>>
      %dma_wait3A_2474 = tpu.memref_squeeze %dma_wait3A_2473 : memref<1x25x25xf32, #tpu.memory_space<hbm>> -> memref<25x25xf32, #tpu.memory_space<hbm>>
      tpu.wait_dma2 semaphore(%arg24 : memref<!tpu.dma_semaphore, #tpu.memory_space<semaphore_mem>>) src(%dma_wait3A_2474 : memref<25x25xf32, #tpu.memory_space<hbm>>) dst(%arg18 : memref<25x25xf32, #tpu.memory_space<vmem>>)
      %add3A_2475 = arith.addi %add3A_1919, %scan3A_2274 : i32
      %dma_wait3A_2476 = arith.constant 0 : i32
      %dma_wait3A_2477 = arith.constant 0 : i32
      %dma_wait3A_2478 = tpu.memref_slice %arg2[%add3A_2475, %dma_wait3A_2476, %dma_wait3A_2477] : memref<65536x25x25xf32, #tpu.memory_space<hbm>> -> memref<1x25x25xf32, #tpu.memory_space<hbm>>
      %dma_wait3A_2479 = tpu.memref_squeeze %dma_wait3A_2478 : memref<1x25x25xf32, #tpu.memory_space<hbm>> -> memref<25x25xf32, #tpu.memory_space<hbm>>
      %dma_wait3A_2480 = arith.constant 0 : i32
      %dma_wait3A_2481 = arith.constant 0 : i32
      %dma_wait3A_2482 = tpu.memref_slice %arg2[%add3A_2475, %dma_wait3A_2480, %dma_wait3A_2481] : memref<65536x25x25xf32, #tpu.memory_space<hbm>> -> memref<1x25x25xf32, #tpu.memory_space<hbm>>
      %dma_wait3A_2483 = tpu.memref_squeeze %dma_wait3A_2482 : memref<1x25x25xf32, #tpu.memory_space<hbm>> -> memref<25x25xf32, #tpu.memory_space<hbm>>
      tpu.wait_dma2 semaphore(%arg24 : memref<!tpu.dma_semaphore, #tpu.memory_space<semaphore_mem>>) src(%dma_wait3A_2483 : memref<25x25xf32, #tpu.memory_space<hbm>>) dst(%arg19 : memref<25x25xf32, #tpu.memory_space<vmem>>)
      %add3A_2484 = arith.addi %add3A_2054, %scan3A_2274 : i32
      %dma_wait3A_2485 = arith.constant 0 : i32
      %dma_wait3A_2486 = arith.constant 0 : i32
      %dma_wait3A_2487 = tpu.memref_slice %arg2[%add3A_2484, %dma_wait3A_2485, %dma_wait3A_2486] : memref<65536x25x25xf32, #tpu.memory_space<hbm>> -> memref<1x25x25xf32, #tpu.memory_space<hbm>>
      %dma_wait3A_2488 = tpu.memref_squeeze %dma_wait3A_2487 : memref<1x25x25xf32, #tpu.memory_space<hbm>> -> memref<25x25xf32, #tpu.memory_space<hbm>>
      %dma_wait3A_2489 = arith.constant 0 : i32
      %dma_wait3A_2490 = arith.constant 0 : i32
      %dma_wait3A_2491 = tpu.memref_slice %arg2[%add3A_2484, %dma_wait3A_2489, %dma_wait3A_2490] : memref<65536x25x25xf32, #tpu.memory_space<hbm>> -> memref<1x25x25xf32, #tpu.memory_space<hbm>>
      %dma_wait3A_2492 = tpu.memref_squeeze %dma_wait3A_2491 : memref<1x25x25xf32, #tpu.memory_space<hbm>> -> memref<25x25xf32, #tpu.memory_space<hbm>>
      tpu.wait_dma2 semaphore(%arg24 : memref<!tpu.dma_semaphore, #tpu.memory_space<semaphore_mem>>) src(%dma_wait3A_2492 : memref<25x25xf32, #tpu.memory_space<hbm>>) dst(%arg20 : memref<25x25xf32, #tpu.memory_space<vmem>>)
      %add3A_2493 = arith.addi %add3A_2189, %scan3A_2274 : i32
      %dma_wait3A_2494 = arith.constant 0 : i32
      %dma_wait3A_2495 = arith.constant 0 : i32
      %dma_wait3A_2496 = tpu.memref_slice %arg2[%add3A_2493, %dma_wait3A_2494, %dma_wait3A_2495] : memref<65536x25x25xf32, #tpu.memory_space<hbm>> -> memref<1x25x25xf32, #tpu.memory_space<hbm>>
      %dma_wait3A_2497 = tpu.memref_squeeze %dma_wait3A_2496 : memref<1x25x25xf32, #tpu.memory_space<hbm>> -> memref<25x25xf32, #tpu.memory_space<hbm>>
      %dma_wait3A_2498 = arith.constant 0 : i32
      %dma_wait3A_2499 = arith.constant 0 : i32
      %dma_wait3A_2500 = tpu.memref_slice %arg2[%add3A_2493, %dma_wait3A_2498, %dma_wait3A_2499] : memref<65536x25x25xf32, #tpu.memory_space<hbm>> -> memref<1x25x25xf32, #tpu.memory_space<hbm>>
      %dma_wait3A_2501 = tpu.memref_squeeze %dma_wait3A_2500 : memref<1x25x25xf32, #tpu.memory_space<hbm>> -> memref<25x25xf32, #tpu.memory_space<hbm>>
      tpu.wait_dma2 semaphore(%arg24 : memref<!tpu.dma_semaphore, #tpu.memory_space<semaphore_mem>>) src(%dma_wait3A_2501 : memref<25x25xf32, #tpu.memory_space<hbm>>) dst(%arg21 : memref<25x25xf32, #tpu.memory_space<vmem>>)
      %scan3A_2502 = arith.constant 0 : i32
      %scan3A_2503 = arith.constant 0 : i32
      %scan3A_2504 = arith.constant 25 : i32
      %scan3A_2505 = arith.addi %scan3A_2503, %scan3A_2504 : i32
      %scan3A_2506 = arith.constant 5 : i32
      scf.for %scan3A_2512 = %scan3A_2503 to %scan3A_2505 step %scan3A_2506  : i32 {
        %get3A_2513 = arith.index_cast %scan3A_2512 : i32 to index
        %get3A_2514 = arith.constant 0 : index
        %get3A_2515 = tpu.vector_load %arg14[%get3A_2513, %get3A_2514] {strides = array<i32>} : memref<25x25xf32, #tpu.memory_space<vmem>>, vector<16xf32>,
        %get3A_2516 = arith.index_cast %scan3A_2512 : i32 to index
        %get3A_2517 = arith.constant 0 : index
        %get3A_2518 = tpu.vector_load %arg15[%get3A_2516, %get3A_2517] {strides = array<i32>} : memref<25x25xf32, #tpu.memory_space<vmem>>, vector<16xf32>,
        %add3A_2519 = arith.addf %get3A_2515, %get3A_2518 : vector<16xf32>
        %get3A_2520 = arith.index_cast %scan3A_2512 : i32 to index
        %get3A_2521 = arith.constant 0 : index
        %get3A_2522 = tpu.vector_load %arg16[%get3A_2520, %get3A_2521] {strides = array<i32>} : memref<25x25xf32, #tpu.memory_space<vmem>>, vector<16xf32>,
        %add3A_2523 = arith.addf %add3A_2519, %get3A_2522 : vector<16xf32>
        %get3A_2524 = arith.index_cast %scan3A_2512 : i32 to index
        %get3A_2525 = arith.constant 0 : index
        %get3A_2526 = tpu.vector_load %arg17[%get3A_2524, %get3A_2525] {strides = array<i32>} : memref<25x25xf32, #tpu.memory_space<vmem>>, vector<16xf32>,
        %add3A_2527 = arith.addf %add3A_2523, %get3A_2526 : vector<16xf32>
        %get3A_2528 = arith.index_cast %scan3A_2512 : i32 to index
        %get3A_2529 = arith.constant 0 : index
        %get3A_2530 = tpu.vector_load %arg18[%get3A_2528, %get3A_2529] {strides = array<i32>} : memref<25x25xf32, #tpu.memory_space<vmem>>, vector<16xf32>,
        %add3A_2531 = arith.addf %add3A_2527, %get3A_2530 : vector<16xf32>
        %get3A_2532 = arith.index_cast %scan3A_2512 : i32 to index
        %get3A_2533 = arith.constant 0 : index
        %get3A_2534 = tpu.vector_load %arg19[%get3A_2532, %get3A_2533] {strides = array<i32>} : memref<25x25xf32, #tpu.memory_space<vmem>>, vector<16xf32>,
        %add3A_2535 = arith.addf %add3A_2531, %get3A_2534 : vector<16xf32>
        %get3A_2536 = arith.index_cast %scan3A_2512 : i32 to index
        %get3A_2537 = arith.constant 0 : index
        %get3A_2538 = tpu.vector_load %arg20[%get3A_2536, %get3A_2537] {strides = array<i32>} : memref<25x25xf32, #tpu.memory_space<vmem>>, vector<16xf32>,
        %add3A_2539 = arith.addf %add3A_2535, %get3A_2538 : vector<16xf32>
        %get3A_2540 = arith.index_cast %scan3A_2512 : i32 to index
        %get3A_2541 = arith.constant 0 : index
        %get3A_2542 = tpu.vector_load %arg21[%get3A_2540, %get3A_2541] {strides = array<i32>} : memref<25x25xf32, #tpu.memory_space<vmem>>, vector<16xf32>,
        %add3A_2543 = arith.addf %add3A_2539, %get3A_2542 : vector<16xf32>
        %get3A_2544 = arith.index_cast %scan3A_2512 : i32 to index
        %get3A_2545 = arith.constant 0 : index
        %get3A_2546 = tpu.vector_load %arg22[%get3A_2544, %get3A_2545] {strides = array<i32>} : memref<25x25xf32, #tpu.memory_space<vmem>>, vector<16xf32>,
        %add3A_2547 = arith.addf %add3A_2543, %get3A_2546 : vector<16xf32>
        %get3A_2548 = arith.index_cast %scan3A_2512 : i32 to index
        %get3A_2549 = arith.constant 9 : index
        %get3A_2550 = tpu.vector_load %arg14[%get3A_2548, %get3A_2549] {strides = array<i32>} : memref<25x25xf32, #tpu.memory_space<vmem>>, vector<16xf32>,
        %get3A_2551 = arith.index_cast %scan3A_2512 : i32 to index
        %get3A_2552 = arith.constant 9 : index
        %get3A_2553 = tpu.vector_load %arg15[%get3A_2551, %get3A_2552] {strides = array<i32>} : memref<25x25xf32, #tpu.memory_space<vmem>>, vector<16xf32>,
        %add3A_2554 = arith.addf %get3A_2550, %get3A_2553 : vector<16xf32>
        %get3A_2555 = arith.index_cast %scan3A_2512 : i32 to index
        %get3A_2556 = arith.constant 9 : index
        %get3A_2557 = tpu.vector_load %arg16[%get3A_2555, %get3A_2556] {strides = array<i32>} : memref<25x25xf32, #tpu.memory_space<vmem>>, vector<16xf32>,
        %add3A_2558 = arith.addf %add3A_2554, %get3A_2557 : vector<16xf32>
        %get3A_2559 = arith.index_cast %scan3A_2512 : i32 to index
        %get3A_2560 = arith.constant 9 : index
        %get3A_2561 = tpu.vector_load %arg17[%get3A_2559, %get3A_2560] {strides = array<i32>} : memref<25x25xf32, #tpu.memory_space<vmem>>, vector<16xf32>,
        %add3A_2562 = arith.addf %add3A_2558, %get3A_2561 : vector<16xf32>
        %get3A_2563 = arith.index_cast %scan3A_2512 : i32 to index
        %get3A_2564 = arith.constant 9 : index
        %get3A_2565 = tpu.vector_load %arg18[%get3A_2563, %get3A_2564] {strides = array<i32>} : memref<25x25xf32, #tpu.memory_space<vmem>>, vector<16xf32>,
        %add3A_2566 = arith.addf %add3A_2562, %get3A_2565 : vector<16xf32>
        %get3A_2567 = arith.index_cast %scan3A_2512 : i32 to index
        %get3A_2568 = arith.constant 9 : index
        %get3A_2569 = tpu.vector_load %arg19[%get3A_2567, %get3A_2568] {strides = array<i32>} : memref<25x25xf32, #tpu.memory_space<vmem>>, vector<16xf32>,
        %add3A_2570 = arith.addf %add3A_2566, %get3A_2569 : vector<16xf32>
        %get3A_2571 = arith.index_cast %scan3A_2512 : i32 to index
        %get3A_2572 = arith.constant 9 : index
        %get3A_2573 = tpu.vector_load %arg20[%get3A_2571, %get3A_2572] {strides = array<i32>} : memref<25x25xf32, #tpu.memory_space<vmem>>, vector<16xf32>,
        %add3A_2574 = arith.addf %add3A_2570, %get3A_2573 : vector<16xf32>
        %get3A_2575 = arith.index_cast %scan3A_2512 : i32 to index
        %get3A_2576 = arith.constant 9 : index
        %get3A_2577 = tpu.vector_load %arg21[%get3A_2575, %get3A_2576] {strides = array<i32>} : memref<25x25xf32, #tpu.memory_space<vmem>>, vector<16xf32>,
        %add3A_2578 = arith.addf %add3A_2574, %get3A_2577 : vector<16xf32>
        %get3A_2579 = arith.index_cast %scan3A_2512 : i32 to index
        %get3A_2580 = arith.constant 9 : index
        %get3A_2581 = tpu.vector_load %arg22[%get3A_2579, %get3A_2580] {strides = array<i32>} : memref<25x25xf32, #tpu.memory_space<vmem>>, vector<16xf32>,
        %add3A_2582 = arith.addf %add3A_2578, %get3A_2581 : vector<16xf32>
        %swap3A = arith.index_cast %scan3A_2512 : i32 to index
        %swap3A_2583 = arith.constant 0 : index
        %swap3A_2584 = tpu.vector_load %arg22[%swap3A, %swap3A_2583] {strides = array<i32>} : memref<25x25xf32, #tpu.memory_space<vmem>>, vector<16xf32>,
        tpu.vector_store %arg22[%swap3A, %swap3A_2583], %add3A_2547 {strides = array<i32>} : memref<25x25xf32, #tpu.memory_space<vmem>>, vector<16xf32>,
        %swap3A_2585 = arith.index_cast %scan3A_2512 : i32 to index
        %swap3A_2586 = arith.constant 9 : index
        %swap3A_2587 = tpu.vector_load %arg22[%swap3A_2585, %swap3A_2586] {strides = array<i32>} : memref<25x25xf32, #tpu.memory_space<vmem>>, vector<16xf32>,
        tpu.vector_store %arg22[%swap3A_2585, %swap3A_2586], %add3A_2582 {strides = array<i32>} : memref<25x25xf32, #tpu.memory_space<vmem>>, vector<16xf32>,
        %scan3A_2588 = arith.constant 1 : i32
        %scan3A_2589 = arith.addi %scan3A_2512, %scan3A_2588 : i32
        %get3A_2590 = arith.index_cast %scan3A_2589 : i32 to index
        %get3A_2591 = arith.constant 0 : index
        %get3A_2592 = tpu.vector_load %arg14[%get3A_2590, %get3A_2591] {strides = array<i32>} : memref<25x25xf32, #tpu.memory_space<vmem>>, vector<16xf32>,
        %get3A_2593 = arith.index_cast %scan3A_2589 : i32 to index
        %get3A_2594 = arith.constant 0 : index
        %get3A_2595 = tpu.vector_load %arg15[%get3A_2593, %get3A_2594] {strides = array<i32>} : memref<25x25xf32, #tpu.memory_space<vmem>>, vector<16xf32>,
        %add3A_2596 = arith.addf %get3A_2592, %get3A_2595 : vector<16xf32>
        %get3A_2597 = arith.index_cast %scan3A_2589 : i32 to index
        %get3A_2598 = arith.constant 0 : index
        %get3A_2599 = tpu.vector_load %arg16[%get3A_2597, %get3A_2598] {strides = array<i32>} : memref<25x25xf32, #tpu.memory_space<vmem>>, vector<16xf32>,
        %add3A_2600 = arith.addf %add3A_2596, %get3A_2599 : vector<16xf32>
        %get3A_2601 = arith.index_cast %scan3A_2589 : i32 to index
        %get3A_2602 = arith.constant 0 : index
        %get3A_2603 = tpu.vector_load %arg17[%get3A_2601, %get3A_2602] {strides = array<i32>} : memref<25x25xf32, #tpu.memory_space<vmem>>, vector<16xf32>,
        %add3A_2604 = arith.addf %add3A_2600, %get3A_2603 : vector<16xf32>
        %get3A_2605 = arith.index_cast %scan3A_2589 : i32 to index
        %get3A_2606 = arith.constant 0 : index
        %get3A_2607 = tpu.vector_load %arg18[%get3A_2605, %get3A_2606] {strides = array<i32>} : memref<25x25xf32, #tpu.memory_space<vmem>>, vector<16xf32>,
        %add3A_2608 = arith.addf %add3A_2604, %get3A_2607 : vector<16xf32>
        %get3A_2609 = arith.index_cast %scan3A_2589 : i32 to index
        %get3A_2610 = arith.constant 0 : index
        %get3A_2611 = tpu.vector_load %arg19[%get3A_2609, %get3A_2610] {strides = array<i32>} : memref<25x25xf32, #tpu.memory_space<vmem>>, vector<16xf32>,
        %add3A_2612 = arith.addf %add3A_2608, %get3A_2611 : vector<16xf32>
        %get3A_2613 = arith.index_cast %scan3A_2589 : i32 to index
        %get3A_2614 = arith.constant 0 : index
        %get3A_2615 = tpu.vector_load %arg20[%get3A_2613, %get3A_2614] {strides = array<i32>} : memref<25x25xf32, #tpu.memory_space<vmem>>, vector<16xf32>,
        %add3A_2616 = arith.addf %add3A_2612, %get3A_2615 : vector<16xf32>
        %get3A_2617 = arith.index_cast %scan3A_2589 : i32 to index
        %get3A_2618 = arith.constant 0 : index
        %get3A_2619 = tpu.vector_load %arg21[%get3A_2617, %get3A_2618] {strides = array<i32>} : memref<25x25xf32, #tpu.memory_space<vmem>>, vector<16xf32>,
        %add3A_2620 = arith.addf %add3A_2616, %get3A_2619 : vector<16xf32>
        %get3A_2621 = arith.index_cast %scan3A_2589 : i32 to index
        %get3A_2622 = arith.constant 0 : index
        %get3A_2623 = tpu.vector_load %arg22[%get3A_2621, %get3A_2622] {strides = array<i32>} : memref<25x25xf32, #tpu.memory_space<vmem>>, vector<16xf32>,
        %add3A_2624 = arith.addf %add3A_2620, %get3A_2623 : vector<16xf32>
        %get3A_2625 = arith.index_cast %scan3A_2589 : i32 to index
        %get3A_2626 = arith.constant 9 : index
        %get3A_2627 = tpu.vector_load %arg14[%get3A_2625, %get3A_2626] {strides = array<i32>} : memref<25x25xf32, #tpu.memory_space<vmem>>, vector<16xf32>,
        %get3A_2628 = arith.index_cast %scan3A_2589 : i32 to index
        %get3A_2629 = arith.constant 9 : index
        %get3A_2630 = tpu.vector_load %arg15[%get3A_2628, %get3A_2629] {strides = array<i32>} : memref<25x25xf32, #tpu.memory_space<vmem>>, vector<16xf32>,
        %add3A_2631 = arith.addf %get3A_2627, %get3A_2630 : vector<16xf32>
        %get3A_2632 = arith.index_cast %scan3A_2589 : i32 to index
        %get3A_2633 = arith.constant 9 : index
        %get3A_2634 = tpu.vector_load %arg16[%get3A_2632, %get3A_2633] {strides = array<i32>} : memref<25x25xf32, #tpu.memory_space<vmem>>, vector<16xf32>,
        %add3A_2635 = arith.addf %add3A_2631, %get3A_2634 : vector<16xf32>
        %get3A_2636 = arith.index_cast %scan3A_2589 : i32 to index
        %get3A_2637 = arith.constant 9 : index
        %get3A_2638 = tpu.vector_load %arg17[%get3A_2636, %get3A_2637] {strides = array<i32>} : memref<25x25xf32, #tpu.memory_space<vmem>>, vector<16xf32>,
        %add3A_2639 = arith.addf %add3A_2635, %get3A_2638 : vector<16xf32>
        %get3A_2640 = arith.index_cast %scan3A_2589 : i32 to index
        %get3A_2641 = arith.constant 9 : index
        %get3A_2642 = tpu.vector_load %arg18[%get3A_2640, %get3A_2641] {strides = array<i32>} : memref<25x25xf32, #tpu.memory_space<vmem>>, vector<16xf32>,
        %add3A_2643 = arith.addf %add3A_2639, %get3A_2642 : vector<16xf32>
        %get3A_2644 = arith.index_cast %scan3A_2589 : i32 to index
        %get3A_2645 = arith.constant 9 : index
        %get3A_2646 = tpu.vector_load %arg19[%get3A_2644, %get3A_2645] {strides = array<i32>} : memref<25x25xf32, #tpu.memory_space<vmem>>, vector<16xf32>,
        %add3A_2647 = arith.addf %add3A_2643, %get3A_2646 : vector<16xf32>
        %get3A_2648 = arith.index_cast %scan3A_2589 : i32 to index
        %get3A_2649 = arith.constant 9 : index
        %get3A_2650 = tpu.vector_load %arg20[%get3A_2648, %get3A_2649] {strides = array<i32>} : memref<25x25xf32, #tpu.memory_space<vmem>>, vector<16xf32>,
        %add3A_2651 = arith.addf %add3A_2647, %get3A_2650 : vector<16xf32>
        %get3A_2652 = arith.index_cast %scan3A_2589 : i32 to index
        %get3A_2653 = arith.constant 9 : index
        %get3A_2654 = tpu.vector_load %arg21[%get3A_2652, %get3A_2653] {strides = array<i32>} : memref<25x25xf32, #tpu.memory_space<vmem>>, vector<16xf32>,
        %add3A_2655 = arith.addf %add3A_2651, %get3A_2654 : vector<16xf32>
        %get3A_2656 = arith.index_cast %scan3A_2589 : i32 to index
        %get3A_2657 = arith.constant 9 : index
        %get3A_2658 = tpu.vector_load %arg22[%get3A_2656, %get3A_2657] {strides = array<i32>} : memref<25x25xf32, #tpu.memory_space<vmem>>, vector<16xf32>,
        %add3A_2659 = arith.addf %add3A_2655, %get3A_2658 : vector<16xf32>
        %swap3A_2660 = arith.index_cast %scan3A_2589 : i32 to index
        %swap3A_2661 = arith.constant 0 : index
        %swap3A_2662 = tpu.vector_load %arg22[%swap3A_2660, %swap3A_2661] {strides = array<i32>} : memref<25x25xf32, #tpu.memory_space<vmem>>, vector<16xf32>,
        tpu.vector_store %arg22[%swap3A_2660, %swap3A_2661], %add3A_2624 {strides = array<i32>} : memref<25x25xf32, #tpu.memory_space<vmem>>, vector<16xf32>,
        %swap3A_2663 = arith.index_cast %scan3A_2589 : i32 to index
        %swap3A_2664 = arith.constant 9 : index
        %swap3A_2665 = tpu.vector_load %arg22[%swap3A_2663, %swap3A_2664] {strides = array<i32>} : memref<25x25xf32, #tpu.memory_space<vmem>>, vector<16xf32>,
        tpu.vector_store %arg22[%swap3A_2663, %swap3A_2664], %add3A_2659 {strides = array<i32>} : memref<25x25xf32, #tpu.memory_space<vmem>>, vector<16xf32>,
        %scan3A_2666 = arith.constant 2 : i32
        %scan3A_2667 = arith.addi %scan3A_2512, %scan3A_2666 : i32
        %get3A_2668 = arith.index_cast %scan3A_2667 : i32 to index
        %get3A_2669 = arith.constant 0 : index
        %get3A_2670 = tpu.vector_load %arg14[%get3A_2668, %get3A_2669] {strides = array<i32>} : memref<25x25xf32, #tpu.memory_space<vmem>>, vector<16xf32>,
        %get3A_2671 = arith.index_cast %scan3A_2667 : i32 to index
        %get3A_2672 = arith.constant 0 : index
        %get3A_2673 = tpu.vector_load %arg15[%get3A_2671, %get3A_2672] {strides = array<i32>} : memref<25x25xf32, #tpu.memory_space<vmem>>, vector<16xf32>,
        %add3A_2674 = arith.addf %get3A_2670, %get3A_2673 : vector<16xf32>
        %get3A_2675 = arith.index_cast %scan3A_2667 : i32 to index
        %get3A_2676 = arith.constant 0 : index
        %get3A_2677 = tpu.vector_load %arg16[%get3A_2675, %get3A_2676] {strides = array<i32>} : memref<25x25xf32, #tpu.memory_space<vmem>>, vector<16xf32>,
        %add3A_2678 = arith.addf %add3A_2674, %get3A_2677 : vector<16xf32>
        %get3A_2679 = arith.index_cast %scan3A_2667 : i32 to index
        %get3A_2680 = arith.constant 0 : index
        %get3A_2681 = tpu.vector_load %arg17[%get3A_2679, %get3A_2680] {strides = array<i32>} : memref<25x25xf32, #tpu.memory_space<vmem>>, vector<16xf32>,
        %add3A_2682 = arith.addf %add3A_2678, %get3A_2681 : vector<16xf32>
        %get3A_2683 = arith.index_cast %scan3A_2667 : i32 to index
        %get3A_2684 = arith.constant 0 : index
        %get3A_2685 = tpu.vector_load %arg18[%get3A_2683, %get3A_2684] {strides = array<i32>} : memref<25x25xf32, #tpu.memory_space<vmem>>, vector<16xf32>,
        %add3A_2686 = arith.addf %add3A_2682, %get3A_2685 : vector<16xf32>
        %get3A_2687 = arith.index_cast %scan3A_2667 : i32 to index
        %get3A_2688 = arith.constant 0 : index
        %get3A_2689 = tpu.vector_load %arg19[%get3A_2687, %get3A_2688] {strides = array<i32>} : memref<25x25xf32, #tpu.memory_space<vmem>>, vector<16xf32>,
        %add3A_2690 = arith.addf %add3A_2686, %get3A_2689 : vector<16xf32>
        %get3A_2691 = arith.index_cast %scan3A_2667 : i32 to index
        %get3A_2692 = arith.constant 0 : index
        %get3A_2693 = tpu.vector_load %arg20[%get3A_2691, %get3A_2692] {strides = array<i32>} : memref<25x25xf32, #tpu.memory_space<vmem>>, vector<16xf32>,
        %add3A_2694 = arith.addf %add3A_2690, %get3A_2693 : vector<16xf32>
        %get3A_2695 = arith.index_cast %scan3A_2667 : i32 to index
        %get3A_2696 = arith.constant 0 : index
        %get3A_2697 = tpu.vector_load %arg21[%get3A_2695, %get3A_2696] {strides = array<i32>} : memref<25x25xf32, #tpu.memory_space<vmem>>, vector<16xf32>,
        %add3A_2698 = arith.addf %add3A_2694, %get3A_2697 : vector<16xf32>
        %get3A_2699 = arith.index_cast %scan3A_2667 : i32 to index
        %get3A_2700 = arith.constant 0 : index
        %get3A_2701 = tpu.vector_load %arg22[%get3A_2699, %get3A_2700] {strides = array<i32>} : memref<25x25xf32, #tpu.memory_space<vmem>>, vector<16xf32>,
        %add3A_2702 = arith.addf %add3A_2698, %get3A_2701 : vector<16xf32>
        %get3A_2703 = arith.index_cast %scan3A_2667 : i32 to index
        %get3A_2704 = arith.constant 9 : index
        %get3A_2705 = tpu.vector_load %arg14[%get3A_2703, %get3A_2704] {strides = array<i32>} : memref<25x25xf32, #tpu.memory_space<vmem>>, vector<16xf32>,
        %get3A_2706 = arith.index_cast %scan3A_2667 : i32 to index
        %get3A_2707 = arith.constant 9 : index
        %get3A_2708 = tpu.vector_load %arg15[%get3A_2706, %get3A_2707] {strides = array<i32>} : memref<25x25xf32, #tpu.memory_space<vmem>>, vector<16xf32>,
        %add3A_2709 = arith.addf %get3A_2705, %get3A_2708 : vector<16xf32>
        %get3A_2710 = arith.index_cast %scan3A_2667 : i32 to index
        %get3A_2711 = arith.constant 9 : index
        %get3A_2712 = tpu.vector_load %arg16[%get3A_2710, %get3A_2711] {strides = array<i32>} : memref<25x25xf32, #tpu.memory_space<vmem>>, vector<16xf32>,
        %add3A_2713 = arith.addf %add3A_2709, %get3A_2712 : vector<16xf32>
        %get3A_2714 = arith.index_cast %scan3A_2667 : i32 to index
        %get3A_2715 = arith.constant 9 : index
        %get3A_2716 = tpu.vector_load %arg17[%get3A_2714, %get3A_2715] {strides = array<i32>} : memref<25x25xf32, #tpu.memory_space<vmem>>, vector<16xf32>,
        %add3A_2717 = arith.addf %add3A_2713, %get3A_2716 : vector<16xf32>
        %get3A_2718 = arith.index_cast %scan3A_2667 : i32 to index
        %get3A_2719 = arith.constant 9 : index
        %get3A_2720 = tpu.vector_load %arg18[%get3A_2718, %get3A_2719] {strides = array<i32>} : memref<25x25xf32, #tpu.memory_space<vmem>>, vector<16xf32>,
        %add3A_2721 = arith.addf %add3A_2717, %get3A_2720 : vector<16xf32>
        %get3A_2722 = arith.index_cast %scan3A_2667 : i32 to index
        %get3A_2723 = arith.constant 9 : index
        %get3A_2724 = tpu.vector_load %arg19[%get3A_2722, %get3A_2723] {strides = array<i32>} : memref<25x25xf32, #tpu.memory_space<vmem>>, vector<16xf32>,
        %add3A_2725 = arith.addf %add3A_2721, %get3A_2724 : vector<16xf32>
        %get3A_2726 = arith.index_cast %scan3A_2667 : i32 to index
        %get3A_2727 = arith.constant 9 : index
        %get3A_2728 = tpu.vector_load %arg20[%get3A_2726, %get3A_2727] {strides = array<i32>} : memref<25x25xf32, #tpu.memory_space<vmem>>, vector<16xf32>,
        %add3A_2729 = arith.addf %add3A_2725, %get3A_2728 : vector<16xf32>
        %get3A_2730 = arith.index_cast %scan3A_2667 : i32 to index
        %get3A_2731 = arith.constant 9 : index
        %get3A_2732 = tpu.vector_load %arg21[%get3A_2730, %get3A_2731] {strides = array<i32>} : memref<25x25xf32, #tpu.memory_space<vmem>>, vector<16xf32>,
        %add3A_2733 = arith.addf %add3A_2729, %get3A_2732 : vector<16xf32>
        %get3A_2734 = arith.index_cast %scan3A_2667 : i32 to index
        %get3A_2735 = arith.constant 9 : index
        %get3A_2736 = tpu.vector_load %arg22[%get3A_2734, %get3A_2735] {strides = array<i32>} : memref<25x25xf32, #tpu.memory_space<vmem>>, vector<16xf32>,
        %add3A_2737 = arith.addf %add3A_2733, %get3A_2736 : vector<16xf32>
        %swap3A_2738 = arith.index_cast %scan3A_2667 : i32 to index
        %swap3A_2739 = arith.constant 0 : index
        %swap3A_2740 = tpu.vector_load %arg22[%swap3A_2738, %swap3A_2739] {strides = array<i32>} : memref<25x25xf32, #tpu.memory_space<vmem>>, vector<16xf32>,
        tpu.vector_store %arg22[%swap3A_2738, %swap3A_2739], %add3A_2702 {strides = array<i32>} : memref<25x25xf32, #tpu.memory_space<vmem>>, vector<16xf32>,
        %swap3A_2741 = arith.index_cast %scan3A_2667 : i32 to index
        %swap3A_2742 = arith.constant 9 : index
        %swap3A_2743 = tpu.vector_load %arg22[%swap3A_2741, %swap3A_2742] {strides = array<i32>} : memref<25x25xf32, #tpu.memory_space<vmem>>, vector<16xf32>,
        tpu.vector_store %arg22[%swap3A_2741, %swap3A_2742], %add3A_2737 {strides = array<i32>} : memref<25x25xf32, #tpu.memory_space<vmem>>, vector<16xf32>,
        %scan3A_2744 = arith.constant 3 : i32
        %scan3A_2745 = arith.addi %scan3A_2512, %scan3A_2744 : i32
        %get3A_2746 = arith.index_cast %scan3A_2745 : i32 to index
        %get3A_2747 = arith.constant 0 : index
        %get3A_2748 = tpu.vector_load %arg14[%get3A_2746, %get3A_2747] {strides = array<i32>} : memref<25x25xf32, #tpu.memory_space<vmem>>, vector<16xf32>,
        %get3A_2749 = arith.index_cast %scan3A_2745 : i32 to index
        %get3A_2750 = arith.constant 0 : index
        %get3A_2751 = tpu.vector_load %arg15[%get3A_2749, %get3A_2750] {strides = array<i32>} : memref<25x25xf32, #tpu.memory_space<vmem>>, vector<16xf32>,
        %add3A_2752 = arith.addf %get3A_2748, %get3A_2751 : vector<16xf32>
        %get3A_2753 = arith.index_cast %scan3A_2745 : i32 to index
        %get3A_2754 = arith.constant 0 : index
        %get3A_2755 = tpu.vector_load %arg16[%get3A_2753, %get3A_2754] {strides = array<i32>} : memref<25x25xf32, #tpu.memory_space<vmem>>, vector<16xf32>,
        %add3A_2756 = arith.addf %add3A_2752, %get3A_2755 : vector<16xf32>
        %get3A_2757 = arith.index_cast %scan3A_2745 : i32 to index
        %get3A_2758 = arith.constant 0 : index
        %get3A_2759 = tpu.vector_load %arg17[%get3A_2757, %get3A_2758] {strides = array<i32>} : memref<25x25xf32, #tpu.memory_space<vmem>>, vector<16xf32>,
        %add3A_2760 = arith.addf %add3A_2756, %get3A_2759 : vector<16xf32>
        %get3A_2761 = arith.index_cast %scan3A_2745 : i32 to index
        %get3A_2762 = arith.constant 0 : index
        %get3A_2763 = tpu.vector_load %arg18[%get3A_2761, %get3A_2762] {strides = array<i32>} : memref<25x25xf32, #tpu.memory_space<vmem>>, vector<16xf32>,
        %add3A_2764 = arith.addf %add3A_2760, %get3A_2763 : vector<16xf32>
        %get3A_2765 = arith.index_cast %scan3A_2745 : i32 to index
        %get3A_2766 = arith.constant 0 : index
        %get3A_2767 = tpu.vector_load %arg19[%get3A_2765, %get3A_2766] {strides = array<i32>} : memref<25x25xf32, #tpu.memory_space<vmem>>, vector<16xf32>,
        %add3A_2768 = arith.addf %add3A_2764, %get3A_2767 : vector<16xf32>
        %get3A_2769 = arith.index_cast %scan3A_2745 : i32 to index
        %get3A_2770 = arith.constant 0 : index
        %get3A_2771 = tpu.vector_load %arg20[%get3A_2769, %get3A_2770] {strides = array<i32>} : memref<25x25xf32, #tpu.memory_space<vmem>>, vector<16xf32>,
        %add3A_2772 = arith.addf %add3A_2768, %get3A_2771 : vector<16xf32>
        %get3A_2773 = arith.index_cast %scan3A_2745 : i32 to index
        %get3A_2774 = arith.constant 0 : index
        %get3A_2775 = tpu.vector_load %arg21[%get3A_2773, %get3A_2774] {strides = array<i32>} : memref<25x25xf32, #tpu.memory_space<vmem>>, vector<16xf32>,
        %add3A_2776 = arith.addf %add3A_2772, %get3A_2775 : vector<16xf32>
        %get3A_2777 = arith.index_cast %scan3A_2745 : i32 to index
        %get3A_2778 = arith.constant 0 : index
        %get3A_2779 = tpu.vector_load %arg22[%get3A_2777, %get3A_2778] {strides = array<i32>} : memref<25x25xf32, #tpu.memory_space<vmem>>, vector<16xf32>,
        %add3A_2780 = arith.addf %add3A_2776, %get3A_2779 : vector<16xf32>
        %get3A_2781 = arith.index_cast %scan3A_2745 : i32 to index
        %get3A_2782 = arith.constant 9 : index
        %get3A_2783 = tpu.vector_load %arg14[%get3A_2781, %get3A_2782] {strides = array<i32>} : memref<25x25xf32, #tpu.memory_space<vmem>>, vector<16xf32>,
        %get3A_2784 = arith.index_cast %scan3A_2745 : i32 to index
        %get3A_2785 = arith.constant 9 : index
        %get3A_2786 = tpu.vector_load %arg15[%get3A_2784, %get3A_2785] {strides = array<i32>} : memref<25x25xf32, #tpu.memory_space<vmem>>, vector<16xf32>,
        %add3A_2787 = arith.addf %get3A_2783, %get3A_2786 : vector<16xf32>
        %get3A_2788 = arith.index_cast %scan3A_2745 : i32 to index
        %get3A_2789 = arith.constant 9 : index
        %get3A_2790 = tpu.vector_load %arg16[%get3A_2788, %get3A_2789] {strides = array<i32>} : memref<25x25xf32, #tpu.memory_space<vmem>>, vector<16xf32>,
        %add3A_2791 = arith.addf %add3A_2787, %get3A_2790 : vector<16xf32>
        %get3A_2792 = arith.index_cast %scan3A_2745 : i32 to index
        %get3A_2793 = arith.constant 9 : index
        %get3A_2794 = tpu.vector_load %arg17[%get3A_2792, %get3A_2793] {strides = array<i32>} : memref<25x25xf32, #tpu.memory_space<vmem>>, vector<16xf32>,
        %add3A_2795 = arith.addf %add3A_2791, %get3A_2794 : vector<16xf32>
        %get3A_2796 = arith.index_cast %scan3A_2745 : i32 to index
        %get3A_2797 = arith.constant 9 : index
        %get3A_2798 = tpu.vector_load %arg18[%get3A_2796, %get3A_2797] {strides = array<i32>} : memref<25x25xf32, #tpu.memory_space<vmem>>, vector<16xf32>,
        %add3A_2799 = arith.addf %add3A_2795, %get3A_2798 : vector<16xf32>
        %get3A_2800 = arith.index_cast %scan3A_2745 : i32 to index
        %get3A_2801 = arith.constant 9 : index
        %get3A_2802 = tpu.vector_load %arg19[%get3A_2800, %get3A_2801] {strides = array<i32>} : memref<25x25xf32, #tpu.memory_space<vmem>>, vector<16xf32>,
        %add3A_2803 = arith.addf %add3A_2799, %get3A_2802 : vector<16xf32>
        %get3A_2804 = arith.index_cast %scan3A_2745 : i32 to index
        %get3A_2805 = arith.constant 9 : index
        %get3A_2806 = tpu.vector_load %arg20[%get3A_2804, %get3A_2805] {strides = array<i32>} : memref<25x25xf32, #tpu.memory_space<vmem>>, vector<16xf32>,
        %add3A_2807 = arith.addf %add3A_2803, %get3A_2806 : vector<16xf32>
        %get3A_2808 = arith.index_cast %scan3A_2745 : i32 to index
        %get3A_2809 = arith.constant 9 : index
        %get3A_2810 = tpu.vector_load %arg21[%get3A_2808, %get3A_2809] {strides = array<i32>} : memref<25x25xf32, #tpu.memory_space<vmem>>, vector<16xf32>,
        %add3A_2811 = arith.addf %add3A_2807, %get3A_2810 : vector<16xf32>
        %get3A_2812 = arith.index_cast %scan3A_2745 : i32 to index
        %get3A_2813 = arith.constant 9 : index
        %get3A_2814 = tpu.vector_load %arg22[%get3A_2812, %get3A_2813] {strides = array<i32>} : memref<25x25xf32, #tpu.memory_space<vmem>>, vector<16xf32>,
        %add3A_2815 = arith.addf %add3A_2811, %get3A_2814 : vector<16xf32>
        %swap3A_2816 = arith.index_cast %scan3A_2745 : i32 to index
        %swap3A_2817 = arith.constant 0 : index
        %swap3A_2818 = tpu.vector_load %arg22[%swap3A_2816, %swap3A_2817] {strides = array<i32>} : memref<25x25xf32, #tpu.memory_space<vmem>>, vector<16xf32>,
        tpu.vector_store %arg22[%swap3A_2816, %swap3A_2817], %add3A_2780 {strides = array<i32>} : memref<25x25xf32, #tpu.memory_space<vmem>>, vector<16xf32>,
        %swap3A_2819 = arith.index_cast %scan3A_2745 : i32 to index
        %swap3A_2820 = arith.constant 9 : index
        %swap3A_2821 = tpu.vector_load %arg22[%swap3A_2819, %swap3A_2820] {strides = array<i32>} : memref<25x25xf32, #tpu.memory_space<vmem>>, vector<16xf32>,
        tpu.vector_store %arg22[%swap3A_2819, %swap3A_2820], %add3A_2815 {strides = array<i32>} : memref<25x25xf32, #tpu.memory_space<vmem>>, vector<16xf32>,
        %scan3A_2822 = arith.constant 4 : i32
        %scan3A_2823 = arith.addi %scan3A_2512, %scan3A_2822 : i32
        %get3A_2824 = arith.index_cast %scan3A_2823 : i32 to index
        %get3A_2825 = arith.constant 0 : index
        %get3A_2826 = tpu.vector_load %arg14[%get3A_2824, %get3A_2825] {strides = array<i32>} : memref<25x25xf32, #tpu.memory_space<vmem>>, vector<16xf32>,
        %get3A_2827 = arith.index_cast %scan3A_2823 : i32 to index
        %get3A_2828 = arith.constant 0 : index
        %get3A_2829 = tpu.vector_load %arg15[%get3A_2827, %get3A_2828] {strides = array<i32>} : memref<25x25xf32, #tpu.memory_space<vmem>>, vector<16xf32>,
        %add3A_2830 = arith.addf %get3A_2826, %get3A_2829 : vector<16xf32>
        %get3A_2831 = arith.index_cast %scan3A_2823 : i32 to index
        %get3A_2832 = arith.constant 0 : index
        %get3A_2833 = tpu.vector_load %arg16[%get3A_2831, %get3A_2832] {strides = array<i32>} : memref<25x25xf32, #tpu.memory_space<vmem>>, vector<16xf32>,
        %add3A_2834 = arith.addf %add3A_2830, %get3A_2833 : vector<16xf32>
        %get3A_2835 = arith.index_cast %scan3A_2823 : i32 to index
        %get3A_2836 = arith.constant 0 : index
        %get3A_2837 = tpu.vector_load %arg17[%get3A_2835, %get3A_2836] {strides = array<i32>} : memref<25x25xf32, #tpu.memory_space<vmem>>, vector<16xf32>,
        %add3A_2838 = arith.addf %add3A_2834, %get3A_2837 : vector<16xf32>
        %get3A_2839 = arith.index_cast %scan3A_2823 : i32 to index
        %get3A_2840 = arith.constant 0 : index
        %get3A_2841 = tpu.vector_load %arg18[%get3A_2839, %get3A_2840] {strides = array<i32>} : memref<25x25xf32, #tpu.memory_space<vmem>>, vector<16xf32>,
        %add3A_2842 = arith.addf %add3A_2838, %get3A_2841 : vector<16xf32>
        %get3A_2843 = arith.index_cast %scan3A_2823 : i32 to index
        %get3A_2844 = arith.constant 0 : index
        %get3A_2845 = tpu.vector_load %arg19[%get3A_2843, %get3A_2844] {strides = array<i32>} : memref<25x25xf32, #tpu.memory_space<vmem>>, vector<16xf32>,
        %add3A_2846 = arith.addf %add3A_2842, %get3A_2845 : vector<16xf32>
        %get3A_2847 = arith.index_cast %scan3A_2823 : i32 to index
        %get3A_2848 = arith.constant 0 : index
        %get3A_2849 = tpu.vector_load %arg20[%get3A_2847, %get3A_2848] {strides = array<i32>} : memref<25x25xf32, #tpu.memory_space<vmem>>, vector<16xf32>,
        %add3A_2850 = arith.addf %add3A_2846, %get3A_2849 : vector<16xf32>
        %get3A_2851 = arith.index_cast %scan3A_2823 : i32 to index
        %get3A_2852 = arith.constant 0 : index
        %get3A_2853 = tpu.vector_load %arg21[%get3A_2851, %get3A_2852] {strides = array<i32>} : memref<25x25xf32, #tpu.memory_space<vmem>>, vector<16xf32>,
        %add3A_2854 = arith.addf %add3A_2850, %get3A_2853 : vector<16xf32>
        %get3A_2855 = arith.index_cast %scan3A_2823 : i32 to index
        %get3A_2856 = arith.constant 0 : index
        %get3A_2857 = tpu.vector_load %arg22[%get3A_2855, %get3A_2856] {strides = array<i32>} : memref<25x25xf32, #tpu.memory_space<vmem>>, vector<16xf32>,
        %add3A_2858 = arith.addf %add3A_2854, %get3A_2857 : vector<16xf32>
        %get3A_2859 = arith.index_cast %scan3A_2823 : i32 to index
        %get3A_2860 = arith.constant 9 : index
        %get3A_2861 = tpu.vector_load %arg14[%get3A_2859, %get3A_2860] {strides = array<i32>} : memref<25x25xf32, #tpu.memory_space<vmem>>, vector<16xf32>,
        %get3A_2862 = arith.index_cast %scan3A_2823 : i32 to index
        %get3A_2863 = arith.constant 9 : index
        %get3A_2864 = tpu.vector_load %arg15[%get3A_2862, %get3A_2863] {strides = array<i32>} : memref<25x25xf32, #tpu.memory_space<vmem>>, vector<16xf32>,
        %add3A_2865 = arith.addf %get3A_2861, %get3A_2864 : vector<16xf32>
        %get3A_2866 = arith.index_cast %scan3A_2823 : i32 to index
        %get3A_2867 = arith.constant 9 : index
        %get3A_2868 = tpu.vector_load %arg16[%get3A_2866, %get3A_2867] {strides = array<i32>} : memref<25x25xf32, #tpu.memory_space<vmem>>, vector<16xf32>,
        %add3A_2869 = arith.addf %add3A_2865, %get3A_2868 : vector<16xf32>
        %get3A_2870 = arith.index_cast %scan3A_2823 : i32 to index
        %get3A_2871 = arith.constant 9 : index
        %get3A_2872 = tpu.vector_load %arg17[%get3A_2870, %get3A_2871] {strides = array<i32>} : memref<25x25xf32, #tpu.memory_space<vmem>>, vector<16xf32>,
        %add3A_2873 = arith.addf %add3A_2869, %get3A_2872 : vector<16xf32>
        %get3A_2874 = arith.index_cast %scan3A_2823 : i32 to index
        %get3A_2875 = arith.constant 9 : index
        %get3A_2876 = tpu.vector_load %arg18[%get3A_2874, %get3A_2875] {strides = array<i32>} : memref<25x25xf32, #tpu.memory_space<vmem>>, vector<16xf32>,
        %add3A_2877 = arith.addf %add3A_2873, %get3A_2876 : vector<16xf32>
        %get3A_2878 = arith.index_cast %scan3A_2823 : i32 to index
        %get3A_2879 = arith.constant 9 : index
        %get3A_2880 = tpu.vector_load %arg19[%get3A_2878, %get3A_2879] {strides = array<i32>} : memref<25x25xf32, #tpu.memory_space<vmem>>, vector<16xf32>,
        %add3A_2881 = arith.addf %add3A_2877, %get3A_2880 : vector<16xf32>
        %get3A_2882 = arith.index_cast %scan3A_2823 : i32 to index
        %get3A_2883 = arith.constant 9 : index
        %get3A_2884 = tpu.vector_load %arg20[%get3A_2882, %get3A_2883] {strides = array<i32>} : memref<25x25xf32, #tpu.memory_space<vmem>>, vector<16xf32>,
        %add3A_2885 = arith.addf %add3A_2881, %get3A_2884 : vector<16xf32>
        %get3A_2886 = arith.index_cast %scan3A_2823 : i32 to index
        %get3A_2887 = arith.constant 9 : index
        %get3A_2888 = tpu.vector_load %arg21[%get3A_2886, %get3A_2887] {strides = array<i32>} : memref<25x25xf32, #tpu.memory_space<vmem>>, vector<16xf32>,
        %add3A_2889 = arith.addf %add3A_2885, %get3A_2888 : vector<16xf32>
        %get3A_2890 = arith.index_cast %scan3A_2823 : i32 to index
        %get3A_2891 = arith.constant 9 : index
        %get3A_2892 = tpu.vector_load %arg22[%get3A_2890, %get3A_2891] {strides = array<i32>} : memref<25x25xf32, #tpu.memory_space<vmem>>, vector<16xf32>,
        %add3A_2893 = arith.addf %add3A_2889, %get3A_2892 : vector<16xf32>
        %swap3A_2894 = arith.index_cast %scan3A_2823 : i32 to index
        %swap3A_2895 = arith.constant 0 : index
        %swap3A_2896 = tpu.vector_load %arg22[%swap3A_2894, %swap3A_2895] {strides = array<i32>} : memref<25x25xf32, #tpu.memory_space<vmem>>, vector<16xf32>,
        tpu.vector_store %arg22[%swap3A_2894, %swap3A_2895], %add3A_2858 {strides = array<i32>} : memref<25x25xf32, #tpu.memory_space<vmem>>, vector<16xf32>,
        %swap3A_2897 = arith.index_cast %scan3A_2823 : i32 to index
        %swap3A_2898 = arith.constant 9 : index
        %swap3A_2899 = tpu.vector_load %arg22[%swap3A_2897, %swap3A_2898] {strides = array<i32>} : memref<25x25xf32, #tpu.memory_space<vmem>>, vector<16xf32>,
        tpu.vector_store %arg22[%swap3A_2897, %swap3A_2898], %add3A_2893 {strides = array<i32>} : memref<25x25xf32, #tpu.memory_space<vmem>>, vector<16xf32>,
      }
      %scan3A_2507 = arith.constant 25 : i32
      %mul3A_2508 = arith.constant 256 : i32
      %mul3A_2509 = arith.muli %select_n3A, %mul3A_2508 : i32
      %add3A_2510 = arith.addi %mul3A_2509, %mul3A_32 : i32
      %add3A_2511 = arith.addi %add3A_2510, %scan3A_2274 : i32
      "tpu.region"() ({
        %run_scoped3A = tpu.sem_alloc : memref<!tpu.dma_semaphore, #tpu.memory_space<semaphore_mem>>
        %dma_start3A_2512 = arith.constant 0 : i32
        %dma_start3A_2513 = arith.constant 0 : i32
        %dma_start3A_2514 = tpu.memref_slice %arg4[%add3A_2511, %dma_start3A_2512, %dma_start3A_2513] : memref<2048x25x25xf32, #tpu.memory_space<hbm>> -> memref<1x25x25xf32, #tpu.memory_space<hbm>>
        %dma_start3A_2515 = tpu.memref_squeeze %dma_start3A_2514 : memref<1x25x25xf32, #tpu.memory_space<hbm>> -> memref<25x25xf32, #tpu.memory_space<hbm>>
        %dma_start3A_2516 = arith.constant 0 : i32
        %dma_start3A_2517 = arith.constant 0 : i32
        %dma_start3A_2518 = tpu.memref_slice %arg4[%add3A_2511, %dma_start3A_2516, %dma_start3A_2517] : memref<2048x25x25xf32, #tpu.memory_space<hbm>> -> memref<1x25x25xf32, #tpu.memory_space<hbm>>
        %dma_start3A_2519 = tpu.memref_squeeze %dma_start3A_2518 : memref<1x25x25xf32, #tpu.memory_space<hbm>> -> memref<25x25xf32, #tpu.memory_space<hbm>>
        tpu.enqueue_dma source(%arg22 : memref<25x25xf32, #tpu.memory_space<vmem>>) target(%dma_start3A_2519 : memref<25x25xf32, #tpu.memory_space<hbm>>) target_semaphore(%run_scoped3A : memref<!tpu.dma_semaphore, #tpu.memory_space<semaphore_mem>>)
        %dma_wait3A_2520 = arith.constant 0 : i32
        %dma_wait3A_2521 = arith.constant 0 : i32
        %dma_wait3A_2522 = tpu.memref_slice %arg4[%add3A_2511, %dma_wait3A_2520, %dma_wait3A_2521] : memref<2048x25x25xf32, #tpu.memory_space<hbm>> -> memref<1x25x25xf32, #tpu.memory_space<hbm>>
        %dma_wait3A_2523 = tpu.memref_squeeze %dma_wait3A_2522 : memref<1x25x25xf32, #tpu.memory_space<hbm>> -> memref<25x25xf32, #tpu.memory_space<hbm>>
        %dma_wait3A_2524 = arith.constant 0 : i32
        %dma_wait3A_2525 = arith.constant 0 : i32
        %dma_wait3A_2526 = tpu.memref_slice %arg4[%add3A_2511, %dma_wait3A_2524, %dma_wait3A_2525] : memref<2048x25x25xf32, #tpu.memory_space<hbm>> -> memref<1x25x25xf32, #tpu.memory_space<hbm>>
        %dma_wait3A_2527 = tpu.memref_squeeze %dma_wait3A_2526 : memref<1x25x25xf32, #tpu.memory_space<hbm>> -> memref<25x25xf32, #tpu.memory_space<hbm>>
        tpu.wait_dma2 semaphore(%run_scoped3A : memref<!tpu.dma_semaphore, #tpu.memory_space<semaphore_mem>>) src(%arg22 : memref<25x25xf32, #tpu.memory_space<vmem>>) dst(%dma_wait3A_2527 : memref<25x25xf32, #tpu.memory_space<hbm>>)
        tpu.yield
      }) : () -> ()
    }
    %scan3A_2273 = arith.constant 64 : i32
    return
  }
}

</mosaic_0001>

<sc_bundles>
// kernel: kernel.3.cloned.1.call-start
scs
__scs_entry_jumppad:
0x0: {  	(pc) =	sbr.rel $0x88, $3  }
0x1: {  	(tag) =	ssettag $0x0;
	lr =	simm.s32 $0x1  }
0x2: {  	[smem:$0x3F9F] =	sst lr;
	_ =	strace $0xD0000000  }
0x3: {  	_ = 	snop  }
0x4: {  	_ = 	snop  }
0x5: {  	_ = 	snop  }
0x6: {  	_ = 	snop  }
0x7: {  	_ = 	snop  }
__scs_overlays_trampoline_lowered:
0x8: {  	[smem:$0x3FAE] =	sst s0  }
0x9: {  	[smem:$0x3FAF] =	sst s1  }
0xa: {  	[smem:$0x3FB0] =	sst s2  }
0xb: {  	[smem:$0x3FB1] =	sst s3  }
0xc: {  	[smem:$0x3FB2] =	sst s4  }
0xd: {  	[smem:$0x3FB3] =	sst s5  }
0xe: {  	[smem:$0x3FB4] =	sst s6  }
0xf: {  	[smem:$0x3FB5] =	sst s7  }
0x10: {  	[smem:$0x3FB6] =	sst s8  }
0x11: {  	[smem:$0x3FB7] =	sst s9;
	s0 =	simm.s32 @!p0 $0x0  }
0x12: {  	s1 =	sld [smem:$0x3F9D];
	s0 =	simm.s32 @p0 $0x1  }
0x13: {  	[smem:$0x3FB8] =	sst s0;
	s0 =	simm.s32 @!p1 $0x0  }
0x14: {  	s2 =	sld [smem:$0x3F9C];
	s0 =	simm.s32 @p1 $0x1  }
0x15: {  	[smem:$0x3FB9] =	sst s0;
	s0 =	simm.s32 @!p2 $0x0  }
0x16: {  	s3 =	sld [smem:$0x3FDB];
	s0 =	simm.s32 @p2 $0x1  }
0x17: {  	s4 =	simm.s32 $0x1BF5;
	[smem:$0x3FBB] =	sst s0  }
0x18: {  	s0 =	sld [smem:$0x3F9E];
	_ =	swait.ge [sflag:s4], $0x0  }
0x19: {  	s7 =	sld [smem:$0x3F9F]  }
0x1a: {  	s8 =	sadd.s32 $0xFFFFE003, lr  }
0x1b: {  	s9 =	sadd.s32 $0xFFFFFEF7, lr;
	s5 =	simm.s32 $0xFFFFFFFF;
	p2 =	slt.u32 s8, $0xFFFFF086  }
0x1c: {  	p1 =	slt.u32 s9, $0xF7A;
	s5 =	simm.s32 @!p2 $0x0  }
0x1d: {  	s5 =	simm.s32 @p1 $0x1;
	p0 =	seq.s32 s7, s2  }
0x1e: {  	s7 =	smul.u32 @!p0 $0xF7A, s2;
	p2 =	seq.s32 @!p0 s5, $0x0  }
0x1f: {  	s9 =	smul.u32 $0xF7A, s1;
	s8 =	simm.s32 @!p0 $0x1BF5;
	p2 =	por !p2, p0  }
0x20: {  	[sflag:s8] =	ssyncset.s32 @!p0 $0xFFFFF086;
	s6 =	sadd.s32 @!p0 s3, s7;
	s7 =	simm.s32 @!p0 $0x108  }
0x21: {  	s3 =	sadd.s32 s3, s9;
	s6 =	sadd.s32 @!p0 $0x88, s6;
	s7 =	simm.s32 @p2 $0x1082  }
0x22: {  	[simem:s7], [sflag:s8] =	dma.local @!p0 [hbm:s6], $0xF7A  }
0x23: {  	s9 =	sor.u32 $0xD0000000, s2;
	s6 =	simm.s32 $0x108;
	_ =	swait.ge @!p0 [sflag:s8], $0x0  }
0x24: {  	s3 =	sadd.s32 $0x88, s3;
	s6 =	simm.s32 @!p1 $0x1082;
	[sflag:s4] =	ssyncset.s32 $0xFFFFF086  }
0x25: {  	[simem:s6], [sflag:s4] =	dma.local [hbm:s3], $0xF7A  }
0x26: {  	[smem:$0x3F9F] =	sst s1;
	(tag) =	ssettag s2;
	_ =	strace s9  }
0x27: {  	s1 =	sld [smem:$0x3FAF]  }
0x28: {  	s2 =	sld [smem:$0x3FB0]  }
0x29: {  	s4 =	sld [smem:$0x3FB2]  }
0x2a: {  	p0 =	seq.s32 s5, $0x0;
	s5 =	sld [smem:$0x3FB3]  }
0x2b: {  	s6 =	sld [smem:$0x3FB4]  }
0x2c: {  	s7 =	sld [smem:$0x3FB5]  }
0x2d: {  	s3 =	simm.s32 $0x108;
	s8 =	sld [smem:$0x3FB6]  }
0x2e: {  	s3 =	simm.s32 @!p0 $0x1082;
	s9 =	sld [smem:$0x3FB7]  }
0x2f: {  	lr =	sadd.s32 s0, s3;
	s0 =	sld [smem:$0x3FAE]  }
0x30: {  	s3 =	sld [smem:$0x3FB1]  }
0x31: {  	[smem:$0x3FBA] =	sst s10  }
0x32: {  	s10 =	sld [smem:$0x3FB8];
	_ =	sdelay $0x3  }
0x33: {  	p0 =	seq.s32 s10, $0x1;
	s10 =	sld [smem:$0x3FBA];
	_ =	sdelay $0x3  }
0x34: {  	[smem:$0x3FBA] =	sst s10  }
0x35: {  	s10 =	sld [smem:$0x3FB9];
	_ =	sdelay $0x3  }
0x36: {  	p1 =	seq.s32 s10, $0x1;
	s10 =	sld [smem:$0x3FBA];
	_ =	sdelay $0x3  }
0x37: {  	[smem:$0x3FBA] =	sst s10  }
0x38: {  	s10 =	sld [smem:$0x3FBB]  }
0x39: {  	_ = 	snop;
	(pc) =	sbr.ind lr, $3  }
0x3a: {  	_ = 	snop  }
0x3b: {  	_ = 	snop  }
0x3c: {  	p2 =	seq.s32 s10, $0x1;
	s10 =	sld [smem:$0x3FBA]  }
0x3d: {  	_ =	shalt  }
0x3e: {  	_ =	shalt  }
0x3f: {  	_ =	shalt  }
0x40: {  	_ =	shalt  }
0x41: {  	_ =	shalt  }
0x42: {  	_ =	shalt  }
0x43: {  	_ =	shalt  }
0x44: {  	_ =	shalt  }
0x45: {  	_ =	shalt  }
0x46: {  	_ =	shalt  }
0x47: {  	_ =	shalt  }
0x48: {  	_ =	shalt  }
0x49: {  	_ =	shalt  }
0x4a: {  	_ =	shalt  }
0x4b: {  	_ =	shalt  }
0x4c: {  	_ =	shalt  }
0x4d: {  	_ =	shalt  }
0x4e: {  	_ =	shalt  }
0x4f: {  	_ =	shalt  }
0x50: {  	_ =	shalt  }
0x51: {  	_ =	shalt  }
0x52: {  	_ =	shalt  }
0x53: {  	_ =	shalt  }
0x54: {  	_ =	shalt  }
0x55: {  	_ =	shalt  }
0x56: {  	_ =	shalt  }
0x57: {  	_ =	shalt  }
0x58: {  	_ =	shalt  }
0x59: {  	_ =	shalt  }
0x5a: {  	_ =	shalt  }
0x5b: {  	_ =	shalt  }
0x5c: {  	_ =	shalt  }
0x5d: {  	_ =	shalt  }
0x5e: {  	_ =	shalt  }
0x5f: {  	_ =	shalt  }
0x60: {  	_ =	shalt  }
0x61: {  	_ =	shalt  }
0x62: {  	_ =	shalt  }
0x63: {  	_ =	shalt  }
0x64: {  	_ =	shalt  }
0x65: {  	_ =	shalt  }
0x66: {  	_ =	shalt  }
0x67: {  	_ =	shalt  }
0x68: {  	_ =	shalt  }
0x69: {  	_ =	shalt  }
0x6a: {  	_ =	shalt  }
0x6b: {  	_ =	shalt  }
0x6c: {  	_ =	shalt  }
0x6d: {  	_ =	shalt  }
0x6e: {  	_ =	shalt  }
0x6f: {  	_ =	shalt  }
0x70: {  	_ =	shalt  }
0x71: {  	_ =	shalt  }
0x72: {  	_ =	shalt  }
0x73: {  	_ =	shalt  }
0x74: {  	_ =	shalt  }
0x75: {  	_ =	shalt  }
0x76: {  	_ =	shalt  }
0x77: {  	_ =	shalt  }
0x78: {  	_ =	shalt  }
0x79: {  	_ =	shalt  }
0x7a: {  	_ =	shalt  }
0x7b: {  	_ =	shalt  }
0x7c: {  	_ =	shalt  }
0x7d: {  	_ =	shalt  }
0x7e: {  	_ =	shalt  }
0x7f: {  	_ =	shalt  }
0x80: {  	_ =	shalt  }
0x81: {  	_ =	shalt  }
0x82: {  	_ =	shalt  }
0x83: {  	_ =	shalt  }
0x84: {  	_ =	shalt  }
0x85: {  	_ =	shalt  }
0x86: {  	_ =	shalt  }
0x87: {  	_ =	shalt  }
.Lfunc_end0:
.L_simem_size_0:
called_computation_lowered:
.L_overlay_start_0:
0x88: {  	s2 =	sld [smem:$0x3FD9]  }
0x89: {  	s3 =	sld [smem:$0x3FFE];
	_ =	sdelay $0x1  }
0x8a: {  	s1 =	srdreg.scid  }
0x8b: {  	s0 =	sand.u32 $0x1, s1  }
0x8c: {  	s17 =	sshll.u32 s0, $0xA;
	s2 =	sadd.s32 s3, s2  }
0x8d: {  	s2 =	sadd.s32 s2, s17  }
0x8e: {  	[smem:$0x3FC6] =	sst s2  }
0x8f: {  	_ = 	snop  }
0x90: {  	s2 =	sld [smem:$0x3FC8];
	(tm) =	ssettm $0x1  }
0x91: {  	s18 =	sld [smem:$0x3FFB];
	_ =	sdelay $0x3  }
0x92: {  	_ =	strace s18  }
0x93: {  	s3 =	sld [smem:$0x3FFC];
	_ =	sdelay $0x3  }
0x94: {  	_ =	strace s3  }
0x95: {  	s3 =	sld [smem:$0x3FFD];
	_ =	sdelay $0x3  }
0x96: {  	_ =	strace s3  }
0x97: {  	_ =	strace $0x8FFFFFFF  }
0x98: {  	s19 =	sld [smem:$0x3FDB];
	_ =	sdelay $0x1  }
0x99: {  	s4 =	simm.s32 $_scs_section_size  }
0x9a: {  	s5 =	simm.s32 $_size__tile_overlayer_lowered;
	s6 =	simm.s32 $_tile_overlayer_lowered  }
0x9b: {  	s22 =	simm.s32 $0x1BFF;
	s21 =	sshll.u32 s6, $0x1;
	s3 =	sadd.s32 s4, s19  }
0x9c: {  	s7 =	simm.s32 $0x0;
	s20 =	sshll.u32 s5, $0x1;
	s5 =	sadd.s32 s21, s3  }
0x9d: {  	[timem:s7], [sflag:s22] =	dma.local [hbm:s5], s20  }
0x9e: {  	_ =	swait.ge [sflag:s22], s20  }
0x9f: {  	s4 =	ssub.s32 $0x0, s20;
	[sflag:s22] =	ssyncset.done $0x0  }
0xa0: {  	[sflag:s22] =	ssyncadd.s32 s4;
	_ =	sdelay $0x1  }
0xa1: {  	s23 =	simm.s32 $0x1B8B  }
0xa2: {  	_ =	swait.ge [sflag:s23], $0x1  }
0xa3: {  	[sflag:s23] =	ssyncset.done $0x0  }
0xa4: {  	s25 =	simm.s32 $0x1B8E;
	s24 =	sld [smem:$0x3FFE];
	[sflag:s23] =	ssyncadd.s32 $0xFFFFFFFF  }
0xa5: {  	s26 =	simm.s32 $execute0_lowered;
	[smem:$0x3FD2] =	sst s25  }
0xa6: {  	s5 =	sshll.u32 s26, $0x1;
	_ =	strace $0x80000046;
	[dreg:$0x1] =	wrdreg $0xFFFFFFFF  }
0xa7: {  	s28 =	simm.s32 $_size_execute0_lowered;
	s3 =	sadd.s32 s3, s5;
	[dreg:$0x0] =	wrdreg $0x0  }
0xa8: {  	s5 =	sshll.u32 s28, $0x1;
	[dreg:$0x2] =	wrdreg s3  }
0xa9: {  	[dreg:$0x3] =	wrdreg s5  }
0xaa: {  	[dreg:$0x4] =	wrdreg $0xC0  }
0xab: {  	_ =	task [dreg:s7], $0x5FFFF  }
0xac: {  	[dreg:$0x1] =	wrdreg $0xFFFFFFFF  }
0xad: {  	[dreg:$0x0] =	wrdreg $0x60  }
0xae: {  	[dreg:$0x2] =	wrdreg s24  }
0xaf: {  	[dreg:$0x3] =	wrdreg s2  }
0xb0: {  	[dreg:$0x4] =	wrdreg $0x9  }
0xb1: {  	_ =	task.clear_ibuf [dreg:s7], $0x5FFFF;
	_ =	strace $0x90000046  }
0xb2: {  	s29 =	simm.s32 $0x9;
	_ =	strace $0x80000048  }
0xb3: {  	_ =	swait.ge [sflag:s29], $0x1  }
0xb4: {  	[sflag:s29] =	ssyncadd.s32 $0xFFFFFFFF  }
0xb5: {  	_ =	strace $0x90000048  }
0xb6: {  	_ =	sfence  }
0xb7: {  	s30 =	sld [smem:$0x0];
	_ =	sdelay $0x2  }
0xb8: {  	s31 =	sshll.u32 s1, $0xD;
	s1 =	sshrl.u32 s1, $0x2  }
0xb9: {  	s3 =	sand.u32 $0x4000, s31;
	s1 =	sadd.s32 s1, s30  }
0xba: {  	s0 =	sor.u32 s3, s0;
	s1 =	sshll.u32 s1, $0x11  }
0xbb: {  	s0 =	sor.u32 s1, s0  }
0xbc: {  	s0 =	sadd.s32 $0x8F2B, s0  }
0xbd: {  	[sflag:s0] =	ssyncadd.remote.s32 $0x1  }
0xbe: {  	_ =	sfence.sel $0xFFFF  }
0xbf: {  	[dreg:$0x0] =	wrdreg $0xFFFFFFFF;
	(pc) =	sbr.abs _section_cstart, $3  }
0xc0: {  	[dreg:$0x1] =	wrdreg $0xFFFFFFFF  }
0xc1: {  	_ =	task.clear_ibuf [dreg:s7], $0x2FFFF;
	_ =	strace $0x9FFFFFFF  }
0xc2: {  	(tm) =	ssettm $0x7FFFFFFF  }
0xc3: {  	_ =	shalt  }
tec
execute0_lowered:
.L_overlay_start_1:
0x0: {  	(tag) =	ssettag $0x1  }
0x1: {  	vm0 =	vcmask $0x300  }
0x2: {  	v14 =	vimm.f32 $0.0e+00;
	vm15 =	vcmask $0x704;
	vm4 =	vcmask $0xB08  }
0x3: {  	s0 =	rddreg [dreg:$0x0];
	s3 =	simm.s32 $0x0;
	s1 =	srdreg.scid;
	vm1 =	vcmask $0xF0C;
	vm5 =	vcmask $0x1310;
	vm6 =	vcmask $0x1714  }
0x4: {  	s6 =	stileid.u32;
	vm7 =	vcmask $0x1B18;
	vm8 =	vcmask $0x1F1C;
	vm9 =	vcmask $0x2320;
	[smem:$0x7FF] =	sst s3  }
0x5: {  	vm10 =	vcmask $0x2724;
	vm11 =	vcmask $0x2B28;
	vm12 =	vcmask $0x2F2C;
	s4 =	sadd.s32 $0x400, s0;
	s1 =	sand.u32 $0x1, s1;
	s2 =	sshll.u32 s6, $0x1  }
0x6: {  	vm13 =	vcmask $0x3330;
	vm14 =	vcmask $0x3734;
	v15 =	vimm.f32 $1.000000000e+00;
	s0 =	sadd.s32 $0x2000400, s0;
	s6 =	sshrl.u32 s6, $0x1;
	_ =	strace $0x80000047  }
0x7: {  	vm2 =	vcmask $0x3B00;
	v0 =	vsel vm0, $0x3F800000, v14;
	v1 =	vsel vm15, $0x3F800000, v14;
	[dreg:$0x3] =	wrdreg s0;
	s29 =	ssub.s32 $0x2, s1;
	s2 =	sand.u32 $0x2, s2  }
0x8: {  	v2 =	vsel vm4, $0x3F800000, v14;
	v3 =	vsel vm1, $0x3F800000, v14;
	v4 =	vsel vm5, $0x3F800000, v14;
	s30 =	sshll.u32 s6, $0x8;
	s31 =	sshll.u32 s6, $0x5;
	s1 =	sor.u32 s1, s2  }
0x9: {  	v5 =	vsel vm6, $0x3F800000, v14;
	v6 =	vsel vm7, $0x3F800000, v14;
	v7 =	vsel vm8, $0x3F800000, v14;
	s5 =	sshrl.u32 s29, $0x1;
	[dreg:$0x5] =	wrdreg s31;
	s2 =	sshll.u32 s1, $0x6  }
0xa: {  	v8 =	vsel vm9, $0x3F800000, v14;
	v9 =	vsel vm10, $0x3F800000, v14;
	v10 =	vsel vm11, $0x3F800000, v14;
	s0 =	ssub.s32 s29, s5;
	[dreg:$0x4] =	wrdreg s2;
	s1 =	sor.u32 s30, s2  }
0xb: {  	s11 =	simm.s32 $0x1;
	v11 =	vsel vm12, $0x3F800000, v14;
	v12 =	vsel vm13, $0x3F800000, v14;
	vm15 =	vcmask $0x3B38;
	s0 =	smax.u32 s0, $0x1;
	[dreg:$0x6] =	wrdreg s1  }
0xc: {  	s12 =	simm.s32 $0x2;
	v13 =	vsel vm14, $0x3F800000, v14;
	v15 =	vsel vm2, $0x0, v15;
	v14 =	vsel vm15, $0x3F800000, v14;
	[dreg:$0x7] =	wrdreg s0;
	s1 =	simm.s32 $0x0  }
.LBB2_1:
0xd: {  	[dreg:$0x8] =	wrdreg s1  }
0xe: {  	s0 =	rddreg [dreg:$0x1];
	s29 =	simm.s32 $0x3  }
0xf: {  	[tilespmem:s3], [sflag:$0x3] =	stream.linear.gather [hbm4b:s0+s3], $0x80, $0x38;
	[tilespmem:$0x11080] =	vst v63  }
0x10: {  	_ =	swait.ge [sflag:s29], $0x80  }
0x11: {  	[sflag:s29] =	ssyncset.done $0x0  }
0x12: {  	[sflag:s29] =	ssyncadd.s32 $0xFFFFFF80  }
0x13: {  	v16 =	vld [tilespmem:$0x0];
	_ =	sdelay $0x4  }
0x14: {  	v17 =	vand.u32 $0x1, v16  }
0x15: {  	vm4 =	veq.s32 v17, $0x1;
	v17 =	vand.u32 $0x2, v16  }
0x16: {  	v18 =	vnsel vm4, $0x0, v0;
	vm3 =	veq.s32 v17, $0x0;
	v17 =	vand.u32 $0x4, v16  }
0x17: {  	(xrf0) =	vmax.scan.msk.f32 $0xffff, v18;
	v63 =	vsel vm3, $0x0, v0;
	vm2 =	veq.s32 v17, $0x0;
	v17 =	vand.u32 $0x8, v16  }
0x18: {  	v16 =	vand.u32 $0x10, v16;
	(xrf0) =	vmax.scan.msk.f32 $0xffff, v63;
	vm1 =	veq.s32 v17, $0x0;
	v17 =	vsel vm2, $0x0, v0  }
0x19: {  	vm0 =	veq.s32 v16, $0x0;
	(xrf0) =	vmax.scan.msk.f32 $0xffff, v17;
	v17 =	vsel vm1, $0x0, v0  }
0x1a: {  	v16 =	vsel vm0, $0x0, v0;
	(xrf0) =	vmax.scan.msk.f32 $0xffff, v17  }
0x1b: {  	(xrf0) =	vmax.scan.msk.f32 $0xffff, v16;
	v16 =	vnsel vm4, $0x0, v1  }
0x1c: {  	(xrf0) =	vmax.scan.msk.f32 $0xffff, v16;
	v16 =	vsel vm3, $0x0, v1  }
0x1d: {  	v17, _, _ =	vpop (xrf0);
	(xrf0) =	vmax.scan.msk.f32 $0xffff, v16;
	v16 =	vsel vm2, $0x0, v1  }
0x1e: {  	(v2sf) =	vpush v17, $0xF;
	v17, _, _ =	vpop (xrf0);
	(xrf0) =	vmax.scan.msk.f32 $0xffff, v16;
	v16 =	vsel vm1, $0x0, v1  }
0x1f: {  	(v2sf) =	vpush v17, $0xF;
	v17, _, _ =	vpop (xrf0);
	(xrf0) =	vmax.scan.msk.f32 $0xffff, v16;
	v16 =	vsel vm0, $0x0, v1  }
0x20: {  	(v2sf) =	vpush v17, $0xF;
	v17, _, _ =	vpop (xrf0);
	(xrf0) =	vmax.scan.msk.f32 $0xffff, v16;
	v16 =	vnsel vm4, $0x0, v2  }
0x21: {  	(v2sf) =	vpush v17, $0xF;
	v17, _, _ =	vpop (xrf0);
	(xrf0) =	vmax.scan.msk.f32 $0xffff, v16;
	v16 =	vsel vm3, $0x0, v2  }
0x22: {  	(v2sf) =	vpush v17, $0xF;
	v17, _, _ =	vpop (xrf0);
	(xrf0) =	vmax.scan.msk.f32 $0xffff, v16;
	v16 =	vsel vm2, $0x0, v2  }
0x23: {  	(v2sf) =	vpush v17, $0xF;
	v17, _, _ =	vpop (xrf0);
	(xrf0) =	vmax.scan.msk.f32 $0xffff, v16;
	v16 =	vsel vm1, $0x0, v2  }
0x24: {  	(v2sf) =	vpush v17, $0xF;
	v17, _, _ =	vpop (xrf0);
	(xrf0) =	vmax.scan.msk.f32 $0xffff, v16;
	v16 =	vsel vm0, $0x0, v2  }
0x25: {  	(v2sf) =	vpush v17, $0xF;
	v17, _, _ =	vpop (xrf0);
	(xrf0) =	vmax.scan.msk.f32 $0xffff, v16;
	v16 =	vnsel vm4, $0x0, v3  }
0x26: {  	(v2sf) =	vpush v17, $0xF;
	v17, _, _ =	vpop (xrf0);
	(xrf0) =	vmax.scan.msk.f32 $0xffff, v16;
	v16 =	vsel vm3, $0x0, v3  }
0x27: {  	(v2sf) =	vpush v17, $0xF;
	v17, _, _ =	vpop (xrf0);
	(xrf0) =	vmax.scan.msk.f32 $0xffff, v16;
	v16 =	vsel vm2, $0x0, v3  }
0x28: {  	(v2sf) =	vpush v17, $0xF;
	v17, _, _ =	vpop (xrf0);
	(xrf0) =	vmax.scan.msk.f32 $0xffff, v16;
	v16 =	vsel vm1, $0x0, v3  }
0x29: {  	(v2sf) =	vpush v17, $0xF;
	v17, _, _ =	vpop (xrf0);
	(xrf0) =	vmax.scan.msk.f32 $0xffff, v16;
	v16 =	vsel vm0, $0x0, v3  }
0x2a: {  	(v2sf) =	vpush v17, $0xF;
	v17, _, _ =	vpop (xrf0);
	(xrf0) =	vmax.scan.msk.f32 $0xffff, v16;
	v16 =	vnsel vm4, $0x0, v4;
	_ =	sdelay $0x1  }
0x2b: {  	(v2sf) =	vpush v17, $0xF;
	v17, _, _ =	vpop (xrf0)  }
0x2c: {  	(xrf0) =	vmax.scan.msk.f32 $0xffff, v16;
	(v2sf) =	vpush v17, $0xF;
	v16, _, _ =	vpop (xrf0)  }
0x2d: {  	s6 =	spop (v2sf);
	v17, _, _ =	vpop (xrf0);
	(v2sf) =	vpush v16, $0xF;
	v16 =	vsel vm3, $0x0, v4  }
0x2e: {  	s2 =	spop (v2sf);
	(v2sf) =	vpush v17, $0xF;
	v17, _, _ =	vpop (xrf0);
	(xrf0) =	vmax.scan.msk.f32 $0xffff, v16;
	v16 =	vsel vm2, $0x0, v4  }
0x2f: {  	s8 =	spop (v2sf);
	(v2sf) =	vpush v17, $0xF;
	v17, _, _ =	vpop (xrf0);
	(xrf0) =	vmax.scan.msk.f32 $0xffff, v16;
	v16 =	vsel vm1, $0x0, v4;
	_ =	sdelay $0x1  }
0x30: {  	s7 =	spop (v2sf);
	(v2sf) =	vpush v17, $0xF;
	v17, _, _ =	vpop (xrf0)  }
0x31: {  	(xrf0) =	vmax.scan.msk.f32 $0xffff, v16;
	s5 =	spop (v2sf);
	(v2sf) =	vpush v17, $0xF;
	v16, _, _ =	vpop (xrf0)  }
0x32: {  	s15 =	spop (v2sf);
	(v2sf) =	vpush v16, $0xF;
	v16 =	vsel vm0, $0x0, v4  }
0x33: {  	(xrf0) =	vmax.scan.msk.f32 $0xffff, v16;
	v16 =	vnsel vm4, $0x0, v5;
	_ =	sdelay $0x1  }
0x34: {  	s13 =	spop (v2sf);
	v17, _, _ =	vpop (xrf0);
	(xrf0) =	vmax.scan.msk.f32 $0xffff, v16  }
0x35: {  	s30 =	spop (v2sf);
	(v2sf) =	vpush v17, $0xF;
	v17 =	vsel vm3, $0x0, v5;
	v16, _, _ =	vpop (xrf0)  }
0x36: {  	s9 =	spop (v2sf);
	(xrf0) =	vmax.scan.msk.f32 $0xffff, v17;
	(v2sf) =	vpush v16, $0xF;
	v16, _, _ =	vpop (xrf0)  }
0x37: {  	s19 =	spop (v2sf);
	(v2sf) =	vpush v16, $0xF;
	v16 =	vsel vm2, $0x0, v5  }
0x38: {  	s21 =	simm.s32 $0x1;
	s16 =	spop (v2sf);
	(xrf0) =	vmax.scan.msk.f32 $0xffff, v16;
	v16 =	vsel vm1, $0x0, v5  }
0x39: {  	s24 =	simm.s32 $0x2;
	s25 =	simm.s32 $0x4;
	s1 =	spop (v2sf);
	v17, _, _ =	vpop (xrf0);
	(xrf0) =	vmax.scan.msk.f32 $0xffff, v16;
	v16 =	vsel vm0, $0x0, v5  }
0x3a: {  	s26 =	simm.s32 $0x8;
	p0 =	sgt.f32 s6, $0.0e+00;
	s23 =	spop (v2sf);
	(v2sf) =	vpush v17, $0xF;
	v17, _, _ =	vpop (xrf0)  }
0x3b: {  	s28 =	simm.s32 $0x10;
	p1 =	sgt.f32 s2, $0.0e+00;
	s20 =	spop (v2sf);
	(xrf0) =	vmax.scan.msk.f32 $0xffff, v16;
	(v2sf) =	vpush v17, $0xF;
	v17 =	vnsel vm4, $0x0, v6  }
0x3c: {  	s31 =	simm.s32 $0x10;
	p2 =	sgt.f32 s8, $0.0e+00;
	s22 =	spop (v2sf);
	v16, _, _ =	vpop (xrf0)  }
0x3d: {  	s29 =	simm.s32 $0x2;
	s21 =	simm.s32 @!p0 $0x0;
	s18 =	spop (v2sf);
	(xrf0) =	vmax.scan.msk.f32 $0xffff, v17;
	(v2sf) =	vpush v16, $0xF;
	v16 =	vsel vm3, $0x0, v6  }
0x3e: {  	s24 =	simm.s32 @!p1 $0x0;
	p0 =	sgt.f32 s7, $0.0e+00;
	s25 =	simm.s32 @!p2 $0x0;
	v17, _, _ =	vpop (xrf0);
	(xrf0) =	vmax.scan.msk.f32 $0xffff, v16;
	v16 =	vsel vm2, $0x0, v6  }
0x3f: {  	p1 =	sgt.f32 s5, $0.0e+00;
	s21 =	sor.u32 s21, s24;
	s24 =	simm.s32 $0x1  }
0x40: {  	s26 =	simm.s32 @!p0 $0x0;
	p0 =	sgt.f32 s15, $0.0e+00;
	s17 =	spop (v2sf);
	(v2sf) =	vpush v17, $0xF;
	v17, _, _ =	vpop (xrf0)  }
0x41: {  	s21 =	sor.u32 s25, s21;
	s25 =	simm.s32 $0x4;
	s10 =	spop (v2sf);
	(xrf0) =	vmax.scan.msk.f32 $0xffff, v16;
	(v2sf) =	vpush v17, $0xF;
	v16, _, _ =	vpop (xrf0)  }
0x42: {  	s28 =	simm.s32 @!p1 $0x0;
	p1 =	sgt.f32 s13, $0.0e+00;
	s14 =	spop (v2sf);
	(v2sf) =	vpush v16, $0xF;
	v16 =	vsel vm1, $0x0, v6  }
0x43: {  	s26 =	sor.u32 s26, s21;
	s24 =	simm.s32 @!p0 $0x0;
	p0 =	sgt.f32 s30, $0.0e+00;
	(xrf0) =	vmax.scan.msk.f32 $0xffff, v16;
	v16 =	vsel vm0, $0x0, v6  }
0x44: {  	s30 =	simm.s32 $0x8;
	s0 =	sor.u32 s28, s26;
	s26 =	simm.s32 $0x4  }
0x45: {  	s29 =	simm.s32 @!p1 $0x0;
	p1 =	sgt.f32 s9, $0.0e+00;
	[dreg:$0xd] =	wrdreg s0;
	v17, _, _ =	vpop (xrf0);
	(xrf0) =	vmax.scan.msk.f32 $0xffff, v16  }
0x46: {  	s28 =	simm.s32 $0x8;
	p2 =	sgt.f32 s19, $0.0e+00;
	s6 =	spop (v2sf);
	(v2sf) =	vpush v17, $0xF;
	v17 =	vnsel vm4, $0x0, v7;
	v16, _, _ =	vpop (xrf0)  }
0x47: {  	s25 =	simm.s32 @!p0 $0x0;
	s24 =	sor.u32 s24, s29;
	s2 =	spop (v2sf);
	(xrf0) =	vmax.scan.msk.f32 $0xffff, v17;
	(v2sf) =	vpush v16, $0xF;
	v16, _, _ =	vpop (xrf0)  }
0x48: {  	s29 =	simm.s32 $0x10;
	s30 =	simm.s32 @!p1 $0x0;
	s8 =	spop (v2sf);
	(v2sf) =	vpush v16, $0xF;
	v16 =	vsel vm3, $0x0, v7  }
0x49: {  	p0 =	sgt.f32 s16, $0.0e+00;
	s0 =	sor.u32 s25, s24;
	s24 =	simm.s32 $0x1;
	(xrf0) =	vmax.scan.msk.f32 $0xffff, v16;
	v16 =	vsel vm2, $0x0, v7  }
0x4a: {  	s25 =	simm.s32 $0x2;
	s31 =	simm.s32 @!p2 $0x0;
	s5 =	spop (v2sf);
	v17, _, _ =	vpop (xrf0);
	(xrf0) =	vmax.scan.msk.f32 $0xffff, v16;
	v16 =	vsel vm1, $0x0, v7  }
0x4b: {  	p1 =	sgt.f32 s1, $0.0e+00;
	s1 =	sor.u32 s30, s0;
	s7 =	spop (v2sf);
	(v2sf) =	vpush v17, $0xF;
	v17, _, _ =	vpop (xrf0)  }
0x4c: {  	s30 =	simm.s32 $0x1;
	s0 =	simm.s32 $0x10;
	s13 =	spop (v2sf);
	(xrf0) =	vmax.scan.msk.f32 $0xffff, v16;
	(v2sf) =	vpush v17, $0xF;
	v17 =	vsel vm0, $0x0, v7  }
0x4d: {  	s24 =	simm.s32 @!p0 $0x0;
	p0 =	sgt.f32 s23, $0.0e+00;
	s15 =	spop (v2sf);
	v16, _, _ =	vpop (xrf0)  }
0x4e: {  	s25 =	simm.s32 @!p1 $0x0;
	p1 =	sgt.f32 s20, $0.0e+00;
	s9 =	spop (v2sf);
	(xrf0) =	vmax.scan.msk.f32 $0xffff, v17;
	(v2sf) =	vpush v16, $0xF;
	v16 =	vnsel vm4, $0x0, v8  }
0x4f: {  	s1 =	sor.u32 s31, s1;
	s31 =	simm.s32 $0x2;
	p2 =	sgt.f32 s22, $0.0e+00;
	v17, _, _ =	vpop (xrf0);
	(xrf0) =	vmax.scan.msk.f32 $0xffff, v16;
	v16 =	vsel vm3, $0x0, v8  }
0x50: {  	s26 =	simm.s32 @!p0 $0x0;
	s24 =	sor.u32 s24, s25;
	s28 =	simm.s32 @!p1 $0x0  }
0x51: {  	s25 =	sor.u32 s26, s24;
	p0 =	sgt.f32 s18, $0.0e+00;
	s19 =	spop (v2sf);
	(v2sf) =	vpush v17, $0xF;
	v17, _, _ =	vpop (xrf0)  }
0x52: {  	s26 =	simm.s32 $0x8;
	p1 =	sgt.f32 s17, $0.0e+00;
	s21 =	spop (v2sf);
	(xrf0) =	vmax.scan.msk.f32 $0xffff, v16;
	(v2sf) =	vpush v17, $0xF;
	v16, _, _ =	vpop (xrf0)  }
0x53: {  	s30 =	simm.s32 @!p0 $0x0;
	p0 =	sgt.f32 s10, $0.0e+00;
	s16 =	spop (v2sf);
	(v2sf) =	vpush v16, $0xF;
	v16 =	vsel vm2, $0x0, v8  }
0x54: {  	s29 =	simm.s32 @!p2 $0x0;
	s25 =	sor.u32 s28, s25;
	s10 =	simm.s32 $0x4;
	(xrf0) =	vmax.scan.msk.f32 $0xffff, v16;
	v16 =	vsel vm1, $0x0, v8  }
0x55: {  	s31 =	simm.s32 @!p1 $0x0;
	p1 =	sgt.f32 s14, $0.0e+00;
	s10 =	simm.s32 @!p0 $0x0  }
0x56: {  	p0 =	sgt.f32 s6, $0.0e+00;
	s6 =	sor.u32 s29, s25;
	s30 =	sor.u32 s30, s31;
	v17, _, _ =	vpop (xrf0)  }
0x57: {  	s29 =	simm.s32 $0x1;
	s31 =	simm.s32 $0x1;
	s23 =	spop (v2sf);
	(v2sf) =	vpush v17, $0xF;
	v17 =	vsel vm0, $0x0, v8;
	(xrf0) =	vmax.scan.msk.f32 $0xffff, v16;
	v16, _, _ =	vpop (xrf0)  }
0x58: {  	s26 =	simm.s32 @!p1 $0x0;
	s0 =	simm.s32 @!p0 $0x0;
	s20 =	spop (v2sf);
	(v2sf) =	vpush v16, $0xF;
	v16, _, _ =	vpop (xrf0);
	(xrf0) =	vmax.scan.msk.f32 $0xffff, v17  }
0x59: {  	p0 =	sgt.f32 s2, $0.0e+00;
	s2 =	sor.u32 s10, s30;
	s30 =	simm.s32 $0x2  }
0x5a: {  	s2 =	sor.u32 s26, s2;
	p1 =	sgt.f32 s8, $0.0e+00;
	s22 =	spop (v2sf);
	(v2sf) =	vpush v16, $0xF;
	v16 =	vnsel vm4, $0x0, v9  }
0x5b: {  	s29 =	simm.s32 @!p0 $0x0;
	s2 =	sor.u32 s0, s2;
	s0 =	simm.s32 $0x4;
	v17, _, _ =	vpop (xrf0);
	(xrf0) =	vmax.scan.msk.f32 $0xffff, v16;
	v16 =	vsel vm3, $0x0, v9  }
0x5c: {  	s30 =	simm.s32 @!p1 $0x0;
	p0 =	sgt.f32 s5, $0.0e+00;
	s5 =	simm.s32 $0x8  }
0x5d: {  	s29 =	sor.u32 s29, s30;
	s30 =	simm.s32 $0x4;
	s17 =	spop (v2sf);
	(v2sf) =	vpush v17, $0xF;
	v17, _, _ =	vpop (xrf0);
	(xrf0) =	vmax.scan.msk.f32 $0xffff, v16  }
0x5e: {  	p1 =	sgt.f32 s7, $0.0e+00;
	s7 =	simm.s32 $0x10;
	s18 =	spop (v2sf);
	(v2sf) =	vpush v17, $0xF;
	v17 =	vsel vm2, $0x0, v9;
	v16, _, _ =	vpop (xrf0)  }
0x5f: {  	s0 =	simm.s32 @!p0 $0x0;
	p0 =	sgt.f32 s13, $0.0e+00;
	s14 =	spop (v2sf);
	(xrf0) =	vmax.scan.msk.f32 $0xffff, v17;
	(v2sf) =	vpush v16, $0xF;
	v16 =	vsel vm1, $0x0, v9  }
0x60: {  	s5 =	simm.s32 @!p1 $0x0;
	s0 =	sor.u32 s0, s29;
	p1 =	sgt.f32 s15, $0.0e+00;
	(xrf0) =	vmax.scan.msk.f32 $0xffff, v16;
	v16 =	vsel vm0, $0x0, v9  }
0x61: {  	s29 =	simm.s32 $0x2;
	s0 =	sor.u32 s5, s0;
	s5 =	simm.s32 $0x10  }
0x62: {  	s7 =	simm.s32 @!p0 $0x0;
	s31 =	simm.s32 @!p1 $0x0;
	p0 =	sgt.f32 s9, $0.0e+00;
	v17, _, _ =	vpop (xrf0);
	(xrf0) =	vmax.scan.msk.f32 $0xffff, v16  }
0x63: {  	s9 =	sor.u32 s7, s0;
	p1 =	sgt.f32 s19, $0.0e+00;
	s24 =	spop (v2sf);
	(v2sf) =	vpush v17, $0xF;
	v16, _, _ =	vpop (xrf0)  }
0x64: {  	s29 =	simm.s32 @!p0 $0x0;
	p2 =	sgt.f32 s21, $0.0e+00;
	s28 =	spop (v2sf);
	(v2sf) =	vpush v16, $0xF;
	v16 =	vnsel vm4, $0x0, v10  }
0x65: {  	s21 =	simm.s32 $0x8;
	s30 =	simm.s32 @!p1 $0x0;
	p0 =	sgt.f32 s16, $0.0e+00;
	v17, _, _ =	vpop (xrf0)  }
0x66: {  	s21 =	simm.s32 @!p2 $0x0;
	p1 =	sgt.f32 s23, $0.0e+00;
	s25 =	spop (v2sf);
	(xrf0) =	vmax.scan.msk.f32 $0xffff, v16;
	(v2sf) =	vpush v17, $0xF;
	v17 =	vsel vm3, $0x0, v10  }
0x67: {  	s23 =	sor.u32 s31, s29;
	s29 =	simm.s32 $0x1;
	s31 =	simm.s32 $0x4;
	v16, _, _ =	vpop (xrf0);
	(xrf0) =	vmax.scan.msk.f32 $0xffff, v17  }
0x68: {  	s5 =	simm.s32 @!p0 $0x0;
	s7 =	sor.u32 s30, s23;
	s8 =	spop (v2sf);
	(v2sf) =	vpush v16, $0xF;
	v16, _, _ =	vpop (xrf0)  }
0x69: {  	s30 =	simm.s32 $0x2;
	s29 =	simm.s32 @!p1 $0x0;
	s26 =	spop (v2sf);
	(v2sf) =	vpush v16, $0xF;
	v16 =	vsel vm2, $0x0, v10  }
0x6a: {  	s7 =	sor.u32 s21, s7;
	p0 =	sgt.f32 s20, $0.0e+00;
	p1 =	sgt.f32 s22, $0.0e+00;
	(xrf0) =	vmax.scan.msk.f32 $0xffff, v16;
	v16 =	vsel vm1, $0x0, v10  }
0x6b: {  	s5 =	sor.u32 s5, s7;
	s7 =	simm.s32 $0x8;
	s10 =	spop (v2sf)  }
0x6c: {  	s30 =	simm.s32 @!p0 $0x0;
	s31 =	simm.s32 @!p1 $0x0;
	s15 =	spop (v2sf);
	v17, _, _ =	vpop (xrf0);
	(xrf0) =	vmax.scan.msk.f32 $0xffff, v16  }
0x6d: {  	p0 =	sgt.f32 s17, $0.0e+00;
	s29 =	sor.u32 s29, s30;
	s13 =	spop (v2sf);
	(v2sf) =	vpush v17, $0xF;
	v17 =	vsel vm0, $0x0, v10;
	v16, _, _ =	vpop (xrf0)  }
0x6e: {  	p1 =	sgt.f32 s18, $0.0e+00;
	s18 =	simm.s32 $0x10;
	(xrf0) =	vmax.scan.msk.f32 $0xffff, v17;
	s19 =	spop (v2sf);
	(v2sf) =	vpush v16, $0xF;
	v16 =	vnsel vm4, $0x0, v11  }
0x6f: {  	s29 =	sor.u32 s31, s29;
	s7 =	simm.s32 @!p0 $0x0;
	p2 =	sgt.f32 s14, $0.0e+00  }
0x70: {  	s21 =	simm.s32 $0x1;
	s18 =	simm.s32 @!p1 $0x0;
	s7 =	sor.u32 s7, s29;
	(xrf0) =	vmax.scan.msk.f32 $0xffff, v16  }
0x71: {  	s7 =	sor.u32 s18, s7;
	s21 =	simm.s32 @!p2 $0x0;
	p0 =	sgt.f32 s24, $0.0e+00;
	v16, _, _ =	vpop (xrf0)  }
0x72: {  	s24 =	simm.s32 $0x2;
	p1 =	sgt.f32 s28, $0.0e+00;
	s0 =	spop (v2sf);
	(v2sf) =	vpush v16, $0xF;
	v16, _, _ =	vpop (xrf0)  }
0x73: {  	s28 =	simm.s32 $0x8;
	s24 =	simm.s32 @!p0 $0x0;
	s16 =	spop (v2sf);
	(v2sf) =	vpush v16, $0xF;
	v16 =	vsel vm3, $0x0, v11  }
0x74: {  	p2 =	sgt.f32 s25, $0.0e+00;
	s25 =	simm.s32 $0x4;
	s30 =	sor.u32 s21, s24;
	v17, _, _ =	vpop (xrf0)  }
0x75: {  	s25 =	simm.s32 @!p1 $0x0;
	p0 =	sgt.f32 s8, $0.0e+00;
	(xrf0) =	vmax.scan.msk.f32 $0xffff, v16;
	s23 =	spop (v2sf);
	(v2sf) =	vpush v17, $0xF;
	v17 =	vsel vm2, $0x0, v11  }
0x76: {  	s21 =	simm.s32 $0x10;
	s28 =	simm.s32 @!p2 $0x0;
	s8 =	sor.u32 s25, s30;
	v16, _, _ =	vpop (xrf0);
	(xrf0) =	vmax.scan.msk.f32 $0xffff, v17  }
0x77: {  	s8 =	sor.u32 s28, s8;
	s21 =	simm.s32 @!p0 $0x0;
	p1 =	sgt.f32 s26, $0.0e+00  }
0x78: {  	s8 =	sor.u32 s21, s8;
	p0 =	sgt.f32 s10, $0.0e+00;
	s20 =	spop (v2sf);
	(v2sf) =	vpush v16, $0xF;
	v16 =	vsel vm1, $0x0, v11  }
0x79: {  	s21 =	simm.s32 $0x10;
	s26 =	simm.s32 $0x1;
	s10 =	simm.s32 $0x2;
	(xrf0) =	vmax.scan.msk.f32 $0xffff, v16;
	v16 =	vsel vm0, $0x0, v11  }
0x7a: {  	s26 =	simm.s32 @!p1 $0x0;
	p1 =	sgt.f32 s15, $0.0e+00;
	s10 =	simm.s32 @!p0 $0x0  }
0x7b: {  	p0 =	sgt.f32 s13, $0.0e+00;
	s13 =	simm.s32 $0x4;
	s22 =	spop (v2sf);
	(xrf0) =	vmax.scan.msk.f32 $0xffff, v16;
	v17, _, _ =	vpop (xrf0)  }
0x7c: {  	s10 =	sor.u32 s26, s10;
	s13 =	simm.s32 @!p1 $0x0;
	s14 =	spop (v2sf);
	(v2sf) =	vpush v17, $0xF;
	v16, _, _ =	vpop (xrf0)  }
0x7d: {  	p1 =	sgt.f32 s19, $0.0e+00;
	s19 =	simm.s32 $0x8;
	s17 =	spop (v2sf);
	(v2sf) =	vpush v16, $0xF;
	v16 =	vsel vm3, $0x0, v12  }
0x7e: {  	s10 =	sor.u32 s13, s10;
	s13 =	simm.s32 $0x1;
	s19 =	simm.s32 @!p0 $0x0;
	v17 =	vnsel vm4, $0x0, v12  }
0x7f: {  	s21 =	simm.s32 @!p1 $0x0;
	p0 =	sgt.f32 s0, $0.0e+00;
	s26 =	sor.u32 s19, s10;
	(xrf0) =	vmax.scan.msk.f32 $0xffff, v17  }
0x80: {  	s0 =	simm.s32 $0x2;
	s10 =	sor.u32 s21, s26;
	s21 =	simm.s32 $0x8;
	(xrf0) =	vmax.scan.msk.f32 $0xffff, v16;
	v16, _, _ =	vpop (xrf0)  }
0x81: {  	s13 =	simm.s32 @!p0 $0x0;
	p0 =	sgt.f32 s16, $0.0e+00;
	s18 =	spop (v2sf);
	(v2sf) =	vpush v16, $0xF;
	v16, _, _ =	vpop (xrf0)  }
0x82: {  	s16 =	simm.s32 $0x2;
	p1 =	sgt.f32 s23, $0.0e+00;
	s24 =	spop (v2sf);
	(v2sf) =	vpush v16, $0xF  }
0x83: {  	s0 =	simm.s32 @!p0 $0x0;
	p0 =	sgt.f32 s20, $0.0e+00;
	s20 =	simm.s32 $0x4;
	v16 =	vsel vm2, $0x0, v12  }
0x84: {  	s0 =	sor.u32 s13, s0;
	s13 =	simm.s32 $0x10;
	s20 =	simm.s32 @!p1 $0x0  }
0x85: {  	p1 =	sgt.f32 s22, $0.0e+00;
	s21 =	simm.s32 @!p0 $0x0;
	s0 =	sor.u32 s20, s0;
	v17, _, _ =	vpop (xrf0);
	(xrf0) =	vmax.scan.msk.f32 $0xffff, v16  }
0x86: {  	s22 =	rddreg [dreg:$0x4];
	s0 =	sor.u32 s21, s0;
	s25 =	spop (v2sf);
	(v2sf) =	vpush v17, $0xF;
	v16, _, _ =	vpop (xrf0)  }
0x87: {  	s13 =	simm.s32 @!p1 $0x0;
	s21 =	simm.s32 $0x4;
	s15 =	spop (v2sf);
	(v2sf) =	vpush v16, $0xF;
	v16 =	vsel vm1, $0x0, v12  }
0x88: {  	p2 =	sgt.f32 s14, $0.0e+00;
	s13 =	sor.u32 s13, s0;
	s0 =	simm.s32 $0x10;
	(xrf0) =	vmax.scan.msk.f32 $0xffff, v16;
	v16 =	vsel vm0, $0x0, v12  }
0x89: {  	p0 =	sgt.f32 s17, $0.0e+00;
	s17 =	simm.s32 $0x1;
	p1 =	sgt.f32 s18, $0.0e+00;
	(xrf0) =	vmax.scan.msk.f32 $0xffff, v16;
	v16 =	vnsel vm4, $0x0, v13  }
0x8a: {  	s14 =	simm.s32 $0x2;
	s17 =	simm.s32 @!p2 $0x0;
	s18 =	simm.s32 $0x2;
	(xrf0) =	vmax.scan.msk.f32 $0xffff, v16  }
0x8b: {  	p2 =	sgt.f32 s24, $0.0e+00;
	s18 =	simm.s32 @!p0 $0x0;
	s21 =	simm.s32 @!p1 $0x0;
	v17, _, _ =	vpop (xrf0);
	v16 =	vsel vm3, $0x0, v13  }
0x8c: {  	s17 =	sor.u32 s17, s18;
	s18 =	simm.s32 $0x8;
	s28 =	spop (v2sf);
	(v2sf) =	vpush v17, $0xF;
	(xrf0) =	vmax.scan.msk.f32 $0xffff, v16;
	v16 =	vsel vm2, $0x0, v13  }
0x8d: {  	p0 =	sgt.f32 s25, $0.0e+00;
	s18 =	simm.s32 @!p2 $0x0;
	s17 =	sor.u32 s21, s17  }
0x8e: {  	s24 =	rddreg [dreg:$0xd];
	s21 =	simm.s32 $0x10;
	s17 =	sor.u32 s18, s17;
	v17, _, _ =	vpop (xrf0)  }
0x8f: {  	s21 =	simm.s32 @!p0 $0x0;
	p0 =	sgt.f32 s15, $0.0e+00;
	s23 =	spop (v2sf);
	(xrf0) =	vmax.scan.msk.f32 $0xffff, v16;
	(v2sf) =	vpush v17, $0xF;
	v16, _, _ =	vpop (xrf0)  }
0x90: {  	s15 =	simm.s32 $0x1;
	p1 =	sgt.f32 s28, $0.0e+00;
	s29 =	spop (v2sf);
	(v2sf) =	vpush v16, $0xF;
	v16, _, _ =	vpop (xrf0)  }
0x91: {  	s19 =	sor.u32 s21, s17;
	s17 =	simm.s32 $0x4;
	s30 =	spop (v2sf);
	(v2sf) =	vpush v16, $0xF;
	v16 =	vsel vm1, $0x0, v13  }
0x92: {  	s15 =	simm.s32 @!p0 $0x0;
	p2 =	sgt.f32 s23, $0.0e+00;
	s16 =	simm.s32 @!p1 $0x0  }
0x93: {  	s23 =	rddreg [dreg:$0x5];
	s15 =	sor.u32 s15, s16;
	s16 =	simm.s32 $0x8  }
0x94: {  	s21 =	sor.u32 s23, s24;
	s1 =	sor.u32 s23, s1;
	s25 =	sor.u32 s23, s6;
	(xrf0) =	vmax.scan.msk.f32 $0xffff, v16;
	v16, _, _ =	vpop (xrf0)  }
0x95: {  	s6 =	simm.s32 $0x1;
	s5 =	sor.u32 s23, s5;
	s20 =	spop (v2sf);
	(v2sf) =	vpush v16, $0xF;
	v16, _, _ =	vpop (xrf0)  }
0x96: {  	s8 =	sor.u32 s23, s8;
	s17 =	simm.s32 @!p2 $0x0;
	s26 =	spop (v2sf);
	(v2sf) =	vpush v16, $0xF;
	v16 =	vsel vm0, $0x0, v13  }
0x97: {  	s21 =	sshll.u32 s21, $0x8;
	s1 =	sshll.u32 s1, $0x8;
	s5 =	sshll.u32 s5, $0x8;
	(xrf0) =	vmax.scan.msk.f32 $0xffff, v16;
	v16 =	vnsel vm4, $0x0, v14  }
0x98: {  	s8 =	sshll.u32 s8, $0x8;
	s15 =	sor.u32 s17, s15;
	s21 =	sor.u32 s22, s21  }
0x99: {  	s24 =	sor.u32 s22, s1;
	s1 =	sshll.u32 s25, $0x8;
	p1 =	sgt.f32 s29, $0.0e+00  }
0x9a: {  	s17 =	simm.s32 $0x4;
	s18 =	sor.u32 s22, s1;
	p0 =	sgt.f32 s30, $0.0e+00;
	(xrf0) =	vmax.scan.msk.f32 $0xffff, v16;
	v16, _, _ =	vpop (xrf0)  }
0x9b: {  	[dreg:$0x9] =	wrdreg s21;
	s16 =	simm.s32 @!p1 $0x0;
	s28 =	spop (v2sf);
	(v2sf) =	vpush v16, $0xF;
	v16 =	vsel vm3, $0x0, v14  }
0x9c: {  	p1 =	sgt.f32 s20, $0.0e+00;
	s15 =	sor.u32 s16, s15;
	s0 =	simm.s32 @!p0 $0x0  }
0x9d: {  	[dreg:$0xa] =	wrdreg s24;
	s0 =	sor.u32 s0, s15;
	p0 =	sgt.f32 s26, $0.0e+00  }
0x9e: {  	[dreg:$0xb] =	wrdreg s18;
	s6 =	simm.s32 @!p1 $0x0;
	s0 =	sor.u32 s23, s0;
	(xrf0) =	vmax.scan.msk.f32 $0xffff, v16;
	v16, _, _ =	vpop (xrf0)  }
0x9f: {  	s0 =	sshll.u32 s0, $0x8;
	s14 =	simm.s32 @!p0 $0x0;
	s29 =	spop (v2sf);
	(v2sf) =	vpush v16, $0xF  }
0xa0: {  	s6 =	sor.u32 s6, s14;
	p2 =	sgt.f32 s28, $0.0e+00;
	s28 =	sor.u32 s23, s2;
	v16, _, _ =	vpop (xrf0)  }
0xa1: {  	s14 =	simm.s32 $0x8;
	s2 =	sshll.u32 s28, $0x8;
	s30 =	spop (v2sf);
	(v2sf) =	vpush v16, $0xF;
	v16 =	vsel vm2, $0x0, v14  }
0xa2: {  	s28 =	sshll.u32 s21, $0x9;
	s21 =	sshll.u32 s24, $0x9;
	s17 =	simm.s32 @!p2 $0x0  }
0xa3: {  	s25 =	sor.u32 s22, s2;
	s6 =	sor.u32 s17, s6;
	p1 =	sgt.f32 s29, $0.0e+00  }
0xa4: {  	[dreg:$0xc] =	wrdreg s25;
	s17 =	sshll.u32 s25, $0x9;
	s25 =	simm.s32 $0x4080;
	(xrf0) =	vmax.scan.msk.f32 $0xffff, v16;
	v16, _, _ =	vpop (xrf0)  }
0xa5: {  	s16 =	spop (v2sf);
	p0 =	sgt.f32 s30, $0.0e+00;
	s14 =	simm.s32 @!p1 $0x0;
	(v2sf) =	vpush v16, $0xF  }
0xa6: {  	s30 =	sor.u32 s23, s9;
	s6 =	sor.u32 s14, s6;
	s14 =	simm.s32 $0x10;
	v16 =	vsel vm1, $0x0, v14  }
0xa7: {  	s9 =	simm.s32 $0x1;
	s2 =	sshll.u32 s30, $0x8;
	s14 =	simm.s32 @!p0 $0x0;
	(xrf0) =	vmax.scan.msk.f32 $0xffff, v16;
	v16 =	vsel vm0, $0x0, v14  }
0xa8: {  	p0 =	sgt.f32 s16, $0.0e+00;
	s16 =	simm.s32 $0x4;
	s1 =	sor.u32 s14, s6  }
0xa9: {  	s14 =	simm.s32 $0x2;
	s6 =	simm.s32 $0x8;
	s15 =	spop (v2sf)  }
0xaa: {  	s9 =	simm.s32 @!p0 $0x0;
	s20 =	spop (v2sf);
	p1 =	sgt.f32 s15, $0.0e+00;
	(xrf0) =	vmax.scan.msk.f32 $0xffff, v16;
	v16, _, _ =	vpop (xrf0)  }
0xab: {  	s1 =	sor.u32 s23, s1;
	p0 =	sgt.f32 s20, $0.0e+00;
	(v2sf) =	vpush v16, $0xF;
	s26 =	spop (v2sf)  }
0xac: {  	s20 =	sor.u32 s22, s2;
	s14 =	simm.s32 @!p1 $0x0;
	v16 =	vnsel vm4, $0x0, v15;
	p1 =	sgt.f32 s26, $0.0e+00  }
0xad: {  	s16 =	simm.s32 @!p0 $0x0;
	s9 =	sor.u32 s9, s14;
	s14 =	simm.s32 $0x80;
	(xrf0) =	vmax.scan.msk.f32 $0xffff, v16  }
0xae: {  	s9 =	sor.u32 s16, s9;
	s6 =	simm.s32 @!p1 $0x0;
	s29 =	spop (v2sf)  }
0xaf: {  	s16 =	simm.s32 $0x2;
	v17, _, _ =	vpop (xrf0);
	s6 =	sor.u32 s6, s9;
	p0 =	sgt.f32 s29, $0.0e+00  }
0xb0: {  	(v2sf) =	vpush v17, $0xF;
	s9 =	simm.s32 $0x10;
	s15 =	spop (v2sf);
	s29 =	sand.u32 $0x1FFF8000, s28  }
0xb1: {  	v16, _, _ =	vpop (xrf0);
	s30 =	sadd.s32 s4, s29;
	s29 =	sshll.u32 s18, $0x9;
	s9 =	simm.s32 @!p0 $0x0  }
0xb2: {  	(v2sf) =	vpush v16, $0xF;
	v16 =	vsel vm3, $0x0, v15;
	[tilespmem:s14], [sflag:$0x1] =	stream.linear.gather [hbm4b:s30+s3], $0xC80, $0x38;
	[tilespmem:$0x11080] =	vst v63  }
0xb3: {  	v17, _, _ =	vpop (xrf0);
	(xrf0) =	vmax.scan.msk.f32 $0xffff, v16;
	p0 =	sgt.f32 s15, $0.0e+00;
	s15 =	sand.u32 $0x1FFF8000, s29;
	s14 =	simm.s32 $0x2080  }
0xb4: {  	s2 =	sor.u32 s9, s6;
	s9 =	simm.s32 $0x1;
	s26 =	spop (v2sf);
	(v2sf) =	vpush v17, $0xF  }
0xb5: {  	v16 =	vsel vm2, $0x0, v15;
	s6 =	sand.u32 $0x1FFF8000, s21;
	s15 =	sadd.s32 s4, s15;
	s21 =	simm.s32 $0x3080  }
0xb6: {  	(xrf0) =	vmax.scan.msk.f32 $0xffff, v16;
	v16 =	vsel vm1, $0x0, v15;
	s6 =	sadd.s32 s4, s6;
	p1 =	sgt.f32 s26, $0.0e+00;
	s26 =	simm.s32 $0x1080  }
0xb7: {  	[tilespmem:s26], [sflag:$0x1] =	stream.linear.gather [hbm4b:s6+s3], $0xC80, $0x38;
	[tilespmem:$0x11080] =	vst v63  }
0xb8: {  	(xrf0) =	vmax.scan.msk.f32 $0xffff, v16;
	s9 =	simm.s32 @!p0 $0x0;
	s6 =	sand.u32 $0x1FFF8000, s17;
	s17 =	sor.u32 s22, s8  }
0xb9: {  	v16, _, _ =	vpop (xrf0);
	[tilespmem:s14], [sflag:$0x1] =	stream.linear.gather [hbm4b:s15+s3], $0xC80, $0x38;
	[tilespmem:$0x11080] =	vst v63  }
0xba: {  	s16 =	simm.s32 @!p1 $0x0;
	s6 =	sadd.s32 s4, s6;
	s24 =	spop (v2sf);
	(v2sf) =	vpush v16, $0xF;
	v16 =	vsel vm0, $0x0, v15  }
0xbb: {  	s15 =	simm.s32 $0x4;
	s9 =	sor.u32 s9, s16;
	(xrf0) =	vmax.scan.msk.f32 $0xffff, v16;
	p2 =	sgt.f32 s24, $0.0e+00  }
0xbc: {  	[tilespmem:s21], [sflag:$0x1] =	stream.linear.gather [hbm4b:s6+s3], $0xC80, $0x38;
	[tilespmem:$0x11080] =	vst v63  }
0xbd: {  	s14 =	smov.u32 s20;
	s24 =	sshll.u32 s20, $0x9;
	s15 =	simm.s32 @!p2 $0x0  }
0xbe: {  	s6 =	simm.s32 $0x8;
	v16, _, _ =	vpop (xrf0);
	s9 =	sor.u32 s15, s9;
	s15 =	sand.u32 $0x1FFF8000, s24  }
0xbf: {  	s24 =	simm.s32 $0x6080;
	s28 =	spop (v2sf);
	(v2sf) =	vpush v16, $0xF;
	s15 =	sadd.s32 s4, s15  }
0xc0: {  	v16, _, _ =	vpop (xrf0);
	[tilespmem:s25], [sflag:$0x1] =	stream.linear.gather [hbm4b:s15+s3], $0xC80, $0x38;
	[tilespmem:$0x11080] =	vst v63  }
0xc1: {  	p1 =	sgt.f32 s28, $0.0e+00;
	s30 =	spop (v2sf);
	(v2sf) =	vpush v16, $0xF;
	s15 =	sor.u32 s22, s5  }
0xc2: {  	s28 =	sor.u32 s23, s7;
	p0 =	sgt.f32 s30, $0.0e+00;
	v16, _, _ =	vpop (xrf0);
	s29 =	sshll.u32 s15, $0x9  }
0xc3: {  	s5 =	sshll.u32 s28, $0x8;
	s6 =	simm.s32 @!p1 $0x0;
	s18 =	spop (v2sf);
	(v2sf) =	vpush v16, $0xF  }
0xc4: {  	s7 =	sand.u32 $0x1FFF8000, s29;
	s16 =	sor.u32 s22, s5;
	s6 =	sor.u32 s6, s9  }
0xc5: {  	s9 =	simm.s32 $0x10;
	s7 =	sadd.s32 s4, s7;
	s21 =	sshll.u32 s16, $0x9  }
0xc6: {  	s9 =	simm.s32 @!p0 $0x0;
	p0 =	sgt.f32 s18, $0.0e+00;
	s18 =	simm.s32 $0x5080  }
0xc7: {  	[tilespmem:s18], [sflag:$0x1] =	stream.linear.gather [hbm4b:s7+s3], $0xC80, $0x38;
	[tilespmem:$0x11080] =	vst v63  }
0xc8: {  	s5 =	simm.s32 $0x4;
	s29 =	sor.u32 s23, s13;
	s7 =	sand.u32 $0x1FFF8000, s21  }
0xc9: {  	s8 =	sshll.u32 s29, $0x8;
	s6 =	sor.u32 s9, s6;
	s7 =	sadd.s32 s4, s7  }
0xca: {  	[tilespmem:s24], [sflag:$0x1] =	stream.linear.gather [hbm4b:s7+s3], $0xC80, $0x38;
	[tilespmem:$0x11080] =	vst v63  }
0xcb: {  	s9 =	simm.s32 $0x1;
	s21 =	sshll.u32 s17, $0x9;
	s26 =	spop (v2sf)  }
0xcc: {  	s9 =	simm.s32 @!p0 $0x0;
	p1 =	sgt.f32 s26, $0.0e+00;
	s26 =	sor.u32 s23, s10  }
0xcd: {  	s7 =	simm.s32 $0x2;
	s10 =	sor.u32 s23, s2;
	s28 =	sshll.u32 s26, $0x8  }
0xce: {  	s24 =	sshll.u32 s10, $0x8;
	s26 =	sor.u32 s23, s6;
	s30 =	spop (v2sf)  }
0xcf: {  	s7 =	simm.s32 @!p1 $0x0;
	s18 =	sor.u32 s22, s28;
	p2 =	sgt.f32 s30, $0.0e+00  }
0xd0: {  	s28 =	simm.s32 $0x7080;
	s7 =	sor.u32 s9, s7;
	s20 =	spop (v2sf)  }
0xd1: {  	s30 =	sor.u32 s23, s19;
	p3 =	sgt.f32 s20, $0.0e+00;
	s5 =	simm.s32 @!p2 $0x0  }
0xd2: {  	s5 =	sor.u32 s5, s7;
	s7 =	simm.s32 $0x8;
	s25 =	spop (v2sf)  }
0xd3: {  	s19 =	sor.u32 s22, s8;
	s7 =	simm.s32 @!p3 $0x0;
	p0 =	sgt.f32 s25, $0.0e+00  }
0xd4: {  	s5 =	sor.u32 s7, s5;
	s7 =	simm.s32 $0x10;
	s25 =	sand.u32 $0x1FFF8000, s21  }
0xd5: {  	s8 =	sshll.u32 s1, $0x8;
	s1 =	sadd.s32 s4, s25;
	s7 =	simm.s32 @!p0 $0x0  }
0xd6: {  	[tilespmem:s28], [sflag:$0x1] =	stream.linear.gather [hbm4b:s1+s3], $0xC80, $0x38;
	[tilespmem:$0x11080] =	vst v63  }
0xd7: {  	s6 =	sor.u32 s22, s24;
	s29 =	sshll.u32 s26, $0x8;
	s13 =	sor.u32 s7, s5  }
0xd8: {  	s9 =	sshll.u32 s30, $0x8;
	s31 =	sor.u32 s22, s8;
	s2 =	sor.u32 s23, s13  }
0xd9: {  	s20 =	sor.u32 s22, s9;
	s9 =	sor.u32 s22, s0;
	s30 =	sshll.u32 s2, $0x8  }
0xda: {  	s7 =	sor.u32 s22, s29;
	s23 =	simm.s32 $0x0;
	s21 =	sor.u32 s22, s30  }
.LBB2_2:
0xdb: {  	s0 =	sadd.s32 s18, s23  }
0xdc: {  	s0 =	sshll.u32 s0, $0x9  }
0xdd: {  	s0 =	sand.u32 $0x1FFFFE00, s0  }
0xde: {  	s1 =	simm.s32 $0x8080;
	s2 =	sadd.s32 s19, s23;
	s0 =	sadd.s32 s4, s0  }
0xdf: {  	[tilespmem:s1], [sflag:$0x2] =	stream.linear.gather [hbm4b:s0+s3], $0xC80, $0x38;
	[tilespmem:$0x11080] =	vst v63  }
0xe0: {  	s0 =	sshll.u32 s2, $0x9  }
0xe1: {  	s0 =	sand.u32 $0x1FFFFE00, s0  }
0xe2: {  	s5 =	simm.s32 $0x9080;
	s8 =	sadd.s32 s20, s23;
	s0 =	sadd.s32 s4, s0  }
0xe3: {  	[tilespmem:s5], [sflag:$0x2] =	stream.linear.gather [hbm4b:s0+s3], $0xC80, $0x38;
	[tilespmem:$0x11080] =	vst v63  }
0xe4: {  	s0 =	sshll.u32 s8, $0x9  }
0xe5: {  	s0 =	sand.u32 $0x1FFFFE00, s0  }
0xe6: {  	s10 =	simm.s32 $0xA080;
	s13 =	sadd.s32 s9, s23;
	s0 =	sadd.s32 s4, s0  }
0xe7: {  	[tilespmem:s10], [sflag:$0x2] =	stream.linear.gather [hbm4b:s0+s3], $0xC80, $0x38;
	[tilespmem:$0x11080] =	vst v63  }
0xe8: {  	s0 =	sshll.u32 s13, $0x9  }
0xe9: {  	s0 =	sand.u32 $0x1FFFFE00, s0  }
0xea: {  	s22 =	simm.s32 $0xB080;
	s24 =	sadd.s32 s31, s23;
	s0 =	sadd.s32 s4, s0  }
0xeb: {  	[tilespmem:s22], [sflag:$0x2] =	stream.linear.gather [hbm4b:s0+s3], $0xC80, $0x38;
	[tilespmem:$0x11080] =	vst v63  }
0xec: {  	s0 =	sshll.u32 s24, $0x9  }
0xed: {  	s0 =	sand.u32 $0x1FFFFE00, s0  }
0xee: {  	s25 =	simm.s32 $0xC080;
	s26 =	sadd.s32 s6, s23;
	s0 =	sadd.s32 s4, s0  }
0xef: {  	[tilespmem:s25], [sflag:$0x2] =	stream.linear.gather [hbm4b:s0+s3], $0xC80, $0x38;
	[tilespmem:$0x11080] =	vst v63  }
0xf0: {  	s0 =	sshll.u32 s26, $0x9  }
0xf1: {  	s0 =	sand.u32 $0x1FFFFE00, s0  }
0xf2: {  	s30 =	simm.s32 $0xD080;
	s2 =	sadd.s32 s7, s23;
	s0 =	sadd.s32 s4, s0  }
0xf3: {  	[tilespmem:s30], [sflag:$0x2] =	stream.linear.gather [hbm4b:s0+s3], $0xC80, $0x38;
	[tilespmem:$0x11080] =	vst v63  }
0xf4: {  	s0 =	sshll.u32 s2, $0x9  }
0xf5: {  	s0 =	sand.u32 $0x1FFFFE00, s0  }
0xf6: {  	s5 =	simm.s32 $0xE080;
	s8 =	sadd.s32 s21, s23;
	s0 =	sadd.s32 s4, s0  }
0xf7: {  	[tilespmem:s5], [sflag:$0x2] =	stream.linear.gather [hbm4b:s0+s3], $0xC80, $0x38;
	[tilespmem:$0x11080] =	vst v63  }
0xf8: {  	s0 =	sshll.u32 s8, $0x9  }
0xf9: {  	s0 =	sand.u32 $0x1FFFFE00, s0  }
0xfa: {  	s10 =	simm.s32 $0xF080;
	s0 =	sadd.s32 s4, s0  }
0xfb: {  	[tilespmem:s10], [sflag:$0x2] =	stream.linear.gather [hbm4b:s0+s3], $0xC80, $0x38;
	[tilespmem:$0x11080] =	vst v63  }
0xfc: {  	_ =	swait.ge [sflag:s11], $0xC80  }
0xfd: {  	[sflag:s11] =	ssyncset.done $0x0  }
0xfe: {  	[sflag:s11] =	ssyncadd.s32 $0xFFFFF380  }
0xff: {  	_ =	swait.ge [sflag:s11], $0xC80  }
0x100: {  	[sflag:s11] =	ssyncset.done $0x0  }
0x101: {  	[sflag:s11] =	ssyncadd.s32 $0xFFFFF380  }
0x102: {  	_ =	swait.ge [sflag:s11], $0xC80  }
0x103: {  	[sflag:s11] =	ssyncset.done $0x0  }
0x104: {  	[sflag:s11] =	ssyncadd.s32 $0xFFFFF380  }
0x105: {  	_ =	swait.ge [sflag:s11], $0xC80  }
0x106: {  	[sflag:s11] =	ssyncset.done $0x0  }
0x107: {  	[sflag:s11] =	ssyncadd.s32 $0xFFFFF380  }
0x108: {  	_ =	swait.ge [sflag:s11], $0xC80  }
0x109: {  	[sflag:s11] =	ssyncset.done $0x0  }
0x10a: {  	[sflag:s11] =	ssyncadd.s32 $0xFFFFF380  }
0x10b: {  	_ =	swait.ge [sflag:s11], $0xC80  }
0x10c: {  	[sflag:s11] =	ssyncset.done $0x0  }
0x10d: {  	[sflag:s11] =	ssyncadd.s32 $0xFFFFF380  }
0x10e: {  	_ =	swait.ge [sflag:s11], $0xC80  }
0x10f: {  	[sflag:s11] =	ssyncset.done $0x0  }
0x110: {  	[sflag:s11] =	ssyncadd.s32 $0xFFFFF380  }
0x111: {  	_ =	swait.ge [sflag:s11], $0xC80  }
0x112: {  	[sflag:s11] =	ssyncset.done $0x0  }
0x113: {  	s22 =	simm.s32 $0x1189;
	[sflag:s11] =	ssyncadd.s32 $0xFFFFF380  }
0x114: {  	s24 =	simm.s32 $0x189;
	v16 =	vld [tilespmem:s22+$0xFFFFFF00]  }
0x115: {  	v17 =	vld [tilespmem:s24+$0xFFFFFEF7]  }
0x116: {  	v18 =	vld [tilespmem:s22+$0xFFFFFEF7]  }
0x117: {  	s13 =	simm.s32 $0x2189;
	v19 =	vld [tilespmem:s24+$0xFFFFFF00]  }
0x118: {  	v20 =	vld [tilespmem:s13+$0xFFFFFEF7]  }
0x119: {  	s2 =	simm.s32 $0x3189;
	v21 =	vld [tilespmem:s13+$0xFFFFFF00]  }
0x11a: {  	v22 =	vld [tilespmem:s2+$0xFFFFFEF7]  }
0x11b: {  	s30 =	simm.s32 $0x4189;
	v17 =	vadd.f32 v18, v17;
	v18 =	vld [tilespmem:s2+$0xFFFFFF00]  }
0x11c: {  	v23 =	vld [tilespmem:s30+$0xFFFFFEF7];
	v16 =	vadd.f32 v16, v19  }
0x11d: {  	s10 =	simm.s32 $0x5189;
	v19 =	vld [tilespmem:s30+$0xFFFFFF00];
	v17 =	vadd.f32 v20, v17  }
0x11e: {  	v20 =	vld [tilespmem:s10+$0xFFFFFEF7];
	v16 =	vadd.f32 v21, v16  }
0x11f: {  	s28 =	simm.s32 $0x6189;
	v21 =	vld [tilespmem:s10+$0xFFFFFF00];
	v17 =	vadd.f32 v22, v17  }
0x120: {  	v22 =	vld [tilespmem:s28+$0xFFFFFEF7];
	v16 =	vadd.f32 v18, v16  }
0x121: {  	s26 =	simm.s32 $0x7189;
	v18 =	vld [tilespmem:s28+$0xFFFFFF00];
	v17 =	vadd.f32 v23, v17  }
0x122: {  	v23 =	vld [tilespmem:s26+$0xFFFFFEF7];
	v16 =	vadd.f32 v19, v16  }
0x123: {  	v19 =	vld [tilespmem:s26+$0xFFFFFF00];
	v17 =	vadd.f32 v20, v17  }
0x124: {  	v16 =	vadd.f32 v21, v16  }
0x125: {  	v17 =	vadd.f32 v22, v17  }
0x126: {  	v16 =	vadd.f32 v18, v16  }
0x127: {  	v17 =	vadd.f32 v23, v17  }
0x128: {  	s25 =	simm.s32 $0x10189;
	v16 =	vadd.f32 v19, v16  }
0x129: {  	[tilespmem:s25+$0xFFFFFEF7] =	vst v17  }
0x12a: {  	[tilespmem:s25+$0xFFFFFF00] =	vst v16  }
0x12b: {  	v16 =	vld [tilespmem:s22+$0xFFFFFF80]  }
0x12c: {  	v17 =	vld [tilespmem:s24+$0xFFFFFF77]  }
0x12d: {  	v18 =	vld [tilespmem:s22+$0xFFFFFF77]  }
0x12e: {  	v19 =	vld [tilespmem:s24+$0xFFFFFF80]  }
0x12f: {  	v20 =	vld [tilespmem:s13+$0xFFFFFF77]  }
0x130: {  	v21 =	vld [tilespmem:s13+$0xFFFFFF80]  }
0x131: {  	v22 =	vld [tilespmem:s2+$0xFFFFFF77]  }
0x132: {  	v17 =	vadd.f32 v18, v17;
	v18 =	vld [tilespmem:s2+$0xFFFFFF80]  }
0x133: {  	v23 =	vld [tilespmem:s30+$0xFFFFFF77];
	v16 =	vadd.f32 v16, v19  }
0x134: {  	v19 =	vld [tilespmem:s30+$0xFFFFFF80];
	v17 =	vadd.f32 v20, v17  }
0x135: {  	v20 =	vld [tilespmem:s10+$0xFFFFFF77];
	v16 =	vadd.f32 v21, v16  }
0x136: {  	v21 =	vld [tilespmem:s10+$0xFFFFFF80];
	v17 =	vadd.f32 v22, v17  }
0x137: {  	v22 =	vld [tilespmem:s28+$0xFFFFFF77];
	v16 =	vadd.f32 v18, v16  }
0x138: {  	v18 =	vld [tilespmem:s28+$0xFFFFFF80];
	v17 =	vadd.f32 v23, v17  }
0x139: {  	v23 =	vld [tilespmem:s26+$0xFFFFFF77];
	v16 =	vadd.f32 v19, v16  }
0x13a: {  	v19 =	vld [tilespmem:s26+$0xFFFFFF80];
	v17 =	vadd.f32 v20, v17  }
0x13b: {  	v16 =	vadd.f32 v21, v16  }
0x13c: {  	v17 =	vadd.f32 v22, v17  }
0x13d: {  	v16 =	vadd.f32 v18, v16  }
0x13e: {  	v17 =	vadd.f32 v23, v17  }
0x13f: {  	v16 =	vadd.f32 v19, v16  }
0x140: {  	[tilespmem:s25+$0xFFFFFF77] =	vst v17  }
0x141: {  	[tilespmem:s25+$0xFFFFFF80] =	vst v16  }
0x142: {  	v16 =	vld [tilespmem:s22+$0x0]  }
0x143: {  	v17 =	vld [tilespmem:s24+$0xFFFFFFF7]  }
0x144: {  	v18 =	vld [tilespmem:s22+$0xFFFFFFF7]  }
0x145: {  	v19 =	vld [tilespmem:s24+$0x0]  }
0x146: {  	v20 =	vld [tilespmem:s13+$0xFFFFFFF7]  }
0x147: {  	v21 =	vld [tilespmem:s13+$0x0]  }
0x148: {  	v22 =	vld [tilespmem:s2+$0xFFFFFFF7]  }
0x149: {  	v17 =	vadd.f32 v18, v17;
	v18 =	vld [tilespmem:s2+$0x0]  }
0x14a: {  	v23 =	vld [tilespmem:s30+$0xFFFFFFF7];
	v16 =	vadd.f32 v16, v19  }
0x14b: {  	v19 =	vld [tilespmem:s30+$0x0];
	v17 =	vadd.f32 v20, v17  }
0x14c: {  	v20 =	vld [tilespmem:s10+$0xFFFFFFF7];
	v16 =	vadd.f32 v21, v16  }
0x14d: {  	v21 =	vld [tilespmem:s10+$0x0];
	v17 =	vadd.f32 v22, v17  }
0x14e: {  	v22 =	vld [tilespmem:s28+$0xFFFFFFF7];
	v16 =	vadd.f32 v18, v16  }
0x14f: {  	v18 =	vld [tilespmem:s28+$0x0];
	v17 =	vadd.f32 v23, v17  }
0x150: {  	v23 =	vld [tilespmem:s26+$0xFFFFFFF7];
	v16 =	vadd.f32 v19, v16  }
0x151: {  	v19 =	vld [tilespmem:s26+$0x0];
	v17 =	vadd.f32 v20, v17  }
0x152: {  	v16 =	vadd.f32 v21, v16  }
0x153: {  	v17 =	vadd.f32 v22, v17  }
0x154: {  	v16 =	vadd.f32 v18, v16  }
0x155: {  	v17 =	vadd.f32 v23, v17  }
0x156: {  	v16 =	vadd.f32 v19, v16  }
0x157: {  	[tilespmem:s25+$0xFFFFFFF7] =	vst v17  }
0x158: {  	[tilespmem:s25+$0x0] =	vst v16  }
0x159: {  	v16 =	vld [tilespmem:s22+$0x77]  }
0x15a: {  	v17 =	vld [tilespmem:s22+$0x80]  }
0x15b: {  	v18 =	vld [tilespmem:s24+$0x77]  }
0x15c: {  	v19 =	vld [tilespmem:s24+$0x80]  }
0x15d: {  	v20 =	vld [tilespmem:s13+$0x77]  }
0x15e: {  	v21 =	vld [tilespmem:s13+$0x80]  }
0x15f: {  	v22 =	vld [tilespmem:s2+$0x77]  }
0x160: {  	v23 =	vld [tilespmem:s2+$0x80];
	v16 =	vadd.f32 v16, v18  }
0x161: {  	v17 =	vadd.f32 v17, v19;
	v18 =	vld [tilespmem:s30+$0x77]  }
0x162: {  	v19 =	vld [tilespmem:s30+$0x80];
	v16 =	vadd.f32 v20, v16  }
0x163: {  	v17 =	vadd.f32 v21, v17;
	v20 =	vld [tilespmem:s10+$0x77]  }
0x164: {  	v21 =	vld [tilespmem:s10+$0x80];
	v16 =	vadd.f32 v22, v16  }
0x165: {  	v17 =	vadd.f32 v23, v17;
	v22 =	vld [tilespmem:s28+$0x77]  }
0x166: {  	v23 =	vld [tilespmem:s28+$0x80];
	v16 =	vadd.f32 v18, v16  }
0x167: {  	v17 =	vadd.f32 v19, v17;
	v18 =	vld [tilespmem:s26+$0x77]  }
0x168: {  	v19 =	vld [tilespmem:s26+$0x80];
	v16 =	vadd.f32 v20, v16  }
0x169: {  	v17 =	vadd.f32 v21, v17  }
0x16a: {  	v16 =	vadd.f32 v22, v16  }
0x16b: {  	v17 =	vadd.f32 v23, v17  }
0x16c: {  	v16 =	vadd.f32 v18, v16  }
0x16d: {  	v17 =	vadd.f32 v19, v17  }
0x16e: {  	[tilespmem:s25+$0x77] =	vst v16  }
0x16f: {  	[tilespmem:s25+$0x80] =	vst v17  }
0x170: {  	v19 =	vld [tilespmem:s13+$0x100]  }
0x171: {  	v16 =	vld [tilespmem:s22+$0x100]  }
0x172: {  	v18 =	vld [tilespmem:s24+$0x100]  }
0x173: {  	v20 =	vld [tilespmem:s24+$0xF7]  }
0x174: {  	v21 =	vld [tilespmem:s22+$0xF7]  }
0x175: {  	v22 =	vld [tilespmem:s13+$0xF7]  }
0x176: {  	v23 =	vld [tilespmem:s2+$0x100]  }
0x177: {  	v17 =	vld [tilespmem:s2+$0xF7];
	v24 =	vadd.f32 v16, v18  }
0x178: {  	v16 =	vld [tilespmem:s30+$0x100]  }
0x179: {  	s29 =	simm.s32 $0x4409;
	s1 =	simm.s32 $0x10409;
	v20 =	vadd.f32 v21, v20;
	v18 =	vld [tilespmem:s30+$0xF7];
	v21 =	vadd.f32 v19, v24  }
0x17a: {  	s5 =	simm.s32 $0x6409;
	s8 =	simm.s32 $0x7409;
	s0 =	simm.s32 $0x0;
	v19 =	vld [tilespmem:s10+$0x100]  }
0x17b: {  	s2 =	simm.s32 $0x5409;
	s13 =	simm.s32 $0x3409;
	v22 =	vadd.f32 v22, v20;
	v20 =	vld [tilespmem:s10+$0xF7];
	s10 =	simm.s32 $0x2409;
	v21 =	vadd.f32 v23, v21  }
.LBB2_3:
0x17c: {  	s0 =	sadd.s32 $0x5, s0;
	v23 =	vld [tilespmem:s28+$0x100];
	s24 =	sadd.s32 $0x280, s24;
	s22 =	sadd.s32 $0x280, s22  }
0x17d: {  	s30 =	smov.u32 s2;
	p0 =	slt.u32 s0, $0x14;
	v17 =	vadd.f32 v17, v22;
	v22 =	vld [tilespmem:s28+$0xF7];
	v16 =	vadd.f32 v16, v21;
	s28 =	smov.u32 s5  }
0x17e: {  	v21 =	vld [tilespmem:s26+$0xF7]  }
0x17f: {  	v17 =	vadd.f32 v18, v17;
	v16 =	vadd.f32 v19, v16;
	v18 =	vld [tilespmem:s26+$0x100];
	s26 =	smov.u32 s8;
	_ =	sdelay $0x1  }
0x180: {  	v17 =	vadd.f32 v20, v17;
	v16 =	vadd.f32 v23, v16;
	_ =	sdelay $0x1  }
0x181: {  	v17 =	vadd.f32 v22, v17;
	_ =	sdelay $0x1  }
0x182: {  	v16 =	vadd.f32 v18, v16;
	v17 =	vadd.f32 v21, v17;
	_ =	sdelay $0x1  }
0x183: {  	[tilespmem:s25+$0xF7] =	vst v17  }
0x184: {  	[tilespmem:s25+$0x100] =	vst v16;
	s25 =	smov.u32 s1  }
0x185: {  	v16 =	vld [tilespmem:s22+$0xFFFFFF00]  }
0x186: {  	v17 =	vld [tilespmem:s24+$0xFFFFFEF7]  }
0x187: {  	v18 =	vld [tilespmem:s22+$0xFFFFFEF7]  }
0x188: {  	v19 =	vld [tilespmem:s24+$0xFFFFFF00]  }
0x189: {  	v20 =	vld [tilespmem:s10+$0xFFFFFEF7]  }
0x18a: {  	v21 =	vld [tilespmem:s10+$0xFFFFFF00]  }
0x18b: {  	v22 =	vld [tilespmem:s13+$0xFFFFFEF7]  }
0x18c: {  	v17 =	vadd.f32 v18, v17;
	v18 =	vld [tilespmem:s13+$0xFFFFFF00]  }
0x18d: {  	v23 =	vld [tilespmem:s29+$0xFFFFFEF7];
	v16 =	vadd.f32 v16, v19  }
0x18e: {  	v17 =	vadd.f32 v20, v17;
	v19 =	vld [tilespmem:s29+$0xFFFFFF00]  }
0x18f: {  	v20 =	vld [tilespmem:s2+$0xFFFFFEF7];
	v16 =	vadd.f32 v21, v16  }
0x190: {  	v17 =	vadd.f32 v22, v17;
	v21 =	vld [tilespmem:s2+$0xFFFFFF00]  }
0x191: {  	v22 =	vld [tilespmem:s5+$0xFFFFFEF7];
	v16 =	vadd.f32 v18, v16  }
0x192: {  	v17 =	vadd.f32 v23, v17;
	v18 =	vld [tilespmem:s5+$0xFFFFFF00]  }
0x193: {  	v23 =	vld [tilespmem:s8+$0xFFFFFEF7];
	v16 =	vadd.f32 v19, v16  }
0x194: {  	v17 =	vadd.f32 v20, v17;
	v19 =	vld [tilespmem:s8+$0xFFFFFF00]  }
0x195: {  	v16 =	vadd.f32 v21, v16  }
0x196: {  	v17 =	vadd.f32 v22, v17  }
0x197: {  	v16 =	vadd.f32 v18, v16  }
0x198: {  	v17 =	vadd.f32 v23, v17  }
0x199: {  	v16 =	vadd.f32 v19, v16  }
0x19a: {  	[tilespmem:s1+$0xFFFFFEF7] =	vst v17  }
0x19b: {  	[tilespmem:s1+$0xFFFFFF00] =	vst v16  }
0x19c: {  	v16 =	vld [tilespmem:s22+$0xFFFFFF80]  }
0x19d: {  	v17 =	vld [tilespmem:s24+$0xFFFFFF77]  }
0x19e: {  	v18 =	vld [tilespmem:s22+$0xFFFFFF77]  }
0x19f: {  	v19 =	vld [tilespmem:s24+$0xFFFFFF80]  }
0x1a0: {  	v20 =	vld [tilespmem:s10+$0xFFFFFF77]  }
0x1a1: {  	v21 =	vld [tilespmem:s10+$0xFFFFFF80]  }
0x1a2: {  	v22 =	vld [tilespmem:s13+$0xFFFFFF77]  }
0x1a3: {  	v17 =	vadd.f32 v18, v17;
	v18 =	vld [tilespmem:s13+$0xFFFFFF80]  }
0x1a4: {  	v23 =	vld [tilespmem:s29+$0xFFFFFF77];
	v16 =	vadd.f32 v16, v19  }
0x1a5: {  	v17 =	vadd.f32 v20, v17;
	v19 =	vld [tilespmem:s29+$0xFFFFFF80]  }
0x1a6: {  	v20 =	vld [tilespmem:s2+$0xFFFFFF77];
	v16 =	vadd.f32 v21, v16  }
0x1a7: {  	v17 =	vadd.f32 v22, v17;
	v21 =	vld [tilespmem:s2+$0xFFFFFF80]  }
0x1a8: {  	v22 =	vld [tilespmem:s5+$0xFFFFFF77];
	v16 =	vadd.f32 v18, v16  }
0x1a9: {  	v17 =	vadd.f32 v23, v17;
	v18 =	vld [tilespmem:s5+$0xFFFFFF80]  }
0x1aa: {  	v23 =	vld [tilespmem:s8+$0xFFFFFF77];
	v16 =	vadd.f32 v19, v16  }
0x1ab: {  	v17 =	vadd.f32 v20, v17;
	v19 =	vld [tilespmem:s8+$0xFFFFFF80]  }
0x1ac: {  	v16 =	vadd.f32 v21, v16  }
0x1ad: {  	v17 =	vadd.f32 v22, v17  }
0x1ae: {  	v16 =	vadd.f32 v18, v16  }
0x1af: {  	v17 =	vadd.f32 v23, v17  }
0x1b0: {  	v16 =	vadd.f32 v19, v16  }
0x1b1: {  	[tilespmem:s1+$0xFFFFFF77] =	vst v17  }
0x1b2: {  	[tilespmem:s1+$0xFFFFFF80] =	vst v16  }
0x1b3: {  	v16 =	vld [tilespmem:s22+$0x0]  }
0x1b4: {  	v17 =	vld [tilespmem:s24+$0xFFFFFFF7]  }
0x1b5: {  	v18 =	vld [tilespmem:s22+$0xFFFFFFF7]  }
0x1b6: {  	v19 =	vld [tilespmem:s24+$0x0]  }
0x1b7: {  	v20 =	vld [tilespmem:s10+$0xFFFFFFF7]  }
0x1b8: {  	v21 =	vld [tilespmem:s10+$0x0]  }
0x1b9: {  	v22 =	vld [tilespmem:s13+$0xFFFFFFF7]  }
0x1ba: {  	v17 =	vadd.f32 v18, v17;
	v18 =	vld [tilespmem:s13+$0x0]  }
0x1bb: {  	v23 =	vld [tilespmem:s29+$0xFFFFFFF7];
	v16 =	vadd.f32 v16, v19  }
0x1bc: {  	v17 =	vadd.f32 v20, v17;
	v19 =	vld [tilespmem:s29+$0x0]  }
0x1bd: {  	v20 =	vld [tilespmem:s2+$0xFFFFFFF7];
	v16 =	vadd.f32 v21, v16  }
0x1be: {  	v17 =	vadd.f32 v22, v17;
	v21 =	vld [tilespmem:s2+$0x0]  }
0x1bf: {  	v22 =	vld [tilespmem:s5+$0xFFFFFFF7];
	v16 =	vadd.f32 v18, v16  }
0x1c0: {  	v17 =	vadd.f32 v23, v17;
	v18 =	vld [tilespmem:s5+$0x0]  }
0x1c1: {  	v23 =	vld [tilespmem:s8+$0xFFFFFFF7];
	v16 =	vadd.f32 v19, v16  }
0x1c2: {  	v17 =	vadd.f32 v20, v17;
	v19 =	vld [tilespmem:s8+$0x0]  }
0x1c3: {  	v16 =	vadd.f32 v21, v16  }
0x1c4: {  	v17 =	vadd.f32 v22, v17  }
0x1c5: {  	v16 =	vadd.f32 v18, v16  }
0x1c6: {  	v17 =	vadd.f32 v23, v17  }
0x1c7: {  	v16 =	vadd.f32 v19, v16  }
0x1c8: {  	[tilespmem:s1+$0xFFFFFFF7] =	vst v17  }
0x1c9: {  	[tilespmem:s1+$0x0] =	vst v16  }
0x1ca: {  	v16 =	vld [tilespmem:s22+$0x77]  }
0x1cb: {  	v17 =	vld [tilespmem:s22+$0x80]  }
0x1cc: {  	v18 =	vld [tilespmem:s24+$0x80]  }
0x1cd: {  	v19 =	vld [tilespmem:s24+$0x77]  }
0x1ce: {  	v20 =	vld [tilespmem:s10+$0x80]  }
0x1cf: {  	v21 =	vld [tilespmem:s10+$0x77]  }
0x1d0: {  	v22 =	vld [tilespmem:s13+$0x80]  }
0x1d1: {  	v23 =	vld [tilespmem:s13+$0x77];
	v17 =	vadd.f32 v17, v18  }
0x1d2: {  	v16 =	vadd.f32 v16, v19;
	v18 =	vld [tilespmem:s29+$0x80]  }
0x1d3: {  	v19 =	vld [tilespmem:s29+$0x77];
	v17 =	vadd.f32 v20, v17  }
0x1d4: {  	v16 =	vadd.f32 v21, v16;
	v20 =	vld [tilespmem:s2+$0x80]  }
0x1d5: {  	v21 =	vld [tilespmem:s2+$0x77];
	v17 =	vadd.f32 v22, v17  }
0x1d6: {  	v16 =	vadd.f32 v23, v16;
	v22 =	vld [tilespmem:s5+$0x80]  }
0x1d7: {  	v23 =	vld [tilespmem:s5+$0x77];
	v17 =	vadd.f32 v18, v17  }
0x1d8: {  	v16 =	vadd.f32 v19, v16;
	v18 =	vld [tilespmem:s8+$0x77]  }
0x1d9: {  	v17 =	vadd.f32 v20, v17;
	v19 =	vld [tilespmem:s8+$0x80]  }
0x1da: {  	v16 =	vadd.f32 v21, v16  }
0x1db: {  	v17 =	vadd.f32 v22, v17  }
0x1dc: {  	v16 =	vadd.f32 v23, v16;
	_ =	sdelay $0x1  }
0x1dd: {  	v16 =	vadd.f32 v18, v16  }
0x1de: {  	v17 =	vadd.f32 v19, v17  }
0x1df: {  	[tilespmem:s1+$0x77] =	vst v16  }
0x1e0: {  	[tilespmem:s1+$0x80] =	vst v17  }
0x1e1: {  	v19 =	vld [tilespmem:s10+$0x100]  }
0x1e2: {  	v16 =	vld [tilespmem:s22+$0x100]  }
0x1e3: {  	v18 =	vld [tilespmem:s24+$0x100]  }
0x1e4: {  	v20 =	vld [tilespmem:s24+$0xF7]  }
0x1e5: {  	v21 =	vld [tilespmem:s22+$0xF7]  }
0x1e6: {  	v22 =	vld [tilespmem:s10+$0xF7]  }
0x1e7: {  	v23 =	vld [tilespmem:s13+$0x100]  }
.Ltmp0:
0x1e8: {  	v17 =	vld [tilespmem:s13+$0xF7];
	v24 =	vadd.f32 v16, v18;
	(pc) =	sbr.rel @p0 .LBB2_3-.Ltmp0, $4  }
0x1e9: {  	v16 =	vld [tilespmem:s29+$0x100]  }
0x1ea: {  	s1 =	sadd.s32 $0x280, s1;
	v20 =	vadd.f32 v21, v20;
	v18 =	vld [tilespmem:s29+$0xF7];
	v21 =	vadd.f32 v19, v24  }
0x1eb: {  	s2 =	sadd.s32 $0x280, s2;
	s5 =	sadd.s32 $0x280, s5;
	s8 =	sadd.s32 $0x280, s8;
	v19 =	vld [tilespmem:s30+$0x100]  }
0x1ec: {  	s10 =	sadd.s32 $0x280, s10;
	s13 =	sadd.s32 $0x280, s13;
	s29 =	sadd.s32 $0x280, s29;
	v22 =	vadd.f32 v22, v20;
	v20 =	vld [tilespmem:s30+$0xF7];
	v21 =	vadd.f32 v23, v21  }
0x1ed: {  	_ = 	snop  }
0x1ee: {  	v17 =	vadd.f32 v17, v22  }
0x1ef: {  	v22 =	vld [tilespmem:s28+$0xF7]  }
0x1f0: {  	v23 =	vld [tilespmem:s28+$0x100];
	v17 =	vadd.f32 v18, v17  }
0x1f1: {  	v16 =	vadd.f32 v16, v21;
	v18 =	vld [tilespmem:s26+$0xF7]  }
0x1f2: {  	v21 =	vld [tilespmem:s26+$0x100];
	v17 =	vadd.f32 v20, v17  }
0x1f3: {  	v16 =	vadd.f32 v19, v16  }
0x1f4: {  	v17 =	vadd.f32 v22, v17  }
0x1f5: {  	s22 =	sadd.s32 $0x1, s23;
	p0 =	seq.s32 s23, $0x3F;
	s0 =	rddreg [dreg:$0x9];
	v16 =	vadd.f32 v23, v16  }
0x1f6: {  	s0 =	sadd.s32 @!p0 s0, s22;
	v17 =	vadd.f32 v18, v17  }
0x1f7: {  	s0 =	sshll.u32 @!p0 s0, $0x9;
	v16 =	vadd.f32 v21, v16  }
0x1f8: {  	s0 =	sand.u32 @!p0 $0x1FFFFE00, s0;
	[tilespmem:s25+$0xF7] =	vst v17  }
0x1f9: {  	s1 =	simm.s32 @!p0 $0x0;
	s2 =	simm.s32 @!p0 $0x80;
	s0 =	sadd.s32 @!p0 s4, s0;
	[tilespmem:s25+$0x100] =	vst v16  }
0x1fa: {  	[tilespmem:s2], [sflag:$0x1] =	stream.linear.gather @!p0 [hbm4b:s0+s1], $0xC80, $0x38;
	[tilespmem:$0x11080] =	vst v63  }
0x1fb: {  	s0 =	rddreg [dreg:$0xa]  }
0x1fc: {  	s0 =	sadd.s32 @!p0 s0, s22  }
0x1fd: {  	s0 =	sshll.u32 @!p0 s0, $0x9  }
0x1fe: {  	s0 =	sand.u32 @!p0 $0x1FFFFE00, s0  }
0x1ff: {  	s2 =	simm.s32 @!p0 $0x1080;
	s0 =	sadd.s32 @!p0 s4, s0  }
0x200: {  	[tilespmem:s2], [sflag:$0x1] =	stream.linear.gather @!p0 [hbm4b:s0+s1], $0xC80, $0x38;
	[tilespmem:$0x11080] =	vst v63  }
0x201: {  	s0 =	rddreg [dreg:$0xb]  }
0x202: {  	s0 =	sadd.s32 @!p0 s0, s22  }
0x203: {  	s0 =	sshll.u32 @!p0 s0, $0x9  }
0x204: {  	s0 =	sand.u32 @!p0 $0x1FFFFE00, s0  }
0x205: {  	s2 =	simm.s32 @!p0 $0x2080;
	s0 =	sadd.s32 @!p0 s4, s0  }
0x206: {  	[tilespmem:s2], [sflag:$0x1] =	stream.linear.gather @!p0 [hbm4b:s0+s1], $0xC80, $0x38;
	[tilespmem:$0x11080] =	vst v63  }
0x207: {  	s0 =	rddreg [dreg:$0xc]  }
0x208: {  	s0 =	sadd.s32 @!p0 s0, s22  }
0x209: {  	s0 =	sshll.u32 @!p0 s0, $0x9  }
0x20a: {  	s0 =	sand.u32 @!p0 $0x1FFFFE00, s0  }
0x20b: {  	s2 =	simm.s32 @!p0 $0x3080;
	s0 =	sadd.s32 @!p0 s4, s0  }
0x20c: {  	[tilespmem:s2], [sflag:$0x1] =	stream.linear.gather @!p0 [hbm4b:s0+s1], $0xC80, $0x38;
	[tilespmem:$0x11080] =	vst v63  }
0x20d: {  	s0 =	sadd.s32 @!p0 s14, s22  }
0x20e: {  	s0 =	sshll.u32 @!p0 s0, $0x9  }
0x20f: {  	s0 =	sand.u32 @!p0 $0x1FFFFE00, s0  }
0x210: {  	s2 =	simm.s32 @!p0 $0x4080;
	s0 =	sadd.s32 @!p0 s4, s0  }
0x211: {  	[tilespmem:s2], [sflag:$0x1] =	stream.linear.gather @!p0 [hbm4b:s0+s1], $0xC80, $0x38;
	[tilespmem:$0x11080] =	vst v63  }
0x212: {  	s0 =	sadd.s32 @!p0 s15, s22  }
0x213: {  	s0 =	sshll.u32 @!p0 s0, $0x9  }
0x214: {  	s0 =	sand.u32 @!p0 $0x1FFFFE00, s0  }
0x215: {  	s2 =	simm.s32 @!p0 $0x5080;
	s0 =	sadd.s32 @!p0 s4, s0  }
0x216: {  	[tilespmem:s2], [sflag:$0x1] =	stream.linear.gather @!p0 [hbm4b:s0+s1], $0xC80, $0x38;
	[tilespmem:$0x11080] =	vst v63  }
0x217: {  	s0 =	sadd.s32 @!p0 s16, s22  }
0x218: {  	s0 =	sshll.u32 @!p0 s0, $0x9  }
0x219: {  	s0 =	sand.u32 @!p0 $0x1FFFFE00, s0  }
0x21a: {  	s2 =	simm.s32 @!p0 $0x6080;
	s0 =	sadd.s32 @!p0 s4, s0  }
0x21b: {  	[tilespmem:s2], [sflag:$0x1] =	stream.linear.gather @!p0 [hbm4b:s0+s1], $0xC80, $0x38;
	[tilespmem:$0x11080] =	vst v63  }
0x21c: {  	s0 =	sadd.s32 @!p0 s17, s22  }
0x21d: {  	s0 =	sshll.u32 @!p0 s0, $0x9  }
0x21e: {  	s0 =	sand.u32 @!p0 $0x1FFFFE00, s0  }
0x21f: {  	s2 =	simm.s32 @!p0 $0x7080;
	s0 =	sadd.s32 @!p0 s4, s0  }
0x220: {  	[tilespmem:s2], [sflag:$0x1] =	stream.linear.gather @!p0 [hbm4b:s0+s1], $0xC80, $0x38;
	[tilespmem:$0x11080] =	vst v63  }
0x221: {  	_ =	swait.ge [sflag:s12], $0xC80  }
0x222: {  	[sflag:s12] =	ssyncset.done $0x0  }
0x223: {  	[sflag:s12] =	ssyncadd.s32 $0xFFFFF380  }
0x224: {  	_ =	swait.ge [sflag:s12], $0xC80  }
0x225: {  	[sflag:s12] =	ssyncset.done $0x0  }
0x226: {  	[sflag:s12] =	ssyncadd.s32 $0xFFFFF380  }
0x227: {  	_ =	swait.ge [sflag:s12], $0xC80  }
0x228: {  	[sflag:s12] =	ssyncset.done $0x0  }
0x229: {  	[sflag:s12] =	ssyncadd.s32 $0xFFFFF380  }
0x22a: {  	_ =	swait.ge [sflag:s12], $0xC80  }
0x22b: {  	[sflag:s12] =	ssyncset.done $0x0  }
0x22c: {  	[sflag:s12] =	ssyncadd.s32 $0xFFFFF380  }
0x22d: {  	_ =	swait.ge [sflag:s12], $0xC80  }
0x22e: {  	[sflag:s12] =	ssyncset.done $0x0  }
0x22f: {  	[sflag:s12] =	ssyncadd.s32 $0xFFFFF380  }
0x230: {  	_ =	swait.ge [sflag:s12], $0xC80  }
0x231: {  	[sflag:s12] =	ssyncset.done $0x0  }
0x232: {  	[sflag:s12] =	ssyncadd.s32 $0xFFFFF380  }
0x233: {  	_ =	swait.ge [sflag:s12], $0xC80  }
0x234: {  	[sflag:s12] =	ssyncset.done $0x0  }
0x235: {  	[sflag:s12] =	ssyncadd.s32 $0xFFFFF380  }
0x236: {  	_ =	swait.ge [sflag:s12], $0xC80  }
0x237: {  	[sflag:s12] =	ssyncset.done $0x0  }
0x238: {  	s24 =	simm.s32 $0x9189;
	[sflag:s12] =	ssyncadd.s32 $0xFFFFF380  }
0x239: {  	s25 =	simm.s32 $0x8189;
	v16 =	vld [tilespmem:s24+$0xFFFFFF00]  }
0x23a: {  	v17 =	vld [tilespmem:s25+$0xFFFFFEF7]  }
0x23b: {  	v18 =	vld [tilespmem:s24+$0xFFFFFEF7]  }
0x23c: {  	s5 =	simm.s32 $0xA189;
	v19 =	vld [tilespmem:s25+$0xFFFFFF00]  }
0x23d: {  	v20 =	vld [tilespmem:s5+$0xFFFFFEF7]  }
0x23e: {  	s8 =	simm.s32 $0xB189;
	v21 =	vld [tilespmem:s5+$0xFFFFFF00]  }
0x23f: {  	v22 =	vld [tilespmem:s8+$0xFFFFFEF7]  }
0x240: {  	s1 =	simm.s32 $0xC189;
	v17 =	vadd.f32 v18, v17;
	v18 =	vld [tilespmem:s8+$0xFFFFFF00]  }
0x241: {  	v23 =	vld [tilespmem:s1+$0xFFFFFEF7];
	v16 =	vadd.f32 v16, v19  }
0x242: {  	s10 =	simm.s32 $0xD189;
	v19 =	vld [tilespmem:s1+$0xFFFFFF00];
	v17 =	vadd.f32 v20, v17  }
0x243: {  	v20 =	vld [tilespmem:s10+$0xFFFFFEF7];
	v16 =	vadd.f32 v21, v16  }
0x244: {  	s13 =	simm.s32 $0xE189;
	v21 =	vld [tilespmem:s10+$0xFFFFFF00];
	v17 =	vadd.f32 v22, v17  }
0x245: {  	v22 =	vld [tilespmem:s13+$0xFFFFFEF7];
	v16 =	vadd.f32 v18, v16  }
0x246: {  	s28 =	simm.s32 $0xF189;
	v18 =	vld [tilespmem:s13+$0xFFFFFF00];
	v17 =	vadd.f32 v23, v17  }
0x247: {  	v23 =	vld [tilespmem:s28+$0xFFFFFEF7];
	v16 =	vadd.f32 v19, v16  }
0x248: {  	s26 =	simm.s32 $0x10189;
	v19 =	vld [tilespmem:s28+$0xFFFFFF00];
	v17 =	vadd.f32 v20, v17  }
0x249: {  	v20 =	vld [tilespmem:s26+$0xFFFFFEF7];
	v16 =	vadd.f32 v21, v16  }
0x24a: {  	v21 =	vld [tilespmem:s26+$0xFFFFFF00];
	v17 =	vadd.f32 v22, v17  }
0x24b: {  	v16 =	vadd.f32 v18, v16  }
0x24c: {  	v17 =	vadd.f32 v23, v17  }
0x24d: {  	v16 =	vadd.f32 v19, v16  }
0x24e: {  	v17 =	vadd.f32 v20, v17  }
0x24f: {  	v16 =	vadd.f32 v21, v16  }
0x250: {  	[tilespmem:s26+$0xFFFFFEF7] =	vst v17  }
0x251: {  	[tilespmem:s26+$0xFFFFFF00] =	vst v16  }
0x252: {  	v16 =	vld [tilespmem:s24+$0xFFFFFF80]  }
0x253: {  	v17 =	vld [tilespmem:s25+$0xFFFFFF77]  }
0x254: {  	v18 =	vld [tilespmem:s24+$0xFFFFFF77]  }
0x255: {  	v19 =	vld [tilespmem:s25+$0xFFFFFF80]  }
0x256: {  	v20 =	vld [tilespmem:s5+$0xFFFFFF77]  }
0x257: {  	v21 =	vld [tilespmem:s5+$0xFFFFFF80]  }
0x258: {  	v22 =	vld [tilespmem:s8+$0xFFFFFF77]  }
0x259: {  	v17 =	vadd.f32 v18, v17;
	v18 =	vld [tilespmem:s8+$0xFFFFFF80]  }
0x25a: {  	v23 =	vld [tilespmem:s1+$0xFFFFFF77];
	v16 =	vadd.f32 v16, v19  }
0x25b: {  	v19 =	vld [tilespmem:s1+$0xFFFFFF80];
	v17 =	vadd.f32 v20, v17  }
0x25c: {  	v20 =	vld [tilespmem:s10+$0xFFFFFF77];
	v16 =	vadd.f32 v21, v16  }
0x25d: {  	v21 =	vld [tilespmem:s10+$0xFFFFFF80];
	v17 =	vadd.f32 v22, v17  }
0x25e: {  	v22 =	vld [tilespmem:s13+$0xFFFFFF77];
	v16 =	vadd.f32 v18, v16  }
0x25f: {  	v18 =	vld [tilespmem:s13+$0xFFFFFF80];
	v17 =	vadd.f32 v23, v17  }
0x260: {  	v23 =	vld [tilespmem:s28+$0xFFFFFF77];
	v16 =	vadd.f32 v19, v16  }
0x261: {  	v19 =	vld [tilespmem:s28+$0xFFFFFF80];
	v17 =	vadd.f32 v20, v17  }
0x262: {  	v20 =	vld [tilespmem:s26+$0xFFFFFF77];
	v16 =	vadd.f32 v21, v16  }
0x263: {  	v21 =	vld [tilespmem:s26+$0xFFFFFF80];
	v17 =	vadd.f32 v22, v17  }
0x264: {  	v16 =	vadd.f32 v18, v16  }
0x265: {  	v17 =	vadd.f32 v23, v17  }
0x266: {  	v16 =	vadd.f32 v19, v16  }
0x267: {  	v17 =	vadd.f32 v20, v17  }
0x268: {  	v16 =	vadd.f32 v21, v16  }
0x269: {  	[tilespmem:s26+$0xFFFFFF77] =	vst v17  }
0x26a: {  	[tilespmem:s26+$0xFFFFFF80] =	vst v16  }
0x26b: {  	v16 =	vld [tilespmem:s24+$0x0]  }
0x26c: {  	v17 =	vld [tilespmem:s25+$0xFFFFFFF7]  }
0x26d: {  	v18 =	vld [tilespmem:s24+$0xFFFFFFF7]  }
0x26e: {  	v19 =	vld [tilespmem:s25+$0x0]  }
0x26f: {  	v20 =	vld [tilespmem:s5+$0xFFFFFFF7]  }
0x270: {  	v21 =	vld [tilespmem:s5+$0x0]  }
0x271: {  	v22 =	vld [tilespmem:s8+$0xFFFFFFF7]  }
0x272: {  	v17 =	vadd.f32 v18, v17;
	v18 =	vld [tilespmem:s8+$0x0]  }
0x273: {  	v23 =	vld [tilespmem:s1+$0xFFFFFFF7];
	v16 =	vadd.f32 v16, v19  }
0x274: {  	v19 =	vld [tilespmem:s1+$0x0];
	v17 =	vadd.f32 v20, v17  }
0x275: {  	v20 =	vld [tilespmem:s10+$0xFFFFFFF7];
	v16 =	vadd.f32 v21, v16  }
0x276: {  	v21 =	vld [tilespmem:s10+$0x0];
	v17 =	vadd.f32 v22, v17  }
0x277: {  	v22 =	vld [tilespmem:s13+$0xFFFFFFF7];
	v16 =	vadd.f32 v18, v16  }
0x278: {  	v18 =	vld [tilespmem:s13+$0x0];
	v17 =	vadd.f32 v23, v17  }
0x279: {  	v23 =	vld [tilespmem:s28+$0xFFFFFFF7];
	v16 =	vadd.f32 v19, v16  }
0x27a: {  	v19 =	vld [tilespmem:s28+$0x0];
	v17 =	vadd.f32 v20, v17  }
0x27b: {  	v20 =	vld [tilespmem:s26+$0xFFFFFFF7];
	v16 =	vadd.f32 v21, v16  }
0x27c: {  	v21 =	vld [tilespmem:s26+$0x0];
	v17 =	vadd.f32 v22, v17  }
0x27d: {  	v16 =	vadd.f32 v18, v16  }
0x27e: {  	v17 =	vadd.f32 v23, v17  }
0x27f: {  	v16 =	vadd.f32 v19, v16  }
0x280: {  	v17 =	vadd.f32 v20, v17  }
0x281: {  	v16 =	vadd.f32 v21, v16  }
0x282: {  	[tilespmem:s26+$0xFFFFFFF7] =	vst v17  }
0x283: {  	[tilespmem:s26+$0x0] =	vst v16  }
0x284: {  	v16 =	vld [tilespmem:s24+$0x77]  }
0x285: {  	v17 =	vld [tilespmem:s24+$0x80]  }
0x286: {  	v18 =	vld [tilespmem:s25+$0x77]  }
0x287: {  	v19 =	vld [tilespmem:s25+$0x80]  }
0x288: {  	v20 =	vld [tilespmem:s5+$0x77]  }
0x289: {  	v21 =	vld [tilespmem:s5+$0x80]  }
0x28a: {  	v22 =	vld [tilespmem:s8+$0x77]  }
0x28b: {  	v23 =	vld [tilespmem:s8+$0x80];
	v16 =	vadd.f32 v16, v18  }
0x28c: {  	v17 =	vadd.f32 v17, v19;
	v18 =	vld [tilespmem:s1+$0x77]  }
0x28d: {  	v19 =	vld [tilespmem:s1+$0x80];
	v16 =	vadd.f32 v20, v16  }
0x28e: {  	v17 =	vadd.f32 v21, v17;
	v20 =	vld [tilespmem:s10+$0x77]  }
0x28f: {  	v21 =	vld [tilespmem:s10+$0x80];
	v16 =	vadd.f32 v22, v16  }
0x290: {  	v17 =	vadd.f32 v23, v17;
	v22 =	vld [tilespmem:s13+$0x77]  }
0x291: {  	v23 =	vld [tilespmem:s13+$0x80];
	v16 =	vadd.f32 v18, v16  }
0x292: {  	v17 =	vadd.f32 v19, v17;
	v18 =	vld [tilespmem:s28+$0x77]  }
0x293: {  	v19 =	vld [tilespmem:s28+$0x80];
	v16 =	vadd.f32 v20, v16  }
0x294: {  	v17 =	vadd.f32 v21, v17;
	v20 =	vld [tilespmem:s26+$0x77]  }
0x295: {  	v21 =	vld [tilespmem:s26+$0x80];
	v16 =	vadd.f32 v22, v16  }
0x296: {  	v17 =	vadd.f32 v23, v17  }
0x297: {  	v16 =	vadd.f32 v18, v16  }
0x298: {  	v17 =	vadd.f32 v19, v17  }
0x299: {  	v16 =	vadd.f32 v20, v16  }
0x29a: {  	v17 =	vadd.f32 v21, v17  }
0x29b: {  	[tilespmem:s26+$0x77] =	vst v16  }
0x29c: {  	[tilespmem:s26+$0x80] =	vst v17  }
0x29d: {  	v16 =	vld [tilespmem:s5+$0x100]  }
0x29e: {  	v17 =	vld [tilespmem:s24+$0x100]  }
0x29f: {  	v18 =	vld [tilespmem:s25+$0x100]  }
0x2a0: {  	v19 =	vld [tilespmem:s25+$0xF7]  }
0x2a1: {  	v20 =	vld [tilespmem:s24+$0xF7]  }
0x2a2: {  	v21 =	vld [tilespmem:s5+$0xF7]  }
0x2a3: {  	v22 =	vld [tilespmem:s8+$0x100]  }
0x2a4: {  	v23 =	vld [tilespmem:s8+$0xF7];
	v18 =	vadd.f32 v17, v18  }
0x2a5: {  	v24 =	vld [tilespmem:s1+$0x100]  }
0x2a6: {  	v19 =	vadd.f32 v20, v19;
	v17 =	vld [tilespmem:s1+$0xF7];
	v20 =	vadd.f32 v16, v18  }
0x2a7: {  	v16 =	vld [tilespmem:s10+$0x100]  }
0x2a8: {  	s29 =	simm.s32 $0x0;
	s30 =	simm.s32 $0x10409;
	v21 =	vadd.f32 v21, v19;
	v18 =	vld [tilespmem:s10+$0xF7];
	v25 =	vadd.f32 v22, v20  }
0x2a9: {  	s0 =	simm.s32 $0xA409;
	s2 =	simm.s32 $0xB409;
	s5 =	simm.s32 $0xD409;
	v19 =	vld [tilespmem:s13+$0x100]  }
0x2aa: {  	s8 =	simm.s32 $0xE409;
	s1 =	simm.s32 $0xC409;
	s10 =	simm.s32 $0xF409;
	v22 =	vadd.f32 v23, v21;
	v20 =	vld [tilespmem:s13+$0xF7];
	v21 =	vadd.f32 v24, v25  }
.LBB2_5:
0x2ab: {  	s29 =	sadd.s32 $0x5, s29;
	v23 =	vld [tilespmem:s28+$0x100];
	s25 =	sadd.s32 $0x280, s25;
	s24 =	sadd.s32 $0x280, s24  }
0x2ac: {  	s13 =	smov.u32 s8;
	p0 =	slt.u32 s29, $0x14;
	v17 =	vadd.f32 v17, v22;
	v22 =	vld [tilespmem:s28+$0xF7];
	v16 =	vadd.f32 v16, v21;
	s28 =	smov.u32 s10  }
0x2ad: {  	_ = 	snop  }
0x2ae: {  	v17 =	vadd.f32 v18, v17;
	v18 =	vld [tilespmem:s26+$0xF7];
	v16 =	vadd.f32 v19, v16  }
0x2af: {  	v19 =	vld [tilespmem:s26+$0x100]  }
0x2b0: {  	v17 =	vadd.f32 v20, v17;
	v16 =	vadd.f32 v23, v16;
	_ =	sdelay $0x1  }
0x2b1: {  	v17 =	vadd.f32 v22, v17;
	_ =	sdelay $0x1  }
0x2b2: {  	v17 =	vadd.f32 v18, v17;
	v16 =	vadd.f32 v19, v16;
	_ =	sdelay $0x1  }
0x2b3: {  	[tilespmem:s26+$0xF7] =	vst v17  }
0x2b4: {  	[tilespmem:s26+$0x100] =	vst v16;
	s26 =	smov.u32 s30  }
0x2b5: {  	v16 =	vld [tilespmem:s24+$0xFFFFFF00]  }
0x2b6: {  	v17 =	vld [tilespmem:s25+$0xFFFFFEF7]  }
0x2b7: {  	v18 =	vld [tilespmem:s24+$0xFFFFFEF7]  }
0x2b8: {  	v19 =	vld [tilespmem:s25+$0xFFFFFF00]  }
0x2b9: {  	v20 =	vld [tilespmem:s0+$0xFFFFFEF7]  }
0x2ba: {  	v21 =	vld [tilespmem:s0+$0xFFFFFF00]  }
0x2bb: {  	v22 =	vld [tilespmem:s2+$0xFFFFFEF7]  }
0x2bc: {  	v17 =	vadd.f32 v18, v17;
	v18 =	vld [tilespmem:s2+$0xFFFFFF00]  }
0x2bd: {  	v23 =	vld [tilespmem:s1+$0xFFFFFEF7];
	v16 =	vadd.f32 v16, v19  }
0x2be: {  	v17 =	vadd.f32 v20, v17;
	v19 =	vld [tilespmem:s1+$0xFFFFFF00]  }
0x2bf: {  	v20 =	vld [tilespmem:s5+$0xFFFFFEF7];
	v16 =	vadd.f32 v21, v16  }
0x2c0: {  	v17 =	vadd.f32 v22, v17;
	v21 =	vld [tilespmem:s5+$0xFFFFFF00]  }
0x2c1: {  	v22 =	vld [tilespmem:s8+$0xFFFFFEF7];
	v16 =	vadd.f32 v18, v16  }
0x2c2: {  	v17 =	vadd.f32 v23, v17;
	v18 =	vld [tilespmem:s8+$0xFFFFFF00]  }
0x2c3: {  	v23 =	vld [tilespmem:s10+$0xFFFFFEF7];
	v16 =	vadd.f32 v19, v16  }
0x2c4: {  	v17 =	vadd.f32 v20, v17;
	v19 =	vld [tilespmem:s10+$0xFFFFFF00]  }
0x2c5: {  	v20 =	vld [tilespmem:s30+$0xFFFFFEF7];
	v16 =	vadd.f32 v21, v16  }
0x2c6: {  	v17 =	vadd.f32 v22, v17;
	v21 =	vld [tilespmem:s30+$0xFFFFFF00]  }
0x2c7: {  	v16 =	vadd.f32 v18, v16  }
0x2c8: {  	v17 =	vadd.f32 v23, v17  }
0x2c9: {  	v16 =	vadd.f32 v19, v16  }
0x2ca: {  	v17 =	vadd.f32 v20, v17  }
0x2cb: {  	v16 =	vadd.f32 v21, v16  }
0x2cc: {  	[tilespmem:s30+$0xFFFFFEF7] =	vst v17  }
0x2cd: {  	[tilespmem:s30+$0xFFFFFF00] =	vst v16  }
0x2ce: {  	v16 =	vld [tilespmem:s24+$0xFFFFFF80]  }
0x2cf: {  	v17 =	vld [tilespmem:s25+$0xFFFFFF77]  }
0x2d0: {  	v18 =	vld [tilespmem:s24+$0xFFFFFF77]  }
0x2d1: {  	v19 =	vld [tilespmem:s25+$0xFFFFFF80]  }
0x2d2: {  	v20 =	vld [tilespmem:s0+$0xFFFFFF77]  }
0x2d3: {  	v21 =	vld [tilespmem:s0+$0xFFFFFF80]  }
0x2d4: {  	v22 =	vld [tilespmem:s2+$0xFFFFFF77]  }
0x2d5: {  	v17 =	vadd.f32 v18, v17;
	v18 =	vld [tilespmem:s2+$0xFFFFFF80]  }
0x2d6: {  	v23 =	vld [tilespmem:s1+$0xFFFFFF77];
	v16 =	vadd.f32 v16, v19  }
0x2d7: {  	v17 =	vadd.f32 v20, v17;
	v19 =	vld [tilespmem:s1+$0xFFFFFF80]  }
0x2d8: {  	v20 =	vld [tilespmem:s5+$0xFFFFFF77];
	v16 =	vadd.f32 v21, v16  }
0x2d9: {  	v17 =	vadd.f32 v22, v17;
	v21 =	vld [tilespmem:s5+$0xFFFFFF80]  }
0x2da: {  	v22 =	vld [tilespmem:s8+$0xFFFFFF77];
	v16 =	vadd.f32 v18, v16  }
0x2db: {  	v17 =	vadd.f32 v23, v17;
	v18 =	vld [tilespmem:s8+$0xFFFFFF80]  }
0x2dc: {  	v23 =	vld [tilespmem:s10+$0xFFFFFF77];
	v16 =	vadd.f32 v19, v16  }
0x2dd: {  	v17 =	vadd.f32 v20, v17;
	v19 =	vld [tilespmem:s10+$0xFFFFFF80]  }
0x2de: {  	v20 =	vld [tilespmem:s30+$0xFFFFFF77];
	v16 =	vadd.f32 v21, v16  }
0x2df: {  	v17 =	vadd.f32 v22, v17;
	v21 =	vld [tilespmem:s30+$0xFFFFFF80]  }
0x2e0: {  	v16 =	vadd.f32 v18, v16  }
0x2e1: {  	v17 =	vadd.f32 v23, v17  }
0x2e2: {  	v16 =	vadd.f32 v19, v16  }
0x2e3: {  	v17 =	vadd.f32 v20, v17  }
0x2e4: {  	v16 =	vadd.f32 v21, v16  }
0x2e5: {  	[tilespmem:s30+$0xFFFFFF77] =	vst v17  }
0x2e6: {  	[tilespmem:s30+$0xFFFFFF80] =	vst v16  }
0x2e7: {  	v16 =	vld [tilespmem:s24+$0x0]  }
0x2e8: {  	v17 =	vld [tilespmem:s25+$0xFFFFFFF7]  }
0x2e9: {  	v18 =	vld [tilespmem:s24+$0xFFFFFFF7]  }
0x2ea: {  	v19 =	vld [tilespmem:s25+$0x0]  }
0x2eb: {  	v20 =	vld [tilespmem:s0+$0xFFFFFFF7]  }
0x2ec: {  	v21 =	vld [tilespmem:s0+$0x0]  }
0x2ed: {  	v22 =	vld [tilespmem:s2+$0xFFFFFFF7]  }
0x2ee: {  	v17 =	vadd.f32 v18, v17;
	v18 =	vld [tilespmem:s2+$0x0]  }
0x2ef: {  	v23 =	vld [tilespmem:s1+$0xFFFFFFF7];
	v16 =	vadd.f32 v16, v19  }
0x2f0: {  	v17 =	vadd.f32 v20, v17;
	v19 =	vld [tilespmem:s1+$0x0]  }
0x2f1: {  	v20 =	vld [tilespmem:s5+$0xFFFFFFF7];
	v16 =	vadd.f32 v21, v16  }
0x2f2: {  	v17 =	vadd.f32 v22, v17;
	v21 =	vld [tilespmem:s5+$0x0]  }
0x2f3: {  	v22 =	vld [tilespmem:s8+$0xFFFFFFF7];
	v16 =	vadd.f32 v18, v16  }
0x2f4: {  	v17 =	vadd.f32 v23, v17;
	v18 =	vld [tilespmem:s8+$0x0]  }
0x2f5: {  	v23 =	vld [tilespmem:s10+$0xFFFFFFF7];
	v16 =	vadd.f32 v19, v16  }
0x2f6: {  	v17 =	vadd.f32 v20, v17;
	v19 =	vld [tilespmem:s10+$0x0]  }
0x2f7: {  	v20 =	vld [tilespmem:s30+$0xFFFFFFF7];
	v16 =	vadd.f32 v21, v16  }
0x2f8: {  	v17 =	vadd.f32 v22, v17;
	v21 =	vld [tilespmem:s30+$0x0]  }
0x2f9: {  	v16 =	vadd.f32 v18, v16  }
0x2fa: {  	v17 =	vadd.f32 v23, v17  }
0x2fb: {  	v16 =	vadd.f32 v19, v16  }
0x2fc: {  	v17 =	vadd.f32 v20, v17  }
0x2fd: {  	v16 =	vadd.f32 v21, v16  }
0x2fe: {  	[tilespmem:s30+$0xFFFFFFF7] =	vst v17  }
0x2ff: {  	[tilespmem:s30+$0x0] =	vst v16  }
0x300: {  	v16 =	vld [tilespmem:s24+$0x77]  }
0x301: {  	v17 =	vld [tilespmem:s24+$0x80]  }
0x302: {  	v18 =	vld [tilespmem:s25+$0x80]  }
0x303: {  	v19 =	vld [tilespmem:s25+$0x77]  }
0x304: {  	v20 =	vld [tilespmem:s0+$0x80]  }
0x305: {  	v21 =	vld [tilespmem:s0+$0x77]  }
0x306: {  	v22 =	vld [tilespmem:s2+$0x80]  }
0x307: {  	v23 =	vld [tilespmem:s2+$0x77];
	v17 =	vadd.f32 v17, v18  }
0x308: {  	v16 =	vadd.f32 v16, v19;
	v18 =	vld [tilespmem:s1+$0x80]  }
0x309: {  	v19 =	vld [tilespmem:s1+$0x77];
	v17 =	vadd.f32 v20, v17  }
0x30a: {  	v16 =	vadd.f32 v21, v16;
	v20 =	vld [tilespmem:s5+$0x80]  }
0x30b: {  	v21 =	vld [tilespmem:s5+$0x77];
	v17 =	vadd.f32 v22, v17  }
0x30c: {  	v16 =	vadd.f32 v23, v16;
	v22 =	vld [tilespmem:s8+$0x80]  }
0x30d: {  	v23 =	vld [tilespmem:s8+$0x77];
	v17 =	vadd.f32 v18, v17  }
0x30e: {  	v16 =	vadd.f32 v19, v16;
	v18 =	vld [tilespmem:s10+$0x80]  }
0x30f: {  	v19 =	vld [tilespmem:s10+$0x77];
	v17 =	vadd.f32 v20, v17  }
0x310: {  	v16 =	vadd.f32 v21, v16  }
0x311: {  	v20 =	vld [tilespmem:s30+$0x77];
	v17 =	vadd.f32 v22, v17  }
0x312: {  	v16 =	vadd.f32 v23, v16;
	v21 =	vld [tilespmem:s30+$0x80]  }
0x313: {  	v17 =	vadd.f32 v18, v17  }
0x314: {  	v16 =	vadd.f32 v19, v16;
	_ =	sdelay $0x1  }
0x315: {  	v16 =	vadd.f32 v20, v16  }
0x316: {  	v17 =	vadd.f32 v21, v17  }
0x317: {  	[tilespmem:s30+$0x77] =	vst v16  }
0x318: {  	[tilespmem:s30+$0x80] =	vst v17  }
0x319: {  	v16 =	vld [tilespmem:s0+$0x100]  }
0x31a: {  	v17 =	vld [tilespmem:s24+$0x100]  }
0x31b: {  	v18 =	vld [tilespmem:s25+$0x100]  }
0x31c: {  	v19 =	vld [tilespmem:s25+$0xF7]  }
0x31d: {  	v20 =	vld [tilespmem:s24+$0xF7]  }
0x31e: {  	v21 =	vld [tilespmem:s0+$0xF7]  }
0x31f: {  	v22 =	vld [tilespmem:s2+$0x100]  }
0x320: {  	v23 =	vld [tilespmem:s2+$0xF7];
	v18 =	vadd.f32 v17, v18  }
0x321: {  	v24 =	vld [tilespmem:s1+$0x100]  }
.Ltmp1:
0x322: {  	v19 =	vadd.f32 v20, v19;
	v17 =	vld [tilespmem:s1+$0xF7];
	v20 =	vadd.f32 v16, v18;
	(pc) =	sbr.rel @p0 .LBB2_5-.Ltmp1, $4  }
0x323: {  	v16 =	vld [tilespmem:s5+$0x100]  }
0x324: {  	s30 =	sadd.s32 $0x280, s30;
	v21 =	vadd.f32 v21, v19;
	v18 =	vld [tilespmem:s5+$0xF7];
	v25 =	vadd.f32 v22, v20  }
0x325: {  	s8 =	sadd.s32 $0x280, s8;
	s10 =	sadd.s32 $0x280, s10;
	s5 =	sadd.s32 $0x280, s5;
	v19 =	vld [tilespmem:s13+$0x100]  }
0x326: {  	s0 =	sadd.s32 $0x280, s0;
	s2 =	sadd.s32 $0x280, s2;
	s1 =	sadd.s32 $0x280, s1;
	v22 =	vadd.f32 v23, v21;
	v20 =	vld [tilespmem:s13+$0xF7];
	v21 =	vadd.f32 v24, v25  }
0x327: {  	_ = 	snop  }
0x328: {  	v17 =	vadd.f32 v17, v22  }
0x329: {  	v61 =	vld [tilespmem:s28+$0xF7]  }
0x32a: {  	v23 =	vld [tilespmem:s28+$0x100];
	v17 =	vadd.f32 v18, v17  }
0x32b: {  	v62 =	vld [tilespmem:s26+$0xF7];
	v16 =	vadd.f32 v16, v21  }
0x32c: {  	v63 =	vld [tilespmem:s26+$0x100];
	v17 =	vadd.f32 v20, v17  }
0x32d: {  	v16 =	vadd.f32 v19, v16  }
0x32e: {  	v17 =	vadd.f32 v61, v17  }
0x32f: {  	s0 =	rddreg [dreg:$0x6];
	v16 =	vadd.f32 v23, v16  }
0x330: {  	s0 =	sadd.s32 s0, s23;
	v17 =	vadd.f32 v62, v17  }
0x331: {  	s1 =	rddreg [dreg:$0x3];
	s0 =	sshll.u32 s0, $0x9;
	v16 =	vadd.f32 v63, v16  }
0x332: {  	s29 =	simm.s32 $0x10080;
	p0 =	sne.s32 s22, $0x40;
	s0 =	sand.u32 $0x1FFFFE00, s0;
	[tilespmem:s26+$0xF7] =	vst v17  }
.Ltmp2:
0x333: {  	s30 =	simm.s32 $0x3;
	s0 =	sadd.s32 s1, s0;
	[tilespmem:s26+$0x100] =	vst v16;
	(pc) =	sbr.rel @p0 .LBB2_2-.Ltmp2, $4  }
0x334: {  	[hbm4b:s0+s3] =	stream.linear.scatter [tilespmem:s29], [sflag:$0x3], $0xC80, $0x38;
	[tilespmem:$0x11080] =	vst v63  }
0x335: {  	_ =	swait.ge [sflag:s30], $0xC80  }
0x336: {  	[sflag:s30] =	ssyncset.done $0x0  }
0x337: {  	s23 =	smov.u32 s22;
	[sflag:s30] =	ssyncadd.s32 $0xFFFFF380  }
0x338: {  	s1 =	rddreg [dreg:$0x8]  }
0x339: {  	s0 =	rddreg [dreg:$0x7];
	s1 =	sadd.s32 $0x1, s1  }
0x33a: {  	p0 =	sne.s32 s1, s0  }
.Ltmp3:
0x33b: {  	_ = 	snop;
	(pc) =	sbr.rel @p0 .LBB2_1-.Ltmp3, $1  }
0x33c: {  	_ =	sdelay $0x3  }
0x33d: {  	_ =	sfence.sel $0x180000  }
0x33e: {  	[bflag:$0x0] =	sbarrier.arrive $0xFFFF  }
0x33f: {  	_ =	strace $0x90000047  }
0x340: {  	s0 =	stileid.u32;
	[bflag:$0x2] =	sbarrier.arrive $0xFFFF  }
0x341: {  	p0 =	sne.s32 s0, $0x0;
	s0 =	rddreg [dreg:$0x2]  }
0x342: {  	s0 =	sadd.s32 @!p0 $0x100000, s0  }
0x343: {  	[sflag:s0] =	ssyncadd.tile.s32 @!p0 $0x1;
	_ =	shalt  }
.Lfunc_end2:
_tile_overlayer_lowered:
.L_overlay_start_2:
0x344: {  	(tag) =	ssettag $0x2  }
0x345: {  	s0 =	rddreg [dreg:$0x0];
	s2 =	stileid.u32  }
0x346: {  	s1 =	rddreg [dreg:$0x1];
	p0 =	sne.s32 s2, $0x0  }
0x347: {  	s3 =	rddreg [dreg:$0x2];
	[bflag:$0x3] =	sbarrier.arrive $0xFFFF;
	s2 =	simm.s32 @!p0 $0x1C03  }
0x348: {  	[timem:s3], [sflag:s2] =	dma.local @!p0 [hbm:s0], s1  }
0x349: {  	s0 =	simm.s32 @!p0 $0x3  }
0x34a: {  	_ =	swait.ge @!p0 [sflag:s0], s1  }
0x34b: {  	s1 =	ssub.s32 @!p0 $0x0, s1;
	[sflag:s0] =	ssyncset.done @!p0 $0x0  }
0x34c: {  	[sflag:s0] =	ssyncadd.s32 @!p0 s1  }
0x34d: {  	[bflag:$0x3] =	sbarrier.arrive $0xFFFF  }
0x34e: {  	_ =	shalt  }

</sc_bundles>
